<compile_context>
chip_gen: v7x
topology: tpu7x:2x2x1
jax: 0.10.2.dev20260603
libtpu: 0.0.44.dev20260713+nightly
codegen_flags: <defaults>
</compile_context>

<pallas_src>
import functools

import jax
import jax.numpy as jnp
from jax import lax
from jax.experimental import pallas as pl
from jax.experimental.pallas import tpu as pltpu
from jax.experimental.pallas import tpu_sc as plsc

N = 10000
E = 320000
FEAT = 26
ND = 128
HIDDEN = 256
OUT_DIM = 64
N_LAYERS = 4
N_RBF = 16
CUTOFF = 10.0

NC = 2
NS = 16
NW = NC * NS
EC = 80
CHW = 128
E_PAD = NW * CHW * EC
NCHUNK = E_PAD // EC
KMAX = NCHUNK // NW
N_PAD = 10240
ROWS_PER_TILE = N_PAD // NS

@functools.cache
def _sc_mesh():
    return plsc.VectorSubcoreMesh(core_axis_name="c", subcore_axis_name="s")


def _silu(x):
    return x / (1.0 + jnp.exp(-x))



def _emb_body(nf, w1, b1, w2, b2, wm, bm, h_out, hm_out):
    h = _silu(nf[...] @ w1[...] + b1[...]) @ w2[...] + b2[...]
    h_out[...] = h
    hm_out[...] = h @ wm[...] + bm[...]


def _tc_embed(nf, w1, b1, w2, b2, wm, bm):
    return pl.pallas_call(
        _emb_body,
        out_shape=(
            jax.ShapeDtypeStruct((N, ND), jnp.float32),
            jax.ShapeDtypeStruct((N, ND), jnp.float32),
        ),
    )(nf, w1, b1, w2, b2, wm, bm)


def _gate_body(src4, dst4, w, b, gate_out):
    rel = dst4[...] - src4[...]
    d = jnp.sqrt(jnp.sum(rel * rel, axis=1, keepdims=True) + 1e-12)
    mu = (CUTOFF / (N_RBF - 1)) * lax.broadcasted_iota(
        jnp.int32, (1, N_RBF), 1).astype(jnp.float32)
    sigma = CUTOFF / N_RBF
    basis = jnp.exp(-0.5 * ((d - mu) / sigma) ** 2)
    env = 0.5 * (jnp.cos(jnp.pi * jnp.clip(d / CUTOFF, 0.0, 1.0)) + 1.0)
    feat = basis * env
    gate_out[...] = _silu(feat @ w[...] + b[...])


_GATE_BLK = 2560


def _tc_gates(src4, dst4, w, b):
    nblk = E_PAD // _GATE_BLK
    return pl.pallas_call(
        _gate_body,
        grid=(nblk,),
        in_specs=[
            pl.BlockSpec((_GATE_BLK, 8), lambda i: (i, 0)),
            pl.BlockSpec((_GATE_BLK, 8), lambda i: (i, 0)),
            pl.BlockSpec((N_RBF, ND), lambda i: (0, 0)),
            pl.BlockSpec((1, ND), lambda i: (0, 0)),
        ],
        out_specs=pl.BlockSpec((_GATE_BLK, ND), lambda i: (i, 0)),
        out_shape=jax.ShapeDtypeStruct((E_PAD, ND), jnp.float32),
    )(src4, dst4, w, b)


def _upd_body(h, agg2, wu_h, wu_a, bu, wm, bm, h_out, hm_out):
    agg = agg2[0, :N] + agg2[1, :N]
    u = _silu(h[...] @ wu_h[...] + agg @ wu_a[...] + bu[...])
    hn = h[...] + u
    h_out[...] = hn
    hm_out[...] = hn @ wm[...] + bm[...]


def _tc_update(h, agg2, wu_h, wu_a, bu, wm, bm):
    return pl.pallas_call(
        _upd_body,
        out_shape=(
            jax.ShapeDtypeStruct((N, ND), jnp.float32),
            jax.ShapeDtypeStruct((N, ND), jnp.float32),
        ),
    )(h, agg2, wu_h, wu_a, bu, wm, bm)


def _final_body(h, agg2, wu_h, wu_a, bu, wr1, br1, wr2, br2, out):
    agg = agg2[0, :N] + agg2[1, :N]
    u = _silu(h[...] @ wu_h[...] + agg @ wu_a[...] + bu[...])
    hn = h[...] + u
    g = jnp.mean(hn, axis=0, keepdims=True)
    out[...] = _silu(g @ wr1[...] + br1[...]) @ wr2[...] + br2[...]


def _tc_final(h, agg2, wu_h, wu_a, bu, wr1, br1, wr2, br2):
    return pl.pallas_call(
        _final_body,
        out_shape=jax.ShapeDtypeStruct((1, OUT_DIM), jnp.float32),
    )(h, agg2, wu_h, wu_a, bu, wr1, br1, wr2, br2)



def _sc_wid():
    return lax.axis_index("s") * NC + lax.axis_index("c")


def _posgather_kernel(pos8, src, dst, src8_out, dst8_out, sidx, didx,
                      srows, drows, sem):
    wid = _sc_wid()

    def body(k, _):
        base = (wid * CHW + k) * EC
        pltpu.sync_copy(src.at[pl.ds(base, EC)], sidx)
        pltpu.sync_copy(dst.at[pl.ds(base, EC)], didx)
        pltpu.async_copy(pos8.at[sidx], srows, sem).wait()
        pltpu.async_copy(pos8.at[didx], drows, sem).wait()
        pltpu.sync_copy(srows, src8_out.at[pl.ds(base, EC)])
        pltpu.sync_copy(drows, dst8_out.at[pl.ds(base, EC)])
        return 0

    lax.fori_loop(0, KMAX, body, 0)


@functools.cache
def _sc_posgather_fn():
    return pl.kernel(
        _posgather_kernel,
        out_type=(
            jax.ShapeDtypeStruct((E_PAD, 8), jnp.float32),
            jax.ShapeDtypeStruct((E_PAD, 8), jnp.float32),
        ),
        mesh=_sc_mesh(),
        scratch_types=[
            pltpu.VMEM((EC,), jnp.int32),
            pltpu.VMEM((EC,), jnp.int32),
            pltpu.VMEM((EC, 8), jnp.float32),
            pltpu.VMEM((EC, 8), jnp.float32),
            pltpu.SemaphoreType.DMA,
        ],
        compiler_params=pltpu.CompilerParams(use_tc_tiling_on_sc=False),
    )


def _sc_posgather(pos8, src, dst):
    return _sc_posgather_fn()(pos8, src, dst)


def _edge_kernel(hm, gate, src, dst, zeros, agg_out, sidx, didx,
                 rows0, rows1, gate0, gate1, agg_sh,
                 semi, semg0, semg1, semt0, semt1):
    cid = lax.axis_index("c")
    sid = lax.axis_index("s")
    wid = sid * NC + cid
    c0 = wid * CHW

    pltpu.sync_copy(zeros, agg_sh.at[pl.ds(sid * ROWS_PER_TILE, ROWS_PER_TILE)])
    plsc.subcore_barrier()

    def idx_fetch(k, slot):
        base = (c0 + k) * EC
        pltpu.async_copy(src.at[pl.ds(base, EC)], sidx.at[slot], semi)
        pltpu.async_copy(dst.at[pl.ds(base, EC)], didx.at[slot], semi)

    def idx_wait():
        pltpu.make_async_copy(src.at[pl.ds(0, EC)], sidx.at[0], semi).wait()
        pltpu.make_async_copy(dst.at[pl.ds(0, EC)], didx.at[0], semi).wait()

    def start(k, slot, rows, gatev, semg, semt):
        base = (c0 + k) * EC
        pltpu.async_copy(gate.at[pl.ds(base, EC), :], gatev, semt)
        pltpu.async_copy(hm.at[sidx.at[slot]], rows, semg)

    def finish(slot, rows, gatev, semg, semt):
        pltpu.make_async_copy(gate.at[pl.ds(0, EC), :], gatev, semt).wait()
        pltpu.make_async_copy(hm.at[sidx.at[0]], rows, semg).wait()

        @plsc.parallel_loop(0, EC, 1, unroll=4)
        def _mul(j):
            for i in range(ND // 16):
                sl = pl.ds(i * 16, 16)
                rows[j, sl] = rows[j, sl] * gatev[j, sl]

        pltpu.sync_copy(rows, agg_sh.at[didx.at[slot]], add=True)

    idx_fetch(0, 0)
    idx_fetch(1, 1)
    idx_wait()
    idx_wait()
    start(0, 0, rows0, gate0, semg0, semt0)

    def body(kp, _):
        k0 = kp * 2
        s0 = lax.rem(k0, 4)
        s1 = lax.rem(k0 + 1, 4)
        s2 = lax.rem(k0 + 2, 4)
        s3 = lax.rem(k0 + 3, 4)
        more = kp < CHW // 2 - 1

        @pl.when(more)
        def _():
            idx_fetch(k0 + 2, s2)
            idx_fetch(k0 + 3, s3)
        start(k0 + 1, s1, rows1, gate1, semg1, semt1)
        finish(s0, rows0, gate0, semg0, semt0)

        @pl.when(more)
        def _():
            idx_wait()
            idx_wait()
            start(k0 + 2, s2, rows0, gate0, semg0, semt0)
        finish(s1, rows1, gate1, semg1, semt1)
        return 0

    lax.fori_loop(0, CHW // 2, body, 0)

    plsc.subcore_barrier()
    sl = pl.ds(sid * ROWS_PER_TILE, ROWS_PER_TILE)
    pltpu.sync_copy(agg_sh.at[sl],
                    agg_out.at[pl.ds(cid * N_PAD + sid * ROWS_PER_TILE,
                                     ROWS_PER_TILE)])


@functools.cache
def _sc_edge_fn():
    return pl.kernel(
        _edge_kernel,
        out_type=jax.ShapeDtypeStruct((NC * N_PAD, ND), jnp.float32),
        mesh=_sc_mesh(),
        scratch_types=[
            pltpu.VMEM((4, EC), jnp.int32),
            pltpu.VMEM((4, EC), jnp.int32),
            pltpu.VMEM((EC, ND), jnp.float32),
            pltpu.VMEM((EC, ND), jnp.float32),
            pltpu.VMEM((EC, ND), jnp.float32),
            pltpu.VMEM((EC, ND), jnp.float32),
            pltpu.VMEM_SHARED((N_PAD, ND), jnp.float32),
            pltpu.SemaphoreType.DMA,
            pltpu.SemaphoreType.DMA,
            pltpu.SemaphoreType.DMA,
            pltpu.SemaphoreType.DMA,
            pltpu.SemaphoreType.DMA,
        ],
    )


def _sc_edge(hm, gate, src, dst, zeros):
    return _sc_edge_fn()(hm, gate, src, dst, zeros)



def kernel(positions, node_features, edge_index, W_emb1, b_emb1, W_emb2,
           b_emb2, W_rbf, b_rbf, W_msg, b_msg, W_upd, b_upd, W_r1, b_r1,
           W_r2, b_r2):
    npad = E_PAD - E
    pad_iota = jnp.arange(npad, dtype=jnp.int32)
    src = jnp.concatenate([edge_index[0], pad_iota % N])
    dst = jnp.concatenate([edge_index[1], N + pad_iota % (N_PAD - N)])
    pos8 = jnp.pad(positions, ((0, 0), (0, 5)))
    zeros = jnp.zeros((ROWS_PER_TILE, ND), jnp.float32)

    h, hm = _tc_embed(node_features, W_emb1, b_emb1.reshape(1, ND), W_emb2,
                      b_emb2.reshape(1, ND), W_msg[0], b_msg[0].reshape(1, ND))

    src8, dst8 = _sc_posgather(pos8, src, dst)
    gates = [_tc_gates(src8, dst8, W_rbf[l], b_rbf[l].reshape(1, ND))
             for l in range(N_LAYERS)]

    for l in range(N_LAYERS):
        agg2 = _sc_edge(hm, gates[l], src, dst, zeros).reshape(NC, N_PAD, ND)
        wu_h = W_upd[l][:ND]
        wu_a = W_upd[l][ND:]
        if l < N_LAYERS - 1:
            h, hm = _tc_update(h, agg2, wu_h, wu_a, b_upd[l].reshape(1, ND),
                               W_msg[l + 1], b_msg[l + 1].reshape(1, ND))
        else:
            out = _tc_final(h, agg2, wu_h, wu_a, b_upd[l].reshape(1, ND),
                            W_r1, b_r1.reshape(1, HIDDEN), W_r2,
                            b_r2.reshape(1, OUT_DIM))
    return out

# --- scband reference (transcript-rebuilt; emitter-appended) ---
"""Pipeline reference for scband-se3-equivariant-encoder-71803263254751 (READ-ONLY COPY).

The authoritative reference and input builder live on the scoring server;
editing this copy changes nothing except your own understanding.
"""

import jax, jax.numpy as jnp
import numpy as np

N = 10000
E = 320000
FEAT = 26
NODE_DIM = 128
HIDDEN = 256
OUT_DIM = 64
N_LAYERS = 4
N_RBF = 16
CUTOFF = 10.0


def setup_inputs(seed: int = 0):
    key = jax.random.key(seed)
    ks = jax.random.split(key, 20)

    def w(k, shape, fan_in):
        return jax.random.normal(k, shape, dtype=jnp.float32) / np.sqrt(fan_in)

    inp = {}
    inp["positions"] = jax.random.normal(ks[0], (N, 3), dtype=jnp.float32)
    inp["node_features"] = jax.random.uniform(ks[1], (N, FEAT), dtype=jnp.float32)
    inp["edge_index"] = jax.random.randint(ks[2], (2, E), 0, N, dtype=jnp.int32)
    inp["W_emb1"] = w(ks[3], (FEAT, NODE_DIM), FEAT)
    inp["b_emb1"] = jnp.zeros((NODE_DIM,), dtype=jnp.float32)
    inp["W_emb2"] = w(ks[4], (NODE_DIM, NODE_DIM), NODE_DIM)
    inp["b_emb2"] = jnp.zeros((NODE_DIM,), dtype=jnp.float32)
    inp["W_rbf"] = w(ks[5], (N_LAYERS, N_RBF, NODE_DIM), N_RBF)
    inp["b_rbf"] = jnp.zeros((N_LAYERS, NODE_DIM), dtype=jnp.float32)
    inp["W_msg"] = w(ks[6], (N_LAYERS, NODE_DIM, NODE_DIM), NODE_DIM)
    inp["b_msg"] = jnp.zeros((N_LAYERS, NODE_DIM), dtype=jnp.float32)
    inp["W_upd"] = w(ks[7], (N_LAYERS, 2 * NODE_DIM, NODE_DIM), 2 * NODE_DIM)
    inp["b_upd"] = jnp.zeros((N_LAYERS, NODE_DIM), dtype=jnp.float32)
    inp["W_r1"] = w(ks[8], (NODE_DIM, HIDDEN), NODE_DIM)
    inp["b_r1"] = jnp.zeros((HIDDEN,), dtype=jnp.float32)
    inp["W_r2"] = w(ks[9], (HIDDEN, OUT_DIM), HIDDEN)
    inp["b_r2"] = jnp.zeros((OUT_DIM,), dtype=jnp.float32)
    return inp


def _rbf(d):
    mu = jnp.linspace(0.0, CUTOFF, N_RBF)
    sigma = CUTOFF / N_RBF
    basis = jnp.exp(-0.5 * ((d[:, None] - mu[None, :]) / sigma) ** 2)
    env = 0.5 * (jnp.cos(jnp.pi * jnp.clip(d / CUTOFF, 0.0, 1.0)) + 1.0)
    return basis * env[:, None]


def reference(positions, node_features, edge_index, W_emb1, b_emb1, W_emb2, b_emb2, W_rbf, b_rbf, W_msg, b_msg, W_upd, b_upd, W_r1, b_r1, W_r2, b_r2):
    # node embedding: Linear -> SiLU -> Linear
    h = jax.nn.silu(node_features @ W_emb1 + b_emb1) @ W_emb2 + b_emb2
    src = edge_index[0]
    dst = edge_index[1]
    rel = jnp.take(positions, dst, axis=0) - jnp.take(positions, src, axis=0)
    d = jnp.sqrt(jnp.sum(rel * rel, axis=-1) + 1e-12)
    feat = _rbf(d)
    for l in range(N_LAYERS):
        gate = jax.nn.silu(feat @ W_rbf[l] + b_rbf[l])
        hm = h @ W_msg[l] + b_msg[l]
        m = jnp.take(hm, src, axis=0) * gate
        agg = jax.ops.segment_sum(m, dst, num_segments=N)
        h = h + jax.nn.silu(jnp.concatenate([h, agg], axis=-1) @ W_upd[l] + b_upd[l])
    # invariant mean readout (batch=None -> single graph)
    g = jnp.mean(h, axis=0, keepdims=True)
    out = jax.nn.silu(g @ W_r1 + b_r1) @ W_r2 + b_r2
    return out

if __name__ == "__main__":
    import jax
    _d = setup_inputs()
    print(jax.jit(kernel)(*tuple(_d.values())))

</pallas_src>

<mosaic_0001>
#map = affine_map<(d0, d1) -> (0, 0)>
#map1 = affine_map<(d0, d1) -> (0)>
module attributes {stable_mosaic.version = 14 : i64} {
  func.func @_edge_kernel(%arg0: i32, %arg1: i32, %arg2: memref<10000x128xf32, #tpu.memory_space<hbm>>, %arg3: memref<327680x128xf32, #tpu.memory_space<hbm>>, %arg4: memref<327680xi32, #tpu.memory_space<hbm>>, %arg5: memref<327680xi32, #tpu.memory_space<hbm>>, %arg6: memref<640x128xf32, #tpu.memory_space<hbm>>, %arg7: memref<20480x128xf32, #tpu.memory_space<hbm>>, %arg8: memref<4x80xi32, #tpu.memory_space<vmem>>, %arg9: memref<4x80xi32, #tpu.memory_space<vmem>>, %arg10: memref<80x128xf32, #tpu.memory_space<vmem>>, %arg11: memref<80x128xf32, #tpu.memory_space<vmem>>, %arg12: memref<80x128xf32, #tpu.memory_space<vmem>>, %arg13: memref<80x128xf32, #tpu.memory_space<vmem>>, %arg14: memref<10240x128xf32, #tpu.memory_space<vmem_shared>>, %arg15: memref<!tpu.dma_semaphore, #tpu.memory_space<semaphore_mem>>, %arg16: memref<!tpu.dma_semaphore, #tpu.memory_space<semaphore_mem>>, %arg17: memref<!tpu.dma_semaphore, #tpu.memory_space<semaphore_mem>>, %arg18: memref<!tpu.dma_semaphore, #tpu.memory_space<semaphore_mem>>, %arg19: memref<!tpu.dma_semaphore, #tpu.memory_space<semaphore_mem>>) attributes {dimension_semantics = [#tpu.dimension_semantics<core_parallel>, #tpu.dimension_semantics<subcore_parallel>], iteration_bounds = array<i64: 2, 16>, scalar_prefetch = 0 : i64, scratch_operands = 12 : i64, tpu.core_type = #tpu.core_type<sc_vector_subcore>, window_params = [{transform_indices = #map}, {transform_indices = #map}, {transform_indices = #map1}, {transform_indices = #map1}, {transform_indices = #map}, {transform_indices = #map}]} {
    %mul3A = arith.constant 2 : i32
    %mul3A_0 = arith.muli %arg1, %mul3A : i32
    %add3A = arith.addi %mul3A_0, %arg0 : i32
    %mul3A_1 = arith.constant 128 : i32
    %mul3A_2 = arith.muli %add3A, %mul3A_1 : i32
    %mul3A_3 = arith.constant 640 : i32
    %mul3A_4 = arith.muli %arg1, %mul3A_3 : i32
    "tpu.region"() ({
      %run_scoped3A = tpu.sem_alloc : memref<!tpu.dma_semaphore, #tpu.memory_space<semaphore_mem>>
      %dma_start3A_120 = arith.constant 0 : i32
      %dma_start3A_121 = tpu.memref_slice %arg14[%mul3A_4, %dma_start3A_120] : memref<10240x128xf32, #tpu.memory_space<vmem_shared>> -> memref<640x128xf32, #tpu.memory_space<vmem_shared>>
      tpu.enqueue_dma source(%arg6 : memref<640x128xf32, #tpu.memory_space<hbm>>) target(%dma_start3A_121 : memref<640x128xf32, #tpu.memory_space<vmem_shared>>) target_semaphore(%run_scoped3A : memref<!tpu.dma_semaphore, #tpu.memory_space<semaphore_mem>>)
      %dma_wait3A_122 = arith.constant 0 : i32
      %dma_wait3A_123 = tpu.memref_slice %arg14[%mul3A_4, %dma_wait3A_122] : memref<10240x128xf32, #tpu.memory_space<vmem_shared>> -> memref<640x128xf32, #tpu.memory_space<vmem_shared>>
      tpu.wait_dma2 semaphore(%run_scoped3A : memref<!tpu.dma_semaphore, #tpu.memory_space<semaphore_mem>>) src(%arg6 : memref<640x128xf32, #tpu.memory_space<hbm>>) dst(%dma_wait3A_123 : memref<640x128xf32, #tpu.memory_space<vmem_shared>>)
      tpu.yield
    }) : () -> ()
    %barrier3A = arith.constant 0 : index
    tpu.barrier barrier_id(%barrier3A)
    %add3A_5 = arith.constant 0 : i32
    %add3A_6 = arith.addi %mul3A_2, %add3A_5 : i32
    %mul3A_7 = arith.constant 80 : i32
    %mul3A_8 = arith.muli %add3A_6, %mul3A_7 : i32
    %dma_start3A = arith.constant 0 : i32
    %dma_start3A_9 = arith.constant 0 : i32
    %dma_start3A_10 = tpu.memref_slice %arg8[%dma_start3A, %dma_start3A_9] : memref<4x80xi32, #tpu.memory_space<vmem>> -> memref<1x80xi32, #tpu.memory_space<vmem>>
    %dma_start3A_11 = tpu.memref_squeeze %dma_start3A_10 : memref<1x80xi32, #tpu.memory_space<vmem>> -> memref<80xi32, #tpu.memory_space<vmem>>
    %dma_start3A_12 = tpu.memref_slice %arg4[%mul3A_8] : memref<327680xi32, #tpu.memory_space<hbm>> -> memref<80xi32, #tpu.memory_space<hbm>>
    %dma_start3A_13 = arith.constant 0 : i32
    %dma_start3A_14 = tpu.memref_slice %arg8[%dma_start3A, %dma_start3A_13] : memref<4x80xi32, #tpu.memory_space<vmem>> -> memref<1x80xi32, #tpu.memory_space<vmem>>
    %dma_start3A_15 = tpu.memref_squeeze %dma_start3A_14 : memref<1x80xi32, #tpu.memory_space<vmem>> -> memref<80xi32, #tpu.memory_space<vmem>>
    %dma_start3A_16 = tpu.memref_slice %arg4[%mul3A_8] : memref<327680xi32, #tpu.memory_space<hbm>> -> memref<80xi32, #tpu.memory_space<hbm>>
    tpu.enqueue_dma source(%dma_start3A_16 : memref<80xi32, #tpu.memory_space<hbm>>) target(%dma_start3A_15 : memref<80xi32, #tpu.memory_space<vmem>>) target_semaphore(%arg15 : memref<!tpu.dma_semaphore, #tpu.memory_space<semaphore_mem>>)
    %dma_start3A_17 = arith.constant 0 : i32
    %dma_start3A_18 = arith.constant 0 : i32
    %dma_start3A_19 = tpu.memref_slice %arg9[%dma_start3A_17, %dma_start3A_18] : memref<4x80xi32, #tpu.memory_space<vmem>> -> memref<1x80xi32, #tpu.memory_space<vmem>>
    %dma_start3A_20 = tpu.memref_squeeze %dma_start3A_19 : memref<1x80xi32, #tpu.memory_space<vmem>> -> memref<80xi32, #tpu.memory_space<vmem>>
    %dma_start3A_21 = tpu.memref_slice %arg5[%mul3A_8] : memref<327680xi32, #tpu.memory_space<hbm>> -> memref<80xi32, #tpu.memory_space<hbm>>
    %dma_start3A_22 = arith.constant 0 : i32
    %dma_start3A_23 = tpu.memref_slice %arg9[%dma_start3A_17, %dma_start3A_22] : memref<4x80xi32, #tpu.memory_space<vmem>> -> memref<1x80xi32, #tpu.memory_space<vmem>>
    %dma_start3A_24 = tpu.memref_squeeze %dma_start3A_23 : memref<1x80xi32, #tpu.memory_space<vmem>> -> memref<80xi32, #tpu.memory_space<vmem>>
    %dma_start3A_25 = tpu.memref_slice %arg5[%mul3A_8] : memref<327680xi32, #tpu.memory_space<hbm>> -> memref<80xi32, #tpu.memory_space<hbm>>
    tpu.enqueue_dma source(%dma_start3A_25 : memref<80xi32, #tpu.memory_space<hbm>>) target(%dma_start3A_24 : memref<80xi32, #tpu.memory_space<vmem>>) target_semaphore(%arg15 : memref<!tpu.dma_semaphore, #tpu.memory_space<semaphore_mem>>)
    %add3A_26 = arith.constant 1 : i32
    %add3A_27 = arith.addi %mul3A_2, %add3A_26 : i32
    %mul3A_28 = arith.constant 80 : i32
    %mul3A_29 = arith.muli %add3A_27, %mul3A_28 : i32
    %dma_start3A_30 = arith.constant 1 : i32
    %dma_start3A_31 = arith.constant 0 : i32
    %dma_start3A_32 = tpu.memref_slice %arg8[%dma_start3A_30, %dma_start3A_31] : memref<4x80xi32, #tpu.memory_space<vmem>> -> memref<1x80xi32, #tpu.memory_space<vmem>>
    %dma_start3A_33 = tpu.memref_squeeze %dma_start3A_32 : memref<1x80xi32, #tpu.memory_space<vmem>> -> memref<80xi32, #tpu.memory_space<vmem>>
    %dma_start3A_34 = tpu.memref_slice %arg4[%mul3A_29] : memref<327680xi32, #tpu.memory_space<hbm>> -> memref<80xi32, #tpu.memory_space<hbm>>
    %dma_start3A_35 = arith.constant 0 : i32
    %dma_start3A_36 = tpu.memref_slice %arg8[%dma_start3A_30, %dma_start3A_35] : memref<4x80xi32, #tpu.memory_space<vmem>> -> memref<1x80xi32, #tpu.memory_space<vmem>>
    %dma_start3A_37 = tpu.memref_squeeze %dma_start3A_36 : memref<1x80xi32, #tpu.memory_space<vmem>> -> memref<80xi32, #tpu.memory_space<vmem>>
    %dma_start3A_38 = tpu.memref_slice %arg4[%mul3A_29] : memref<327680xi32, #tpu.memory_space<hbm>> -> memref<80xi32, #tpu.memory_space<hbm>>
    tpu.enqueue_dma source(%dma_start3A_38 : memref<80xi32, #tpu.memory_space<hbm>>) target(%dma_start3A_37 : memref<80xi32, #tpu.memory_space<vmem>>) target_semaphore(%arg15 : memref<!tpu.dma_semaphore, #tpu.memory_space<semaphore_mem>>)
    %dma_start3A_39 = arith.constant 1 : i32
    %dma_start3A_40 = arith.constant 0 : i32
    %dma_start3A_41 = tpu.memref_slice %arg9[%dma_start3A_39, %dma_start3A_40] : memref<4x80xi32, #tpu.memory_space<vmem>> -> memref<1x80xi32, #tpu.memory_space<vmem>>
    %dma_start3A_42 = tpu.memref_squeeze %dma_start3A_41 : memref<1x80xi32, #tpu.memory_space<vmem>> -> memref<80xi32, #tpu.memory_space<vmem>>
    %dma_start3A_43 = tpu.memref_slice %arg5[%mul3A_29] : memref<327680xi32, #tpu.memory_space<hbm>> -> memref<80xi32, #tpu.memory_space<hbm>>
    %dma_start3A_44 = arith.constant 0 : i32
    %dma_start3A_45 = tpu.memref_slice %arg9[%dma_start3A_39, %dma_start3A_44] : memref<4x80xi32, #tpu.memory_space<vmem>> -> memref<1x80xi32, #tpu.memory_space<vmem>>
    %dma_start3A_46 = tpu.memref_squeeze %dma_start3A_45 : memref<1x80xi32, #tpu.memory_space<vmem>> -> memref<80xi32, #tpu.memory_space<vmem>>
    %dma_start3A_47 = tpu.memref_slice %arg5[%mul3A_29] : memref<327680xi32, #tpu.memory_space<hbm>> -> memref<80xi32, #tpu.memory_space<hbm>>
    tpu.enqueue_dma source(%dma_start3A_47 : memref<80xi32, #tpu.memory_space<hbm>>) target(%dma_start3A_46 : memref<80xi32, #tpu.memory_space<vmem>>) target_semaphore(%arg15 : memref<!tpu.dma_semaphore, #tpu.memory_space<semaphore_mem>>)
    %dma_wait3A = arith.constant 0 : i32
    %dma_wait3A_48 = arith.constant 0 : i32
    %dma_wait3A_49 = tpu.memref_slice %arg8[%dma_wait3A, %dma_wait3A_48] : memref<4x80xi32, #tpu.memory_space<vmem>> -> memref<1x80xi32, #tpu.memory_space<vmem>>
    %dma_wait3A_50 = tpu.memref_squeeze %dma_wait3A_49 : memref<1x80xi32, #tpu.memory_space<vmem>> -> memref<80xi32, #tpu.memory_space<vmem>>
    %dma_wait3A_51 = arith.constant 0 : i32
    %dma_wait3A_52 = tpu.memref_slice %arg4[%dma_wait3A_51] : memref<327680xi32, #tpu.memory_space<hbm>> -> memref<80xi32, #tpu.memory_space<hbm>>
    %dma_wait3A_53 = arith.constant 0 : i32
    %dma_wait3A_54 = tpu.memref_slice %arg8[%dma_wait3A, %dma_wait3A_53] : memref<4x80xi32, #tpu.memory_space<vmem>> -> memref<1x80xi32, #tpu.memory_space<vmem>>
    %dma_wait3A_55 = tpu.memref_squeeze %dma_wait3A_54 : memref<1x80xi32, #tpu.memory_space<vmem>> -> memref<80xi32, #tpu.memory_space<vmem>>
    %dma_wait3A_56 = arith.constant 0 : i32
    %dma_wait3A_57 = tpu.memref_slice %arg4[%dma_wait3A_56] : memref<327680xi32, #tpu.memory_space<hbm>> -> memref<80xi32, #tpu.memory_space<hbm>>
    tpu.wait_dma2 semaphore(%arg15 : memref<!tpu.dma_semaphore, #tpu.memory_space<semaphore_mem>>) src(%dma_wait3A_57 : memref<80xi32, #tpu.memory_space<hbm>>) dst(%dma_wait3A_55 : memref<80xi32, #tpu.memory_space<vmem>>)
    %dma_wait3A_58 = arith.constant 0 : i32
    %dma_wait3A_59 = arith.constant 0 : i32
    %dma_wait3A_60 = tpu.memref_slice %arg9[%dma_wait3A_58, %dma_wait3A_59] : memref<4x80xi32, #tpu.memory_space<vmem>> -> memref<1x80xi32, #tpu.memory_space<vmem>>
    %dma_wait3A_61 = tpu.memref_squeeze %dma_wait3A_60 : memref<1x80xi32, #tpu.memory_space<vmem>> -> memref<80xi32, #tpu.memory_space<vmem>>
    %dma_wait3A_62 = arith.constant 0 : i32
    %dma_wait3A_63 = tpu.memref_slice %arg5[%dma_wait3A_62] : memref<327680xi32, #tpu.memory_space<hbm>> -> memref<80xi32, #tpu.memory_space<hbm>>
    %dma_wait3A_64 = arith.constant 0 : i32
    %dma_wait3A_65 = tpu.memref_slice %arg9[%dma_wait3A_58, %dma_wait3A_64] : memref<4x80xi32, #tpu.memory_space<vmem>> -> memref<1x80xi32, #tpu.memory_space<vmem>>
    %dma_wait3A_66 = tpu.memref_squeeze %dma_wait3A_65 : memref<1x80xi32, #tpu.memory_space<vmem>> -> memref<80xi32, #tpu.memory_space<vmem>>
    %dma_wait3A_67 = arith.constant 0 : i32
    %dma_wait3A_68 = tpu.memref_slice %arg5[%dma_wait3A_67] : memref<327680xi32, #tpu.memory_space<hbm>> -> memref<80xi32, #tpu.memory_space<hbm>>
    tpu.wait_dma2 semaphore(%arg15 : memref<!tpu.dma_semaphore, #tpu.memory_space<semaphore_mem>>) src(%dma_wait3A_68 : memref<80xi32, #tpu.memory_space<hbm>>) dst(%dma_wait3A_66 : memref<80xi32, #tpu.memory_space<vmem>>)
    %dma_wait3A_69 = arith.constant 0 : i32
    %dma_wait3A_70 = arith.constant 0 : i32
    %dma_wait3A_71 = tpu.memref_slice %arg8[%dma_wait3A_69, %dma_wait3A_70] : memref<4x80xi32, #tpu.memory_space<vmem>> -> memref<1x80xi32, #tpu.memory_space<vmem>>
    %dma_wait3A_72 = tpu.memref_squeeze %dma_wait3A_71 : memref<1x80xi32, #tpu.memory_space<vmem>> -> memref<80xi32, #tpu.memory_space<vmem>>
    %dma_wait3A_73 = arith.constant 0 : i32
    %dma_wait3A_74 = tpu.memref_slice %arg4[%dma_wait3A_73] : memref<327680xi32, #tpu.memory_space<hbm>> -> memref<80xi32, #tpu.memory_space<hbm>>
    %dma_wait3A_75 = arith.constant 0 : i32
    %dma_wait3A_76 = tpu.memref_slice %arg8[%dma_wait3A_69, %dma_wait3A_75] : memref<4x80xi32, #tpu.memory_space<vmem>> -> memref<1x80xi32, #tpu.memory_space<vmem>>
    %dma_wait3A_77 = tpu.memref_squeeze %dma_wait3A_76 : memref<1x80xi32, #tpu.memory_space<vmem>> -> memref<80xi32, #tpu.memory_space<vmem>>
    %dma_wait3A_78 = arith.constant 0 : i32
    %dma_wait3A_79 = tpu.memref_slice %arg4[%dma_wait3A_78] : memref<327680xi32, #tpu.memory_space<hbm>> -> memref<80xi32, #tpu.memory_space<hbm>>
    tpu.wait_dma2 semaphore(%arg15 : memref<!tpu.dma_semaphore, #tpu.memory_space<semaphore_mem>>) src(%dma_wait3A_79 : memref<80xi32, #tpu.memory_space<hbm>>) dst(%dma_wait3A_77 : memref<80xi32, #tpu.memory_space<vmem>>)
    %dma_wait3A_80 = arith.constant 0 : i32
    %dma_wait3A_81 = arith.constant 0 : i32
    %dma_wait3A_82 = tpu.memref_slice %arg9[%dma_wait3A_80, %dma_wait3A_81] : memref<4x80xi32, #tpu.memory_space<vmem>> -> memref<1x80xi32, #tpu.memory_space<vmem>>
    %dma_wait3A_83 = tpu.memref_squeeze %dma_wait3A_82 : memref<1x80xi32, #tpu.memory_space<vmem>> -> memref<80xi32, #tpu.memory_space<vmem>>
    %dma_wait3A_84 = arith.constant 0 : i32
    %dma_wait3A_85 = tpu.memref_slice %arg5[%dma_wait3A_84] : memref<327680xi32, #tpu.memory_space<hbm>> -> memref<80xi32, #tpu.memory_space<hbm>>
    %dma_wait3A_86 = arith.constant 0 : i32
    %dma_wait3A_87 = tpu.memref_slice %arg9[%dma_wait3A_80, %dma_wait3A_86] : memref<4x80xi32, #tpu.memory_space<vmem>> -> memref<1x80xi32, #tpu.memory_space<vmem>>
    %dma_wait3A_88 = tpu.memref_squeeze %dma_wait3A_87 : memref<1x80xi32, #tpu.memory_space<vmem>> -> memref<80xi32, #tpu.memory_space<vmem>>
    %dma_wait3A_89 = arith.constant 0 : i32
    %dma_wait3A_90 = tpu.memref_slice %arg5[%dma_wait3A_89] : memref<327680xi32, #tpu.memory_space<hbm>> -> memref<80xi32, #tpu.memory_space<hbm>>
    tpu.wait_dma2 semaphore(%arg15 : memref<!tpu.dma_semaphore, #tpu.memory_space<semaphore_mem>>) src(%dma_wait3A_90 : memref<80xi32, #tpu.memory_space<hbm>>) dst(%dma_wait3A_88 : memref<80xi32, #tpu.memory_space<vmem>>)
    %add3A_91 = arith.constant 0 : i32
    %add3A_92 = arith.addi %mul3A_2, %add3A_91 : i32
    %mul3A_93 = arith.constant 80 : i32
    %mul3A_94 = arith.muli %add3A_92, %mul3A_93 : i32
    %dma_start3A_95 = arith.constant 0 : i32
    %dma_start3A_96 = tpu.memref_slice %arg3[%mul3A_94, %dma_start3A_95] : memref<327680x128xf32, #tpu.memory_space<hbm>> -> memref<80x128xf32, #tpu.memory_space<hbm>>
    %dma_start3A_97 = arith.constant 0 : i32
    %dma_start3A_98 = tpu.memref_slice %arg3[%mul3A_94, %dma_start3A_97] : memref<327680x128xf32, #tpu.memory_space<hbm>> -> memref<80x128xf32, #tpu.memory_space<hbm>>
    tpu.enqueue_dma source(%dma_start3A_98 : memref<80x128xf32, #tpu.memory_space<hbm>>) target(%arg12 : memref<80x128xf32, #tpu.memory_space<vmem>>) target_semaphore(%arg18 : memref<!tpu.dma_semaphore, #tpu.memory_space<semaphore_mem>>)
    %dma_start3A_99 = arith.constant 0 : i32
    %dma_start3A_100 = arith.constant 0 : i32
    %dma_start3A_101 = tpu.memref_slice %arg8[%dma_start3A_99, %dma_start3A_100] : memref<4x80xi32, #tpu.memory_space<vmem>> -> memref<1x80xi32, #tpu.memory_space<vmem>>
    %dma_start3A_102 = tpu.memref_squeeze %dma_start3A_101 : memref<1x80xi32, #tpu.memory_space<vmem>> -> memref<80xi32, #tpu.memory_space<vmem>>
    %dma_start3A_103 = arith.constant 0 : i32
    %dma_start3A_104 = arith.constant 0 : i32
    %dma_start3A_105 = tpu.memref_slice %arg2[%dma_start3A_103, %dma_start3A_104] : memref<10000x128xf32, #tpu.memory_space<hbm>> -> memref<10000x128xf32, #tpu.memory_space<hbm>>
    tpu.enqueue_indirect_dma source(%dma_start3A_105 : memref<10000x128xf32, #tpu.memory_space<hbm>>) target(%arg10 : memref<80x128xf32, #tpu.memory_space<vmem>>) offsets(%dma_start3A_102 : memref<80xi32, #tpu.memory_space<vmem>>) semaphore(%arg16 : memref<!tpu.dma_semaphore, #tpu.memory_space<semaphore_mem>>)
    %scan3A = arith.constant 0 : i32
    %scan3A_106 = arith.constant 0 : i32
    %scan3A_107 = arith.constant 64 : i32
    %scan3A_108 = arith.addi %scan3A_106, %scan3A_107 : i32
    %scan3A_109 = arith.constant 1 : i32
    %scan3A_110 = scf.for %scan3A_120 = %scan3A_106 to %scan3A_108 step %scan3A_109 iter_args(%scan3A_121 = %scan3A) -> (i32)  : i32 {
      %mul3A_122 = arith.constant 2 : i32
      %mul3A_123 = arith.muli %scan3A_120, %mul3A_122 : i32
      %rem3A = arith.constant 4 : i32
      %rem3A_124 = arith.remsi %mul3A_123, %rem3A : i32
      %add3A_125 = arith.constant 1 : i32
      %add3A_126 = arith.addi %mul3A_123, %add3A_125 : i32
      %rem3A_127 = arith.constant 4 : i32
      %rem3A_128 = arith.remsi %add3A_126, %rem3A_127 : i32
      %add3A_129 = arith.constant 2 : i32
      %add3A_130 = arith.addi %mul3A_123, %add3A_129 : i32
      %rem3A_131 = arith.constant 4 : i32
      %rem3A_132 = arith.remsi %add3A_130, %rem3A_131 : i32
      %add3A_133 = arith.constant 3 : i32
      %add3A_134 = arith.addi %mul3A_123, %add3A_133 : i32
      %rem3A_135 = arith.constant 4 : i32
      %rem3A_136 = arith.remsi %add3A_134, %rem3A_135 : i32
      %lt3A = arith.constant 63 : i32
      %lt3A_137 = arith.cmpi slt, %scan3A_120, %lt3A : i32
      %convert_element_type3A = arith.extui %lt3A_137 : i1 to i32
      %cond3A = arith.constant 0 : i32
      %cond3A_138 = arith.cmpi ne, %convert_element_type3A, %cond3A : i32
      scf.if %cond3A_138 {
        %add3A_189 = arith.constant 2 : i32
        %add3A_190 = arith.addi %mul3A_123, %add3A_189 : i32
        %add3A_191 = arith.addi %mul3A_2, %add3A_190 : i32
        %mul3A_192 = arith.constant 80 : i32
        %mul3A_193 = arith.muli %add3A_191, %mul3A_192 : i32
        %dma_start3A_194 = arith.constant 0 : i32
        %dma_start3A_195 = tpu.memref_slice %arg8[%rem3A_132, %dma_start3A_194] : memref<4x80xi32, #tpu.memory_space<vmem>> -> memref<1x80xi32, #tpu.memory_space<vmem>>
        %dma_start3A_196 = tpu.memref_squeeze %dma_start3A_195 : memref<1x80xi32, #tpu.memory_space<vmem>> -> memref<80xi32, #tpu.memory_space<vmem>>
        %dma_start3A_197 = tpu.memref_slice %arg4[%mul3A_193] : memref<327680xi32, #tpu.memory_space<hbm>> -> memref<80xi32, #tpu.memory_space<hbm>>
        %dma_start3A_198 = arith.constant 0 : i32
        %dma_start3A_199 = tpu.memref_slice %arg8[%rem3A_132, %dma_start3A_198] : memref<4x80xi32, #tpu.memory_space<vmem>> -> memref<1x80xi32, #tpu.memory_space<vmem>>
        %dma_start3A_200 = tpu.memref_squeeze %dma_start3A_199 : memref<1x80xi32, #tpu.memory_space<vmem>> -> memref<80xi32, #tpu.memory_space<vmem>>
        %dma_start3A_201 = tpu.memref_slice %arg4[%mul3A_193] : memref<327680xi32, #tpu.memory_space<hbm>> -> memref<80xi32, #tpu.memory_space<hbm>>
        tpu.enqueue_dma source(%dma_start3A_201 : memref<80xi32, #tpu.memory_space<hbm>>) target(%dma_start3A_200 : memref<80xi32, #tpu.memory_space<vmem>>) target_semaphore(%arg15 : memref<!tpu.dma_semaphore, #tpu.memory_space<semaphore_mem>>)
        %dma_start3A_202 = arith.constant 0 : i32
        %dma_start3A_203 = tpu.memref_slice %arg9[%rem3A_132, %dma_start3A_202] : memref<4x80xi32, #tpu.memory_space<vmem>> -> memref<1x80xi32, #tpu.memory_space<vmem>>
        %dma_start3A_204 = tpu.memref_squeeze %dma_start3A_203 : memref<1x80xi32, #tpu.memory_space<vmem>> -> memref<80xi32, #tpu.memory_space<vmem>>
        %dma_start3A_205 = tpu.memref_slice %arg5[%mul3A_193] : memref<327680xi32, #tpu.memory_space<hbm>> -> memref<80xi32, #tpu.memory_space<hbm>>
        %dma_start3A_206 = arith.constant 0 : i32
        %dma_start3A_207 = tpu.memref_slice %arg9[%rem3A_132, %dma_start3A_206] : memref<4x80xi32, #tpu.memory_space<vmem>> -> memref<1x80xi32, #tpu.memory_space<vmem>>
        %dma_start3A_208 = tpu.memref_squeeze %dma_start3A_207 : memref<1x80xi32, #tpu.memory_space<vmem>> -> memref<80xi32, #tpu.memory_space<vmem>>
        %dma_start3A_209 = tpu.memref_slice %arg5[%mul3A_193] : memref<327680xi32, #tpu.memory_space<hbm>> -> memref<80xi32, #tpu.memory_space<hbm>>
        tpu.enqueue_dma source(%dma_start3A_209 : memref<80xi32, #tpu.memory_space<hbm>>) target(%dma_start3A_208 : memref<80xi32, #tpu.memory_space<vmem>>) target_semaphore(%arg15 : memref<!tpu.dma_semaphore, #tpu.memory_space<semaphore_mem>>)
        %add3A_210 = arith.constant 3 : i32
        %add3A_211 = arith.addi %mul3A_123, %add3A_210 : i32
        %add3A_212 = arith.addi %mul3A_2, %add3A_211 : i32
        %mul3A_213 = arith.constant 80 : i32
        %mul3A_214 = arith.muli %add3A_212, %mul3A_213 : i32
        %dma_start3A_215 = arith.constant 0 : i32
        %dma_start3A_216 = tpu.memref_slice %arg8[%rem3A_136, %dma_start3A_215] : memref<4x80xi32, #tpu.memory_space<vmem>> -> memref<1x80xi32, #tpu.memory_space<vmem>>
        %dma_start3A_217 = tpu.memref_squeeze %dma_start3A_216 : memref<1x80xi32, #tpu.memory_space<vmem>> -> memref<80xi32, #tpu.memory_space<vmem>>
        %dma_start3A_218 = tpu.memref_slice %arg4[%mul3A_214] : memref<327680xi32, #tpu.memory_space<hbm>> -> memref<80xi32, #tpu.memory_space<hbm>>
        %dma_start3A_219 = arith.constant 0 : i32
        %dma_start3A_220 = tpu.memref_slice %arg8[%rem3A_136, %dma_start3A_219] : memref<4x80xi32, #tpu.memory_space<vmem>> -> memref<1x80xi32, #tpu.memory_space<vmem>>
        %dma_start3A_221 = tpu.memref_squeeze %dma_start3A_220 : memref<1x80xi32, #tpu.memory_space<vmem>> -> memref<80xi32, #tpu.memory_space<vmem>>
        %dma_start3A_222 = tpu.memref_slice %arg4[%mul3A_214] : memref<327680xi32, #tpu.memory_space<hbm>> -> memref<80xi32, #tpu.memory_space<hbm>>
        tpu.enqueue_dma source(%dma_start3A_222 : memref<80xi32, #tpu.memory_space<hbm>>) target(%dma_start3A_221 : memref<80xi32, #tpu.memory_space<vmem>>) target_semaphore(%arg15 : memref<!tpu.dma_semaphore, #tpu.memory_space<semaphore_mem>>)
        %dma_start3A_223 = arith.constant 0 : i32
        %dma_start3A_224 = tpu.memref_slice %arg9[%rem3A_136, %dma_start3A_223] : memref<4x80xi32, #tpu.memory_space<vmem>> -> memref<1x80xi32, #tpu.memory_space<vmem>>
        %dma_start3A_225 = tpu.memref_squeeze %dma_start3A_224 : memref<1x80xi32, #tpu.memory_space<vmem>> -> memref<80xi32, #tpu.memory_space<vmem>>
        %dma_start3A_226 = tpu.memref_slice %arg5[%mul3A_214] : memref<327680xi32, #tpu.memory_space<hbm>> -> memref<80xi32, #tpu.memory_space<hbm>>
        %dma_start3A_227 = arith.constant 0 : i32
        %dma_start3A_228 = tpu.memref_slice %arg9[%rem3A_136, %dma_start3A_227] : memref<4x80xi32, #tpu.memory_space<vmem>> -> memref<1x80xi32, #tpu.memory_space<vmem>>
        %dma_start3A_229 = tpu.memref_squeeze %dma_start3A_228 : memref<1x80xi32, #tpu.memory_space<vmem>> -> memref<80xi32, #tpu.memory_space<vmem>>
        %dma_start3A_230 = tpu.memref_slice %arg5[%mul3A_214] : memref<327680xi32, #tpu.memory_space<hbm>> -> memref<80xi32, #tpu.memory_space<hbm>>
        tpu.enqueue_dma source(%dma_start3A_230 : memref<80xi32, #tpu.memory_space<hbm>>) target(%dma_start3A_229 : memref<80xi32, #tpu.memory_space<vmem>>) target_semaphore(%arg15 : memref<!tpu.dma_semaphore, #tpu.memory_space<semaphore_mem>>)
      } else {
      }
      %add3A_139 = arith.constant 1 : i32
      %add3A_140 = arith.addi %mul3A_123, %add3A_139 : i32
      %add3A_141 = arith.addi %mul3A_2, %add3A_140 : i32
      %mul3A_142 = arith.constant 80 : i32
      %mul3A_143 = arith.muli %add3A_141, %mul3A_142 : i32
      %dma_start3A_144 = arith.constant 0 : i32
      %dma_start3A_145 = tpu.memref_slice %arg3[%mul3A_143, %dma_start3A_144] : memref<327680x128xf32, #tpu.memory_space<hbm>> -> memref<80x128xf32, #tpu.memory_space<hbm>>
      %dma_start3A_146 = arith.constant 0 : i32
      %dma_start3A_147 = tpu.memref_slice %arg3[%mul3A_143, %dma_start3A_146] : memref<327680x128xf32, #tpu.memory_space<hbm>> -> memref<80x128xf32, #tpu.memory_space<hbm>>
      tpu.enqueue_dma source(%dma_start3A_147 : memref<80x128xf32, #tpu.memory_space<hbm>>) target(%arg13 : memref<80x128xf32, #tpu.memory_space<vmem>>) target_semaphore(%arg19 : memref<!tpu.dma_semaphore, #tpu.memory_space<semaphore_mem>>)
      %dma_start3A_148 = arith.constant 0 : i32
      %dma_start3A_149 = tpu.memref_slice %arg8[%rem3A_128, %dma_start3A_148] : memref<4x80xi32, #tpu.memory_space<vmem>> -> memref<1x80xi32, #tpu.memory_space<vmem>>
      %dma_start3A_150 = tpu.memref_squeeze %dma_start3A_149 : memref<1x80xi32, #tpu.memory_space<vmem>> -> memref<80xi32, #tpu.memory_space<vmem>>
      %dma_start3A_151 = arith.constant 0 : i32
      %dma_start3A_152 = arith.constant 0 : i32
      %dma_start3A_153 = tpu.memref_slice %arg2[%dma_start3A_151, %dma_start3A_152] : memref<10000x128xf32, #tpu.memory_space<hbm>> -> memref<10000x128xf32, #tpu.memory_space<hbm>>
      tpu.enqueue_indirect_dma source(%dma_start3A_153 : memref<10000x128xf32, #tpu.memory_space<hbm>>) target(%arg11 : memref<80x128xf32, #tpu.memory_space<vmem>>) offsets(%dma_start3A_150 : memref<80xi32, #tpu.memory_space<vmem>>) semaphore(%arg17 : memref<!tpu.dma_semaphore, #tpu.memory_space<semaphore_mem>>)
      %dma_wait3A_154 = arith.constant 0 : i32
      %dma_wait3A_155 = arith.constant 0 : i32
      %dma_wait3A_156 = tpu.memref_slice %arg3[%dma_wait3A_154, %dma_wait3A_155] : memref<327680x128xf32, #tpu.memory_space<hbm>> -> memref<80x128xf32, #tpu.memory_space<hbm>>
      %dma_wait3A_157 = arith.constant 0 : i32
      %dma_wait3A_158 = arith.constant 0 : i32
      %dma_wait3A_159 = tpu.memref_slice %arg3[%dma_wait3A_157, %dma_wait3A_158] : memref<327680x128xf32, #tpu.memory_space<hbm>> -> memref<80x128xf32, #tpu.memory_space<hbm>>
      tpu.wait_dma2 semaphore(%arg18 : memref<!tpu.dma_semaphore, #tpu.memory_space<semaphore_mem>>) src(%dma_wait3A_159 : memref<80x128xf32, #tpu.memory_space<hbm>>) dst(%arg12 : memref<80x128xf32, #tpu.memory_space<vmem>>)
      %dma_wait3A_160 = arith.constant 0 : i32
      %dma_wait3A_161 = arith.constant 0 : i32
      %dma_wait3A_162 = tpu.memref_slice %arg8[%dma_wait3A_160, %dma_wait3A_161] : memref<4x80xi32, #tpu.memory_space<vmem>> -> memref<1x80xi32, #tpu.memory_space<vmem>>
      %dma_wait3A_163 = tpu.memref_squeeze %dma_wait3A_162 : memref<1x80xi32, #tpu.memory_space<vmem>> -> memref<80xi32, #tpu.memory_space<vmem>>
      %dma_wait3A_164 = arith.constant 0 : i32
      %dma_wait3A_165 = arith.constant 0 : i32
      %dma_wait3A_166 = tpu.memref_slice %arg2[%dma_wait3A_164, %dma_wait3A_165] : memref<10000x128xf32, #tpu.memory_space<hbm>> -> memref<10000x128xf32, #tpu.memory_space<hbm>>
      tpu.wait_indirect_dma semaphore(%arg16 : memref<!tpu.dma_semaphore, #tpu.memory_space<semaphore_mem>>) src(%dma_wait3A_166 : memref<10000x128xf32, #tpu.memory_space<hbm>>) dst(%arg10 : memref<80x128xf32, #tpu.memory_space<vmem>>)
      %parallel_loop3A = arith.constant 0 : i32
      %parallel_loop3A_167 = arith.constant 80 : i32
      %parallel_loop3A_168 = arith.constant 1 : i32
      scf.for %parallel_loop3A_189 = %parallel_loop3A to %parallel_loop3A_167 step %parallel_loop3A_168  : i32 {
        %parallel_loop3A_190 = arith.index_cast %parallel_loop3A_189 : i32 to index
        %parallel_loop3A_191 = arith.constant 0 : index
        %parallel_loop3A_192 = tpu.vector_load %arg10[%parallel_loop3A_190, %parallel_loop3A_191] {strides = array<i32>} : memref<80x128xf32, #tpu.memory_space<vmem>>, vector<1x16xf32>,
        %parallel_loop3A_193 = vector.shape_cast %parallel_loop3A_192 : vector<1x16xf32> to vector<16xf32>
        %parallel_loop3A_194 = arith.index_cast %parallel_loop3A_189 : i32 to index
        %parallel_loop3A_195 = arith.constant 0 : index
        %parallel_loop3A_196 = tpu.vector_load %arg12[%parallel_loop3A_194, %parallel_loop3A_195] {strides = array<i32>} : memref<80x128xf32, #tpu.memory_space<vmem>>, vector<1x16xf32>,
        %parallel_loop3A_197 = vector.shape_cast %parallel_loop3A_196 : vector<1x16xf32> to vector<16xf32>
        %parallel_loop3A_198 = arith.mulf %parallel_loop3A_193, %parallel_loop3A_197 : vector<16xf32>
        %parallel_loop3A_199 = arith.index_cast %parallel_loop3A_189 : i32 to index
        %parallel_loop3A_200 = arith.constant 0 : index
        %parallel_loop3A_201 = tpu.vector_load %arg10[%parallel_loop3A_199, %parallel_loop3A_200] {strides = array<i32>} : memref<80x128xf32, #tpu.memory_space<vmem>>, vector<1x16xf32>,
        %parallel_loop3A_202 = vector.shape_cast %parallel_loop3A_201 : vector<1x16xf32> to vector<16xf32>
        %parallel_loop3A_203 = vector.shape_cast %parallel_loop3A_198 : vector<16xf32> to vector<1x16xf32>
        tpu.vector_store %arg10[%parallel_loop3A_199, %parallel_loop3A_200], %parallel_loop3A_203 {strides = array<i32>} : memref<80x128xf32, #tpu.memory_space<vmem>>, vector<1x16xf32>,
        %parallel_loop3A_204 = arith.index_cast %parallel_loop3A_189 : i32 to index
        %parallel_loop3A_205 = arith.constant 16 : index
        %parallel_loop3A_206 = tpu.vector_load %arg10[%parallel_loop3A_204, %parallel_loop3A_205] {strides = array<i32>} : memref<80x128xf32, #tpu.memory_space<vmem>>, vector<1x16xf32>,
        %parallel_loop3A_207 = vector.shape_cast %parallel_loop3A_206 : vector<1x16xf32> to vector<16xf32>
        %parallel_loop3A_208 = arith.index_cast %parallel_loop3A_189 : i32 to index
        %parallel_loop3A_209 = arith.constant 16 : index
        %parallel_loop3A_210 = tpu.vector_load %arg12[%parallel_loop3A_208, %parallel_loop3A_209] {strides = array<i32>} : memref<80x128xf32, #tpu.memory_space<vmem>>, vector<1x16xf32>,
        %parallel_loop3A_211 = vector.shape_cast %parallel_loop3A_210 : vector<1x16xf32> to vector<16xf32>
        %parallel_loop3A_212 = arith.mulf %parallel_loop3A_207, %parallel_loop3A_211 : vector<16xf32>
        %parallel_loop3A_213 = arith.index_cast %parallel_loop3A_189 : i32 to index
        %parallel_loop3A_214 = arith.constant 16 : index
        %parallel_loop3A_215 = tpu.vector_load %arg10[%parallel_loop3A_213, %parallel_loop3A_214] {strides = array<i32>} : memref<80x128xf32, #tpu.memory_space<vmem>>, vector<1x16xf32>,
        %parallel_loop3A_216 = vector.shape_cast %parallel_loop3A_215 : vector<1x16xf32> to vector<16xf32>
        %parallel_loop3A_217 = vector.shape_cast %parallel_loop3A_212 : vector<16xf32> to vector<1x16xf32>
        tpu.vector_store %arg10[%parallel_loop3A_213, %parallel_loop3A_214], %parallel_loop3A_217 {strides = array<i32>} : memref<80x128xf32, #tpu.memory_space<vmem>>, vector<1x16xf32>,
        %parallel_loop3A_218 = arith.index_cast %parallel_loop3A_189 : i32 to index
        %parallel_loop3A_219 = arith.constant 32 : index
        %parallel_loop3A_220 = tpu.vector_load %arg10[%parallel_loop3A_218, %parallel_loop3A_219] {strides = array<i32>} : memref<80x128xf32, #tpu.memory_space<vmem>>, vector<1x16xf32>,
        %parallel_loop3A_221 = vector.shape_cast %parallel_loop3A_220 : vector<1x16xf32> to vector<16xf32>
        %parallel_loop3A_222 = arith.index_cast %parallel_loop3A_189 : i32 to index
        %parallel_loop3A_223 = arith.constant 32 : index
        %parallel_loop3A_224 = tpu.vector_load %arg12[%parallel_loop3A_222, %parallel_loop3A_223] {strides = array<i32>} : memref<80x128xf32, #tpu.memory_space<vmem>>, vector<1x16xf32>,
        %parallel_loop3A_225 = vector.shape_cast %parallel_loop3A_224 : vector<1x16xf32> to vector<16xf32>
        %parallel_loop3A_226 = arith.mulf %parallel_loop3A_221, %parallel_loop3A_225 : vector<16xf32>
        %parallel_loop3A_227 = arith.index_cast %parallel_loop3A_189 : i32 to index
        %parallel_loop3A_228 = arith.constant 32 : index
        %parallel_loop3A_229 = tpu.vector_load %arg10[%parallel_loop3A_227, %parallel_loop3A_228] {strides = array<i32>} : memref<80x128xf32, #tpu.memory_space<vmem>>, vector<1x16xf32>,
        %parallel_loop3A_230 = vector.shape_cast %parallel_loop3A_229 : vector<1x16xf32> to vector<16xf32>
        %parallel_loop3A_231 = vector.shape_cast %parallel_loop3A_226 : vector<16xf32> to vector<1x16xf32>
        tpu.vector_store %arg10[%parallel_loop3A_227, %parallel_loop3A_228], %parallel_loop3A_231 {strides = array<i32>} : memref<80x128xf32, #tpu.memory_space<vmem>>, vector<1x16xf32>,
        %parallel_loop3A_232 = arith.index_cast %parallel_loop3A_189 : i32 to index
        %parallel_loop3A_233 = arith.constant 48 : index
        %parallel_loop3A_234 = tpu.vector_load %arg10[%parallel_loop3A_232, %parallel_loop3A_233] {strides = array<i32>} : memref<80x128xf32, #tpu.memory_space<vmem>>, vector<1x16xf32>,
        %parallel_loop3A_235 = vector.shape_cast %parallel_loop3A_234 : vector<1x16xf32> to vector<16xf32>
        %parallel_loop3A_236 = arith.index_cast %parallel_loop3A_189 : i32 to index
        %parallel_loop3A_237 = arith.constant 48 : index
        %parallel_loop3A_238 = tpu.vector_load %arg12[%parallel_loop3A_236, %parallel_loop3A_237] {strides = array<i32>} : memref<80x128xf32, #tpu.memory_space<vmem>>, vector<1x16xf32>,
        %parallel_loop3A_239 = vector.shape_cast %parallel_loop3A_238 : vector<1x16xf32> to vector<16xf32>
        %parallel_loop3A_240 = arith.mulf %parallel_loop3A_235, %parallel_loop3A_239 : vector<16xf32>
        %parallel_loop3A_241 = arith.index_cast %parallel_loop3A_189 : i32 to index
        %parallel_loop3A_242 = arith.constant 48 : index
        %parallel_loop3A_243 = tpu.vector_load %arg10[%parallel_loop3A_241, %parallel_loop3A_242] {strides = array<i32>} : memref<80x128xf32, #tpu.memory_space<vmem>>, vector<1x16xf32>,
        %parallel_loop3A_244 = vector.shape_cast %parallel_loop3A_243 : vector<1x16xf32> to vector<16xf32>
        %parallel_loop3A_245 = vector.shape_cast %parallel_loop3A_240 : vector<16xf32> to vector<1x16xf32>
        tpu.vector_store %arg10[%parallel_loop3A_241, %parallel_loop3A_242], %parallel_loop3A_245 {strides = array<i32>} : memref<80x128xf32, #tpu.memory_space<vmem>>, vector<1x16xf32>,
        %parallel_loop3A_246 = arith.index_cast %parallel_loop3A_189 : i32 to index
        %parallel_loop3A_247 = arith.constant 64 : index
        %parallel_loop3A_248 = tpu.vector_load %arg10[%parallel_loop3A_246, %parallel_loop3A_247] {strides = array<i32>} : memref<80x128xf32, #tpu.memory_space<vmem>>, vector<1x16xf32>,
        %parallel_loop3A_249 = vector.shape_cast %parallel_loop3A_248 : vector<1x16xf32> to vector<16xf32>
        %parallel_loop3A_250 = arith.index_cast %parallel_loop3A_189 : i32 to index
        %parallel_loop3A_251 = arith.constant 64 : index
        %parallel_loop3A_252 = tpu.vector_load %arg12[%parallel_loop3A_250, %parallel_loop3A_251] {strides = array<i32>} : memref<80x128xf32, #tpu.memory_space<vmem>>, vector<1x16xf32>,
        %parallel_loop3A_253 = vector.shape_cast %parallel_loop3A_252 : vector<1x16xf32> to vector<16xf32>
        %parallel_loop3A_254 = arith.mulf %parallel_loop3A_249, %parallel_loop3A_253 : vector<16xf32>
        %parallel_loop3A_255 = arith.index_cast %parallel_loop3A_189 : i32 to index
        %parallel_loop3A_256 = arith.constant 64 : index
        %parallel_loop3A_257 = tpu.vector_load %arg10[%parallel_loop3A_255, %parallel_loop3A_256] {strides = array<i32>} : memref<80x128xf32, #tpu.memory_space<vmem>>, vector<1x16xf32>,
        %parallel_loop3A_258 = vector.shape_cast %parallel_loop3A_257 : vector<1x16xf32> to vector<16xf32>
        %parallel_loop3A_259 = vector.shape_cast %parallel_loop3A_254 : vector<16xf32> to vector<1x16xf32>
        tpu.vector_store %arg10[%parallel_loop3A_255, %parallel_loop3A_256], %parallel_loop3A_259 {strides = array<i32>} : memref<80x128xf32, #tpu.memory_space<vmem>>, vector<1x16xf32>,
        %parallel_loop3A_260 = arith.index_cast %parallel_loop3A_189 : i32 to index
        %parallel_loop3A_261 = arith.constant 80 : index
        %parallel_loop3A_262 = tpu.vector_load %arg10[%parallel_loop3A_260, %parallel_loop3A_261] {strides = array<i32>} : memref<80x128xf32, #tpu.memory_space<vmem>>, vector<1x16xf32>,
        %parallel_loop3A_263 = vector.shape_cast %parallel_loop3A_262 : vector<1x16xf32> to vector<16xf32>
        %parallel_loop3A_264 = arith.index_cast %parallel_loop3A_189 : i32 to index
        %parallel_loop3A_265 = arith.constant 80 : index
        %parallel_loop3A_266 = tpu.vector_load %arg12[%parallel_loop3A_264, %parallel_loop3A_265] {strides = array<i32>} : memref<80x128xf32, #tpu.memory_space<vmem>>, vector<1x16xf32>,
        %parallel_loop3A_267 = vector.shape_cast %parallel_loop3A_266 : vector<1x16xf32> to vector<16xf32>
        %parallel_loop3A_268 = arith.mulf %parallel_loop3A_263, %parallel_loop3A_267 : vector<16xf32>
        %parallel_loop3A_269 = arith.index_cast %parallel_loop3A_189 : i32 to index
        %parallel_loop3A_270 = arith.constant 80 : index
        %parallel_loop3A_271 = tpu.vector_load %arg10[%parallel_loop3A_269, %parallel_loop3A_270] {strides = array<i32>} : memref<80x128xf32, #tpu.memory_space<vmem>>, vector<1x16xf32>,
        %parallel_loop3A_272 = vector.shape_cast %parallel_loop3A_271 : vector<1x16xf32> to vector<16xf32>
        %parallel_loop3A_273 = vector.shape_cast %parallel_loop3A_268 : vector<16xf32> to vector<1x16xf32>
        tpu.vector_store %arg10[%parallel_loop3A_269, %parallel_loop3A_270], %parallel_loop3A_273 {strides = array<i32>} : memref<80x128xf32, #tpu.memory_space<vmem>>, vector<1x16xf32>,
        %parallel_loop3A_274 = arith.index_cast %parallel_loop3A_189 : i32 to index
        %parallel_loop3A_275 = arith.constant 96 : index
        %parallel_loop3A_276 = tpu.vector_load %arg10[%parallel_loop3A_274, %parallel_loop3A_275] {strides = array<i32>} : memref<80x128xf32, #tpu.memory_space<vmem>>, vector<1x16xf32>,
        %parallel_loop3A_277 = vector.shape_cast %parallel_loop3A_276 : vector<1x16xf32> to vector<16xf32>
        %parallel_loop3A_278 = arith.index_cast %parallel_loop3A_189 : i32 to index
        %parallel_loop3A_279 = arith.constant 96 : index
        %parallel_loop3A_280 = tpu.vector_load %arg12[%parallel_loop3A_278, %parallel_loop3A_279] {strides = array<i32>} : memref<80x128xf32, #tpu.memory_space<vmem>>, vector<1x16xf32>,
        %parallel_loop3A_281 = vector.shape_cast %parallel_loop3A_280 : vector<1x16xf32> to vector<16xf32>
        %parallel_loop3A_282 = arith.mulf %parallel_loop3A_277, %parallel_loop3A_281 : vector<16xf32>
        %parallel_loop3A_283 = arith.index_cast %parallel_loop3A_189 : i32 to index
        %parallel_loop3A_284 = arith.constant 96 : index
        %parallel_loop3A_285 = tpu.vector_load %arg10[%parallel_loop3A_283, %parallel_loop3A_284] {strides = array<i32>} : memref<80x128xf32, #tpu.memory_space<vmem>>, vector<1x16xf32>,
        %parallel_loop3A_286 = vector.shape_cast %parallel_loop3A_285 : vector<1x16xf32> to vector<16xf32>
        %parallel_loop3A_287 = vector.shape_cast %parallel_loop3A_282 : vector<16xf32> to vector<1x16xf32>
        tpu.vector_store %arg10[%parallel_loop3A_283, %parallel_loop3A_284], %parallel_loop3A_287 {strides = array<i32>} : memref<80x128xf32, #tpu.memory_space<vmem>>, vector<1x16xf32>,
        %parallel_loop3A_288 = arith.index_cast %parallel_loop3A_189 : i32 to index
        %parallel_loop3A_289 = arith.constant 112 : index
        %parallel_loop3A_290 = tpu.vector_load %arg10[%parallel_loop3A_288, %parallel_loop3A_289] {strides = array<i32>} : memref<80x128xf32, #tpu.memory_space<vmem>>, vector<1x16xf32>,
        %parallel_loop3A_291 = vector.shape_cast %parallel_loop3A_290 : vector<1x16xf32> to vector<16xf32>
        %parallel_loop3A_292 = arith.index_cast %parallel_loop3A_189 : i32 to index
        %parallel_loop3A_293 = arith.constant 112 : index
        %parallel_loop3A_294 = tpu.vector_load %arg12[%parallel_loop3A_292, %parallel_loop3A_293] {strides = array<i32>} : memref<80x128xf32, #tpu.memory_space<vmem>>, vector<1x16xf32>,
        %parallel_loop3A_295 = vector.shape_cast %parallel_loop3A_294 : vector<1x16xf32> to vector<16xf32>
        %parallel_loop3A_296 = arith.mulf %parallel_loop3A_291, %parallel_loop3A_295 : vector<16xf32>
        %parallel_loop3A_297 = arith.index_cast %parallel_loop3A_189 : i32 to index
        %parallel_loop3A_298 = arith.constant 112 : index
        %parallel_loop3A_299 = tpu.vector_load %arg10[%parallel_loop3A_297, %parallel_loop3A_298] {strides = array<i32>} : memref<80x128xf32, #tpu.memory_space<vmem>>, vector<1x16xf32>,
        %parallel_loop3A_300 = vector.shape_cast %parallel_loop3A_299 : vector<1x16xf32> to vector<16xf32>
        %parallel_loop3A_301 = vector.shape_cast %parallel_loop3A_296 : vector<16xf32> to vector<1x16xf32>
        tpu.vector_store %arg10[%parallel_loop3A_297, %parallel_loop3A_298], %parallel_loop3A_301 {strides = array<i32>} : memref<80x128xf32, #tpu.memory_space<vmem>>, vector<1x16xf32>,
      } {sc.loop_unroll_factor = 4 : i64, sc.parallel_access}
      "tpu.region"() ({
        %run_scoped3A = tpu.sem_alloc : memref<!tpu.dma_semaphore, #tpu.memory_space<semaphore_mem>>
        %dma_start3A_189 = arith.constant 0 : i32
        %dma_start3A_190 = tpu.memref_slice %arg9[%rem3A_124, %dma_start3A_189] : memref<4x80xi32, #tpu.memory_space<vmem>> -> memref<1x80xi32, #tpu.memory_space<vmem>>
        %dma_start3A_191 = tpu.memref_squeeze %dma_start3A_190 : memref<1x80xi32, #tpu.memory_space<vmem>> -> memref<80xi32, #tpu.memory_space<vmem>>
        %dma_start3A_192 = arith.constant 0 : i32
        %dma_start3A_193 = arith.constant 0 : i32
        %dma_start3A_194 = tpu.memref_slice %arg14[%dma_start3A_192, %dma_start3A_193] : memref<10240x128xf32, #tpu.memory_space<vmem_shared>> -> memref<10240x128xf32, #tpu.memory_space<vmem_shared>>
        tpu.enqueue_indirect_dma source(%arg10 : memref<80x128xf32, #tpu.memory_space<vmem>>) target(%dma_start3A_194 : memref<10240x128xf32, #tpu.memory_space<vmem_shared>>) offsets(%dma_start3A_191 : memref<80xi32, #tpu.memory_space<vmem>>) semaphore(%run_scoped3A : memref<!tpu.dma_semaphore, #tpu.memory_space<semaphore_mem>>) {add = true}
        %dma_wait3A_195 = arith.constant 0 : i32
        %dma_wait3A_196 = tpu.memref_slice %arg9[%rem3A_124, %dma_wait3A_195] : memref<4x80xi32, #tpu.memory_space<vmem>> -> memref<1x80xi32, #tpu.memory_space<vmem>>
        %dma_wait3A_197 = tpu.memref_squeeze %dma_wait3A_196 : memref<1x80xi32, #tpu.memory_space<vmem>> -> memref<80xi32, #tpu.memory_space<vmem>>
        %dma_wait3A_198 = arith.constant 0 : i32
        %dma_wait3A_199 = arith.constant 0 : i32
        %dma_wait3A_200 = tpu.memref_slice %arg14[%dma_wait3A_198, %dma_wait3A_199] : memref<10240x128xf32, #tpu.memory_space<vmem_shared>> -> memref<10240x128xf32, #tpu.memory_space<vmem_shared>>
        tpu.wait_indirect_dma semaphore(%run_scoped3A : memref<!tpu.dma_semaphore, #tpu.memory_space<semaphore_mem>>) src(%arg10 : memref<80x128xf32, #tpu.memory_space<vmem>>) dst(%dma_wait3A_200 : memref<10240x128xf32, #tpu.memory_space<vmem_shared>>)
        tpu.yield
      }) : () -> ()
      %convert_element_type3A_169 = arith.extui %lt3A_137 : i1 to i32
      %cond3A_170 = arith.constant 0 : i32
      %cond3A_171 = arith.cmpi ne, %convert_element_type3A_169, %cond3A_170 : i32
      scf.if %cond3A_171 {
        %dma_wait3A_189 = arith.constant 0 : i32
        %dma_wait3A_190 = arith.constant 0 : i32
        %dma_wait3A_191 = tpu.memref_slice %arg8[%dma_wait3A_189, %dma_wait3A_190] : memref<4x80xi32, #tpu.memory_space<vmem>> -> memref<1x80xi32, #tpu.memory_space<vmem>>
        %dma_wait3A_192 = tpu.memref_squeeze %dma_wait3A_191 : memref<1x80xi32, #tpu.memory_space<vmem>> -> memref<80xi32, #tpu.memory_space<vmem>>
        %dma_wait3A_193 = arith.constant 0 : i32
        %dma_wait3A_194 = tpu.memref_slice %arg4[%dma_wait3A_193] : memref<327680xi32, #tpu.memory_space<hbm>> -> memref<80xi32, #tpu.memory_space<hbm>>
        %dma_wait3A_195 = arith.constant 0 : i32
        %dma_wait3A_196 = tpu.memref_slice %arg8[%dma_wait3A_189, %dma_wait3A_195] : memref<4x80xi32, #tpu.memory_space<vmem>> -> memref<1x80xi32, #tpu.memory_space<vmem>>
        %dma_wait3A_197 = tpu.memref_squeeze %dma_wait3A_196 : memref<1x80xi32, #tpu.memory_space<vmem>> -> memref<80xi32, #tpu.memory_space<vmem>>
        %dma_wait3A_198 = arith.constant 0 : i32
        %dma_wait3A_199 = tpu.memref_slice %arg4[%dma_wait3A_198] : memref<327680xi32, #tpu.memory_space<hbm>> -> memref<80xi32, #tpu.memory_space<hbm>>
        tpu.wait_dma2 semaphore(%arg15 : memref<!tpu.dma_semaphore, #tpu.memory_space<semaphore_mem>>) src(%dma_wait3A_199 : memref<80xi32, #tpu.memory_space<hbm>>) dst(%dma_wait3A_197 : memref<80xi32, #tpu.memory_space<vmem>>)
        %dma_wait3A_200 = arith.constant 0 : i32
        %dma_wait3A_201 = arith.constant 0 : i32
        %dma_wait3A_202 = tpu.memref_slice %arg9[%dma_wait3A_200, %dma_wait3A_201] : memref<4x80xi32, #tpu.memory_space<vmem>> -> memref<1x80xi32, #tpu.memory_space<vmem>>
        %dma_wait3A_203 = tpu.memref_squeeze %dma_wait3A_202 : memref<1x80xi32, #tpu.memory_space<vmem>> -> memref<80xi32, #tpu.memory_space<vmem>>
        %dma_wait3A_204 = arith.constant 0 : i32
        %dma_wait3A_205 = tpu.memref_slice %arg5[%dma_wait3A_204] : memref<327680xi32, #tpu.memory_space<hbm>> -> memref<80xi32, #tpu.memory_space<hbm>>
        %dma_wait3A_206 = arith.constant 0 : i32
        %dma_wait3A_207 = tpu.memref_slice %arg9[%dma_wait3A_200, %dma_wait3A_206] : memref<4x80xi32, #tpu.memory_space<vmem>> -> memref<1x80xi32, #tpu.memory_space<vmem>>
        %dma_wait3A_208 = tpu.memref_squeeze %dma_wait3A_207 : memref<1x80xi32, #tpu.memory_space<vmem>> -> memref<80xi32, #tpu.memory_space<vmem>>
        %dma_wait3A_209 = arith.constant 0 : i32
        %dma_wait3A_210 = tpu.memref_slice %arg5[%dma_wait3A_209] : memref<327680xi32, #tpu.memory_space<hbm>> -> memref<80xi32, #tpu.memory_space<hbm>>
        tpu.wait_dma2 semaphore(%arg15 : memref<!tpu.dma_semaphore, #tpu.memory_space<semaphore_mem>>) src(%dma_wait3A_210 : memref<80xi32, #tpu.memory_space<hbm>>) dst(%dma_wait3A_208 : memref<80xi32, #tpu.memory_space<vmem>>)
        %dma_wait3A_211 = arith.constant 0 : i32
        %dma_wait3A_212 = arith.constant 0 : i32
        %dma_wait3A_213 = tpu.memref_slice %arg8[%dma_wait3A_211, %dma_wait3A_212] : memref<4x80xi32, #tpu.memory_space<vmem>> -> memref<1x80xi32, #tpu.memory_space<vmem>>
        %dma_wait3A_214 = tpu.memref_squeeze %dma_wait3A_213 : memref<1x80xi32, #tpu.memory_space<vmem>> -> memref<80xi32, #tpu.memory_space<vmem>>
        %dma_wait3A_215 = arith.constant 0 : i32
        %dma_wait3A_216 = tpu.memref_slice %arg4[%dma_wait3A_215] : memref<327680xi32, #tpu.memory_space<hbm>> -> memref<80xi32, #tpu.memory_space<hbm>>
        %dma_wait3A_217 = arith.constant 0 : i32
        %dma_wait3A_218 = tpu.memref_slice %arg8[%dma_wait3A_211, %dma_wait3A_217] : memref<4x80xi32, #tpu.memory_space<vmem>> -> memref<1x80xi32, #tpu.memory_space<vmem>>
        %dma_wait3A_219 = tpu.memref_squeeze %dma_wait3A_218 : memref<1x80xi32, #tpu.memory_space<vmem>> -> memref<80xi32, #tpu.memory_space<vmem>>
        %dma_wait3A_220 = arith.constant 0 : i32
        %dma_wait3A_221 = tpu.memref_slice %arg4[%dma_wait3A_220] : memref<327680xi32, #tpu.memory_space<hbm>> -> memref<80xi32, #tpu.memory_space<hbm>>
        tpu.wait_dma2 semaphore(%arg15 : memref<!tpu.dma_semaphore, #tpu.memory_space<semaphore_mem>>) src(%dma_wait3A_221 : memref<80xi32, #tpu.memory_space<hbm>>) dst(%dma_wait3A_219 : memref<80xi32, #tpu.memory_space<vmem>>)
        %dma_wait3A_222 = arith.constant 0 : i32
        %dma_wait3A_223 = arith.constant 0 : i32
        %dma_wait3A_224 = tpu.memref_slice %arg9[%dma_wait3A_222, %dma_wait3A_223] : memref<4x80xi32, #tpu.memory_space<vmem>> -> memref<1x80xi32, #tpu.memory_space<vmem>>
        %dma_wait3A_225 = tpu.memref_squeeze %dma_wait3A_224 : memref<1x80xi32, #tpu.memory_space<vmem>> -> memref<80xi32, #tpu.memory_space<vmem>>
        %dma_wait3A_226 = arith.constant 0 : i32
        %dma_wait3A_227 = tpu.memref_slice %arg5[%dma_wait3A_226] : memref<327680xi32, #tpu.memory_space<hbm>> -> memref<80xi32, #tpu.memory_space<hbm>>
        %dma_wait3A_228 = arith.constant 0 : i32
        %dma_wait3A_229 = tpu.memref_slice %arg9[%dma_wait3A_222, %dma_wait3A_228] : memref<4x80xi32, #tpu.memory_space<vmem>> -> memref<1x80xi32, #tpu.memory_space<vmem>>
        %dma_wait3A_230 = tpu.memref_squeeze %dma_wait3A_229 : memref<1x80xi32, #tpu.memory_space<vmem>> -> memref<80xi32, #tpu.memory_space<vmem>>
        %dma_wait3A_231 = arith.constant 0 : i32
        %dma_wait3A_232 = tpu.memref_slice %arg5[%dma_wait3A_231] : memref<327680xi32, #tpu.memory_space<hbm>> -> memref<80xi32, #tpu.memory_space<hbm>>
        tpu.wait_dma2 semaphore(%arg15 : memref<!tpu.dma_semaphore, #tpu.memory_space<semaphore_mem>>) src(%dma_wait3A_232 : memref<80xi32, #tpu.memory_space<hbm>>) dst(%dma_wait3A_230 : memref<80xi32, #tpu.memory_space<vmem>>)
        %add3A_233 = arith.constant 2 : i32
        %add3A_234 = arith.addi %mul3A_123, %add3A_233 : i32
        %add3A_235 = arith.addi %mul3A_2, %add3A_234 : i32
        %mul3A_236 = arith.constant 80 : i32
        %mul3A_237 = arith.muli %add3A_235, %mul3A_236 : i32
        %dma_start3A_238 = arith.constant 0 : i32
        %dma_start3A_239 = tpu.memref_slice %arg3[%mul3A_237, %dma_start3A_238] : memref<327680x128xf32, #tpu.memory_space<hbm>> -> memref<80x128xf32, #tpu.memory_space<hbm>>
        %dma_start3A_240 = arith.constant 0 : i32
        %dma_start3A_241 = tpu.memref_slice %arg3[%mul3A_237, %dma_start3A_240] : memref<327680x128xf32, #tpu.memory_space<hbm>> -> memref<80x128xf32, #tpu.memory_space<hbm>>
        tpu.enqueue_dma source(%dma_start3A_241 : memref<80x128xf32, #tpu.memory_space<hbm>>) target(%arg12 : memref<80x128xf32, #tpu.memory_space<vmem>>) target_semaphore(%arg18 : memref<!tpu.dma_semaphore, #tpu.memory_space<semaphore_mem>>)
        %dma_start3A_242 = arith.constant 0 : i32
        %dma_start3A_243 = tpu.memref_slice %arg8[%rem3A_132, %dma_start3A_242] : memref<4x80xi32, #tpu.memory_space<vmem>> -> memref<1x80xi32, #tpu.memory_space<vmem>>
        %dma_start3A_244 = tpu.memref_squeeze %dma_start3A_243 : memref<1x80xi32, #tpu.memory_space<vmem>> -> memref<80xi32, #tpu.memory_space<vmem>>
        %dma_start3A_245 = arith.constant 0 : i32
        %dma_start3A_246 = arith.constant 0 : i32
        %dma_start3A_247 = tpu.memref_slice %arg2[%dma_start3A_245, %dma_start3A_246] : memref<10000x128xf32, #tpu.memory_space<hbm>> -> memref<10000x128xf32, #tpu.memory_space<hbm>>
        tpu.enqueue_indirect_dma source(%dma_start3A_247 : memref<10000x128xf32, #tpu.memory_space<hbm>>) target(%arg10 : memref<80x128xf32, #tpu.memory_space<vmem>>) offsets(%dma_start3A_244 : memref<80xi32, #tpu.memory_space<vmem>>) semaphore(%arg16 : memref<!tpu.dma_semaphore, #tpu.memory_space<semaphore_mem>>)
      } else {
      }
      %dma_wait3A_172 = arith.constant 0 : i32
      %dma_wait3A_173 = arith.constant 0 : i32
      %dma_wait3A_174 = tpu.memref_slice %arg3[%dma_wait3A_172, %dma_wait3A_173] : memref<327680x128xf32, #tpu.memory_space<hbm>> -> memref<80x128xf32, #tpu.memory_space<hbm>>
      %dma_wait3A_175 = arith.constant 0 : i32
      %dma_wait3A_176 = arith.constant 0 : i32
      %dma_wait3A_177 = tpu.memref_slice %arg3[%dma_wait3A_175, %dma_wait3A_176] : memref<327680x128xf32, #tpu.memory_space<hbm>> -> memref<80x128xf32, #tpu.memory_space<hbm>>
      tpu.wait_dma2 semaphore(%arg19 : memref<!tpu.dma_semaphore, #tpu.memory_space<semaphore_mem>>) src(%dma_wait3A_177 : memref<80x128xf32, #tpu.memory_space<hbm>>) dst(%arg13 : memref<80x128xf32, #tpu.memory_space<vmem>>)
      %dma_wait3A_178 = arith.constant 0 : i32
      %dma_wait3A_179 = arith.constant 0 : i32
      %dma_wait3A_180 = tpu.memref_slice %arg8[%dma_wait3A_178, %dma_wait3A_179] : memref<4x80xi32, #tpu.memory_space<vmem>> -> memref<1x80xi32, #tpu.memory_space<vmem>>
      %dma_wait3A_181 = tpu.memref_squeeze %dma_wait3A_180 : memref<1x80xi32, #tpu.memory_space<vmem>> -> memref<80xi32, #tpu.memory_space<vmem>>
      %dma_wait3A_182 = arith.constant 0 : i32
      %dma_wait3A_183 = arith.constant 0 : i32
      %dma_wait3A_184 = tpu.memref_slice %arg2[%dma_wait3A_182, %dma_wait3A_183] : memref<10000x128xf32, #tpu.memory_space<hbm>> -> memref<10000x128xf32, #tpu.memory_space<hbm>>
      tpu.wait_indirect_dma semaphore(%arg17 : memref<!tpu.dma_semaphore, #tpu.memory_space<semaphore_mem>>) src(%dma_wait3A_184 : memref<10000x128xf32, #tpu.memory_space<hbm>>) dst(%arg11 : memref<80x128xf32, #tpu.memory_space<vmem>>)
      %parallel_loop3A_185 = arith.constant 0 : i32
      %parallel_loop3A_186 = arith.constant 80 : i32
      %parallel_loop3A_187 = arith.constant 1 : i32
      scf.for %parallel_loop3A_189 = %parallel_loop3A_185 to %parallel_loop3A_186 step %parallel_loop3A_187  : i32 {
        %parallel_loop3A_190 = arith.index_cast %parallel_loop3A_189 : i32 to index
        %parallel_loop3A_191 = arith.constant 0 : index
        %parallel_loop3A_192 = tpu.vector_load %arg11[%parallel_loop3A_190, %parallel_loop3A_191] {strides = array<i32>} : memref<80x128xf32, #tpu.memory_space<vmem>>, vector<1x16xf32>,
        %parallel_loop3A_193 = vector.shape_cast %parallel_loop3A_192 : vector<1x16xf32> to vector<16xf32>
        %parallel_loop3A_194 = arith.index_cast %parallel_loop3A_189 : i32 to index
        %parallel_loop3A_195 = arith.constant 0 : index
        %parallel_loop3A_196 = tpu.vector_load %arg13[%parallel_loop3A_194, %parallel_loop3A_195] {strides = array<i32>} : memref<80x128xf32, #tpu.memory_space<vmem>>, vector<1x16xf32>,
        %parallel_loop3A_197 = vector.shape_cast %parallel_loop3A_196 : vector<1x16xf32> to vector<16xf32>
        %parallel_loop3A_198 = arith.mulf %parallel_loop3A_193, %parallel_loop3A_197 : vector<16xf32>
        %parallel_loop3A_199 = arith.index_cast %parallel_loop3A_189 : i32 to index
        %parallel_loop3A_200 = arith.constant 0 : index
        %parallel_loop3A_201 = tpu.vector_load %arg11[%parallel_loop3A_199, %parallel_loop3A_200] {strides = array<i32>} : memref<80x128xf32, #tpu.memory_space<vmem>>, vector<1x16xf32>,
        %parallel_loop3A_202 = vector.shape_cast %parallel_loop3A_201 : vector<1x16xf32> to vector<16xf32>
        %parallel_loop3A_203 = vector.shape_cast %parallel_loop3A_198 : vector<16xf32> to vector<1x16xf32>
        tpu.vector_store %arg11[%parallel_loop3A_199, %parallel_loop3A_200], %parallel_loop3A_203 {strides = array<i32>} : memref<80x128xf32, #tpu.memory_space<vmem>>, vector<1x16xf32>,
        %parallel_loop3A_204 = arith.index_cast %parallel_loop3A_189 : i32 to index
        %parallel_loop3A_205 = arith.constant 16 : index
        %parallel_loop3A_206 = tpu.vector_load %arg11[%parallel_loop3A_204, %parallel_loop3A_205] {strides = array<i32>} : memref<80x128xf32, #tpu.memory_space<vmem>>, vector<1x16xf32>,
        %parallel_loop3A_207 = vector.shape_cast %parallel_loop3A_206 : vector<1x16xf32> to vector<16xf32>
        %parallel_loop3A_208 = arith.index_cast %parallel_loop3A_189 : i32 to index
        %parallel_loop3A_209 = arith.constant 16 : index
        %parallel_loop3A_210 = tpu.vector_load %arg13[%parallel_loop3A_208, %parallel_loop3A_209] {strides = array<i32>} : memref<80x128xf32, #tpu.memory_space<vmem>>, vector<1x16xf32>,
        %parallel_loop3A_211 = vector.shape_cast %parallel_loop3A_210 : vector<1x16xf32> to vector<16xf32>
        %parallel_loop3A_212 = arith.mulf %parallel_loop3A_207, %parallel_loop3A_211 : vector<16xf32>
        %parallel_loop3A_213 = arith.index_cast %parallel_loop3A_189 : i32 to index
        %parallel_loop3A_214 = arith.constant 16 : index
        %parallel_loop3A_215 = tpu.vector_load %arg11[%parallel_loop3A_213, %parallel_loop3A_214] {strides = array<i32>} : memref<80x128xf32, #tpu.memory_space<vmem>>, vector<1x16xf32>,
        %parallel_loop3A_216 = vector.shape_cast %parallel_loop3A_215 : vector<1x16xf32> to vector<16xf32>
        %parallel_loop3A_217 = vector.shape_cast %parallel_loop3A_212 : vector<16xf32> to vector<1x16xf32>
        tpu.vector_store %arg11[%parallel_loop3A_213, %parallel_loop3A_214], %parallel_loop3A_217 {strides = array<i32>} : memref<80x128xf32, #tpu.memory_space<vmem>>, vector<1x16xf32>,
        %parallel_loop3A_218 = arith.index_cast %parallel_loop3A_189 : i32 to index
        %parallel_loop3A_219 = arith.constant 32 : index
        %parallel_loop3A_220 = tpu.vector_load %arg11[%parallel_loop3A_218, %parallel_loop3A_219] {strides = array<i32>} : memref<80x128xf32, #tpu.memory_space<vmem>>, vector<1x16xf32>,
        %parallel_loop3A_221 = vector.shape_cast %parallel_loop3A_220 : vector<1x16xf32> to vector<16xf32>
        %parallel_loop3A_222 = arith.index_cast %parallel_loop3A_189 : i32 to index
        %parallel_loop3A_223 = arith.constant 32 : index
        %parallel_loop3A_224 = tpu.vector_load %arg13[%parallel_loop3A_222, %parallel_loop3A_223] {strides = array<i32>} : memref<80x128xf32, #tpu.memory_space<vmem>>, vector<1x16xf32>,
        %parallel_loop3A_225 = vector.shape_cast %parallel_loop3A_224 : vector<1x16xf32> to vector<16xf32>
        %parallel_loop3A_226 = arith.mulf %parallel_loop3A_221, %parallel_loop3A_225 : vector<16xf32>
        %parallel_loop3A_227 = arith.index_cast %parallel_loop3A_189 : i32 to index
        %parallel_loop3A_228 = arith.constant 32 : index
        %parallel_loop3A_229 = tpu.vector_load %arg11[%parallel_loop3A_227, %parallel_loop3A_228] {strides = array<i32>} : memref<80x128xf32, #tpu.memory_space<vmem>>, vector<1x16xf32>,
        %parallel_loop3A_230 = vector.shape_cast %parallel_loop3A_229 : vector<1x16xf32> to vector<16xf32>
        %parallel_loop3A_231 = vector.shape_cast %parallel_loop3A_226 : vector<16xf32> to vector<1x16xf32>
        tpu.vector_store %arg11[%parallel_loop3A_227, %parallel_loop3A_228], %parallel_loop3A_231 {strides = array<i32>} : memref<80x128xf32, #tpu.memory_space<vmem>>, vector<1x16xf32>,
        %parallel_loop3A_232 = arith.index_cast %parallel_loop3A_189 : i32 to index
        %parallel_loop3A_233 = arith.constant 48 : index
        %parallel_loop3A_234 = tpu.vector_load %arg11[%parallel_loop3A_232, %parallel_loop3A_233] {strides = array<i32>} : memref<80x128xf32, #tpu.memory_space<vmem>>, vector<1x16xf32>,
        %parallel_loop3A_235 = vector.shape_cast %parallel_loop3A_234 : vector<1x16xf32> to vector<16xf32>
        %parallel_loop3A_236 = arith.index_cast %parallel_loop3A_189 : i32 to index
        %parallel_loop3A_237 = arith.constant 48 : index
        %parallel_loop3A_238 = tpu.vector_load %arg13[%parallel_loop3A_236, %parallel_loop3A_237] {strides = array<i32>} : memref<80x128xf32, #tpu.memory_space<vmem>>, vector<1x16xf32>,
        %parallel_loop3A_239 = vector.shape_cast %parallel_loop3A_238 : vector<1x16xf32> to vector<16xf32>
        %parallel_loop3A_240 = arith.mulf %parallel_loop3A_235, %parallel_loop3A_239 : vector<16xf32>
        %parallel_loop3A_241 = arith.index_cast %parallel_loop3A_189 : i32 to index
        %parallel_loop3A_242 = arith.constant 48 : index
        %parallel_loop3A_243 = tpu.vector_load %arg11[%parallel_loop3A_241, %parallel_loop3A_242] {strides = array<i32>} : memref<80x128xf32, #tpu.memory_space<vmem>>, vector<1x16xf32>,
        %parallel_loop3A_244 = vector.shape_cast %parallel_loop3A_243 : vector<1x16xf32> to vector<16xf32>
        %parallel_loop3A_245 = vector.shape_cast %parallel_loop3A_240 : vector<16xf32> to vector<1x16xf32>
        tpu.vector_store %arg11[%parallel_loop3A_241, %parallel_loop3A_242], %parallel_loop3A_245 {strides = array<i32>} : memref<80x128xf32, #tpu.memory_space<vmem>>, vector<1x16xf32>,
        %parallel_loop3A_246 = arith.index_cast %parallel_loop3A_189 : i32 to index
        %parallel_loop3A_247 = arith.constant 64 : index
        %parallel_loop3A_248 = tpu.vector_load %arg11[%parallel_loop3A_246, %parallel_loop3A_247] {strides = array<i32>} : memref<80x128xf32, #tpu.memory_space<vmem>>, vector<1x16xf32>,
        %parallel_loop3A_249 = vector.shape_cast %parallel_loop3A_248 : vector<1x16xf32> to vector<16xf32>
        %parallel_loop3A_250 = arith.index_cast %parallel_loop3A_189 : i32 to index
        %parallel_loop3A_251 = arith.constant 64 : index
        %parallel_loop3A_252 = tpu.vector_load %arg13[%parallel_loop3A_250, %parallel_loop3A_251] {strides = array<i32>} : memref<80x128xf32, #tpu.memory_space<vmem>>, vector<1x16xf32>,
        %parallel_loop3A_253 = vector.shape_cast %parallel_loop3A_252 : vector<1x16xf32> to vector<16xf32>
        %parallel_loop3A_254 = arith.mulf %parallel_loop3A_249, %parallel_loop3A_253 : vector<16xf32>
        %parallel_loop3A_255 = arith.index_cast %parallel_loop3A_189 : i32 to index
        %parallel_loop3A_256 = arith.constant 64 : index
        %parallel_loop3A_257 = tpu.vector_load %arg11[%parallel_loop3A_255, %parallel_loop3A_256] {strides = array<i32>} : memref<80x128xf32, #tpu.memory_space<vmem>>, vector<1x16xf32>,
        %parallel_loop3A_258 = vector.shape_cast %parallel_loop3A_257 : vector<1x16xf32> to vector<16xf32>
        %parallel_loop3A_259 = vector.shape_cast %parallel_loop3A_254 : vector<16xf32> to vector<1x16xf32>
        tpu.vector_store %arg11[%parallel_loop3A_255, %parallel_loop3A_256], %parallel_loop3A_259 {strides = array<i32>} : memref<80x128xf32, #tpu.memory_space<vmem>>, vector<1x16xf32>,
        %parallel_loop3A_260 = arith.index_cast %parallel_loop3A_189 : i32 to index
        %parallel_loop3A_261 = arith.constant 80 : index
        %parallel_loop3A_262 = tpu.vector_load %arg11[%parallel_loop3A_260, %parallel_loop3A_261] {strides = array<i32>} : memref<80x128xf32, #tpu.memory_space<vmem>>, vector<1x16xf32>,
        %parallel_loop3A_263 = vector.shape_cast %parallel_loop3A_262 : vector<1x16xf32> to vector<16xf32>
        %parallel_loop3A_264 = arith.index_cast %parallel_loop3A_189 : i32 to index
        %parallel_loop3A_265 = arith.constant 80 : index
        %parallel_loop3A_266 = tpu.vector_load %arg13[%parallel_loop3A_264, %parallel_loop3A_265] {strides = array<i32>} : memref<80x128xf32, #tpu.memory_space<vmem>>, vector<1x16xf32>,
        %parallel_loop3A_267 = vector.shape_cast %parallel_loop3A_266 : vector<1x16xf32> to vector<16xf32>
        %parallel_loop3A_268 = arith.mulf %parallel_loop3A_263, %parallel_loop3A_267 : vector<16xf32>
        %parallel_loop3A_269 = arith.index_cast %parallel_loop3A_189 : i32 to index
        %parallel_loop3A_270 = arith.constant 80 : index
        %parallel_loop3A_271 = tpu.vector_load %arg11[%parallel_loop3A_269, %parallel_loop3A_270] {strides = array<i32>} : memref<80x128xf32, #tpu.memory_space<vmem>>, vector<1x16xf32>,
        %parallel_loop3A_272 = vector.shape_cast %parallel_loop3A_271 : vector<1x16xf32> to vector<16xf32>
        %parallel_loop3A_273 = vector.shape_cast %parallel_loop3A_268 : vector<16xf32> to vector<1x16xf32>
        tpu.vector_store %arg11[%parallel_loop3A_269, %parallel_loop3A_270], %parallel_loop3A_273 {strides = array<i32>} : memref<80x128xf32, #tpu.memory_space<vmem>>, vector<1x16xf32>,
        %parallel_loop3A_274 = arith.index_cast %parallel_loop3A_189 : i32 to index
        %parallel_loop3A_275 = arith.constant 96 : index
        %parallel_loop3A_276 = tpu.vector_load %arg11[%parallel_loop3A_274, %parallel_loop3A_275] {strides = array<i32>} : memref<80x128xf32, #tpu.memory_space<vmem>>, vector<1x16xf32>,
        %parallel_loop3A_277 = vector.shape_cast %parallel_loop3A_276 : vector<1x16xf32> to vector<16xf32>
        %parallel_loop3A_278 = arith.index_cast %parallel_loop3A_189 : i32 to index
        %parallel_loop3A_279 = arith.constant 96 : index
        %parallel_loop3A_280 = tpu.vector_load %arg13[%parallel_loop3A_278, %parallel_loop3A_279] {strides = array<i32>} : memref<80x128xf32, #tpu.memory_space<vmem>>, vector<1x16xf32>,
        %parallel_loop3A_281 = vector.shape_cast %parallel_loop3A_280 : vector<1x16xf32> to vector<16xf32>
        %parallel_loop3A_282 = arith.mulf %parallel_loop3A_277, %parallel_loop3A_281 : vector<16xf32>
        %parallel_loop3A_283 = arith.index_cast %parallel_loop3A_189 : i32 to index
        %parallel_loop3A_284 = arith.constant 96 : index
        %parallel_loop3A_285 = tpu.vector_load %arg11[%parallel_loop3A_283, %parallel_loop3A_284] {strides = array<i32>} : memref<80x128xf32, #tpu.memory_space<vmem>>, vector<1x16xf32>,
        %parallel_loop3A_286 = vector.shape_cast %parallel_loop3A_285 : vector<1x16xf32> to vector<16xf32>
        %parallel_loop3A_287 = vector.shape_cast %parallel_loop3A_282 : vector<16xf32> to vector<1x16xf32>
        tpu.vector_store %arg11[%parallel_loop3A_283, %parallel_loop3A_284], %parallel_loop3A_287 {strides = array<i32>} : memref<80x128xf32, #tpu.memory_space<vmem>>, vector<1x16xf32>,
        %parallel_loop3A_288 = arith.index_cast %parallel_loop3A_189 : i32 to index
        %parallel_loop3A_289 = arith.constant 112 : index
        %parallel_loop3A_290 = tpu.vector_load %arg11[%parallel_loop3A_288, %parallel_loop3A_289] {strides = array<i32>} : memref<80x128xf32, #tpu.memory_space<vmem>>, vector<1x16xf32>,
        %parallel_loop3A_291 = vector.shape_cast %parallel_loop3A_290 : vector<1x16xf32> to vector<16xf32>
        %parallel_loop3A_292 = arith.index_cast %parallel_loop3A_189 : i32 to index
        %parallel_loop3A_293 = arith.constant 112 : index
        %parallel_loop3A_294 = tpu.vector_load %arg13[%parallel_loop3A_292, %parallel_loop3A_293] {strides = array<i32>} : memref<80x128xf32, #tpu.memory_space<vmem>>, vector<1x16xf32>,
        %parallel_loop3A_295 = vector.shape_cast %parallel_loop3A_294 : vector<1x16xf32> to vector<16xf32>
        %parallel_loop3A_296 = arith.mulf %parallel_loop3A_291, %parallel_loop3A_295 : vector<16xf32>
        %parallel_loop3A_297 = arith.index_cast %parallel_loop3A_189 : i32 to index
        %parallel_loop3A_298 = arith.constant 112 : index
        %parallel_loop3A_299 = tpu.vector_load %arg11[%parallel_loop3A_297, %parallel_loop3A_298] {strides = array<i32>} : memref<80x128xf32, #tpu.memory_space<vmem>>, vector<1x16xf32>,
        %parallel_loop3A_300 = vector.shape_cast %parallel_loop3A_299 : vector<1x16xf32> to vector<16xf32>
        %parallel_loop3A_301 = vector.shape_cast %parallel_loop3A_296 : vector<16xf32> to vector<1x16xf32>
        tpu.vector_store %arg11[%parallel_loop3A_297, %parallel_loop3A_298], %parallel_loop3A_301 {strides = array<i32>} : memref<80x128xf32, #tpu.memory_space<vmem>>, vector<1x16xf32>,
      } {sc.loop_unroll_factor = 4 : i64, sc.parallel_access}
      "tpu.region"() ({
        %run_scoped3A = tpu.sem_alloc : memref<!tpu.dma_semaphore, #tpu.memory_space<semaphore_mem>>
        %dma_start3A_189 = arith.constant 0 : i32
        %dma_start3A_190 = tpu.memref_slice %arg9[%rem3A_128, %dma_start3A_189] : memref<4x80xi32, #tpu.memory_space<vmem>> -> memref<1x80xi32, #tpu.memory_space<vmem>>
        %dma_start3A_191 = tpu.memref_squeeze %dma_start3A_190 : memref<1x80xi32, #tpu.memory_space<vmem>> -> memref<80xi32, #tpu.memory_space<vmem>>
        %dma_start3A_192 = arith.constant 0 : i32
        %dma_start3A_193 = arith.constant 0 : i32
        %dma_start3A_194 = tpu.memref_slice %arg14[%dma_start3A_192, %dma_start3A_193] : memref<10240x128xf32, #tpu.memory_space<vmem_shared>> -> memref<10240x128xf32, #tpu.memory_space<vmem_shared>>
        tpu.enqueue_indirect_dma source(%arg11 : memref<80x128xf32, #tpu.memory_space<vmem>>) target(%dma_start3A_194 : memref<10240x128xf32, #tpu.memory_space<vmem_shared>>) offsets(%dma_start3A_191 : memref<80xi32, #tpu.memory_space<vmem>>) semaphore(%run_scoped3A : memref<!tpu.dma_semaphore, #tpu.memory_space<semaphore_mem>>) {add = true}
        %dma_wait3A_195 = arith.constant 0 : i32
        %dma_wait3A_196 = tpu.memref_slice %arg9[%rem3A_128, %dma_wait3A_195] : memref<4x80xi32, #tpu.memory_space<vmem>> -> memref<1x80xi32, #tpu.memory_space<vmem>>
        %dma_wait3A_197 = tpu.memref_squeeze %dma_wait3A_196 : memref<1x80xi32, #tpu.memory_space<vmem>> -> memref<80xi32, #tpu.memory_space<vmem>>
        %dma_wait3A_198 = arith.constant 0 : i32
        %dma_wait3A_199 = arith.constant 0 : i32
        %dma_wait3A_200 = tpu.memref_slice %arg14[%dma_wait3A_198, %dma_wait3A_199] : memref<10240x128xf32, #tpu.memory_space<vmem_shared>> -> memref<10240x128xf32, #tpu.memory_space<vmem_shared>>
        tpu.wait_indirect_dma semaphore(%run_scoped3A : memref<!tpu.dma_semaphore, #tpu.memory_space<semaphore_mem>>) src(%arg11 : memref<80x128xf32, #tpu.memory_space<vmem>>) dst(%dma_wait3A_200 : memref<10240x128xf32, #tpu.memory_space<vmem_shared>>)
        tpu.yield
      }) : () -> ()
      %scan3A_188 = arith.constant 0 : i32
      scf.yield %scan3A_188 : i32
    }
    %scan3A_111 = arith.constant 64 : i32
    %barrier3A_112 = arith.constant 0 : index
    tpu.barrier barrier_id(%barrier3A_112)
    %mul3A_113 = arith.constant 640 : i32
    %mul3A_114 = arith.muli %arg1, %mul3A_113 : i32
    %mul3A_115 = arith.constant 10240 : i32
    %mul3A_116 = arith.muli %arg0, %mul3A_115 : i32
    %mul3A_117 = arith.constant 640 : i32
    %mul3A_118 = arith.muli %arg1, %mul3A_117 : i32
    %add3A_119 = arith.addi %mul3A_116, %mul3A_118 : i32
    "tpu.region"() ({
      %run_scoped3A = tpu.sem_alloc : memref<!tpu.dma_semaphore, #tpu.memory_space<semaphore_mem>>
      %dma_start3A_120 = arith.constant 0 : i32
      %dma_start3A_121 = tpu.memref_slice %arg7[%add3A_119, %dma_start3A_120] : memref<20480x128xf32, #tpu.memory_space<hbm>> -> memref<640x128xf32, #tpu.memory_space<hbm>>
      %dma_start3A_122 = arith.constant 0 : i32
      %dma_start3A_123 = tpu.memref_slice %arg14[%mul3A_114, %dma_start3A_122] : memref<10240x128xf32, #tpu.memory_space<vmem_shared>> -> memref<640x128xf32, #tpu.memory_space<vmem_shared>>
      tpu.enqueue_dma source(%dma_start3A_123 : memref<640x128xf32, #tpu.memory_space<vmem_shared>>) target(%dma_start3A_121 : memref<640x128xf32, #tpu.memory_space<hbm>>) target_semaphore(%run_scoped3A : memref<!tpu.dma_semaphore, #tpu.memory_space<semaphore_mem>>)
      %dma_wait3A_124 = arith.constant 0 : i32
      %dma_wait3A_125 = tpu.memref_slice %arg7[%add3A_119, %dma_wait3A_124] : memref<20480x128xf32, #tpu.memory_space<hbm>> -> memref<640x128xf32, #tpu.memory_space<hbm>>
      %dma_wait3A_126 = arith.constant 0 : i32
      %dma_wait3A_127 = tpu.memref_slice %arg14[%mul3A_114, %dma_wait3A_126] : memref<10240x128xf32, #tpu.memory_space<vmem_shared>> -> memref<640x128xf32, #tpu.memory_space<vmem_shared>>
      tpu.wait_dma2 semaphore(%run_scoped3A : memref<!tpu.dma_semaphore, #tpu.memory_space<semaphore_mem>>) src(%dma_wait3A_127 : memref<640x128xf32, #tpu.memory_space<vmem_shared>>) dst(%dma_wait3A_125 : memref<640x128xf32, #tpu.memory_space<hbm>>)
      tpu.yield
    }) : () -> ()
    return
  }
}

#map = affine_map<(d0, d1) -> (0, 0)>
#map1 = affine_map<(d0, d1) -> (0)>
module attributes {stable_mosaic.version = 14 : i64} {
  func.func @_posgather_kernel(%arg0: i32, %arg1: i32, %arg2: memref<10000x8xf32, #tpu.memory_space<hbm>>, %arg3: memref<327680xi32, #tpu.memory_space<hbm>>, %arg4: memref<327680xi32, #tpu.memory_space<hbm>>, %arg5: memref<327680x8xf32, #tpu.memory_space<hbm>>, %arg6: memref<327680x8xf32, #tpu.memory_space<hbm>>, %arg7: memref<80xi32, #tpu.memory_space<vmem>>, %arg8: memref<80xi32, #tpu.memory_space<vmem>>, %arg9: memref<80x8xf32, #tpu.memory_space<vmem>>, %arg10: memref<80x8xf32, #tpu.memory_space<vmem>>, %arg11: memref<!tpu.dma_semaphore, #tpu.memory_space<semaphore_mem>>) attributes {dimension_semantics = [#tpu.dimension_semantics<core_parallel>, #tpu.dimension_semantics<subcore_parallel>], iteration_bounds = array<i64: 2, 16>, scalar_prefetch = 0 : i64, scratch_operands = 5 : i64, tpu.core_type = #tpu.core_type<sc_vector_subcore>, window_params = [{transform_indices = #map}, {transform_indices = #map1}, {transform_indices = #map1}, {transform_indices = #map}, {transform_indices = #map}]} {
    %mul3A = arith.constant 2 : i32
    %mul3A_0 = arith.muli %arg1, %mul3A : i32
    %add3A = arith.addi %mul3A_0, %arg0 : i32
    %scan3A = arith.constant 0 : i32
    %scan3A_1 = arith.constant 0 : i32
    %scan3A_2 = arith.constant 128 : i32
    %scan3A_3 = arith.addi %scan3A_1, %scan3A_2 : i32
    %scan3A_4 = arith.constant 1 : i32
    %scan3A_5 = scf.for %scan3A_7 = %scan3A_1 to %scan3A_3 step %scan3A_4 iter_args(%scan3A_8 = %scan3A) -> (i32)  : i32 {
      %mul3A_9 = arith.constant 128 : i32
      %mul3A_10 = arith.muli %add3A, %mul3A_9 : i32
      %add3A_11 = arith.addi %mul3A_10, %scan3A_7 : i32
      %mul3A_12 = arith.constant 80 : i32
      %mul3A_13 = arith.muli %add3A_11, %mul3A_12 : i32
      "tpu.region"() ({
        %run_scoped3A = tpu.sem_alloc : memref<!tpu.dma_semaphore, #tpu.memory_space<semaphore_mem>>
        %dma_start3A_25 = tpu.memref_slice %arg3[%mul3A_13] : memref<327680xi32, #tpu.memory_space<hbm>> -> memref<80xi32, #tpu.memory_space<hbm>>
        %dma_start3A_26 = tpu.memref_slice %arg3[%mul3A_13] : memref<327680xi32, #tpu.memory_space<hbm>> -> memref<80xi32, #tpu.memory_space<hbm>>
        tpu.enqueue_dma source(%dma_start3A_26 : memref<80xi32, #tpu.memory_space<hbm>>) target(%arg7 : memref<80xi32, #tpu.memory_space<vmem>>) target_semaphore(%run_scoped3A : memref<!tpu.dma_semaphore, #tpu.memory_space<semaphore_mem>>)
        %dma_wait3A_27 = tpu.memref_slice %arg3[%mul3A_13] : memref<327680xi32, #tpu.memory_space<hbm>> -> memref<80xi32, #tpu.memory_space<hbm>>
        %dma_wait3A_28 = tpu.memref_slice %arg3[%mul3A_13] : memref<327680xi32, #tpu.memory_space<hbm>> -> memref<80xi32, #tpu.memory_space<hbm>>
        tpu.wait_dma2 semaphore(%run_scoped3A : memref<!tpu.dma_semaphore, #tpu.memory_space<semaphore_mem>>) src(%dma_wait3A_28 : memref<80xi32, #tpu.memory_space<hbm>>) dst(%arg7 : memref<80xi32, #tpu.memory_space<vmem>>)
        tpu.yield
      }) : () -> ()
      "tpu.region"() ({
        %run_scoped3A = tpu.sem_alloc : memref<!tpu.dma_semaphore, #tpu.memory_space<semaphore_mem>>
        %dma_start3A_25 = tpu.memref_slice %arg4[%mul3A_13] : memref<327680xi32, #tpu.memory_space<hbm>> -> memref<80xi32, #tpu.memory_space<hbm>>
        %dma_start3A_26 = tpu.memref_slice %arg4[%mul3A_13] : memref<327680xi32, #tpu.memory_space<hbm>> -> memref<80xi32, #tpu.memory_space<hbm>>
        tpu.enqueue_dma source(%dma_start3A_26 : memref<80xi32, #tpu.memory_space<hbm>>) target(%arg8 : memref<80xi32, #tpu.memory_space<vmem>>) target_semaphore(%run_scoped3A : memref<!tpu.dma_semaphore, #tpu.memory_space<semaphore_mem>>)
        %dma_wait3A_27 = tpu.memref_slice %arg4[%mul3A_13] : memref<327680xi32, #tpu.memory_space<hbm>> -> memref<80xi32, #tpu.memory_space<hbm>>
        %dma_wait3A_28 = tpu.memref_slice %arg4[%mul3A_13] : memref<327680xi32, #tpu.memory_space<hbm>> -> memref<80xi32, #tpu.memory_space<hbm>>
        tpu.wait_dma2 semaphore(%run_scoped3A : memref<!tpu.dma_semaphore, #tpu.memory_space<semaphore_mem>>) src(%dma_wait3A_28 : memref<80xi32, #tpu.memory_space<hbm>>) dst(%arg8 : memref<80xi32, #tpu.memory_space<vmem>>)
        tpu.yield
      }) : () -> ()
      %dma_start3A = arith.constant 0 : i32
      %dma_start3A_14 = arith.constant 0 : i32
      %dma_start3A_15 = tpu.memref_slice %arg2[%dma_start3A, %dma_start3A_14] : memref<10000x8xf32, #tpu.memory_space<hbm>> -> memref<10000x8xf32, #tpu.memory_space<hbm>>
      tpu.enqueue_indirect_dma source(%dma_start3A_15 : memref<10000x8xf32, #tpu.memory_space<hbm>>) target(%arg9 : memref<80x8xf32, #tpu.memory_space<vmem>>) offsets(%arg7 : memref<80xi32, #tpu.memory_space<vmem>>) semaphore(%arg11 : memref<!tpu.dma_semaphore, #tpu.memory_space<semaphore_mem>>)
      %dma_wait3A = arith.constant 0 : i32
      %dma_wait3A_16 = arith.constant 0 : i32
      %dma_wait3A_17 = tpu.memref_slice %arg2[%dma_wait3A, %dma_wait3A_16] : memref<10000x8xf32, #tpu.memory_space<hbm>> -> memref<10000x8xf32, #tpu.memory_space<hbm>>
      tpu.wait_indirect_dma semaphore(%arg11 : memref<!tpu.dma_semaphore, #tpu.memory_space<semaphore_mem>>) src(%dma_wait3A_17 : memref<10000x8xf32, #tpu.memory_space<hbm>>) dst(%arg9 : memref<80x8xf32, #tpu.memory_space<vmem>>)
      %dma_start3A_18 = arith.constant 0 : i32
      %dma_start3A_19 = arith.constant 0 : i32
      %dma_start3A_20 = tpu.memref_slice %arg2[%dma_start3A_18, %dma_start3A_19] : memref<10000x8xf32, #tpu.memory_space<hbm>> -> memref<10000x8xf32, #tpu.memory_space<hbm>>
      tpu.enqueue_indirect_dma source(%dma_start3A_20 : memref<10000x8xf32, #tpu.memory_space<hbm>>) target(%arg10 : memref<80x8xf32, #tpu.memory_space<vmem>>) offsets(%arg8 : memref<80xi32, #tpu.memory_space<vmem>>) semaphore(%arg11 : memref<!tpu.dma_semaphore, #tpu.memory_space<semaphore_mem>>)
      %dma_wait3A_21 = arith.constant 0 : i32
      %dma_wait3A_22 = arith.constant 0 : i32
      %dma_wait3A_23 = tpu.memref_slice %arg2[%dma_wait3A_21, %dma_wait3A_22] : memref<10000x8xf32, #tpu.memory_space<hbm>> -> memref<10000x8xf32, #tpu.memory_space<hbm>>
      tpu.wait_indirect_dma semaphore(%arg11 : memref<!tpu.dma_semaphore, #tpu.memory_space<semaphore_mem>>) src(%dma_wait3A_23 : memref<10000x8xf32, #tpu.memory_space<hbm>>) dst(%arg10 : memref<80x8xf32, #tpu.memory_space<vmem>>)
      "tpu.region"() ({
        %run_scoped3A = tpu.sem_alloc : memref<!tpu.dma_semaphore, #tpu.memory_space<semaphore_mem>>
        %dma_start3A_25 = arith.constant 0 : i32
        %dma_start3A_26 = tpu.memref_slice %arg5[%mul3A_13, %dma_start3A_25] : memref<327680x8xf32, #tpu.memory_space<hbm>> -> memref<80x8xf32, #tpu.memory_space<hbm>>
        %dma_start3A_27 = arith.constant 0 : i32
        %dma_start3A_28 = tpu.memref_slice %arg5[%mul3A_13, %dma_start3A_27] : memref<327680x8xf32, #tpu.memory_space<hbm>> -> memref<80x8xf32, #tpu.memory_space<hbm>>
        tpu.enqueue_dma source(%arg9 : memref<80x8xf32, #tpu.memory_space<vmem>>) target(%dma_start3A_28 : memref<80x8xf32, #tpu.memory_space<hbm>>) target_semaphore(%run_scoped3A : memref<!tpu.dma_semaphore, #tpu.memory_space<semaphore_mem>>)
        %dma_wait3A_29 = arith.constant 0 : i32
        %dma_wait3A_30 = tpu.memref_slice %arg5[%mul3A_13, %dma_wait3A_29] : memref<327680x8xf32, #tpu.memory_space<hbm>> -> memref<80x8xf32, #tpu.memory_space<hbm>>
        %dma_wait3A_31 = arith.constant 0 : i32
        %dma_wait3A_32 = tpu.memref_slice %arg5[%mul3A_13, %dma_wait3A_31] : memref<327680x8xf32, #tpu.memory_space<hbm>> -> memref<80x8xf32, #tpu.memory_space<hbm>>
        tpu.wait_dma2 semaphore(%run_scoped3A : memref<!tpu.dma_semaphore, #tpu.memory_space<semaphore_mem>>) src(%arg9 : memref<80x8xf32, #tpu.memory_space<vmem>>) dst(%dma_wait3A_32 : memref<80x8xf32, #tpu.memory_space<hbm>>)
        tpu.yield
      }) : () -> ()
      "tpu.region"() ({
        %run_scoped3A = tpu.sem_alloc : memref<!tpu.dma_semaphore, #tpu.memory_space<semaphore_mem>>
        %dma_start3A_25 = arith.constant 0 : i32
        %dma_start3A_26 = tpu.memref_slice %arg6[%mul3A_13, %dma_start3A_25] : memref<327680x8xf32, #tpu.memory_space<hbm>> -> memref<80x8xf32, #tpu.memory_space<hbm>>
        %dma_start3A_27 = arith.constant 0 : i32
        %dma_start3A_28 = tpu.memref_slice %arg6[%mul3A_13, %dma_start3A_27] : memref<327680x8xf32, #tpu.memory_space<hbm>> -> memref<80x8xf32, #tpu.memory_space<hbm>>
        tpu.enqueue_dma source(%arg10 : memref<80x8xf32, #tpu.memory_space<vmem>>) target(%dma_start3A_28 : memref<80x8xf32, #tpu.memory_space<hbm>>) target_semaphore(%run_scoped3A : memref<!tpu.dma_semaphore, #tpu.memory_space<semaphore_mem>>)
        %dma_wait3A_29 = arith.constant 0 : i32
        %dma_wait3A_30 = tpu.memref_slice %arg6[%mul3A_13, %dma_wait3A_29] : memref<327680x8xf32, #tpu.memory_space<hbm>> -> memref<80x8xf32, #tpu.memory_space<hbm>>
        %dma_wait3A_31 = arith.constant 0 : i32
        %dma_wait3A_32 = tpu.memref_slice %arg6[%mul3A_13, %dma_wait3A_31] : memref<327680x8xf32, #tpu.memory_space<hbm>> -> memref<80x8xf32, #tpu.memory_space<hbm>>
        tpu.wait_dma2 semaphore(%run_scoped3A : memref<!tpu.dma_semaphore, #tpu.memory_space<semaphore_mem>>) src(%arg10 : memref<80x8xf32, #tpu.memory_space<vmem>>) dst(%dma_wait3A_32 : memref<80x8xf32, #tpu.memory_space<hbm>>)
        tpu.yield
      }) : () -> ()
      %scan3A_24 = arith.constant 0 : i32
      scf.yield %scan3A_24 : i32
    }
    %scan3A_6 = arith.constant 128 : i32
    return
  }
}

#map = affine_map<(d0, d1) -> (0, 0)>
#map1 = affine_map<(d0, d1) -> (0)>
module attributes {stable_mosaic.version = 14 : i64} {
  func.func @_edge_kernel(%arg0: i32, %arg1: i32, %arg2: memref<10000x128xf32, #tpu.memory_space<hbm>>, %arg3: memref<327680x128xf32, #tpu.memory_space<hbm>>, %arg4: memref<327680xi32, #tpu.memory_space<hbm>>, %arg5: memref<327680xi32, #tpu.memory_space<hbm>>, %arg6: memref<640x128xf32, #tpu.memory_space<hbm>>, %arg7: memref<20480x128xf32, #tpu.memory_space<hbm>>, %arg8: memref<4x80xi32, #tpu.memory_space<vmem>>, %arg9: memref<4x80xi32, #tpu.memory_space<vmem>>, %arg10: memref<80x128xf32, #tpu.memory_space<vmem>>, %arg11: memref<80x128xf32, #tpu.memory_space<vmem>>, %arg12: memref<80x128xf32, #tpu.memory_space<vmem>>, %arg13: memref<80x128xf32, #tpu.memory_space<vmem>>, %arg14: memref<10240x128xf32, #tpu.memory_space<vmem_shared>>, %arg15: memref<!tpu.dma_semaphore, #tpu.memory_space<semaphore_mem>>, %arg16: memref<!tpu.dma_semaphore, #tpu.memory_space<semaphore_mem>>, %arg17: memref<!tpu.dma_semaphore, #tpu.memory_space<semaphore_mem>>, %arg18: memref<!tpu.dma_semaphore, #tpu.memory_space<semaphore_mem>>, %arg19: memref<!tpu.dma_semaphore, #tpu.memory_space<semaphore_mem>>) attributes {dimension_semantics = [#tpu.dimension_semantics<core_parallel>, #tpu.dimension_semantics<subcore_parallel>], iteration_bounds = array<i64: 2, 16>, scalar_prefetch = 0 : i64, scratch_operands = 12 : i64, tpu.core_type = #tpu.core_type<sc_vector_subcore>, window_params = [{transform_indices = #map}, {transform_indices = #map}, {transform_indices = #map1}, {transform_indices = #map1}, {transform_indices = #map}, {transform_indices = #map}]} {
    %mul3A = arith.constant 2 : i32
    %mul3A_0 = arith.muli %arg1, %mul3A : i32
    %add3A = arith.addi %mul3A_0, %arg0 : i32
    %mul3A_1 = arith.constant 128 : i32
    %mul3A_2 = arith.muli %add3A, %mul3A_1 : i32
    %mul3A_3 = arith.constant 640 : i32
    %mul3A_4 = arith.muli %arg1, %mul3A_3 : i32
    "tpu.region"() ({
      %run_scoped3A = tpu.sem_alloc : memref<!tpu.dma_semaphore, #tpu.memory_space<semaphore_mem>>
      %dma_start3A_120 = arith.constant 0 : i32
      %dma_start3A_121 = tpu.memref_slice %arg14[%mul3A_4, %dma_start3A_120] : memref<10240x128xf32, #tpu.memory_space<vmem_shared>> -> memref<640x128xf32, #tpu.memory_space<vmem_shared>>
      tpu.enqueue_dma source(%arg6 : memref<640x128xf32, #tpu.memory_space<hbm>>) target(%dma_start3A_121 : memref<640x128xf32, #tpu.memory_space<vmem_shared>>) target_semaphore(%run_scoped3A : memref<!tpu.dma_semaphore, #tpu.memory_space<semaphore_mem>>)
      %dma_wait3A_122 = arith.constant 0 : i32
      %dma_wait3A_123 = tpu.memref_slice %arg14[%mul3A_4, %dma_wait3A_122] : memref<10240x128xf32, #tpu.memory_space<vmem_shared>> -> memref<640x128xf32, #tpu.memory_space<vmem_shared>>
      tpu.wait_dma2 semaphore(%run_scoped3A : memref<!tpu.dma_semaphore, #tpu.memory_space<semaphore_mem>>) src(%arg6 : memref<640x128xf32, #tpu.memory_space<hbm>>) dst(%dma_wait3A_123 : memref<640x128xf32, #tpu.memory_space<vmem_shared>>)
      tpu.yield
    }) : () -> ()
    %barrier3A = arith.constant 0 : index
    tpu.barrier barrier_id(%barrier3A)
    %add3A_5 = arith.constant 0 : i32
    %add3A_6 = arith.addi %mul3A_2, %add3A_5 : i32
    %mul3A_7 = arith.constant 80 : i32
    %mul3A_8 = arith.muli %add3A_6, %mul3A_7 : i32
    %dma_start3A = arith.constant 0 : i32
    %dma_start3A_9 = arith.constant 0 : i32
    %dma_start3A_10 = tpu.memref_slice %arg8[%dma_start3A, %dma_start3A_9] : memref<4x80xi32, #tpu.memory_space<vmem>> -> memref<1x80xi32, #tpu.memory_space<vmem>>
    %dma_start3A_11 = tpu.memref_squeeze %dma_start3A_10 : memref<1x80xi32, #tpu.memory_space<vmem>> -> memref<80xi32, #tpu.memory_space<vmem>>
    %dma_start3A_12 = tpu.memref_slice %arg4[%mul3A_8] : memref<327680xi32, #tpu.memory_space<hbm>> -> memref<80xi32, #tpu.memory_space<hbm>>
    %dma_start3A_13 = arith.constant 0 : i32
    %dma_start3A_14 = tpu.memref_slice %arg8[%dma_start3A, %dma_start3A_13] : memref<4x80xi32, #tpu.memory_space<vmem>> -> memref<1x80xi32, #tpu.memory_space<vmem>>
    %dma_start3A_15 = tpu.memref_squeeze %dma_start3A_14 : memref<1x80xi32, #tpu.memory_space<vmem>> -> memref<80xi32, #tpu.memory_space<vmem>>
    %dma_start3A_16 = tpu.memref_slice %arg4[%mul3A_8] : memref<327680xi32, #tpu.memory_space<hbm>> -> memref<80xi32, #tpu.memory_space<hbm>>
    tpu.enqueue_dma source(%dma_start3A_16 : memref<80xi32, #tpu.memory_space<hbm>>) target(%dma_start3A_15 : memref<80xi32, #tpu.memory_space<vmem>>) target_semaphore(%arg15 : memref<!tpu.dma_semaphore, #tpu.memory_space<semaphore_mem>>)
    %dma_start3A_17 = arith.constant 0 : i32
    %dma_start3A_18 = arith.constant 0 : i32
    %dma_start3A_19 = tpu.memref_slice %arg9[%dma_start3A_17, %dma_start3A_18] : memref<4x80xi32, #tpu.memory_space<vmem>> -> memref<1x80xi32, #tpu.memory_space<vmem>>
    %dma_start3A_20 = tpu.memref_squeeze %dma_start3A_19 : memref<1x80xi32, #tpu.memory_space<vmem>> -> memref<80xi32, #tpu.memory_space<vmem>>
    %dma_start3A_21 = tpu.memref_slice %arg5[%mul3A_8] : memref<327680xi32, #tpu.memory_space<hbm>> -> memref<80xi32, #tpu.memory_space<hbm>>
    %dma_start3A_22 = arith.constant 0 : i32
    %dma_start3A_23 = tpu.memref_slice %arg9[%dma_start3A_17, %dma_start3A_22] : memref<4x80xi32, #tpu.memory_space<vmem>> -> memref<1x80xi32, #tpu.memory_space<vmem>>
    %dma_start3A_24 = tpu.memref_squeeze %dma_start3A_23 : memref<1x80xi32, #tpu.memory_space<vmem>> -> memref<80xi32, #tpu.memory_space<vmem>>
    %dma_start3A_25 = tpu.memref_slice %arg5[%mul3A_8] : memref<327680xi32, #tpu.memory_space<hbm>> -> memref<80xi32, #tpu.memory_space<hbm>>
    tpu.enqueue_dma source(%dma_start3A_25 : memref<80xi32, #tpu.memory_space<hbm>>) target(%dma_start3A_24 : memref<80xi32, #tpu.memory_space<vmem>>) target_semaphore(%arg15 : memref<!tpu.dma_semaphore, #tpu.memory_space<semaphore_mem>>)
    %add3A_26 = arith.constant 1 : i32
    %add3A_27 = arith.addi %mul3A_2, %add3A_26 : i32
    %mul3A_28 = arith.constant 80 : i32
    %mul3A_29 = arith.muli %add3A_27, %mul3A_28 : i32
    %dma_start3A_30 = arith.constant 1 : i32
    %dma_start3A_31 = arith.constant 0 : i32
    %dma_start3A_32 = tpu.memref_slice %arg8[%dma_start3A_30, %dma_start3A_31] : memref<4x80xi32, #tpu.memory_space<vmem>> -> memref<1x80xi32, #tpu.memory_space<vmem>>
    %dma_start3A_33 = tpu.memref_squeeze %dma_start3A_32 : memref<1x80xi32, #tpu.memory_space<vmem>> -> memref<80xi32, #tpu.memory_space<vmem>>
    %dma_start3A_34 = tpu.memref_slice %arg4[%mul3A_29] : memref<327680xi32, #tpu.memory_space<hbm>> -> memref<80xi32, #tpu.memory_space<hbm>>
    %dma_start3A_35 = arith.constant 0 : i32
    %dma_start3A_36 = tpu.memref_slice %arg8[%dma_start3A_30, %dma_start3A_35] : memref<4x80xi32, #tpu.memory_space<vmem>> -> memref<1x80xi32, #tpu.memory_space<vmem>>
    %dma_start3A_37 = tpu.memref_squeeze %dma_start3A_36 : memref<1x80xi32, #tpu.memory_space<vmem>> -> memref<80xi32, #tpu.memory_space<vmem>>
    %dma_start3A_38 = tpu.memref_slice %arg4[%mul3A_29] : memref<327680xi32, #tpu.memory_space<hbm>> -> memref<80xi32, #tpu.memory_space<hbm>>
    tpu.enqueue_dma source(%dma_start3A_38 : memref<80xi32, #tpu.memory_space<hbm>>) target(%dma_start3A_37 : memref<80xi32, #tpu.memory_space<vmem>>) target_semaphore(%arg15 : memref<!tpu.dma_semaphore, #tpu.memory_space<semaphore_mem>>)
    %dma_start3A_39 = arith.constant 1 : i32
    %dma_start3A_40 = arith.constant 0 : i32
    %dma_start3A_41 = tpu.memref_slice %arg9[%dma_start3A_39, %dma_start3A_40] : memref<4x80xi32, #tpu.memory_space<vmem>> -> memref<1x80xi32, #tpu.memory_space<vmem>>
    %dma_start3A_42 = tpu.memref_squeeze %dma_start3A_41 : memref<1x80xi32, #tpu.memory_space<vmem>> -> memref<80xi32, #tpu.memory_space<vmem>>
    %dma_start3A_43 = tpu.memref_slice %arg5[%mul3A_29] : memref<327680xi32, #tpu.memory_space<hbm>> -> memref<80xi32, #tpu.memory_space<hbm>>
    %dma_start3A_44 = arith.constant 0 : i32
    %dma_start3A_45 = tpu.memref_slice %arg9[%dma_start3A_39, %dma_start3A_44] : memref<4x80xi32, #tpu.memory_space<vmem>> -> memref<1x80xi32, #tpu.memory_space<vmem>>
    %dma_start3A_46 = tpu.memref_squeeze %dma_start3A_45 : memref<1x80xi32, #tpu.memory_space<vmem>> -> memref<80xi32, #tpu.memory_space<vmem>>
    %dma_start3A_47 = tpu.memref_slice %arg5[%mul3A_29] : memref<327680xi32, #tpu.memory_space<hbm>> -> memref<80xi32, #tpu.memory_space<hbm>>
    tpu.enqueue_dma source(%dma_start3A_47 : memref<80xi32, #tpu.memory_space<hbm>>) target(%dma_start3A_46 : memref<80xi32, #tpu.memory_space<vmem>>) target_semaphore(%arg15 : memref<!tpu.dma_semaphore, #tpu.memory_space<semaphore_mem>>)
    %dma_wait3A = arith.constant 0 : i32
    %dma_wait3A_48 = arith.constant 0 : i32
    %dma_wait3A_49 = tpu.memref_slice %arg8[%dma_wait3A, %dma_wait3A_48] : memref<4x80xi32, #tpu.memory_space<vmem>> -> memref<1x80xi32, #tpu.memory_space<vmem>>
    %dma_wait3A_50 = tpu.memref_squeeze %dma_wait3A_49 : memref<1x80xi32, #tpu.memory_space<vmem>> -> memref<80xi32, #tpu.memory_space<vmem>>
    %dma_wait3A_51 = arith.constant 0 : i32
    %dma_wait3A_52 = tpu.memref_slice %arg4[%dma_wait3A_51] : memref<327680xi32, #tpu.memory_space<hbm>> -> memref<80xi32, #tpu.memory_space<hbm>>
    %dma_wait3A_53 = arith.constant 0 : i32
    %dma_wait3A_54 = tpu.memref_slice %arg8[%dma_wait3A, %dma_wait3A_53] : memref<4x80xi32, #tpu.memory_space<vmem>> -> memref<1x80xi32, #tpu.memory_space<vmem>>
    %dma_wait3A_55 = tpu.memref_squeeze %dma_wait3A_54 : memref<1x80xi32, #tpu.memory_space<vmem>> -> memref<80xi32, #tpu.memory_space<vmem>>
    %dma_wait3A_56 = arith.constant 0 : i32
    %dma_wait3A_57 = tpu.memref_slice %arg4[%dma_wait3A_56] : memref<327680xi32, #tpu.memory_space<hbm>> -> memref<80xi32, #tpu.memory_space<hbm>>
    tpu.wait_dma2 semaphore(%arg15 : memref<!tpu.dma_semaphore, #tpu.memory_space<semaphore_mem>>) src(%dma_wait3A_57 : memref<80xi32, #tpu.memory_space<hbm>>) dst(%dma_wait3A_55 : memref<80xi32, #tpu.memory_space<vmem>>)
    %dma_wait3A_58 = arith.constant 0 : i32
    %dma_wait3A_59 = arith.constant 0 : i32
    %dma_wait3A_60 = tpu.memref_slice %arg9[%dma_wait3A_58, %dma_wait3A_59] : memref<4x80xi32, #tpu.memory_space<vmem>> -> memref<1x80xi32, #tpu.memory_space<vmem>>
    %dma_wait3A_61 = tpu.memref_squeeze %dma_wait3A_60 : memref<1x80xi32, #tpu.memory_space<vmem>> -> memref<80xi32, #tpu.memory_space<vmem>>
    %dma_wait3A_62 = arith.constant 0 : i32
    %dma_wait3A_63 = tpu.memref_slice %arg5[%dma_wait3A_62] : memref<327680xi32, #tpu.memory_space<hbm>> -> memref<80xi32, #tpu.memory_space<hbm>>
    %dma_wait3A_64 = arith.constant 0 : i32
    %dma_wait3A_65 = tpu.memref_slice %arg9[%dma_wait3A_58, %dma_wait3A_64] : memref<4x80xi32, #tpu.memory_space<vmem>> -> memref<1x80xi32, #tpu.memory_space<vmem>>
    %dma_wait3A_66 = tpu.memref_squeeze %dma_wait3A_65 : memref<1x80xi32, #tpu.memory_space<vmem>> -> memref<80xi32, #tpu.memory_space<vmem>>
    %dma_wait3A_67 = arith.constant 0 : i32
    %dma_wait3A_68 = tpu.memref_slice %arg5[%dma_wait3A_67] : memref<327680xi32, #tpu.memory_space<hbm>> -> memref<80xi32, #tpu.memory_space<hbm>>
    tpu.wait_dma2 semaphore(%arg15 : memref<!tpu.dma_semaphore, #tpu.memory_space<semaphore_mem>>) src(%dma_wait3A_68 : memref<80xi32, #tpu.memory_space<hbm>>) dst(%dma_wait3A_66 : memref<80xi32, #tpu.memory_space<vmem>>)
    %dma_wait3A_69 = arith.constant 0 : i32
    %dma_wait3A_70 = arith.constant 0 : i32
    %dma_wait3A_71 = tpu.memref_slice %arg8[%dma_wait3A_69, %dma_wait3A_70] : memref<4x80xi32, #tpu.memory_space<vmem>> -> memref<1x80xi32, #tpu.memory_space<vmem>>
    %dma_wait3A_72 = tpu.memref_squeeze %dma_wait3A_71 : memref<1x80xi32, #tpu.memory_space<vmem>> -> memref<80xi32, #tpu.memory_space<vmem>>
    %dma_wait3A_73 = arith.constant 0 : i32
    %dma_wait3A_74 = tpu.memref_slice %arg4[%dma_wait3A_73] : memref<327680xi32, #tpu.memory_space<hbm>> -> memref<80xi32, #tpu.memory_space<hbm>>
    %dma_wait3A_75 = arith.constant 0 : i32
    %dma_wait3A_76 = tpu.memref_slice %arg8[%dma_wait3A_69, %dma_wait3A_75] : memref<4x80xi32, #tpu.memory_space<vmem>> -> memref<1x80xi32, #tpu.memory_space<vmem>>
    %dma_wait3A_77 = tpu.memref_squeeze %dma_wait3A_76 : memref<1x80xi32, #tpu.memory_space<vmem>> -> memref<80xi32, #tpu.memory_space<vmem>>
    %dma_wait3A_78 = arith.constant 0 : i32
    %dma_wait3A_79 = tpu.memref_slice %arg4[%dma_wait3A_78] : memref<327680xi32, #tpu.memory_space<hbm>> -> memref<80xi32, #tpu.memory_space<hbm>>
    tpu.wait_dma2 semaphore(%arg15 : memref<!tpu.dma_semaphore, #tpu.memory_space<semaphore_mem>>) src(%dma_wait3A_79 : memref<80xi32, #tpu.memory_space<hbm>>) dst(%dma_wait3A_77 : memref<80xi32, #tpu.memory_space<vmem>>)
    %dma_wait3A_80 = arith.constant 0 : i32
    %dma_wait3A_81 = arith.constant 0 : i32
    %dma_wait3A_82 = tpu.memref_slice %arg9[%dma_wait3A_80, %dma_wait3A_81] : memref<4x80xi32, #tpu.memory_space<vmem>> -> memref<1x80xi32, #tpu.memory_space<vmem>>
    %dma_wait3A_83 = tpu.memref_squeeze %dma_wait3A_82 : memref<1x80xi32, #tpu.memory_space<vmem>> -> memref<80xi32, #tpu.memory_space<vmem>>
    %dma_wait3A_84 = arith.constant 0 : i32
    %dma_wait3A_85 = tpu.memref_slice %arg5[%dma_wait3A_84] : memref<327680xi32, #tpu.memory_space<hbm>> -> memref<80xi32, #tpu.memory_space<hbm>>
    %dma_wait3A_86 = arith.constant 0 : i32
    %dma_wait3A_87 = tpu.memref_slice %arg9[%dma_wait3A_80, %dma_wait3A_86] : memref<4x80xi32, #tpu.memory_space<vmem>> -> memref<1x80xi32, #tpu.memory_space<vmem>>
    %dma_wait3A_88 = tpu.memref_squeeze %dma_wait3A_87 : memref<1x80xi32, #tpu.memory_space<vmem>> -> memref<80xi32, #tpu.memory_space<vmem>>
    %dma_wait3A_89 = arith.constant 0 : i32
    %dma_wait3A_90 = tpu.memref_slice %arg5[%dma_wait3A_89] : memref<327680xi32, #tpu.memory_space<hbm>> -> memref<80xi32, #tpu.memory_space<hbm>>
    tpu.wait_dma2 semaphore(%arg15 : memref<!tpu.dma_semaphore, #tpu.memory_space<semaphore_mem>>) src(%dma_wait3A_90 : memref<80xi32, #tpu.memory_space<hbm>>) dst(%dma_wait3A_88 : memref<80xi32, #tpu.memory_space<vmem>>)
    %add3A_91 = arith.constant 0 : i32
    %add3A_92 = arith.addi %mul3A_2, %add3A_91 : i32
    %mul3A_93 = arith.constant 80 : i32
    %mul3A_94 = arith.muli %add3A_92, %mul3A_93 : i32
    %dma_start3A_95 = arith.constant 0 : i32
    %dma_start3A_96 = tpu.memref_slice %arg3[%mul3A_94, %dma_start3A_95] : memref<327680x128xf32, #tpu.memory_space<hbm>> -> memref<80x128xf32, #tpu.memory_space<hbm>>
    %dma_start3A_97 = arith.constant 0 : i32
    %dma_start3A_98 = tpu.memref_slice %arg3[%mul3A_94, %dma_start3A_97] : memref<327680x128xf32, #tpu.memory_space<hbm>> -> memref<80x128xf32, #tpu.memory_space<hbm>>
    tpu.enqueue_dma source(%dma_start3A_98 : memref<80x128xf32, #tpu.memory_space<hbm>>) target(%arg12 : memref<80x128xf32, #tpu.memory_space<vmem>>) target_semaphore(%arg18 : memref<!tpu.dma_semaphore, #tpu.memory_space<semaphore_mem>>)
    %dma_start3A_99 = arith.constant 0 : i32
    %dma_start3A_100 = arith.constant 0 : i32
    %dma_start3A_101 = tpu.memref_slice %arg8[%dma_start3A_99, %dma_start3A_100] : memref<4x80xi32, #tpu.memory_space<vmem>> -> memref<1x80xi32, #tpu.memory_space<vmem>>
    %dma_start3A_102 = tpu.memref_squeeze %dma_start3A_101 : memref<1x80xi32, #tpu.memory_space<vmem>> -> memref<80xi32, #tpu.memory_space<vmem>>
    %dma_start3A_103 = arith.constant 0 : i32
    %dma_start3A_104 = arith.constant 0 : i32
    %dma_start3A_105 = tpu.memref_slice %arg2[%dma_start3A_103, %dma_start3A_104] : memref<10000x128xf32, #tpu.memory_space<hbm>> -> memref<10000x128xf32, #tpu.memory_space<hbm>>
    tpu.enqueue_indirect_dma source(%dma_start3A_105 : memref<10000x128xf32, #tpu.memory_space<hbm>>) target(%arg10 : memref<80x128xf32, #tpu.memory_space<vmem>>) offsets(%dma_start3A_102 : memref<80xi32, #tpu.memory_space<vmem>>) semaphore(%arg16 : memref<!tpu.dma_semaphore, #tpu.memory_space<semaphore_mem>>)
    %scan3A = arith.constant 0 : i32
    %scan3A_106 = arith.constant 0 : i32
    %scan3A_107 = arith.constant 64 : i32
    %scan3A_108 = arith.addi %scan3A_106, %scan3A_107 : i32
    %scan3A_109 = arith.constant 1 : i32
    %scan3A_110 = scf.for %scan3A_120 = %scan3A_106 to %scan3A_108 step %scan3A_109 iter_args(%scan3A_121 = %scan3A) -> (i32)  : i32 {
      %mul3A_122 = arith.constant 2 : i32
      %mul3A_123 = arith.muli %scan3A_120, %mul3A_122 : i32
      %rem3A = arith.constant 4 : i32
      %rem3A_124 = arith.remsi %mul3A_123, %rem3A : i32
      %add3A_125 = arith.constant 1 : i32
      %add3A_126 = arith.addi %mul3A_123, %add3A_125 : i32
      %rem3A_127 = arith.constant 4 : i32
      %rem3A_128 = arith.remsi %add3A_126, %rem3A_127 : i32
      %add3A_129 = arith.constant 2 : i32
      %add3A_130 = arith.addi %mul3A_123, %add3A_129 : i32
      %rem3A_131 = arith.constant 4 : i32
      %rem3A_132 = arith.remsi %add3A_130, %rem3A_131 : i32
      %add3A_133 = arith.constant 3 : i32
      %add3A_134 = arith.addi %mul3A_123, %add3A_133 : i32
      %rem3A_135 = arith.constant 4 : i32
      %rem3A_136 = arith.remsi %add3A_134, %rem3A_135 : i32
      %lt3A = arith.constant 63 : i32
      %lt3A_137 = arith.cmpi slt, %scan3A_120, %lt3A : i32
      %convert_element_type3A = arith.extui %lt3A_137 : i1 to i32
      %cond3A = arith.constant 0 : i32
      %cond3A_138 = arith.cmpi ne, %convert_element_type3A, %cond3A : i32
      scf.if %cond3A_138 {
        %add3A_189 = arith.constant 2 : i32
        %add3A_190 = arith.addi %mul3A_123, %add3A_189 : i32
        %add3A_191 = arith.addi %mul3A_2, %add3A_190 : i32
        %mul3A_192 = arith.constant 80 : i32
        %mul3A_193 = arith.muli %add3A_191, %mul3A_192 : i32
        %dma_start3A_194 = arith.constant 0 : i32
        %dma_start3A_195 = tpu.memref_slice %arg8[%rem3A_132, %dma_start3A_194] : memref<4x80xi32, #tpu.memory_space<vmem>> -> memref<1x80xi32, #tpu.memory_space<vmem>>
        %dma_start3A_196 = tpu.memref_squeeze %dma_start3A_195 : memref<1x80xi32, #tpu.memory_space<vmem>> -> memref<80xi32, #tpu.memory_space<vmem>>
        %dma_start3A_197 = tpu.memref_slice %arg4[%mul3A_193] : memref<327680xi32, #tpu.memory_space<hbm>> -> memref<80xi32, #tpu.memory_space<hbm>>
        %dma_start3A_198 = arith.constant 0 : i32
        %dma_start3A_199 = tpu.memref_slice %arg8[%rem3A_132, %dma_start3A_198] : memref<4x80xi32, #tpu.memory_space<vmem>> -> memref<1x80xi32, #tpu.memory_space<vmem>>
        %dma_start3A_200 = tpu.memref_squeeze %dma_start3A_199 : memref<1x80xi32, #tpu.memory_space<vmem>> -> memref<80xi32, #tpu.memory_space<vmem>>
        %dma_start3A_201 = tpu.memref_slice %arg4[%mul3A_193] : memref<327680xi32, #tpu.memory_space<hbm>> -> memref<80xi32, #tpu.memory_space<hbm>>
        tpu.enqueue_dma source(%dma_start3A_201 : memref<80xi32, #tpu.memory_space<hbm>>) target(%dma_start3A_200 : memref<80xi32, #tpu.memory_space<vmem>>) target_semaphore(%arg15 : memref<!tpu.dma_semaphore, #tpu.memory_space<semaphore_mem>>)
        %dma_start3A_202 = arith.constant 0 : i32
        %dma_start3A_203 = tpu.memref_slice %arg9[%rem3A_132, %dma_start3A_202] : memref<4x80xi32, #tpu.memory_space<vmem>> -> memref<1x80xi32, #tpu.memory_space<vmem>>
        %dma_start3A_204 = tpu.memref_squeeze %dma_start3A_203 : memref<1x80xi32, #tpu.memory_space<vmem>> -> memref<80xi32, #tpu.memory_space<vmem>>
        %dma_start3A_205 = tpu.memref_slice %arg5[%mul3A_193] : memref<327680xi32, #tpu.memory_space<hbm>> -> memref<80xi32, #tpu.memory_space<hbm>>
        %dma_start3A_206 = arith.constant 0 : i32
        %dma_start3A_207 = tpu.memref_slice %arg9[%rem3A_132, %dma_start3A_206] : memref<4x80xi32, #tpu.memory_space<vmem>> -> memref<1x80xi32, #tpu.memory_space<vmem>>
        %dma_start3A_208 = tpu.memref_squeeze %dma_start3A_207 : memref<1x80xi32, #tpu.memory_space<vmem>> -> memref<80xi32, #tpu.memory_space<vmem>>
        %dma_start3A_209 = tpu.memref_slice %arg5[%mul3A_193] : memref<327680xi32, #tpu.memory_space<hbm>> -> memref<80xi32, #tpu.memory_space<hbm>>
        tpu.enqueue_dma source(%dma_start3A_209 : memref<80xi32, #tpu.memory_space<hbm>>) target(%dma_start3A_208 : memref<80xi32, #tpu.memory_space<vmem>>) target_semaphore(%arg15 : memref<!tpu.dma_semaphore, #tpu.memory_space<semaphore_mem>>)
        %add3A_210 = arith.constant 3 : i32
        %add3A_211 = arith.addi %mul3A_123, %add3A_210 : i32
        %add3A_212 = arith.addi %mul3A_2, %add3A_211 : i32
        %mul3A_213 = arith.constant 80 : i32
        %mul3A_214 = arith.muli %add3A_212, %mul3A_213 : i32
        %dma_start3A_215 = arith.constant 0 : i32
        %dma_start3A_216 = tpu.memref_slice %arg8[%rem3A_136, %dma_start3A_215] : memref<4x80xi32, #tpu.memory_space<vmem>> -> memref<1x80xi32, #tpu.memory_space<vmem>>
        %dma_start3A_217 = tpu.memref_squeeze %dma_start3A_216 : memref<1x80xi32, #tpu.memory_space<vmem>> -> memref<80xi32, #tpu.memory_space<vmem>>
        %dma_start3A_218 = tpu.memref_slice %arg4[%mul3A_214] : memref<327680xi32, #tpu.memory_space<hbm>> -> memref<80xi32, #tpu.memory_space<hbm>>
        %dma_start3A_219 = arith.constant 0 : i32
        %dma_start3A_220 = tpu.memref_slice %arg8[%rem3A_136, %dma_start3A_219] : memref<4x80xi32, #tpu.memory_space<vmem>> -> memref<1x80xi32, #tpu.memory_space<vmem>>
        %dma_start3A_221 = tpu.memref_squeeze %dma_start3A_220 : memref<1x80xi32, #tpu.memory_space<vmem>> -> memref<80xi32, #tpu.memory_space<vmem>>
        %dma_start3A_222 = tpu.memref_slice %arg4[%mul3A_214] : memref<327680xi32, #tpu.memory_space<hbm>> -> memref<80xi32, #tpu.memory_space<hbm>>
        tpu.enqueue_dma source(%dma_start3A_222 : memref<80xi32, #tpu.memory_space<hbm>>) target(%dma_start3A_221 : memref<80xi32, #tpu.memory_space<vmem>>) target_semaphore(%arg15 : memref<!tpu.dma_semaphore, #tpu.memory_space<semaphore_mem>>)
        %dma_start3A_223 = arith.constant 0 : i32
        %dma_start3A_224 = tpu.memref_slice %arg9[%rem3A_136, %dma_start3A_223] : memref<4x80xi32, #tpu.memory_space<vmem>> -> memref<1x80xi32, #tpu.memory_space<vmem>>
        %dma_start3A_225 = tpu.memref_squeeze %dma_start3A_224 : memref<1x80xi32, #tpu.memory_space<vmem>> -> memref<80xi32, #tpu.memory_space<vmem>>
        %dma_start3A_226 = tpu.memref_slice %arg5[%mul3A_214] : memref<327680xi32, #tpu.memory_space<hbm>> -> memref<80xi32, #tpu.memory_space<hbm>>
        %dma_start3A_227 = arith.constant 0 : i32
        %dma_start3A_228 = tpu.memref_slice %arg9[%rem3A_136, %dma_start3A_227] : memref<4x80xi32, #tpu.memory_space<vmem>> -> memref<1x80xi32, #tpu.memory_space<vmem>>
        %dma_start3A_229 = tpu.memref_squeeze %dma_start3A_228 : memref<1x80xi32, #tpu.memory_space<vmem>> -> memref<80xi32, #tpu.memory_space<vmem>>
        %dma_start3A_230 = tpu.memref_slice %arg5[%mul3A_214] : memref<327680xi32, #tpu.memory_space<hbm>> -> memref<80xi32, #tpu.memory_space<hbm>>
        tpu.enqueue_dma source(%dma_start3A_230 : memref<80xi32, #tpu.memory_space<hbm>>) target(%dma_start3A_229 : memref<80xi32, #tpu.memory_space<vmem>>) target_semaphore(%arg15 : memref<!tpu.dma_semaphore, #tpu.memory_space<semaphore_mem>>)
      } else {
      }
      %add3A_139 = arith.constant 1 : i32
      %add3A_140 = arith.addi %mul3A_123, %add3A_139 : i32
      %add3A_141 = arith.addi %mul3A_2, %add3A_140 : i32
      %mul3A_142 = arith.constant 80 : i32
      %mul3A_143 = arith.muli %add3A_141, %mul3A_142 : i32
      %dma_start3A_144 = arith.constant 0 : i32
      %dma_start3A_145 = tpu.memref_slice %arg3[%mul3A_143, %dma_start3A_144] : memref<327680x128xf32, #tpu.memory_space<hbm>> -> memref<80x128xf32, #tpu.memory_space<hbm>>
      %dma_start3A_146 = arith.constant 0 : i32
      %dma_start3A_147 = tpu.memref_slice %arg3[%mul3A_143, %dma_start3A_146] : memref<327680x128xf32, #tpu.memory_space<hbm>> -> memref<80x128xf32, #tpu.memory_space<hbm>>
      tpu.enqueue_dma source(%dma_start3A_147 : memref<80x128xf32, #tpu.memory_space<hbm>>) target(%arg13 : memref<80x128xf32, #tpu.memory_space<vmem>>) target_semaphore(%arg19 : memref<!tpu.dma_semaphore, #tpu.memory_space<semaphore_mem>>)
      %dma_start3A_148 = arith.constant 0 : i32
      %dma_start3A_149 = tpu.memref_slice %arg8[%rem3A_128, %dma_start3A_148] : memref<4x80xi32, #tpu.memory_space<vmem>> -> memref<1x80xi32, #tpu.memory_space<vmem>>
      %dma_start3A_150 = tpu.memref_squeeze %dma_start3A_149 : memref<1x80xi32, #tpu.memory_space<vmem>> -> memref<80xi32, #tpu.memory_space<vmem>>
      %dma_start3A_151 = arith.constant 0 : i32
      %dma_start3A_152 = arith.constant 0 : i32
      %dma_start3A_153 = tpu.memref_slice %arg2[%dma_start3A_151, %dma_start3A_152] : memref<10000x128xf32, #tpu.memory_space<hbm>> -> memref<10000x128xf32, #tpu.memory_space<hbm>>
      tpu.enqueue_indirect_dma source(%dma_start3A_153 : memref<10000x128xf32, #tpu.memory_space<hbm>>) target(%arg11 : memref<80x128xf32, #tpu.memory_space<vmem>>) offsets(%dma_start3A_150 : memref<80xi32, #tpu.memory_space<vmem>>) semaphore(%arg17 : memref<!tpu.dma_semaphore, #tpu.memory_space<semaphore_mem>>)
      %dma_wait3A_154 = arith.constant 0 : i32
      %dma_wait3A_155 = arith.constant 0 : i32
      %dma_wait3A_156 = tpu.memref_slice %arg3[%dma_wait3A_154, %dma_wait3A_155] : memref<327680x128xf32, #tpu.memory_space<hbm>> -> memref<80x128xf32, #tpu.memory_space<hbm>>
      %dma_wait3A_157 = arith.constant 0 : i32
      %dma_wait3A_158 = arith.constant 0 : i32
      %dma_wait3A_159 = tpu.memref_slice %arg3[%dma_wait3A_157, %dma_wait3A_158] : memref<327680x128xf32, #tpu.memory_space<hbm>> -> memref<80x128xf32, #tpu.memory_space<hbm>>
      tpu.wait_dma2 semaphore(%arg18 : memref<!tpu.dma_semaphore, #tpu.memory_space<semaphore_mem>>) src(%dma_wait3A_159 : memref<80x128xf32, #tpu.memory_space<hbm>>) dst(%arg12 : memref<80x128xf32, #tpu.memory_space<vmem>>)
      %dma_wait3A_160 = arith.constant 0 : i32
      %dma_wait3A_161 = arith.constant 0 : i32
      %dma_wait3A_162 = tpu.memref_slice %arg8[%dma_wait3A_160, %dma_wait3A_161] : memref<4x80xi32, #tpu.memory_space<vmem>> -> memref<1x80xi32, #tpu.memory_space<vmem>>
      %dma_wait3A_163 = tpu.memref_squeeze %dma_wait3A_162 : memref<1x80xi32, #tpu.memory_space<vmem>> -> memref<80xi32, #tpu.memory_space<vmem>>
      %dma_wait3A_164 = arith.constant 0 : i32
      %dma_wait3A_165 = arith.constant 0 : i32
      %dma_wait3A_166 = tpu.memref_slice %arg2[%dma_wait3A_164, %dma_wait3A_165] : memref<10000x128xf32, #tpu.memory_space<hbm>> -> memref<10000x128xf32, #tpu.memory_space<hbm>>
      tpu.wait_indirect_dma semaphore(%arg16 : memref<!tpu.dma_semaphore, #tpu.memory_space<semaphore_mem>>) src(%dma_wait3A_166 : memref<10000x128xf32, #tpu.memory_space<hbm>>) dst(%arg10 : memref<80x128xf32, #tpu.memory_space<vmem>>)
      %parallel_loop3A = arith.constant 0 : i32
      %parallel_loop3A_167 = arith.constant 80 : i32
      %parallel_loop3A_168 = arith.constant 1 : i32
      scf.for %parallel_loop3A_189 = %parallel_loop3A to %parallel_loop3A_167 step %parallel_loop3A_168  : i32 {
        %parallel_loop3A_190 = arith.index_cast %parallel_loop3A_189 : i32 to index
        %parallel_loop3A_191 = arith.constant 0 : index
        %parallel_loop3A_192 = tpu.vector_load %arg10[%parallel_loop3A_190, %parallel_loop3A_191] {strides = array<i32>} : memref<80x128xf32, #tpu.memory_space<vmem>>, vector<1x16xf32>,
        %parallel_loop3A_193 = vector.shape_cast %parallel_loop3A_192 : vector<1x16xf32> to vector<16xf32>
        %parallel_loop3A_194 = arith.index_cast %parallel_loop3A_189 : i32 to index
        %parallel_loop3A_195 = arith.constant 0 : index
        %parallel_loop3A_196 = tpu.vector_load %arg12[%parallel_loop3A_194, %parallel_loop3A_195] {strides = array<i32>} : memref<80x128xf32, #tpu.memory_space<vmem>>, vector<1x16xf32>,
        %parallel_loop3A_197 = vector.shape_cast %parallel_loop3A_196 : vector<1x16xf32> to vector<16xf32>
        %parallel_loop3A_198 = arith.mulf %parallel_loop3A_193, %parallel_loop3A_197 : vector<16xf32>
        %parallel_loop3A_199 = arith.index_cast %parallel_loop3A_189 : i32 to index
        %parallel_loop3A_200 = arith.constant 0 : index
        %parallel_loop3A_201 = tpu.vector_load %arg10[%parallel_loop3A_199, %parallel_loop3A_200] {strides = array<i32>} : memref<80x128xf32, #tpu.memory_space<vmem>>, vector<1x16xf32>,
        %parallel_loop3A_202 = vector.shape_cast %parallel_loop3A_201 : vector<1x16xf32> to vector<16xf32>
        %parallel_loop3A_203 = vector.shape_cast %parallel_loop3A_198 : vector<16xf32> to vector<1x16xf32>
        tpu.vector_store %arg10[%parallel_loop3A_199, %parallel_loop3A_200], %parallel_loop3A_203 {strides = array<i32>} : memref<80x128xf32, #tpu.memory_space<vmem>>, vector<1x16xf32>,
        %parallel_loop3A_204 = arith.index_cast %parallel_loop3A_189 : i32 to index
        %parallel_loop3A_205 = arith.constant 16 : index
        %parallel_loop3A_206 = tpu.vector_load %arg10[%parallel_loop3A_204, %parallel_loop3A_205] {strides = array<i32>} : memref<80x128xf32, #tpu.memory_space<vmem>>, vector<1x16xf32>,
        %parallel_loop3A_207 = vector.shape_cast %parallel_loop3A_206 : vector<1x16xf32> to vector<16xf32>
        %parallel_loop3A_208 = arith.index_cast %parallel_loop3A_189 : i32 to index
        %parallel_loop3A_209 = arith.constant 16 : index
        %parallel_loop3A_210 = tpu.vector_load %arg12[%parallel_loop3A_208, %parallel_loop3A_209] {strides = array<i32>} : memref<80x128xf32, #tpu.memory_space<vmem>>, vector<1x16xf32>,
        %parallel_loop3A_211 = vector.shape_cast %parallel_loop3A_210 : vector<1x16xf32> to vector<16xf32>
        %parallel_loop3A_212 = arith.mulf %parallel_loop3A_207, %parallel_loop3A_211 : vector<16xf32>
        %parallel_loop3A_213 = arith.index_cast %parallel_loop3A_189 : i32 to index
        %parallel_loop3A_214 = arith.constant 16 : index
        %parallel_loop3A_215 = tpu.vector_load %arg10[%parallel_loop3A_213, %parallel_loop3A_214] {strides = array<i32>} : memref<80x128xf32, #tpu.memory_space<vmem>>, vector<1x16xf32>,
        %parallel_loop3A_216 = vector.shape_cast %parallel_loop3A_215 : vector<1x16xf32> to vector<16xf32>
        %parallel_loop3A_217 = vector.shape_cast %parallel_loop3A_212 : vector<16xf32> to vector<1x16xf32>
        tpu.vector_store %arg10[%parallel_loop3A_213, %parallel_loop3A_214], %parallel_loop3A_217 {strides = array<i32>} : memref<80x128xf32, #tpu.memory_space<vmem>>, vector<1x16xf32>,
        %parallel_loop3A_218 = arith.index_cast %parallel_loop3A_189 : i32 to index
        %parallel_loop3A_219 = arith.constant 32 : index
        %parallel_loop3A_220 = tpu.vector_load %arg10[%parallel_loop3A_218, %parallel_loop3A_219] {strides = array<i32>} : memref<80x128xf32, #tpu.memory_space<vmem>>, vector<1x16xf32>,
        %parallel_loop3A_221 = vector.shape_cast %parallel_loop3A_220 : vector<1x16xf32> to vector<16xf32>
        %parallel_loop3A_222 = arith.index_cast %parallel_loop3A_189 : i32 to index
        %parallel_loop3A_223 = arith.constant 32 : index
        %parallel_loop3A_224 = tpu.vector_load %arg12[%parallel_loop3A_222, %parallel_loop3A_223] {strides = array<i32>} : memref<80x128xf32, #tpu.memory_space<vmem>>, vector<1x16xf32>,
        %parallel_loop3A_225 = vector.shape_cast %parallel_loop3A_224 : vector<1x16xf32> to vector<16xf32>
        %parallel_loop3A_226 = arith.mulf %parallel_loop3A_221, %parallel_loop3A_225 : vector<16xf32>
        %parallel_loop3A_227 = arith.index_cast %parallel_loop3A_189 : i32 to index
        %parallel_loop3A_228 = arith.constant 32 : index
        %parallel_loop3A_229 = tpu.vector_load %arg10[%parallel_loop3A_227, %parallel_loop3A_228] {strides = array<i32>} : memref<80x128xf32, #tpu.memory_space<vmem>>, vector<1x16xf32>,
        %parallel_loop3A_230 = vector.shape_cast %parallel_loop3A_229 : vector<1x16xf32> to vector<16xf32>
        %parallel_loop3A_231 = vector.shape_cast %parallel_loop3A_226 : vector<16xf32> to vector<1x16xf32>
        tpu.vector_store %arg10[%parallel_loop3A_227, %parallel_loop3A_228], %parallel_loop3A_231 {strides = array<i32>} : memref<80x128xf32, #tpu.memory_space<vmem>>, vector<1x16xf32>,
        %parallel_loop3A_232 = arith.index_cast %parallel_loop3A_189 : i32 to index
        %parallel_loop3A_233 = arith.constant 48 : index
        %parallel_loop3A_234 = tpu.vector_load %arg10[%parallel_loop3A_232, %parallel_loop3A_233] {strides = array<i32>} : memref<80x128xf32, #tpu.memory_space<vmem>>, vector<1x16xf32>,
        %parallel_loop3A_235 = vector.shape_cast %parallel_loop3A_234 : vector<1x16xf32> to vector<16xf32>
        %parallel_loop3A_236 = arith.index_cast %parallel_loop3A_189 : i32 to index
        %parallel_loop3A_237 = arith.constant 48 : index
        %parallel_loop3A_238 = tpu.vector_load %arg12[%parallel_loop3A_236, %parallel_loop3A_237] {strides = array<i32>} : memref<80x128xf32, #tpu.memory_space<vmem>>, vector<1x16xf32>,
        %parallel_loop3A_239 = vector.shape_cast %parallel_loop3A_238 : vector<1x16xf32> to vector<16xf32>
        %parallel_loop3A_240 = arith.mulf %parallel_loop3A_235, %parallel_loop3A_239 : vector<16xf32>
        %parallel_loop3A_241 = arith.index_cast %parallel_loop3A_189 : i32 to index
        %parallel_loop3A_242 = arith.constant 48 : index
        %parallel_loop3A_243 = tpu.vector_load %arg10[%parallel_loop3A_241, %parallel_loop3A_242] {strides = array<i32>} : memref<80x128xf32, #tpu.memory_space<vmem>>, vector<1x16xf32>,
        %parallel_loop3A_244 = vector.shape_cast %parallel_loop3A_243 : vector<1x16xf32> to vector<16xf32>
        %parallel_loop3A_245 = vector.shape_cast %parallel_loop3A_240 : vector<16xf32> to vector<1x16xf32>
        tpu.vector_store %arg10[%parallel_loop3A_241, %parallel_loop3A_242], %parallel_loop3A_245 {strides = array<i32>} : memref<80x128xf32, #tpu.memory_space<vmem>>, vector<1x16xf32>,
        %parallel_loop3A_246 = arith.index_cast %parallel_loop3A_189 : i32 to index
        %parallel_loop3A_247 = arith.constant 64 : index
        %parallel_loop3A_248 = tpu.vector_load %arg10[%parallel_loop3A_246, %parallel_loop3A_247] {strides = array<i32>} : memref<80x128xf32, #tpu.memory_space<vmem>>, vector<1x16xf32>,
        %parallel_loop3A_249 = vector.shape_cast %parallel_loop3A_248 : vector<1x16xf32> to vector<16xf32>
        %parallel_loop3A_250 = arith.index_cast %parallel_loop3A_189 : i32 to index
        %parallel_loop3A_251 = arith.constant 64 : index
        %parallel_loop3A_252 = tpu.vector_load %arg12[%parallel_loop3A_250, %parallel_loop3A_251] {strides = array<i32>} : memref<80x128xf32, #tpu.memory_space<vmem>>, vector<1x16xf32>,
        %parallel_loop3A_253 = vector.shape_cast %parallel_loop3A_252 : vector<1x16xf32> to vector<16xf32>
        %parallel_loop3A_254 = arith.mulf %parallel_loop3A_249, %parallel_loop3A_253 : vector<16xf32>
        %parallel_loop3A_255 = arith.index_cast %parallel_loop3A_189 : i32 to index
        %parallel_loop3A_256 = arith.constant 64 : index
        %parallel_loop3A_257 = tpu.vector_load %arg10[%parallel_loop3A_255, %parallel_loop3A_256] {strides = array<i32>} : memref<80x128xf32, #tpu.memory_space<vmem>>, vector<1x16xf32>,
        %parallel_loop3A_258 = vector.shape_cast %parallel_loop3A_257 : vector<1x16xf32> to vector<16xf32>
        %parallel_loop3A_259 = vector.shape_cast %parallel_loop3A_254 : vector<16xf32> to vector<1x16xf32>
        tpu.vector_store %arg10[%parallel_loop3A_255, %parallel_loop3A_256], %parallel_loop3A_259 {strides = array<i32>} : memref<80x128xf32, #tpu.memory_space<vmem>>, vector<1x16xf32>,
        %parallel_loop3A_260 = arith.index_cast %parallel_loop3A_189 : i32 to index
        %parallel_loop3A_261 = arith.constant 80 : index
        %parallel_loop3A_262 = tpu.vector_load %arg10[%parallel_loop3A_260, %parallel_loop3A_261] {strides = array<i32>} : memref<80x128xf32, #tpu.memory_space<vmem>>, vector<1x16xf32>,
        %parallel_loop3A_263 = vector.shape_cast %parallel_loop3A_262 : vector<1x16xf32> to vector<16xf32>
        %parallel_loop3A_264 = arith.index_cast %parallel_loop3A_189 : i32 to index
        %parallel_loop3A_265 = arith.constant 80 : index
        %parallel_loop3A_266 = tpu.vector_load %arg12[%parallel_loop3A_264, %parallel_loop3A_265] {strides = array<i32>} : memref<80x128xf32, #tpu.memory_space<vmem>>, vector<1x16xf32>,
        %parallel_loop3A_267 = vector.shape_cast %parallel_loop3A_266 : vector<1x16xf32> to vector<16xf32>
        %parallel_loop3A_268 = arith.mulf %parallel_loop3A_263, %parallel_loop3A_267 : vector<16xf32>
        %parallel_loop3A_269 = arith.index_cast %parallel_loop3A_189 : i32 to index
        %parallel_loop3A_270 = arith.constant 80 : index
        %parallel_loop3A_271 = tpu.vector_load %arg10[%parallel_loop3A_269, %parallel_loop3A_270] {strides = array<i32>} : memref<80x128xf32, #tpu.memory_space<vmem>>, vector<1x16xf32>,
        %parallel_loop3A_272 = vector.shape_cast %parallel_loop3A_271 : vector<1x16xf32> to vector<16xf32>
        %parallel_loop3A_273 = vector.shape_cast %parallel_loop3A_268 : vector<16xf32> to vector<1x16xf32>
        tpu.vector_store %arg10[%parallel_loop3A_269, %parallel_loop3A_270], %parallel_loop3A_273 {strides = array<i32>} : memref<80x128xf32, #tpu.memory_space<vmem>>, vector<1x16xf32>,
        %parallel_loop3A_274 = arith.index_cast %parallel_loop3A_189 : i32 to index
        %parallel_loop3A_275 = arith.constant 96 : index
        %parallel_loop3A_276 = tpu.vector_load %arg10[%parallel_loop3A_274, %parallel_loop3A_275] {strides = array<i32>} : memref<80x128xf32, #tpu.memory_space<vmem>>, vector<1x16xf32>,
        %parallel_loop3A_277 = vector.shape_cast %parallel_loop3A_276 : vector<1x16xf32> to vector<16xf32>
        %parallel_loop3A_278 = arith.index_cast %parallel_loop3A_189 : i32 to index
        %parallel_loop3A_279 = arith.constant 96 : index
        %parallel_loop3A_280 = tpu.vector_load %arg12[%parallel_loop3A_278, %parallel_loop3A_279] {strides = array<i32>} : memref<80x128xf32, #tpu.memory_space<vmem>>, vector<1x16xf32>,
        %parallel_loop3A_281 = vector.shape_cast %parallel_loop3A_280 : vector<1x16xf32> to vector<16xf32>
        %parallel_loop3A_282 = arith.mulf %parallel_loop3A_277, %parallel_loop3A_281 : vector<16xf32>
        %parallel_loop3A_283 = arith.index_cast %parallel_loop3A_189 : i32 to index
        %parallel_loop3A_284 = arith.constant 96 : index
        %parallel_loop3A_285 = tpu.vector_load %arg10[%parallel_loop3A_283, %parallel_loop3A_284] {strides = array<i32>} : memref<80x128xf32, #tpu.memory_space<vmem>>, vector<1x16xf32>,
        %parallel_loop3A_286 = vector.shape_cast %parallel_loop3A_285 : vector<1x16xf32> to vector<16xf32>
        %parallel_loop3A_287 = vector.shape_cast %parallel_loop3A_282 : vector<16xf32> to vector<1x16xf32>
        tpu.vector_store %arg10[%parallel_loop3A_283, %parallel_loop3A_284], %parallel_loop3A_287 {strides = array<i32>} : memref<80x128xf32, #tpu.memory_space<vmem>>, vector<1x16xf32>,
        %parallel_loop3A_288 = arith.index_cast %parallel_loop3A_189 : i32 to index
        %parallel_loop3A_289 = arith.constant 112 : index
        %parallel_loop3A_290 = tpu.vector_load %arg10[%parallel_loop3A_288, %parallel_loop3A_289] {strides = array<i32>} : memref<80x128xf32, #tpu.memory_space<vmem>>, vector<1x16xf32>,
        %parallel_loop3A_291 = vector.shape_cast %parallel_loop3A_290 : vector<1x16xf32> to vector<16xf32>
        %parallel_loop3A_292 = arith.index_cast %parallel_loop3A_189 : i32 to index
        %parallel_loop3A_293 = arith.constant 112 : index
        %parallel_loop3A_294 = tpu.vector_load %arg12[%parallel_loop3A_292, %parallel_loop3A_293] {strides = array<i32>} : memref<80x128xf32, #tpu.memory_space<vmem>>, vector<1x16xf32>,
        %parallel_loop3A_295 = vector.shape_cast %parallel_loop3A_294 : vector<1x16xf32> to vector<16xf32>
        %parallel_loop3A_296 = arith.mulf %parallel_loop3A_291, %parallel_loop3A_295 : vector<16xf32>
        %parallel_loop3A_297 = arith.index_cast %parallel_loop3A_189 : i32 to index
        %parallel_loop3A_298 = arith.constant 112 : index
        %parallel_loop3A_299 = tpu.vector_load %arg10[%parallel_loop3A_297, %parallel_loop3A_298] {strides = array<i32>} : memref<80x128xf32, #tpu.memory_space<vmem>>, vector<1x16xf32>,
        %parallel_loop3A_300 = vector.shape_cast %parallel_loop3A_299 : vector<1x16xf32> to vector<16xf32>
        %parallel_loop3A_301 = vector.shape_cast %parallel_loop3A_296 : vector<16xf32> to vector<1x16xf32>
        tpu.vector_store %arg10[%parallel_loop3A_297, %parallel_loop3A_298], %parallel_loop3A_301 {strides = array<i32>} : memref<80x128xf32, #tpu.memory_space<vmem>>, vector<1x16xf32>,
      } {sc.loop_unroll_factor = 4 : i64, sc.parallel_access}
      "tpu.region"() ({
        %run_scoped3A = tpu.sem_alloc : memref<!tpu.dma_semaphore, #tpu.memory_space<semaphore_mem>>
        %dma_start3A_189 = arith.constant 0 : i32
        %dma_start3A_190 = tpu.memref_slice %arg9[%rem3A_124, %dma_start3A_189] : memref<4x80xi32, #tpu.memory_space<vmem>> -> memref<1x80xi32, #tpu.memory_space<vmem>>
        %dma_start3A_191 = tpu.memref_squeeze %dma_start3A_190 : memref<1x80xi32, #tpu.memory_space<vmem>> -> memref<80xi32, #tpu.memory_space<vmem>>
        %dma_start3A_192 = arith.constant 0 : i32
        %dma_start3A_193 = arith.constant 0 : i32
        %dma_start3A_194 = tpu.memref_slice %arg14[%dma_start3A_192, %dma_start3A_193] : memref<10240x128xf32, #tpu.memory_space<vmem_shared>> -> memref<10240x128xf32, #tpu.memory_space<vmem_shared>>
        tpu.enqueue_indirect_dma source(%arg10 : memref<80x128xf32, #tpu.memory_space<vmem>>) target(%dma_start3A_194 : memref<10240x128xf32, #tpu.memory_space<vmem_shared>>) offsets(%dma_start3A_191 : memref<80xi32, #tpu.memory_space<vmem>>) semaphore(%run_scoped3A : memref<!tpu.dma_semaphore, #tpu.memory_space<semaphore_mem>>) {add = true}
        %dma_wait3A_195 = arith.constant 0 : i32
        %dma_wait3A_196 = tpu.memref_slice %arg9[%rem3A_124, %dma_wait3A_195] : memref<4x80xi32, #tpu.memory_space<vmem>> -> memref<1x80xi32, #tpu.memory_space<vmem>>
        %dma_wait3A_197 = tpu.memref_squeeze %dma_wait3A_196 : memref<1x80xi32, #tpu.memory_space<vmem>> -> memref<80xi32, #tpu.memory_space<vmem>>
        %dma_wait3A_198 = arith.constant 0 : i32
        %dma_wait3A_199 = arith.constant 0 : i32
        %dma_wait3A_200 = tpu.memref_slice %arg14[%dma_wait3A_198, %dma_wait3A_199] : memref<10240x128xf32, #tpu.memory_space<vmem_shared>> -> memref<10240x128xf32, #tpu.memory_space<vmem_shared>>
        tpu.wait_indirect_dma semaphore(%run_scoped3A : memref<!tpu.dma_semaphore, #tpu.memory_space<semaphore_mem>>) src(%arg10 : memref<80x128xf32, #tpu.memory_space<vmem>>) dst(%dma_wait3A_200 : memref<10240x128xf32, #tpu.memory_space<vmem_shared>>)
        tpu.yield
      }) : () -> ()
      %convert_element_type3A_169 = arith.extui %lt3A_137 : i1 to i32
      %cond3A_170 = arith.constant 0 : i32
      %cond3A_171 = arith.cmpi ne, %convert_element_type3A_169, %cond3A_170 : i32
      scf.if %cond3A_171 {
        %dma_wait3A_189 = arith.constant 0 : i32
        %dma_wait3A_190 = arith.constant 0 : i32
        %dma_wait3A_191 = tpu.memref_slice %arg8[%dma_wait3A_189, %dma_wait3A_190] : memref<4x80xi32, #tpu.memory_space<vmem>> -> memref<1x80xi32, #tpu.memory_space<vmem>>
        %dma_wait3A_192 = tpu.memref_squeeze %dma_wait3A_191 : memref<1x80xi32, #tpu.memory_space<vmem>> -> memref<80xi32, #tpu.memory_space<vmem>>
        %dma_wait3A_193 = arith.constant 0 : i32
        %dma_wait3A_194 = tpu.memref_slice %arg4[%dma_wait3A_193] : memref<327680xi32, #tpu.memory_space<hbm>> -> memref<80xi32, #tpu.memory_space<hbm>>
        %dma_wait3A_195 = arith.constant 0 : i32
        %dma_wait3A_196 = tpu.memref_slice %arg8[%dma_wait3A_189, %dma_wait3A_195] : memref<4x80xi32, #tpu.memory_space<vmem>> -> memref<1x80xi32, #tpu.memory_space<vmem>>
        %dma_wait3A_197 = tpu.memref_squeeze %dma_wait3A_196 : memref<1x80xi32, #tpu.memory_space<vmem>> -> memref<80xi32, #tpu.memory_space<vmem>>
        %dma_wait3A_198 = arith.constant 0 : i32
        %dma_wait3A_199 = tpu.memref_slice %arg4[%dma_wait3A_198] : memref<327680xi32, #tpu.memory_space<hbm>> -> memref<80xi32, #tpu.memory_space<hbm>>
        tpu.wait_dma2 semaphore(%arg15 : memref<!tpu.dma_semaphore, #tpu.memory_space<semaphore_mem>>) src(%dma_wait3A_199 : memref<80xi32, #tpu.memory_space<hbm>>) dst(%dma_wait3A_197 : memref<80xi32, #tpu.memory_space<vmem>>)
        %dma_wait3A_200 = arith.constant 0 : i32
        %dma_wait3A_201 = arith.constant 0 : i32
        %dma_wait3A_202 = tpu.memref_slice %arg9[%dma_wait3A_200, %dma_wait3A_201] : memref<4x80xi32, #tpu.memory_space<vmem>> -> memref<1x80xi32, #tpu.memory_space<vmem>>
        %dma_wait3A_203 = tpu.memref_squeeze %dma_wait3A_202 : memref<1x80xi32, #tpu.memory_space<vmem>> -> memref<80xi32, #tpu.memory_space<vmem>>
        %dma_wait3A_204 = arith.constant 0 : i32
        %dma_wait3A_205 = tpu.memref_slice %arg5[%dma_wait3A_204] : memref<327680xi32, #tpu.memory_space<hbm>> -> memref<80xi32, #tpu.memory_space<hbm>>
        %dma_wait3A_206 = arith.constant 0 : i32
        %dma_wait3A_207 = tpu.memref_slice %arg9[%dma_wait3A_200, %dma_wait3A_206] : memref<4x80xi32, #tpu.memory_space<vmem>> -> memref<1x80xi32, #tpu.memory_space<vmem>>
        %dma_wait3A_208 = tpu.memref_squeeze %dma_wait3A_207 : memref<1x80xi32, #tpu.memory_space<vmem>> -> memref<80xi32, #tpu.memory_space<vmem>>
        %dma_wait3A_209 = arith.constant 0 : i32
        %dma_wait3A_210 = tpu.memref_slice %arg5[%dma_wait3A_209] : memref<327680xi32, #tpu.memory_space<hbm>> -> memref<80xi32, #tpu.memory_space<hbm>>
        tpu.wait_dma2 semaphore(%arg15 : memref<!tpu.dma_semaphore, #tpu.memory_space<semaphore_mem>>) src(%dma_wait3A_210 : memref<80xi32, #tpu.memory_space<hbm>>) dst(%dma_wait3A_208 : memref<80xi32, #tpu.memory_space<vmem>>)
        %dma_wait3A_211 = arith.constant 0 : i32
        %dma_wait3A_212 = arith.constant 0 : i32
        %dma_wait3A_213 = tpu.memref_slice %arg8[%dma_wait3A_211, %dma_wait3A_212] : memref<4x80xi32, #tpu.memory_space<vmem>> -> memref<1x80xi32, #tpu.memory_space<vmem>>
        %dma_wait3A_214 = tpu.memref_squeeze %dma_wait3A_213 : memref<1x80xi32, #tpu.memory_space<vmem>> -> memref<80xi32, #tpu.memory_space<vmem>>
        %dma_wait3A_215 = arith.constant 0 : i32
        %dma_wait3A_216 = tpu.memref_slice %arg4[%dma_wait3A_215] : memref<327680xi32, #tpu.memory_space<hbm>> -> memref<80xi32, #tpu.memory_space<hbm>>
        %dma_wait3A_217 = arith.constant 0 : i32
        %dma_wait3A_218 = tpu.memref_slice %arg8[%dma_wait3A_211, %dma_wait3A_217] : memref<4x80xi32, #tpu.memory_space<vmem>> -> memref<1x80xi32, #tpu.memory_space<vmem>>
        %dma_wait3A_219 = tpu.memref_squeeze %dma_wait3A_218 : memref<1x80xi32, #tpu.memory_space<vmem>> -> memref<80xi32, #tpu.memory_space<vmem>>
        %dma_wait3A_220 = arith.constant 0 : i32
        %dma_wait3A_221 = tpu.memref_slice %arg4[%dma_wait3A_220] : memref<327680xi32, #tpu.memory_space<hbm>> -> memref<80xi32, #tpu.memory_space<hbm>>
        tpu.wait_dma2 semaphore(%arg15 : memref<!tpu.dma_semaphore, #tpu.memory_space<semaphore_mem>>) src(%dma_wait3A_221 : memref<80xi32, #tpu.memory_space<hbm>>) dst(%dma_wait3A_219 : memref<80xi32, #tpu.memory_space<vmem>>)
        %dma_wait3A_222 = arith.constant 0 : i32
        %dma_wait3A_223 = arith.constant 0 : i32
        %dma_wait3A_224 = tpu.memref_slice %arg9[%dma_wait3A_222, %dma_wait3A_223] : memref<4x80xi32, #tpu.memory_space<vmem>> -> memref<1x80xi32, #tpu.memory_space<vmem>>
        %dma_wait3A_225 = tpu.memref_squeeze %dma_wait3A_224 : memref<1x80xi32, #tpu.memory_space<vmem>> -> memref<80xi32, #tpu.memory_space<vmem>>
        %dma_wait3A_226 = arith.constant 0 : i32
        %dma_wait3A_227 = tpu.memref_slice %arg5[%dma_wait3A_226] : memref<327680xi32, #tpu.memory_space<hbm>> -> memref<80xi32, #tpu.memory_space<hbm>>
        %dma_wait3A_228 = arith.constant 0 : i32
        %dma_wait3A_229 = tpu.memref_slice %arg9[%dma_wait3A_222, %dma_wait3A_228] : memref<4x80xi32, #tpu.memory_space<vmem>> -> memref<1x80xi32, #tpu.memory_space<vmem>>
        %dma_wait3A_230 = tpu.memref_squeeze %dma_wait3A_229 : memref<1x80xi32, #tpu.memory_space<vmem>> -> memref<80xi32, #tpu.memory_space<vmem>>
        %dma_wait3A_231 = arith.constant 0 : i32
        %dma_wait3A_232 = tpu.memref_slice %arg5[%dma_wait3A_231] : memref<327680xi32, #tpu.memory_space<hbm>> -> memref<80xi32, #tpu.memory_space<hbm>>
        tpu.wait_dma2 semaphore(%arg15 : memref<!tpu.dma_semaphore, #tpu.memory_space<semaphore_mem>>) src(%dma_wait3A_232 : memref<80xi32, #tpu.memory_space<hbm>>) dst(%dma_wait3A_230 : memref<80xi32, #tpu.memory_space<vmem>>)
        %add3A_233 = arith.constant 2 : i32
        %add3A_234 = arith.addi %mul3A_123, %add3A_233 : i32
        %add3A_235 = arith.addi %mul3A_2, %add3A_234 : i32
        %mul3A_236 = arith.constant 80 : i32
        %mul3A_237 = arith.muli %add3A_235, %mul3A_236 : i32
        %dma_start3A_238 = arith.constant 0 : i32
        %dma_start3A_239 = tpu.memref_slice %arg3[%mul3A_237, %dma_start3A_238] : memref<327680x128xf32, #tpu.memory_space<hbm>> -> memref<80x128xf32, #tpu.memory_space<hbm>>
        %dma_start3A_240 = arith.constant 0 : i32
        %dma_start3A_241 = tpu.memref_slice %arg3[%mul3A_237, %dma_start3A_240] : memref<327680x128xf32, #tpu.memory_space<hbm>> -> memref<80x128xf32, #tpu.memory_space<hbm>>
        tpu.enqueue_dma source(%dma_start3A_241 : memref<80x128xf32, #tpu.memory_space<hbm>>) target(%arg12 : memref<80x128xf32, #tpu.memory_space<vmem>>) target_semaphore(%arg18 : memref<!tpu.dma_semaphore, #tpu.memory_space<semaphore_mem>>)
        %dma_start3A_242 = arith.constant 0 : i32
        %dma_start3A_243 = tpu.memref_slice %arg8[%rem3A_132, %dma_start3A_242] : memref<4x80xi32, #tpu.memory_space<vmem>> -> memref<1x80xi32, #tpu.memory_space<vmem>>
        %dma_start3A_244 = tpu.memref_squeeze %dma_start3A_243 : memref<1x80xi32, #tpu.memory_space<vmem>> -> memref<80xi32, #tpu.memory_space<vmem>>
        %dma_start3A_245 = arith.constant 0 : i32
        %dma_start3A_246 = arith.constant 0 : i32
        %dma_start3A_247 = tpu.memref_slice %arg2[%dma_start3A_245, %dma_start3A_246] : memref<10000x128xf32, #tpu.memory_space<hbm>> -> memref<10000x128xf32, #tpu.memory_space<hbm>>
        tpu.enqueue_indirect_dma source(%dma_start3A_247 : memref<10000x128xf32, #tpu.memory_space<hbm>>) target(%arg10 : memref<80x128xf32, #tpu.memory_space<vmem>>) offsets(%dma_start3A_244 : memref<80xi32, #tpu.memory_space<vmem>>) semaphore(%arg16 : memref<!tpu.dma_semaphore, #tpu.memory_space<semaphore_mem>>)
      } else {
      }
      %dma_wait3A_172 = arith.constant 0 : i32
      %dma_wait3A_173 = arith.constant 0 : i32
      %dma_wait3A_174 = tpu.memref_slice %arg3[%dma_wait3A_172, %dma_wait3A_173] : memref<327680x128xf32, #tpu.memory_space<hbm>> -> memref<80x128xf32, #tpu.memory_space<hbm>>
      %dma_wait3A_175 = arith.constant 0 : i32
      %dma_wait3A_176 = arith.constant 0 : i32
      %dma_wait3A_177 = tpu.memref_slice %arg3[%dma_wait3A_175, %dma_wait3A_176] : memref<327680x128xf32, #tpu.memory_space<hbm>> -> memref<80x128xf32, #tpu.memory_space<hbm>>
      tpu.wait_dma2 semaphore(%arg19 : memref<!tpu.dma_semaphore, #tpu.memory_space<semaphore_mem>>) src(%dma_wait3A_177 : memref<80x128xf32, #tpu.memory_space<hbm>>) dst(%arg13 : memref<80x128xf32, #tpu.memory_space<vmem>>)
      %dma_wait3A_178 = arith.constant 0 : i32
      %dma_wait3A_179 = arith.constant 0 : i32
      %dma_wait3A_180 = tpu.memref_slice %arg8[%dma_wait3A_178, %dma_wait3A_179] : memref<4x80xi32, #tpu.memory_space<vmem>> -> memref<1x80xi32, #tpu.memory_space<vmem>>
      %dma_wait3A_181 = tpu.memref_squeeze %dma_wait3A_180 : memref<1x80xi32, #tpu.memory_space<vmem>> -> memref<80xi32, #tpu.memory_space<vmem>>
      %dma_wait3A_182 = arith.constant 0 : i32
      %dma_wait3A_183 = arith.constant 0 : i32
      %dma_wait3A_184 = tpu.memref_slice %arg2[%dma_wait3A_182, %dma_wait3A_183] : memref<10000x128xf32, #tpu.memory_space<hbm>> -> memref<10000x128xf32, #tpu.memory_space<hbm>>
      tpu.wait_indirect_dma semaphore(%arg17 : memref<!tpu.dma_semaphore, #tpu.memory_space<semaphore_mem>>) src(%dma_wait3A_184 : memref<10000x128xf32, #tpu.memory_space<hbm>>) dst(%arg11 : memref<80x128xf32, #tpu.memory_space<vmem>>)
      %parallel_loop3A_185 = arith.constant 0 : i32
      %parallel_loop3A_186 = arith.constant 80 : i32
      %parallel_loop3A_187 = arith.constant 1 : i32
      scf.for %parallel_loop3A_189 = %parallel_loop3A_185 to %parallel_loop3A_186 step %parallel_loop3A_187  : i32 {
        %parallel_loop3A_190 = arith.index_cast %parallel_loop3A_189 : i32 to index
        %parallel_loop3A_191 = arith.constant 0 : index
        %parallel_loop3A_192 = tpu.vector_load %arg11[%parallel_loop3A_190, %parallel_loop3A_191] {strides = array<i32>} : memref<80x128xf32, #tpu.memory_space<vmem>>, vector<1x16xf32>,
        %parallel_loop3A_193 = vector.shape_cast %parallel_loop3A_192 : vector<1x16xf32> to vector<16xf32>
        %parallel_loop3A_194 = arith.index_cast %parallel_loop3A_189 : i32 to index
        %parallel_loop3A_195 = arith.constant 0 : index
        %parallel_loop3A_196 = tpu.vector_load %arg13[%parallel_loop3A_194, %parallel_loop3A_195] {strides = array<i32>} : memref<80x128xf32, #tpu.memory_space<vmem>>, vector<1x16xf32>,
        %parallel_loop3A_197 = vector.shape_cast %parallel_loop3A_196 : vector<1x16xf32> to vector<16xf32>
        %parallel_loop3A_198 = arith.mulf %parallel_loop3A_193, %parallel_loop3A_197 : vector<16xf32>
        %parallel_loop3A_199 = arith.index_cast %parallel_loop3A_189 : i32 to index
        %parallel_loop3A_200 = arith.constant 0 : index
        %parallel_loop3A_201 = tpu.vector_load %arg11[%parallel_loop3A_199, %parallel_loop3A_200] {strides = array<i32>} : memref<80x128xf32, #tpu.memory_space<vmem>>, vector<1x16xf32>,
        %parallel_loop3A_202 = vector.shape_cast %parallel_loop3A_201 : vector<1x16xf32> to vector<16xf32>
        %parallel_loop3A_203 = vector.shape_cast %parallel_loop3A_198 : vector<16xf32> to vector<1x16xf32>
        tpu.vector_store %arg11[%parallel_loop3A_199, %parallel_loop3A_200], %parallel_loop3A_203 {strides = array<i32>} : memref<80x128xf32, #tpu.memory_space<vmem>>, vector<1x16xf32>,
        %parallel_loop3A_204 = arith.index_cast %parallel_loop3A_189 : i32 to index
        %parallel_loop3A_205 = arith.constant 16 : index
        %parallel_loop3A_206 = tpu.vector_load %arg11[%parallel_loop3A_204, %parallel_loop3A_205] {strides = array<i32>} : memref<80x128xf32, #tpu.memory_space<vmem>>, vector<1x16xf32>,
        %parallel_loop3A_207 = vector.shape_cast %parallel_loop3A_206 : vector<1x16xf32> to vector<16xf32>
        %parallel_loop3A_208 = arith.index_cast %parallel_loop3A_189 : i32 to index
        %parallel_loop3A_209 = arith.constant 16 : index
        %parallel_loop3A_210 = tpu.vector_load %arg13[%parallel_loop3A_208, %parallel_loop3A_209] {strides = array<i32>} : memref<80x128xf32, #tpu.memory_space<vmem>>, vector<1x16xf32>,
        %parallel_loop3A_211 = vector.shape_cast %parallel_loop3A_210 : vector<1x16xf32> to vector<16xf32>
        %parallel_loop3A_212 = arith.mulf %parallel_loop3A_207, %parallel_loop3A_211 : vector<16xf32>
        %parallel_loop3A_213 = arith.index_cast %parallel_loop3A_189 : i32 to index
        %parallel_loop3A_214 = arith.constant 16 : index
        %parallel_loop3A_215 = tpu.vector_load %arg11[%parallel_loop3A_213, %parallel_loop3A_214] {strides = array<i32>} : memref<80x128xf32, #tpu.memory_space<vmem>>, vector<1x16xf32>,
        %parallel_loop3A_216 = vector.shape_cast %parallel_loop3A_215 : vector<1x16xf32> to vector<16xf32>
        %parallel_loop3A_217 = vector.shape_cast %parallel_loop3A_212 : vector<16xf32> to vector<1x16xf32>
        tpu.vector_store %arg11[%parallel_loop3A_213, %parallel_loop3A_214], %parallel_loop3A_217 {strides = array<i32>} : memref<80x128xf32, #tpu.memory_space<vmem>>, vector<1x16xf32>,
        %parallel_loop3A_218 = arith.index_cast %parallel_loop3A_189 : i32 to index
        %parallel_loop3A_219 = arith.constant 32 : index
        %parallel_loop3A_220 = tpu.vector_load %arg11[%parallel_loop3A_218, %parallel_loop3A_219] {strides = array<i32>} : memref<80x128xf32, #tpu.memory_space<vmem>>, vector<1x16xf32>,
        %parallel_loop3A_221 = vector.shape_cast %parallel_loop3A_220 : vector<1x16xf32> to vector<16xf32>
        %parallel_loop3A_222 = arith.index_cast %parallel_loop3A_189 : i32 to index
        %parallel_loop3A_223 = arith.constant 32 : index
        %parallel_loop3A_224 = tpu.vector_load %arg13[%parallel_loop3A_222, %parallel_loop3A_223] {strides = array<i32>} : memref<80x128xf32, #tpu.memory_space<vmem>>, vector<1x16xf32>,
        %parallel_loop3A_225 = vector.shape_cast %parallel_loop3A_224 : vector<1x16xf32> to vector<16xf32>
        %parallel_loop3A_226 = arith.mulf %parallel_loop3A_221, %parallel_loop3A_225 : vector<16xf32>
        %parallel_loop3A_227 = arith.index_cast %parallel_loop3A_189 : i32 to index
        %parallel_loop3A_228 = arith.constant 32 : index
        %parallel_loop3A_229 = tpu.vector_load %arg11[%parallel_loop3A_227, %parallel_loop3A_228] {strides = array<i32>} : memref<80x128xf32, #tpu.memory_space<vmem>>, vector<1x16xf32>,
        %parallel_loop3A_230 = vector.shape_cast %parallel_loop3A_229 : vector<1x16xf32> to vector<16xf32>
        %parallel_loop3A_231 = vector.shape_cast %parallel_loop3A_226 : vector<16xf32> to vector<1x16xf32>
        tpu.vector_store %arg11[%parallel_loop3A_227, %parallel_loop3A_228], %parallel_loop3A_231 {strides = array<i32>} : memref<80x128xf32, #tpu.memory_space<vmem>>, vector<1x16xf32>,
        %parallel_loop3A_232 = arith.index_cast %parallel_loop3A_189 : i32 to index
        %parallel_loop3A_233 = arith.constant 48 : index
        %parallel_loop3A_234 = tpu.vector_load %arg11[%parallel_loop3A_232, %parallel_loop3A_233] {strides = array<i32>} : memref<80x128xf32, #tpu.memory_space<vmem>>, vector<1x16xf32>,
        %parallel_loop3A_235 = vector.shape_cast %parallel_loop3A_234 : vector<1x16xf32> to vector<16xf32>
        %parallel_loop3A_236 = arith.index_cast %parallel_loop3A_189 : i32 to index
        %parallel_loop3A_237 = arith.constant 48 : index
        %parallel_loop3A_238 = tpu.vector_load %arg13[%parallel_loop3A_236, %parallel_loop3A_237] {strides = array<i32>} : memref<80x128xf32, #tpu.memory_space<vmem>>, vector<1x16xf32>,
        %parallel_loop3A_239 = vector.shape_cast %parallel_loop3A_238 : vector<1x16xf32> to vector<16xf32>
        %parallel_loop3A_240 = arith.mulf %parallel_loop3A_235, %parallel_loop3A_239 : vector<16xf32>
        %parallel_loop3A_241 = arith.index_cast %parallel_loop3A_189 : i32 to index
        %parallel_loop3A_242 = arith.constant 48 : index
        %parallel_loop3A_243 = tpu.vector_load %arg11[%parallel_loop3A_241, %parallel_loop3A_242] {strides = array<i32>} : memref<80x128xf32, #tpu.memory_space<vmem>>, vector<1x16xf32>,
        %parallel_loop3A_244 = vector.shape_cast %parallel_loop3A_243 : vector<1x16xf32> to vector<16xf32>
        %parallel_loop3A_245 = vector.shape_cast %parallel_loop3A_240 : vector<16xf32> to vector<1x16xf32>
        tpu.vector_store %arg11[%parallel_loop3A_241, %parallel_loop3A_242], %parallel_loop3A_245 {strides = array<i32>} : memref<80x128xf32, #tpu.memory_space<vmem>>, vector<1x16xf32>,
        %parallel_loop3A_246 = arith.index_cast %parallel_loop3A_189 : i32 to index
        %parallel_loop3A_247 = arith.constant 64 : index
        %parallel_loop3A_248 = tpu.vector_load %arg11[%parallel_loop3A_246, %parallel_loop3A_247] {strides = array<i32>} : memref<80x128xf32, #tpu.memory_space<vmem>>, vector<1x16xf32>,
        %parallel_loop3A_249 = vector.shape_cast %parallel_loop3A_248 : vector<1x16xf32> to vector<16xf32>
        %parallel_loop3A_250 = arith.index_cast %parallel_loop3A_189 : i32 to index
        %parallel_loop3A_251 = arith.constant 64 : index
        %parallel_loop3A_252 = tpu.vector_load %arg13[%parallel_loop3A_250, %parallel_loop3A_251] {strides = array<i32>} : memref<80x128xf32, #tpu.memory_space<vmem>>, vector<1x16xf32>,
        %parallel_loop3A_253 = vector.shape_cast %parallel_loop3A_252 : vector<1x16xf32> to vector<16xf32>
        %parallel_loop3A_254 = arith.mulf %parallel_loop3A_249, %parallel_loop3A_253 : vector<16xf32>
        %parallel_loop3A_255 = arith.index_cast %parallel_loop3A_189 : i32 to index
        %parallel_loop3A_256 = arith.constant 64 : index
        %parallel_loop3A_257 = tpu.vector_load %arg11[%parallel_loop3A_255, %parallel_loop3A_256] {strides = array<i32>} : memref<80x128xf32, #tpu.memory_space<vmem>>, vector<1x16xf32>,
        %parallel_loop3A_258 = vector.shape_cast %parallel_loop3A_257 : vector<1x16xf32> to vector<16xf32>
        %parallel_loop3A_259 = vector.shape_cast %parallel_loop3A_254 : vector<16xf32> to vector<1x16xf32>
        tpu.vector_store %arg11[%parallel_loop3A_255, %parallel_loop3A_256], %parallel_loop3A_259 {strides = array<i32>} : memref<80x128xf32, #tpu.memory_space<vmem>>, vector<1x16xf32>,
        %parallel_loop3A_260 = arith.index_cast %parallel_loop3A_189 : i32 to index
        %parallel_loop3A_261 = arith.constant 80 : index
        %parallel_loop3A_262 = tpu.vector_load %arg11[%parallel_loop3A_260, %parallel_loop3A_261] {strides = array<i32>} : memref<80x128xf32, #tpu.memory_space<vmem>>, vector<1x16xf32>,
        %parallel_loop3A_263 = vector.shape_cast %parallel_loop3A_262 : vector<1x16xf32> to vector<16xf32>
        %parallel_loop3A_264 = arith.index_cast %parallel_loop3A_189 : i32 to index
        %parallel_loop3A_265 = arith.constant 80 : index
        %parallel_loop3A_266 = tpu.vector_load %arg13[%parallel_loop3A_264, %parallel_loop3A_265] {strides = array<i32>} : memref<80x128xf32, #tpu.memory_space<vmem>>, vector<1x16xf32>,
        %parallel_loop3A_267 = vector.shape_cast %parallel_loop3A_266 : vector<1x16xf32> to vector<16xf32>
        %parallel_loop3A_268 = arith.mulf %parallel_loop3A_263, %parallel_loop3A_267 : vector<16xf32>
        %parallel_loop3A_269 = arith.index_cast %parallel_loop3A_189 : i32 to index
        %parallel_loop3A_270 = arith.constant 80 : index
        %parallel_loop3A_271 = tpu.vector_load %arg11[%parallel_loop3A_269, %parallel_loop3A_270] {strides = array<i32>} : memref<80x128xf32, #tpu.memory_space<vmem>>, vector<1x16xf32>,
        %parallel_loop3A_272 = vector.shape_cast %parallel_loop3A_271 : vector<1x16xf32> to vector<16xf32>
        %parallel_loop3A_273 = vector.shape_cast %parallel_loop3A_268 : vector<16xf32> to vector<1x16xf32>
        tpu.vector_store %arg11[%parallel_loop3A_269, %parallel_loop3A_270], %parallel_loop3A_273 {strides = array<i32>} : memref<80x128xf32, #tpu.memory_space<vmem>>, vector<1x16xf32>,
        %parallel_loop3A_274 = arith.index_cast %parallel_loop3A_189 : i32 to index
        %parallel_loop3A_275 = arith.constant 96 : index
        %parallel_loop3A_276 = tpu.vector_load %arg11[%parallel_loop3A_274, %parallel_loop3A_275] {strides = array<i32>} : memref<80x128xf32, #tpu.memory_space<vmem>>, vector<1x16xf32>,
        %parallel_loop3A_277 = vector.shape_cast %parallel_loop3A_276 : vector<1x16xf32> to vector<16xf32>
        %parallel_loop3A_278 = arith.index_cast %parallel_loop3A_189 : i32 to index
        %parallel_loop3A_279 = arith.constant 96 : index
        %parallel_loop3A_280 = tpu.vector_load %arg13[%parallel_loop3A_278, %parallel_loop3A_279] {strides = array<i32>} : memref<80x128xf32, #tpu.memory_space<vmem>>, vector<1x16xf32>,
        %parallel_loop3A_281 = vector.shape_cast %parallel_loop3A_280 : vector<1x16xf32> to vector<16xf32>
        %parallel_loop3A_282 = arith.mulf %parallel_loop3A_277, %parallel_loop3A_281 : vector<16xf32>
        %parallel_loop3A_283 = arith.index_cast %parallel_loop3A_189 : i32 to index
        %parallel_loop3A_284 = arith.constant 96 : index
        %parallel_loop3A_285 = tpu.vector_load %arg11[%parallel_loop3A_283, %parallel_loop3A_284] {strides = array<i32>} : memref<80x128xf32, #tpu.memory_space<vmem>>, vector<1x16xf32>,
        %parallel_loop3A_286 = vector.shape_cast %parallel_loop3A_285 : vector<1x16xf32> to vector<16xf32>
        %parallel_loop3A_287 = vector.shape_cast %parallel_loop3A_282 : vector<16xf32> to vector<1x16xf32>
        tpu.vector_store %arg11[%parallel_loop3A_283, %parallel_loop3A_284], %parallel_loop3A_287 {strides = array<i32>} : memref<80x128xf32, #tpu.memory_space<vmem>>, vector<1x16xf32>,
        %parallel_loop3A_288 = arith.index_cast %parallel_loop3A_189 : i32 to index
        %parallel_loop3A_289 = arith.constant 112 : index
        %parallel_loop3A_290 = tpu.vector_load %arg11[%parallel_loop3A_288, %parallel_loop3A_289] {strides = array<i32>} : memref<80x128xf32, #tpu.memory_space<vmem>>, vector<1x16xf32>,
        %parallel_loop3A_291 = vector.shape_cast %parallel_loop3A_290 : vector<1x16xf32> to vector<16xf32>
        %parallel_loop3A_292 = arith.index_cast %parallel_loop3A_189 : i32 to index
        %parallel_loop3A_293 = arith.constant 112 : index
        %parallel_loop3A_294 = tpu.vector_load %arg13[%parallel_loop3A_292, %parallel_loop3A_293] {strides = array<i32>} : memref<80x128xf32, #tpu.memory_space<vmem>>, vector<1x16xf32>,
        %parallel_loop3A_295 = vector.shape_cast %parallel_loop3A_294 : vector<1x16xf32> to vector<16xf32>
        %parallel_loop3A_296 = arith.mulf %parallel_loop3A_291, %parallel_loop3A_295 : vector<16xf32>
        %parallel_loop3A_297 = arith.index_cast %parallel_loop3A_189 : i32 to index
        %parallel_loop3A_298 = arith.constant 112 : index
        %parallel_loop3A_299 = tpu.vector_load %arg11[%parallel_loop3A_297, %parallel_loop3A_298] {strides = array<i32>} : memref<80x128xf32, #tpu.memory_space<vmem>>, vector<1x16xf32>,
        %parallel_loop3A_300 = vector.shape_cast %parallel_loop3A_299 : vector<1x16xf32> to vector<16xf32>
        %parallel_loop3A_301 = vector.shape_cast %parallel_loop3A_296 : vector<16xf32> to vector<1x16xf32>
        tpu.vector_store %arg11[%parallel_loop3A_297, %parallel_loop3A_298], %parallel_loop3A_301 {strides = array<i32>} : memref<80x128xf32, #tpu.memory_space<vmem>>, vector<1x16xf32>,
      } {sc.loop_unroll_factor = 4 : i64, sc.parallel_access}
      "tpu.region"() ({
        %run_scoped3A = tpu.sem_alloc : memref<!tpu.dma_semaphore, #tpu.memory_space<semaphore_mem>>
        %dma_start3A_189 = arith.constant 0 : i32
        %dma_start3A_190 = tpu.memref_slice %arg9[%rem3A_128, %dma_start3A_189] : memref<4x80xi32, #tpu.memory_space<vmem>> -> memref<1x80xi32, #tpu.memory_space<vmem>>
        %dma_start3A_191 = tpu.memref_squeeze %dma_start3A_190 : memref<1x80xi32, #tpu.memory_space<vmem>> -> memref<80xi32, #tpu.memory_space<vmem>>
        %dma_start3A_192 = arith.constant 0 : i32
        %dma_start3A_193 = arith.constant 0 : i32
        %dma_start3A_194 = tpu.memref_slice %arg14[%dma_start3A_192, %dma_start3A_193] : memref<10240x128xf32, #tpu.memory_space<vmem_shared>> -> memref<10240x128xf32, #tpu.memory_space<vmem_shared>>
        tpu.enqueue_indirect_dma source(%arg11 : memref<80x128xf32, #tpu.memory_space<vmem>>) target(%dma_start3A_194 : memref<10240x128xf32, #tpu.memory_space<vmem_shared>>) offsets(%dma_start3A_191 : memref<80xi32, #tpu.memory_space<vmem>>) semaphore(%run_scoped3A : memref<!tpu.dma_semaphore, #tpu.memory_space<semaphore_mem>>) {add = true}
        %dma_wait3A_195 = arith.constant 0 : i32
        %dma_wait3A_196 = tpu.memref_slice %arg9[%rem3A_128, %dma_wait3A_195] : memref<4x80xi32, #tpu.memory_space<vmem>> -> memref<1x80xi32, #tpu.memory_space<vmem>>
        %dma_wait3A_197 = tpu.memref_squeeze %dma_wait3A_196 : memref<1x80xi32, #tpu.memory_space<vmem>> -> memref<80xi32, #tpu.memory_space<vmem>>
        %dma_wait3A_198 = arith.constant 0 : i32
        %dma_wait3A_199 = arith.constant 0 : i32
        %dma_wait3A_200 = tpu.memref_slice %arg14[%dma_wait3A_198, %dma_wait3A_199] : memref<10240x128xf32, #tpu.memory_space<vmem_shared>> -> memref<10240x128xf32, #tpu.memory_space<vmem_shared>>
        tpu.wait_indirect_dma semaphore(%run_scoped3A : memref<!tpu.dma_semaphore, #tpu.memory_space<semaphore_mem>>) src(%arg11 : memref<80x128xf32, #tpu.memory_space<vmem>>) dst(%dma_wait3A_200 : memref<10240x128xf32, #tpu.memory_space<vmem_shared>>)
        tpu.yield
      }) : () -> ()
      %scan3A_188 = arith.constant 0 : i32
      scf.yield %scan3A_188 : i32
    }
    %scan3A_111 = arith.constant 64 : i32
    %barrier3A_112 = arith.constant 0 : index
    tpu.barrier barrier_id(%barrier3A_112)
    %mul3A_113 = arith.constant 640 : i32
    %mul3A_114 = arith.muli %arg1, %mul3A_113 : i32
    %mul3A_115 = arith.constant 10240 : i32
    %mul3A_116 = arith.muli %arg0, %mul3A_115 : i32
    %mul3A_117 = arith.constant 640 : i32
    %mul3A_118 = arith.muli %arg1, %mul3A_117 : i32
    %add3A_119 = arith.addi %mul3A_116, %mul3A_118 : i32
    "tpu.region"() ({
      %run_scoped3A = tpu.sem_alloc : memref<!tpu.dma_semaphore, #tpu.memory_space<semaphore_mem>>
      %dma_start3A_120 = arith.constant 0 : i32
      %dma_start3A_121 = tpu.memref_slice %arg7[%add3A_119, %dma_start3A_120] : memref<20480x128xf32, #tpu.memory_space<hbm>> -> memref<640x128xf32, #tpu.memory_space<hbm>>
      %dma_start3A_122 = arith.constant 0 : i32
      %dma_start3A_123 = tpu.memref_slice %arg14[%mul3A_114, %dma_start3A_122] : memref<10240x128xf32, #tpu.memory_space<vmem_shared>> -> memref<640x128xf32, #tpu.memory_space<vmem_shared>>
      tpu.enqueue_dma source(%dma_start3A_123 : memref<640x128xf32, #tpu.memory_space<vmem_shared>>) target(%dma_start3A_121 : memref<640x128xf32, #tpu.memory_space<hbm>>) target_semaphore(%run_scoped3A : memref<!tpu.dma_semaphore, #tpu.memory_space<semaphore_mem>>)
      %dma_wait3A_124 = arith.constant 0 : i32
      %dma_wait3A_125 = tpu.memref_slice %arg7[%add3A_119, %dma_wait3A_124] : memref<20480x128xf32, #tpu.memory_space<hbm>> -> memref<640x128xf32, #tpu.memory_space<hbm>>
      %dma_wait3A_126 = arith.constant 0 : i32
      %dma_wait3A_127 = tpu.memref_slice %arg14[%mul3A_114, %dma_wait3A_126] : memref<10240x128xf32, #tpu.memory_space<vmem_shared>> -> memref<640x128xf32, #tpu.memory_space<vmem_shared>>
      tpu.wait_dma2 semaphore(%run_scoped3A : memref<!tpu.dma_semaphore, #tpu.memory_space<semaphore_mem>>) src(%dma_wait3A_127 : memref<640x128xf32, #tpu.memory_space<vmem_shared>>) dst(%dma_wait3A_125 : memref<640x128xf32, #tpu.memory_space<hbm>>)
      tpu.yield
    }) : () -> ()
    return
  }
}

#map = affine_map<(d0, d1) -> (0, 0)>
#map1 = affine_map<(d0, d1) -> (0)>
module attributes {stable_mosaic.version = 14 : i64} {
  func.func @_edge_kernel(%arg0: i32, %arg1: i32, %arg2: memref<10000x128xf32, #tpu.memory_space<hbm>>, %arg3: memref<327680x128xf32, #tpu.memory_space<hbm>>, %arg4: memref<327680xi32, #tpu.memory_space<hbm>>, %arg5: memref<327680xi32, #tpu.memory_space<hbm>>, %arg6: memref<640x128xf32, #tpu.memory_space<hbm>>, %arg7: memref<20480x128xf32, #tpu.memory_space<hbm>>, %arg8: memref<4x80xi32, #tpu.memory_space<vmem>>, %arg9: memref<4x80xi32, #tpu.memory_space<vmem>>, %arg10: memref<80x128xf32, #tpu.memory_space<vmem>>, %arg11: memref<80x128xf32, #tpu.memory_space<vmem>>, %arg12: memref<80x128xf32, #tpu.memory_space<vmem>>, %arg13: memref<80x128xf32, #tpu.memory_space<vmem>>, %arg14: memref<10240x128xf32, #tpu.memory_space<vmem_shared>>, %arg15: memref<!tpu.dma_semaphore, #tpu.memory_space<semaphore_mem>>, %arg16: memref<!tpu.dma_semaphore, #tpu.memory_space<semaphore_mem>>, %arg17: memref<!tpu.dma_semaphore, #tpu.memory_space<semaphore_mem>>, %arg18: memref<!tpu.dma_semaphore, #tpu.memory_space<semaphore_mem>>, %arg19: memref<!tpu.dma_semaphore, #tpu.memory_space<semaphore_mem>>) attributes {dimension_semantics = [#tpu.dimension_semantics<core_parallel>, #tpu.dimension_semantics<subcore_parallel>], iteration_bounds = array<i64: 2, 16>, scalar_prefetch = 0 : i64, scratch_operands = 12 : i64, tpu.core_type = #tpu.core_type<sc_vector_subcore>, window_params = [{transform_indices = #map}, {transform_indices = #map}, {transform_indices = #map1}, {transform_indices = #map1}, {transform_indices = #map}, {transform_indices = #map}]} {
    %mul3A = arith.constant 2 : i32
    %mul3A_0 = arith.muli %arg1, %mul3A : i32
    %add3A = arith.addi %mul3A_0, %arg0 : i32
    %mul3A_1 = arith.constant 128 : i32
    %mul3A_2 = arith.muli %add3A, %mul3A_1 : i32
    %mul3A_3 = arith.constant 640 : i32
    %mul3A_4 = arith.muli %arg1, %mul3A_3 : i32
    "tpu.region"() ({
      %run_scoped3A = tpu.sem_alloc : memref<!tpu.dma_semaphore, #tpu.memory_space<semaphore_mem>>
      %dma_start3A_120 = arith.constant 0 : i32
      %dma_start3A_121 = tpu.memref_slice %arg14[%mul3A_4, %dma_start3A_120] : memref<10240x128xf32, #tpu.memory_space<vmem_shared>> -> memref<640x128xf32, #tpu.memory_space<vmem_shared>>
      tpu.enqueue_dma source(%arg6 : memref<640x128xf32, #tpu.memory_space<hbm>>) target(%dma_start3A_121 : memref<640x128xf32, #tpu.memory_space<vmem_shared>>) target_semaphore(%run_scoped3A : memref<!tpu.dma_semaphore, #tpu.memory_space<semaphore_mem>>)
      %dma_wait3A_122 = arith.constant 0 : i32
      %dma_wait3A_123 = tpu.memref_slice %arg14[%mul3A_4, %dma_wait3A_122] : memref<10240x128xf32, #tpu.memory_space<vmem_shared>> -> memref<640x128xf32, #tpu.memory_space<vmem_shared>>
      tpu.wait_dma2 semaphore(%run_scoped3A : memref<!tpu.dma_semaphore, #tpu.memory_space<semaphore_mem>>) src(%arg6 : memref<640x128xf32, #tpu.memory_space<hbm>>) dst(%dma_wait3A_123 : memref<640x128xf32, #tpu.memory_space<vmem_shared>>)
      tpu.yield
    }) : () -> ()
    %barrier3A = arith.constant 0 : index
    tpu.barrier barrier_id(%barrier3A)
    %add3A_5 = arith.constant 0 : i32
    %add3A_6 = arith.addi %mul3A_2, %add3A_5 : i32
    %mul3A_7 = arith.constant 80 : i32
    %mul3A_8 = arith.muli %add3A_6, %mul3A_7 : i32
    %dma_start3A = arith.constant 0 : i32
    %dma_start3A_9 = arith.constant 0 : i32
    %dma_start3A_10 = tpu.memref_slice %arg8[%dma_start3A, %dma_start3A_9] : memref<4x80xi32, #tpu.memory_space<vmem>> -> memref<1x80xi32, #tpu.memory_space<vmem>>
    %dma_start3A_11 = tpu.memref_squeeze %dma_start3A_10 : memref<1x80xi32, #tpu.memory_space<vmem>> -> memref<80xi32, #tpu.memory_space<vmem>>
    %dma_start3A_12 = tpu.memref_slice %arg4[%mul3A_8] : memref<327680xi32, #tpu.memory_space<hbm>> -> memref<80xi32, #tpu.memory_space<hbm>>
    %dma_start3A_13 = arith.constant 0 : i32
    %dma_start3A_14 = tpu.memref_slice %arg8[%dma_start3A, %dma_start3A_13] : memref<4x80xi32, #tpu.memory_space<vmem>> -> memref<1x80xi32, #tpu.memory_space<vmem>>
    %dma_start3A_15 = tpu.memref_squeeze %dma_start3A_14 : memref<1x80xi32, #tpu.memory_space<vmem>> -> memref<80xi32, #tpu.memory_space<vmem>>
    %dma_start3A_16 = tpu.memref_slice %arg4[%mul3A_8] : memref<327680xi32, #tpu.memory_space<hbm>> -> memref<80xi32, #tpu.memory_space<hbm>>
    tpu.enqueue_dma source(%dma_start3A_16 : memref<80xi32, #tpu.memory_space<hbm>>) target(%dma_start3A_15 : memref<80xi32, #tpu.memory_space<vmem>>) target_semaphore(%arg15 : memref<!tpu.dma_semaphore, #tpu.memory_space<semaphore_mem>>)
    %dma_start3A_17 = arith.constant 0 : i32
    %dma_start3A_18 = arith.constant 0 : i32
    %dma_start3A_19 = tpu.memref_slice %arg9[%dma_start3A_17, %dma_start3A_18] : memref<4x80xi32, #tpu.memory_space<vmem>> -> memref<1x80xi32, #tpu.memory_space<vmem>>
    %dma_start3A_20 = tpu.memref_squeeze %dma_start3A_19 : memref<1x80xi32, #tpu.memory_space<vmem>> -> memref<80xi32, #tpu.memory_space<vmem>>
    %dma_start3A_21 = tpu.memref_slice %arg5[%mul3A_8] : memref<327680xi32, #tpu.memory_space<hbm>> -> memref<80xi32, #tpu.memory_space<hbm>>
    %dma_start3A_22 = arith.constant 0 : i32
    %dma_start3A_23 = tpu.memref_slice %arg9[%dma_start3A_17, %dma_start3A_22] : memref<4x80xi32, #tpu.memory_space<vmem>> -> memref<1x80xi32, #tpu.memory_space<vmem>>
    %dma_start3A_24 = tpu.memref_squeeze %dma_start3A_23 : memref<1x80xi32, #tpu.memory_space<vmem>> -> memref<80xi32, #tpu.memory_space<vmem>>
    %dma_start3A_25 = tpu.memref_slice %arg5[%mul3A_8] : memref<327680xi32, #tpu.memory_space<hbm>> -> memref<80xi32, #tpu.memory_space<hbm>>
    tpu.enqueue_dma source(%dma_start3A_25 : memref<80xi32, #tpu.memory_space<hbm>>) target(%dma_start3A_24 : memref<80xi32, #tpu.memory_space<vmem>>) target_semaphore(%arg15 : memref<!tpu.dma_semaphore, #tpu.memory_space<semaphore_mem>>)
    %add3A_26 = arith.constant 1 : i32
    %add3A_27 = arith.addi %mul3A_2, %add3A_26 : i32
    %mul3A_28 = arith.constant 80 : i32
    %mul3A_29 = arith.muli %add3A_27, %mul3A_28 : i32
    %dma_start3A_30 = arith.constant 1 : i32
    %dma_start3A_31 = arith.constant 0 : i32
    %dma_start3A_32 = tpu.memref_slice %arg8[%dma_start3A_30, %dma_start3A_31] : memref<4x80xi32, #tpu.memory_space<vmem>> -> memref<1x80xi32, #tpu.memory_space<vmem>>
    %dma_start3A_33 = tpu.memref_squeeze %dma_start3A_32 : memref<1x80xi32, #tpu.memory_space<vmem>> -> memref<80xi32, #tpu.memory_space<vmem>>
    %dma_start3A_34 = tpu.memref_slice %arg4[%mul3A_29] : memref<327680xi32, #tpu.memory_space<hbm>> -> memref<80xi32, #tpu.memory_space<hbm>>
    %dma_start3A_35 = arith.constant 0 : i32
    %dma_start3A_36 = tpu.memref_slice %arg8[%dma_start3A_30, %dma_start3A_35] : memref<4x80xi32, #tpu.memory_space<vmem>> -> memref<1x80xi32, #tpu.memory_space<vmem>>
    %dma_start3A_37 = tpu.memref_squeeze %dma_start3A_36 : memref<1x80xi32, #tpu.memory_space<vmem>> -> memref<80xi32, #tpu.memory_space<vmem>>
    %dma_start3A_38 = tpu.memref_slice %arg4[%mul3A_29] : memref<327680xi32, #tpu.memory_space<hbm>> -> memref<80xi32, #tpu.memory_space<hbm>>
    tpu.enqueue_dma source(%dma_start3A_38 : memref<80xi32, #tpu.memory_space<hbm>>) target(%dma_start3A_37 : memref<80xi32, #tpu.memory_space<vmem>>) target_semaphore(%arg15 : memref<!tpu.dma_semaphore, #tpu.memory_space<semaphore_mem>>)
    %dma_start3A_39 = arith.constant 1 : i32
    %dma_start3A_40 = arith.constant 0 : i32
    %dma_start3A_41 = tpu.memref_slice %arg9[%dma_start3A_39, %dma_start3A_40] : memref<4x80xi32, #tpu.memory_space<vmem>> -> memref<1x80xi32, #tpu.memory_space<vmem>>
    %dma_start3A_42 = tpu.memref_squeeze %dma_start3A_41 : memref<1x80xi32, #tpu.memory_space<vmem>> -> memref<80xi32, #tpu.memory_space<vmem>>
    %dma_start3A_43 = tpu.memref_slice %arg5[%mul3A_29] : memref<327680xi32, #tpu.memory_space<hbm>> -> memref<80xi32, #tpu.memory_space<hbm>>
    %dma_start3A_44 = arith.constant 0 : i32
    %dma_start3A_45 = tpu.memref_slice %arg9[%dma_start3A_39, %dma_start3A_44] : memref<4x80xi32, #tpu.memory_space<vmem>> -> memref<1x80xi32, #tpu.memory_space<vmem>>
    %dma_start3A_46 = tpu.memref_squeeze %dma_start3A_45 : memref<1x80xi32, #tpu.memory_space<vmem>> -> memref<80xi32, #tpu.memory_space<vmem>>
    %dma_start3A_47 = tpu.memref_slice %arg5[%mul3A_29] : memref<327680xi32, #tpu.memory_space<hbm>> -> memref<80xi32, #tpu.memory_space<hbm>>
    tpu.enqueue_dma source(%dma_start3A_47 : memref<80xi32, #tpu.memory_space<hbm>>) target(%dma_start3A_46 : memref<80xi32, #tpu.memory_space<vmem>>) target_semaphore(%arg15 : memref<!tpu.dma_semaphore, #tpu.memory_space<semaphore_mem>>)
    %dma_wait3A = arith.constant 0 : i32
    %dma_wait3A_48 = arith.constant 0 : i32
    %dma_wait3A_49 = tpu.memref_slice %arg8[%dma_wait3A, %dma_wait3A_48] : memref<4x80xi32, #tpu.memory_space<vmem>> -> memref<1x80xi32, #tpu.memory_space<vmem>>
    %dma_wait3A_50 = tpu.memref_squeeze %dma_wait3A_49 : memref<1x80xi32, #tpu.memory_space<vmem>> -> memref<80xi32, #tpu.memory_space<vmem>>
    %dma_wait3A_51 = arith.constant 0 : i32
    %dma_wait3A_52 = tpu.memref_slice %arg4[%dma_wait3A_51] : memref<327680xi32, #tpu.memory_space<hbm>> -> memref<80xi32, #tpu.memory_space<hbm>>
    %dma_wait3A_53 = arith.constant 0 : i32
    %dma_wait3A_54 = tpu.memref_slice %arg8[%dma_wait3A, %dma_wait3A_53] : memref<4x80xi32, #tpu.memory_space<vmem>> -> memref<1x80xi32, #tpu.memory_space<vmem>>
    %dma_wait3A_55 = tpu.memref_squeeze %dma_wait3A_54 : memref<1x80xi32, #tpu.memory_space<vmem>> -> memref<80xi32, #tpu.memory_space<vmem>>
    %dma_wait3A_56 = arith.constant 0 : i32
    %dma_wait3A_57 = tpu.memref_slice %arg4[%dma_wait3A_56] : memref<327680xi32, #tpu.memory_space<hbm>> -> memref<80xi32, #tpu.memory_space<hbm>>
    tpu.wait_dma2 semaphore(%arg15 : memref<!tpu.dma_semaphore, #tpu.memory_space<semaphore_mem>>) src(%dma_wait3A_57 : memref<80xi32, #tpu.memory_space<hbm>>) dst(%dma_wait3A_55 : memref<80xi32, #tpu.memory_space<vmem>>)
    %dma_wait3A_58 = arith.constant 0 : i32
    %dma_wait3A_59 = arith.constant 0 : i32
    %dma_wait3A_60 = tpu.memref_slice %arg9[%dma_wait3A_58, %dma_wait3A_59] : memref<4x80xi32, #tpu.memory_space<vmem>> -> memref<1x80xi32, #tpu.memory_space<vmem>>
    %dma_wait3A_61 = tpu.memref_squeeze %dma_wait3A_60 : memref<1x80xi32, #tpu.memory_space<vmem>> -> memref<80xi32, #tpu.memory_space<vmem>>
    %dma_wait3A_62 = arith.constant 0 : i32
    %dma_wait3A_63 = tpu.memref_slice %arg5[%dma_wait3A_62] : memref<327680xi32, #tpu.memory_space<hbm>> -> memref<80xi32, #tpu.memory_space<hbm>>
    %dma_wait3A_64 = arith.constant 0 : i32
    %dma_wait3A_65 = tpu.memref_slice %arg9[%dma_wait3A_58, %dma_wait3A_64] : memref<4x80xi32, #tpu.memory_space<vmem>> -> memref<1x80xi32, #tpu.memory_space<vmem>>
    %dma_wait3A_66 = tpu.memref_squeeze %dma_wait3A_65 : memref<1x80xi32, #tpu.memory_space<vmem>> -> memref<80xi32, #tpu.memory_space<vmem>>
    %dma_wait3A_67 = arith.constant 0 : i32
    %dma_wait3A_68 = tpu.memref_slice %arg5[%dma_wait3A_67] : memref<327680xi32, #tpu.memory_space<hbm>> -> memref<80xi32, #tpu.memory_space<hbm>>
    tpu.wait_dma2 semaphore(%arg15 : memref<!tpu.dma_semaphore, #tpu.memory_space<semaphore_mem>>) src(%dma_wait3A_68 : memref<80xi32, #tpu.memory_space<hbm>>) dst(%dma_wait3A_66 : memref<80xi32, #tpu.memory_space<vmem>>)
    %dma_wait3A_69 = arith.constant 0 : i32
    %dma_wait3A_70 = arith.constant 0 : i32
    %dma_wait3A_71 = tpu.memref_slice %arg8[%dma_wait3A_69, %dma_wait3A_70] : memref<4x80xi32, #tpu.memory_space<vmem>> -> memref<1x80xi32, #tpu.memory_space<vmem>>
    %dma_wait3A_72 = tpu.memref_squeeze %dma_wait3A_71 : memref<1x80xi32, #tpu.memory_space<vmem>> -> memref<80xi32, #tpu.memory_space<vmem>>
    %dma_wait3A_73 = arith.constant 0 : i32
    %dma_wait3A_74 = tpu.memref_slice %arg4[%dma_wait3A_73] : memref<327680xi32, #tpu.memory_space<hbm>> -> memref<80xi32, #tpu.memory_space<hbm>>
    %dma_wait3A_75 = arith.constant 0 : i32
    %dma_wait3A_76 = tpu.memref_slice %arg8[%dma_wait3A_69, %dma_wait3A_75] : memref<4x80xi32, #tpu.memory_space<vmem>> -> memref<1x80xi32, #tpu.memory_space<vmem>>
    %dma_wait3A_77 = tpu.memref_squeeze %dma_wait3A_76 : memref<1x80xi32, #tpu.memory_space<vmem>> -> memref<80xi32, #tpu.memory_space<vmem>>
    %dma_wait3A_78 = arith.constant 0 : i32
    %dma_wait3A_79 = tpu.memref_slice %arg4[%dma_wait3A_78] : memref<327680xi32, #tpu.memory_space<hbm>> -> memref<80xi32, #tpu.memory_space<hbm>>
    tpu.wait_dma2 semaphore(%arg15 : memref<!tpu.dma_semaphore, #tpu.memory_space<semaphore_mem>>) src(%dma_wait3A_79 : memref<80xi32, #tpu.memory_space<hbm>>) dst(%dma_wait3A_77 : memref<80xi32, #tpu.memory_space<vmem>>)
    %dma_wait3A_80 = arith.constant 0 : i32
    %dma_wait3A_81 = arith.constant 0 : i32
    %dma_wait3A_82 = tpu.memref_slice %arg9[%dma_wait3A_80, %dma_wait3A_81] : memref<4x80xi32, #tpu.memory_space<vmem>> -> memref<1x80xi32, #tpu.memory_space<vmem>>
    %dma_wait3A_83 = tpu.memref_squeeze %dma_wait3A_82 : memref<1x80xi32, #tpu.memory_space<vmem>> -> memref<80xi32, #tpu.memory_space<vmem>>
    %dma_wait3A_84 = arith.constant 0 : i32
    %dma_wait3A_85 = tpu.memref_slice %arg5[%dma_wait3A_84] : memref<327680xi32, #tpu.memory_space<hbm>> -> memref<80xi32, #tpu.memory_space<hbm>>
    %dma_wait3A_86 = arith.constant 0 : i32
    %dma_wait3A_87 = tpu.memref_slice %arg9[%dma_wait3A_80, %dma_wait3A_86] : memref<4x80xi32, #tpu.memory_space<vmem>> -> memref<1x80xi32, #tpu.memory_space<vmem>>
    %dma_wait3A_88 = tpu.memref_squeeze %dma_wait3A_87 : memref<1x80xi32, #tpu.memory_space<vmem>> -> memref<80xi32, #tpu.memory_space<vmem>>
    %dma_wait3A_89 = arith.constant 0 : i32
    %dma_wait3A_90 = tpu.memref_slice %arg5[%dma_wait3A_89] : memref<327680xi32, #tpu.memory_space<hbm>> -> memref<80xi32, #tpu.memory_space<hbm>>
    tpu.wait_dma2 semaphore(%arg15 : memref<!tpu.dma_semaphore, #tpu.memory_space<semaphore_mem>>) src(%dma_wait3A_90 : memref<80xi32, #tpu.memory_space<hbm>>) dst(%dma_wait3A_88 : memref<80xi32, #tpu.memory_space<vmem>>)
    %add3A_91 = arith.constant 0 : i32
    %add3A_92 = arith.addi %mul3A_2, %add3A_91 : i32
    %mul3A_93 = arith.constant 80 : i32
    %mul3A_94 = arith.muli %add3A_92, %mul3A_93 : i32
    %dma_start3A_95 = arith.constant 0 : i32
    %dma_start3A_96 = tpu.memref_slice %arg3[%mul3A_94, %dma_start3A_95] : memref<327680x128xf32, #tpu.memory_space<hbm>> -> memref<80x128xf32, #tpu.memory_space<hbm>>
    %dma_start3A_97 = arith.constant 0 : i32
    %dma_start3A_98 = tpu.memref_slice %arg3[%mul3A_94, %dma_start3A_97] : memref<327680x128xf32, #tpu.memory_space<hbm>> -> memref<80x128xf32, #tpu.memory_space<hbm>>
    tpu.enqueue_dma source(%dma_start3A_98 : memref<80x128xf32, #tpu.memory_space<hbm>>) target(%arg12 : memref<80x128xf32, #tpu.memory_space<vmem>>) target_semaphore(%arg18 : memref<!tpu.dma_semaphore, #tpu.memory_space<semaphore_mem>>)
    %dma_start3A_99 = arith.constant 0 : i32
    %dma_start3A_100 = arith.constant 0 : i32
    %dma_start3A_101 = tpu.memref_slice %arg8[%dma_start3A_99, %dma_start3A_100] : memref<4x80xi32, #tpu.memory_space<vmem>> -> memref<1x80xi32, #tpu.memory_space<vmem>>
    %dma_start3A_102 = tpu.memref_squeeze %dma_start3A_101 : memref<1x80xi32, #tpu.memory_space<vmem>> -> memref<80xi32, #tpu.memory_space<vmem>>
    %dma_start3A_103 = arith.constant 0 : i32
    %dma_start3A_104 = arith.constant 0 : i32
    %dma_start3A_105 = tpu.memref_slice %arg2[%dma_start3A_103, %dma_start3A_104] : memref<10000x128xf32, #tpu.memory_space<hbm>> -> memref<10000x128xf32, #tpu.memory_space<hbm>>
    tpu.enqueue_indirect_dma source(%dma_start3A_105 : memref<10000x128xf32, #tpu.memory_space<hbm>>) target(%arg10 : memref<80x128xf32, #tpu.memory_space<vmem>>) offsets(%dma_start3A_102 : memref<80xi32, #tpu.memory_space<vmem>>) semaphore(%arg16 : memref<!tpu.dma_semaphore, #tpu.memory_space<semaphore_mem>>)
    %scan3A = arith.constant 0 : i32
    %scan3A_106 = arith.constant 0 : i32
    %scan3A_107 = arith.constant 64 : i32
    %scan3A_108 = arith.addi %scan3A_106, %scan3A_107 : i32
    %scan3A_109 = arith.constant 1 : i32
    %scan3A_110 = scf.for %scan3A_120 = %scan3A_106 to %scan3A_108 step %scan3A_109 iter_args(%scan3A_121 = %scan3A) -> (i32)  : i32 {
      %mul3A_122 = arith.constant 2 : i32
      %mul3A_123 = arith.muli %scan3A_120, %mul3A_122 : i32
      %rem3A = arith.constant 4 : i32
      %rem3A_124 = arith.remsi %mul3A_123, %rem3A : i32
      %add3A_125 = arith.constant 1 : i32
      %add3A_126 = arith.addi %mul3A_123, %add3A_125 : i32
      %rem3A_127 = arith.constant 4 : i32
      %rem3A_128 = arith.remsi %add3A_126, %rem3A_127 : i32
      %add3A_129 = arith.constant 2 : i32
      %add3A_130 = arith.addi %mul3A_123, %add3A_129 : i32
      %rem3A_131 = arith.constant 4 : i32
      %rem3A_132 = arith.remsi %add3A_130, %rem3A_131 : i32
      %add3A_133 = arith.constant 3 : i32
      %add3A_134 = arith.addi %mul3A_123, %add3A_133 : i32
      %rem3A_135 = arith.constant 4 : i32
      %rem3A_136 = arith.remsi %add3A_134, %rem3A_135 : i32
      %lt3A = arith.constant 63 : i32
      %lt3A_137 = arith.cmpi slt, %scan3A_120, %lt3A : i32
      %convert_element_type3A = arith.extui %lt3A_137 : i1 to i32
      %cond3A = arith.constant 0 : i32
      %cond3A_138 = arith.cmpi ne, %convert_element_type3A, %cond3A : i32
      scf.if %cond3A_138 {
        %add3A_189 = arith.constant 2 : i32
        %add3A_190 = arith.addi %mul3A_123, %add3A_189 : i32
        %add3A_191 = arith.addi %mul3A_2, %add3A_190 : i32
        %mul3A_192 = arith.constant 80 : i32
        %mul3A_193 = arith.muli %add3A_191, %mul3A_192 : i32
        %dma_start3A_194 = arith.constant 0 : i32
        %dma_start3A_195 = tpu.memref_slice %arg8[%rem3A_132, %dma_start3A_194] : memref<4x80xi32, #tpu.memory_space<vmem>> -> memref<1x80xi32, #tpu.memory_space<vmem>>
        %dma_start3A_196 = tpu.memref_squeeze %dma_start3A_195 : memref<1x80xi32, #tpu.memory_space<vmem>> -> memref<80xi32, #tpu.memory_space<vmem>>
        %dma_start3A_197 = tpu.memref_slice %arg4[%mul3A_193] : memref<327680xi32, #tpu.memory_space<hbm>> -> memref<80xi32, #tpu.memory_space<hbm>>
        %dma_start3A_198 = arith.constant 0 : i32
        %dma_start3A_199 = tpu.memref_slice %arg8[%rem3A_132, %dma_start3A_198] : memref<4x80xi32, #tpu.memory_space<vmem>> -> memref<1x80xi32, #tpu.memory_space<vmem>>
        %dma_start3A_200 = tpu.memref_squeeze %dma_start3A_199 : memref<1x80xi32, #tpu.memory_space<vmem>> -> memref<80xi32, #tpu.memory_space<vmem>>
        %dma_start3A_201 = tpu.memref_slice %arg4[%mul3A_193] : memref<327680xi32, #tpu.memory_space<hbm>> -> memref<80xi32, #tpu.memory_space<hbm>>
        tpu.enqueue_dma source(%dma_start3A_201 : memref<80xi32, #tpu.memory_space<hbm>>) target(%dma_start3A_200 : memref<80xi32, #tpu.memory_space<vmem>>) target_semaphore(%arg15 : memref<!tpu.dma_semaphore, #tpu.memory_space<semaphore_mem>>)
        %dma_start3A_202 = arith.constant 0 : i32
        %dma_start3A_203 = tpu.memref_slice %arg9[%rem3A_132, %dma_start3A_202] : memref<4x80xi32, #tpu.memory_space<vmem>> -> memref<1x80xi32, #tpu.memory_space<vmem>>
        %dma_start3A_204 = tpu.memref_squeeze %dma_start3A_203 : memref<1x80xi32, #tpu.memory_space<vmem>> -> memref<80xi32, #tpu.memory_space<vmem>>
        %dma_start3A_205 = tpu.memref_slice %arg5[%mul3A_193] : memref<327680xi32, #tpu.memory_space<hbm>> -> memref<80xi32, #tpu.memory_space<hbm>>
        %dma_start3A_206 = arith.constant 0 : i32
        %dma_start3A_207 = tpu.memref_slice %arg9[%rem3A_132, %dma_start3A_206] : memref<4x80xi32, #tpu.memory_space<vmem>> -> memref<1x80xi32, #tpu.memory_space<vmem>>
        %dma_start3A_208 = tpu.memref_squeeze %dma_start3A_207 : memref<1x80xi32, #tpu.memory_space<vmem>> -> memref<80xi32, #tpu.memory_space<vmem>>
        %dma_start3A_209 = tpu.memref_slice %arg5[%mul3A_193] : memref<327680xi32, #tpu.memory_space<hbm>> -> memref<80xi32, #tpu.memory_space<hbm>>
        tpu.enqueue_dma source(%dma_start3A_209 : memref<80xi32, #tpu.memory_space<hbm>>) target(%dma_start3A_208 : memref<80xi32, #tpu.memory_space<vmem>>) target_semaphore(%arg15 : memref<!tpu.dma_semaphore, #tpu.memory_space<semaphore_mem>>)
        %add3A_210 = arith.constant 3 : i32
        %add3A_211 = arith.addi %mul3A_123, %add3A_210 : i32
        %add3A_212 = arith.addi %mul3A_2, %add3A_211 : i32
        %mul3A_213 = arith.constant 80 : i32
        %mul3A_214 = arith.muli %add3A_212, %mul3A_213 : i32
        %dma_start3A_215 = arith.constant 0 : i32
        %dma_start3A_216 = tpu.memref_slice %arg8[%rem3A_136, %dma_start3A_215] : memref<4x80xi32, #tpu.memory_space<vmem>> -> memref<1x80xi32, #tpu.memory_space<vmem>>
        %dma_start3A_217 = tpu.memref_squeeze %dma_start3A_216 : memref<1x80xi32, #tpu.memory_space<vmem>> -> memref<80xi32, #tpu.memory_space<vmem>>
        %dma_start3A_218 = tpu.memref_slice %arg4[%mul3A_214] : memref<327680xi32, #tpu.memory_space<hbm>> -> memref<80xi32, #tpu.memory_space<hbm>>
        %dma_start3A_219 = arith.constant 0 : i32
        %dma_start3A_220 = tpu.memref_slice %arg8[%rem3A_136, %dma_start3A_219] : memref<4x80xi32, #tpu.memory_space<vmem>> -> memref<1x80xi32, #tpu.memory_space<vmem>>
        %dma_start3A_221 = tpu.memref_squeeze %dma_start3A_220 : memref<1x80xi32, #tpu.memory_space<vmem>> -> memref<80xi32, #tpu.memory_space<vmem>>
        %dma_start3A_222 = tpu.memref_slice %arg4[%mul3A_214] : memref<327680xi32, #tpu.memory_space<hbm>> -> memref<80xi32, #tpu.memory_space<hbm>>
        tpu.enqueue_dma source(%dma_start3A_222 : memref<80xi32, #tpu.memory_space<hbm>>) target(%dma_start3A_221 : memref<80xi32, #tpu.memory_space<vmem>>) target_semaphore(%arg15 : memref<!tpu.dma_semaphore, #tpu.memory_space<semaphore_mem>>)
        %dma_start3A_223 = arith.constant 0 : i32
        %dma_start3A_224 = tpu.memref_slice %arg9[%rem3A_136, %dma_start3A_223] : memref<4x80xi32, #tpu.memory_space<vmem>> -> memref<1x80xi32, #tpu.memory_space<vmem>>
        %dma_start3A_225 = tpu.memref_squeeze %dma_start3A_224 : memref<1x80xi32, #tpu.memory_space<vmem>> -> memref<80xi32, #tpu.memory_space<vmem>>
        %dma_start3A_226 = tpu.memref_slice %arg5[%mul3A_214] : memref<327680xi32, #tpu.memory_space<hbm>> -> memref<80xi32, #tpu.memory_space<hbm>>
        %dma_start3A_227 = arith.constant 0 : i32
        %dma_start3A_228 = tpu.memref_slice %arg9[%rem3A_136, %dma_start3A_227] : memref<4x80xi32, #tpu.memory_space<vmem>> -> memref<1x80xi32, #tpu.memory_space<vmem>>
        %dma_start3A_229 = tpu.memref_squeeze %dma_start3A_228 : memref<1x80xi32, #tpu.memory_space<vmem>> -> memref<80xi32, #tpu.memory_space<vmem>>
        %dma_start3A_230 = tpu.memref_slice %arg5[%mul3A_214] : memref<327680xi32, #tpu.memory_space<hbm>> -> memref<80xi32, #tpu.memory_space<hbm>>
        tpu.enqueue_dma source(%dma_start3A_230 : memref<80xi32, #tpu.memory_space<hbm>>) target(%dma_start3A_229 : memref<80xi32, #tpu.memory_space<vmem>>) target_semaphore(%arg15 : memref<!tpu.dma_semaphore, #tpu.memory_space<semaphore_mem>>)
      } else {
      }
      %add3A_139 = arith.constant 1 : i32
      %add3A_140 = arith.addi %mul3A_123, %add3A_139 : i32
      %add3A_141 = arith.addi %mul3A_2, %add3A_140 : i32
      %mul3A_142 = arith.constant 80 : i32
      %mul3A_143 = arith.muli %add3A_141, %mul3A_142 : i32
      %dma_start3A_144 = arith.constant 0 : i32
      %dma_start3A_145 = tpu.memref_slice %arg3[%mul3A_143, %dma_start3A_144] : memref<327680x128xf32, #tpu.memory_space<hbm>> -> memref<80x128xf32, #tpu.memory_space<hbm>>
      %dma_start3A_146 = arith.constant 0 : i32
      %dma_start3A_147 = tpu.memref_slice %arg3[%mul3A_143, %dma_start3A_146] : memref<327680x128xf32, #tpu.memory_space<hbm>> -> memref<80x128xf32, #tpu.memory_space<hbm>>
      tpu.enqueue_dma source(%dma_start3A_147 : memref<80x128xf32, #tpu.memory_space<hbm>>) target(%arg13 : memref<80x128xf32, #tpu.memory_space<vmem>>) target_semaphore(%arg19 : memref<!tpu.dma_semaphore, #tpu.memory_space<semaphore_mem>>)
      %dma_start3A_148 = arith.constant 0 : i32
      %dma_start3A_149 = tpu.memref_slice %arg8[%rem3A_128, %dma_start3A_148] : memref<4x80xi32, #tpu.memory_space<vmem>> -> memref<1x80xi32, #tpu.memory_space<vmem>>
      %dma_start3A_150 = tpu.memref_squeeze %dma_start3A_149 : memref<1x80xi32, #tpu.memory_space<vmem>> -> memref<80xi32, #tpu.memory_space<vmem>>
      %dma_start3A_151 = arith.constant 0 : i32
      %dma_start3A_152 = arith.constant 0 : i32
      %dma_start3A_153 = tpu.memref_slice %arg2[%dma_start3A_151, %dma_start3A_152] : memref<10000x128xf32, #tpu.memory_space<hbm>> -> memref<10000x128xf32, #tpu.memory_space<hbm>>
      tpu.enqueue_indirect_dma source(%dma_start3A_153 : memref<10000x128xf32, #tpu.memory_space<hbm>>) target(%arg11 : memref<80x128xf32, #tpu.memory_space<vmem>>) offsets(%dma_start3A_150 : memref<80xi32, #tpu.memory_space<vmem>>) semaphore(%arg17 : memref<!tpu.dma_semaphore, #tpu.memory_space<semaphore_mem>>)
      %dma_wait3A_154 = arith.constant 0 : i32
      %dma_wait3A_155 = arith.constant 0 : i32
      %dma_wait3A_156 = tpu.memref_slice %arg3[%dma_wait3A_154, %dma_wait3A_155] : memref<327680x128xf32, #tpu.memory_space<hbm>> -> memref<80x128xf32, #tpu.memory_space<hbm>>
      %dma_wait3A_157 = arith.constant 0 : i32
      %dma_wait3A_158 = arith.constant 0 : i32
      %dma_wait3A_159 = tpu.memref_slice %arg3[%dma_wait3A_157, %dma_wait3A_158] : memref<327680x128xf32, #tpu.memory_space<hbm>> -> memref<80x128xf32, #tpu.memory_space<hbm>>
      tpu.wait_dma2 semaphore(%arg18 : memref<!tpu.dma_semaphore, #tpu.memory_space<semaphore_mem>>) src(%dma_wait3A_159 : memref<80x128xf32, #tpu.memory_space<hbm>>) dst(%arg12 : memref<80x128xf32, #tpu.memory_space<vmem>>)
      %dma_wait3A_160 = arith.constant 0 : i32
      %dma_wait3A_161 = arith.constant 0 : i32
      %dma_wait3A_162 = tpu.memref_slice %arg8[%dma_wait3A_160, %dma_wait3A_161] : memref<4x80xi32, #tpu.memory_space<vmem>> -> memref<1x80xi32, #tpu.memory_space<vmem>>
      %dma_wait3A_163 = tpu.memref_squeeze %dma_wait3A_162 : memref<1x80xi32, #tpu.memory_space<vmem>> -> memref<80xi32, #tpu.memory_space<vmem>>
      %dma_wait3A_164 = arith.constant 0 : i32
      %dma_wait3A_165 = arith.constant 0 : i32
      %dma_wait3A_166 = tpu.memref_slice %arg2[%dma_wait3A_164, %dma_wait3A_165] : memref<10000x128xf32, #tpu.memory_space<hbm>> -> memref<10000x128xf32, #tpu.memory_space<hbm>>
      tpu.wait_indirect_dma semaphore(%arg16 : memref<!tpu.dma_semaphore, #tpu.memory_space<semaphore_mem>>) src(%dma_wait3A_166 : memref<10000x128xf32, #tpu.memory_space<hbm>>) dst(%arg10 : memref<80x128xf32, #tpu.memory_space<vmem>>)
      %parallel_loop3A = arith.constant 0 : i32
      %parallel_loop3A_167 = arith.constant 80 : i32
      %parallel_loop3A_168 = arith.constant 1 : i32
      scf.for %parallel_loop3A_189 = %parallel_loop3A to %parallel_loop3A_167 step %parallel_loop3A_168  : i32 {
        %parallel_loop3A_190 = arith.index_cast %parallel_loop3A_189 : i32 to index
        %parallel_loop3A_191 = arith.constant 0 : index
        %parallel_loop3A_192 = tpu.vector_load %arg10[%parallel_loop3A_190, %parallel_loop3A_191] {strides = array<i32>} : memref<80x128xf32, #tpu.memory_space<vmem>>, vector<1x16xf32>,
        %parallel_loop3A_193 = vector.shape_cast %parallel_loop3A_192 : vector<1x16xf32> to vector<16xf32>
        %parallel_loop3A_194 = arith.index_cast %parallel_loop3A_189 : i32 to index
        %parallel_loop3A_195 = arith.constant 0 : index
        %parallel_loop3A_196 = tpu.vector_load %arg12[%parallel_loop3A_194, %parallel_loop3A_195] {strides = array<i32>} : memref<80x128xf32, #tpu.memory_space<vmem>>, vector<1x16xf32>,
        %parallel_loop3A_197 = vector.shape_cast %parallel_loop3A_196 : vector<1x16xf32> to vector<16xf32>
        %parallel_loop3A_198 = arith.mulf %parallel_loop3A_193, %parallel_loop3A_197 : vector<16xf32>
        %parallel_loop3A_199 = arith.index_cast %parallel_loop3A_189 : i32 to index
        %parallel_loop3A_200 = arith.constant 0 : index
        %parallel_loop3A_201 = tpu.vector_load %arg10[%parallel_loop3A_199, %parallel_loop3A_200] {strides = array<i32>} : memref<80x128xf32, #tpu.memory_space<vmem>>, vector<1x16xf32>,
        %parallel_loop3A_202 = vector.shape_cast %parallel_loop3A_201 : vector<1x16xf32> to vector<16xf32>
        %parallel_loop3A_203 = vector.shape_cast %parallel_loop3A_198 : vector<16xf32> to vector<1x16xf32>
        tpu.vector_store %arg10[%parallel_loop3A_199, %parallel_loop3A_200], %parallel_loop3A_203 {strides = array<i32>} : memref<80x128xf32, #tpu.memory_space<vmem>>, vector<1x16xf32>,
        %parallel_loop3A_204 = arith.index_cast %parallel_loop3A_189 : i32 to index
        %parallel_loop3A_205 = arith.constant 16 : index
        %parallel_loop3A_206 = tpu.vector_load %arg10[%parallel_loop3A_204, %parallel_loop3A_205] {strides = array<i32>} : memref<80x128xf32, #tpu.memory_space<vmem>>, vector<1x16xf32>,
        %parallel_loop3A_207 = vector.shape_cast %parallel_loop3A_206 : vector<1x16xf32> to vector<16xf32>
        %parallel_loop3A_208 = arith.index_cast %parallel_loop3A_189 : i32 to index
        %parallel_loop3A_209 = arith.constant 16 : index
        %parallel_loop3A_210 = tpu.vector_load %arg12[%parallel_loop3A_208, %parallel_loop3A_209] {strides = array<i32>} : memref<80x128xf32, #tpu.memory_space<vmem>>, vector<1x16xf32>,
        %parallel_loop3A_211 = vector.shape_cast %parallel_loop3A_210 : vector<1x16xf32> to vector<16xf32>
        %parallel_loop3A_212 = arith.mulf %parallel_loop3A_207, %parallel_loop3A_211 : vector<16xf32>
        %parallel_loop3A_213 = arith.index_cast %parallel_loop3A_189 : i32 to index
        %parallel_loop3A_214 = arith.constant 16 : index
        %parallel_loop3A_215 = tpu.vector_load %arg10[%parallel_loop3A_213, %parallel_loop3A_214] {strides = array<i32>} : memref<80x128xf32, #tpu.memory_space<vmem>>, vector<1x16xf32>,
        %parallel_loop3A_216 = vector.shape_cast %parallel_loop3A_215 : vector<1x16xf32> to vector<16xf32>
        %parallel_loop3A_217 = vector.shape_cast %parallel_loop3A_212 : vector<16xf32> to vector<1x16xf32>
        tpu.vector_store %arg10[%parallel_loop3A_213, %parallel_loop3A_214], %parallel_loop3A_217 {strides = array<i32>} : memref<80x128xf32, #tpu.memory_space<vmem>>, vector<1x16xf32>,
        %parallel_loop3A_218 = arith.index_cast %parallel_loop3A_189 : i32 to index
        %parallel_loop3A_219 = arith.constant 32 : index
        %parallel_loop3A_220 = tpu.vector_load %arg10[%parallel_loop3A_218, %parallel_loop3A_219] {strides = array<i32>} : memref<80x128xf32, #tpu.memory_space<vmem>>, vector<1x16xf32>,
        %parallel_loop3A_221 = vector.shape_cast %parallel_loop3A_220 : vector<1x16xf32> to vector<16xf32>
        %parallel_loop3A_222 = arith.index_cast %parallel_loop3A_189 : i32 to index
        %parallel_loop3A_223 = arith.constant 32 : index
        %parallel_loop3A_224 = tpu.vector_load %arg12[%parallel_loop3A_222, %parallel_loop3A_223] {strides = array<i32>} : memref<80x128xf32, #tpu.memory_space<vmem>>, vector<1x16xf32>,
        %parallel_loop3A_225 = vector.shape_cast %parallel_loop3A_224 : vector<1x16xf32> to vector<16xf32>
        %parallel_loop3A_226 = arith.mulf %parallel_loop3A_221, %parallel_loop3A_225 : vector<16xf32>
        %parallel_loop3A_227 = arith.index_cast %parallel_loop3A_189 : i32 to index
        %parallel_loop3A_228 = arith.constant 32 : index
        %parallel_loop3A_229 = tpu.vector_load %arg10[%parallel_loop3A_227, %parallel_loop3A_228] {strides = array<i32>} : memref<80x128xf32, #tpu.memory_space<vmem>>, vector<1x16xf32>,
        %parallel_loop3A_230 = vector.shape_cast %parallel_loop3A_229 : vector<1x16xf32> to vector<16xf32>
        %parallel_loop3A_231 = vector.shape_cast %parallel_loop3A_226 : vector<16xf32> to vector<1x16xf32>
        tpu.vector_store %arg10[%parallel_loop3A_227, %parallel_loop3A_228], %parallel_loop3A_231 {strides = array<i32>} : memref<80x128xf32, #tpu.memory_space<vmem>>, vector<1x16xf32>,
        %parallel_loop3A_232 = arith.index_cast %parallel_loop3A_189 : i32 to index
        %parallel_loop3A_233 = arith.constant 48 : index
        %parallel_loop3A_234 = tpu.vector_load %arg10[%parallel_loop3A_232, %parallel_loop3A_233] {strides = array<i32>} : memref<80x128xf32, #tpu.memory_space<vmem>>, vector<1x16xf32>,
        %parallel_loop3A_235 = vector.shape_cast %parallel_loop3A_234 : vector<1x16xf32> to vector<16xf32>
        %parallel_loop3A_236 = arith.index_cast %parallel_loop3A_189 : i32 to index
        %parallel_loop3A_237 = arith.constant 48 : index
        %parallel_loop3A_238 = tpu.vector_load %arg12[%parallel_loop3A_236, %parallel_loop3A_237] {strides = array<i32>} : memref<80x128xf32, #tpu.memory_space<vmem>>, vector<1x16xf32>,
        %parallel_loop3A_239 = vector.shape_cast %parallel_loop3A_238 : vector<1x16xf32> to vector<16xf32>
        %parallel_loop3A_240 = arith.mulf %parallel_loop3A_235, %parallel_loop3A_239 : vector<16xf32>
        %parallel_loop3A_241 = arith.index_cast %parallel_loop3A_189 : i32 to index
        %parallel_loop3A_242 = arith.constant 48 : index
        %parallel_loop3A_243 = tpu.vector_load %arg10[%parallel_loop3A_241, %parallel_loop3A_242] {strides = array<i32>} : memref<80x128xf32, #tpu.memory_space<vmem>>, vector<1x16xf32>,
        %parallel_loop3A_244 = vector.shape_cast %parallel_loop3A_243 : vector<1x16xf32> to vector<16xf32>
        %parallel_loop3A_245 = vector.shape_cast %parallel_loop3A_240 : vector<16xf32> to vector<1x16xf32>
        tpu.vector_store %arg10[%parallel_loop3A_241, %parallel_loop3A_242], %parallel_loop3A_245 {strides = array<i32>} : memref<80x128xf32, #tpu.memory_space<vmem>>, vector<1x16xf32>,
        %parallel_loop3A_246 = arith.index_cast %parallel_loop3A_189 : i32 to index
        %parallel_loop3A_247 = arith.constant 64 : index
        %parallel_loop3A_248 = tpu.vector_load %arg10[%parallel_loop3A_246, %parallel_loop3A_247] {strides = array<i32>} : memref<80x128xf32, #tpu.memory_space<vmem>>, vector<1x16xf32>,
        %parallel_loop3A_249 = vector.shape_cast %parallel_loop3A_248 : vector<1x16xf32> to vector<16xf32>
        %parallel_loop3A_250 = arith.index_cast %parallel_loop3A_189 : i32 to index
        %parallel_loop3A_251 = arith.constant 64 : index
        %parallel_loop3A_252 = tpu.vector_load %arg12[%parallel_loop3A_250, %parallel_loop3A_251] {strides = array<i32>} : memref<80x128xf32, #tpu.memory_space<vmem>>, vector<1x16xf32>,
        %parallel_loop3A_253 = vector.shape_cast %parallel_loop3A_252 : vector<1x16xf32> to vector<16xf32>
        %parallel_loop3A_254 = arith.mulf %parallel_loop3A_249, %parallel_loop3A_253 : vector<16xf32>
        %parallel_loop3A_255 = arith.index_cast %parallel_loop3A_189 : i32 to index
        %parallel_loop3A_256 = arith.constant 64 : index
        %parallel_loop3A_257 = tpu.vector_load %arg10[%parallel_loop3A_255, %parallel_loop3A_256] {strides = array<i32>} : memref<80x128xf32, #tpu.memory_space<vmem>>, vector<1x16xf32>,
        %parallel_loop3A_258 = vector.shape_cast %parallel_loop3A_257 : vector<1x16xf32> to vector<16xf32>
        %parallel_loop3A_259 = vector.shape_cast %parallel_loop3A_254 : vector<16xf32> to vector<1x16xf32>
        tpu.vector_store %arg10[%parallel_loop3A_255, %parallel_loop3A_256], %parallel_loop3A_259 {strides = array<i32>} : memref<80x128xf32, #tpu.memory_space<vmem>>, vector<1x16xf32>,
        %parallel_loop3A_260 = arith.index_cast %parallel_loop3A_189 : i32 to index
        %parallel_loop3A_261 = arith.constant 80 : index
        %parallel_loop3A_262 = tpu.vector_load %arg10[%parallel_loop3A_260, %parallel_loop3A_261] {strides = array<i32>} : memref<80x128xf32, #tpu.memory_space<vmem>>, vector<1x16xf32>,
        %parallel_loop3A_263 = vector.shape_cast %parallel_loop3A_262 : vector<1x16xf32> to vector<16xf32>
        %parallel_loop3A_264 = arith.index_cast %parallel_loop3A_189 : i32 to index
        %parallel_loop3A_265 = arith.constant 80 : index
        %parallel_loop3A_266 = tpu.vector_load %arg12[%parallel_loop3A_264, %parallel_loop3A_265] {strides = array<i32>} : memref<80x128xf32, #tpu.memory_space<vmem>>, vector<1x16xf32>,
        %parallel_loop3A_267 = vector.shape_cast %parallel_loop3A_266 : vector<1x16xf32> to vector<16xf32>
        %parallel_loop3A_268 = arith.mulf %parallel_loop3A_263, %parallel_loop3A_267 : vector<16xf32>
        %parallel_loop3A_269 = arith.index_cast %parallel_loop3A_189 : i32 to index
        %parallel_loop3A_270 = arith.constant 80 : index
        %parallel_loop3A_271 = tpu.vector_load %arg10[%parallel_loop3A_269, %parallel_loop3A_270] {strides = array<i32>} : memref<80x128xf32, #tpu.memory_space<vmem>>, vector<1x16xf32>,
        %parallel_loop3A_272 = vector.shape_cast %parallel_loop3A_271 : vector<1x16xf32> to vector<16xf32>
        %parallel_loop3A_273 = vector.shape_cast %parallel_loop3A_268 : vector<16xf32> to vector<1x16xf32>
        tpu.vector_store %arg10[%parallel_loop3A_269, %parallel_loop3A_270], %parallel_loop3A_273 {strides = array<i32>} : memref<80x128xf32, #tpu.memory_space<vmem>>, vector<1x16xf32>,
        %parallel_loop3A_274 = arith.index_cast %parallel_loop3A_189 : i32 to index
        %parallel_loop3A_275 = arith.constant 96 : index
        %parallel_loop3A_276 = tpu.vector_load %arg10[%parallel_loop3A_274, %parallel_loop3A_275] {strides = array<i32>} : memref<80x128xf32, #tpu.memory_space<vmem>>, vector<1x16xf32>,
        %parallel_loop3A_277 = vector.shape_cast %parallel_loop3A_276 : vector<1x16xf32> to vector<16xf32>
        %parallel_loop3A_278 = arith.index_cast %parallel_loop3A_189 : i32 to index
        %parallel_loop3A_279 = arith.constant 96 : index
        %parallel_loop3A_280 = tpu.vector_load %arg12[%parallel_loop3A_278, %parallel_loop3A_279] {strides = array<i32>} : memref<80x128xf32, #tpu.memory_space<vmem>>, vector<1x16xf32>,
        %parallel_loop3A_281 = vector.shape_cast %parallel_loop3A_280 : vector<1x16xf32> to vector<16xf32>
        %parallel_loop3A_282 = arith.mulf %parallel_loop3A_277, %parallel_loop3A_281 : vector<16xf32>
        %parallel_loop3A_283 = arith.index_cast %parallel_loop3A_189 : i32 to index
        %parallel_loop3A_284 = arith.constant 96 : index
        %parallel_loop3A_285 = tpu.vector_load %arg10[%parallel_loop3A_283, %parallel_loop3A_284] {strides = array<i32>} : memref<80x128xf32, #tpu.memory_space<vmem>>, vector<1x16xf32>,
        %parallel_loop3A_286 = vector.shape_cast %parallel_loop3A_285 : vector<1x16xf32> to vector<16xf32>
        %parallel_loop3A_287 = vector.shape_cast %parallel_loop3A_282 : vector<16xf32> to vector<1x16xf32>
        tpu.vector_store %arg10[%parallel_loop3A_283, %parallel_loop3A_284], %parallel_loop3A_287 {strides = array<i32>} : memref<80x128xf32, #tpu.memory_space<vmem>>, vector<1x16xf32>,
        %parallel_loop3A_288 = arith.index_cast %parallel_loop3A_189 : i32 to index
        %parallel_loop3A_289 = arith.constant 112 : index
        %parallel_loop3A_290 = tpu.vector_load %arg10[%parallel_loop3A_288, %parallel_loop3A_289] {strides = array<i32>} : memref<80x128xf32, #tpu.memory_space<vmem>>, vector<1x16xf32>,
        %parallel_loop3A_291 = vector.shape_cast %parallel_loop3A_290 : vector<1x16xf32> to vector<16xf32>
        %parallel_loop3A_292 = arith.index_cast %parallel_loop3A_189 : i32 to index
        %parallel_loop3A_293 = arith.constant 112 : index
        %parallel_loop3A_294 = tpu.vector_load %arg12[%parallel_loop3A_292, %parallel_loop3A_293] {strides = array<i32>} : memref<80x128xf32, #tpu.memory_space<vmem>>, vector<1x16xf32>,
        %parallel_loop3A_295 = vector.shape_cast %parallel_loop3A_294 : vector<1x16xf32> to vector<16xf32>
        %parallel_loop3A_296 = arith.mulf %parallel_loop3A_291, %parallel_loop3A_295 : vector<16xf32>
        %parallel_loop3A_297 = arith.index_cast %parallel_loop3A_189 : i32 to index
        %parallel_loop3A_298 = arith.constant 112 : index
        %parallel_loop3A_299 = tpu.vector_load %arg10[%parallel_loop3A_297, %parallel_loop3A_298] {strides = array<i32>} : memref<80x128xf32, #tpu.memory_space<vmem>>, vector<1x16xf32>,
        %parallel_loop3A_300 = vector.shape_cast %parallel_loop3A_299 : vector<1x16xf32> to vector<16xf32>
        %parallel_loop3A_301 = vector.shape_cast %parallel_loop3A_296 : vector<16xf32> to vector<1x16xf32>
        tpu.vector_store %arg10[%parallel_loop3A_297, %parallel_loop3A_298], %parallel_loop3A_301 {strides = array<i32>} : memref<80x128xf32, #tpu.memory_space<vmem>>, vector<1x16xf32>,
      } {sc.loop_unroll_factor = 4 : i64, sc.parallel_access}
      "tpu.region"() ({
        %run_scoped3A = tpu.sem_alloc : memref<!tpu.dma_semaphore, #tpu.memory_space<semaphore_mem>>
        %dma_start3A_189 = arith.constant 0 : i32
        %dma_start3A_190 = tpu.memref_slice %arg9[%rem3A_124, %dma_start3A_189] : memref<4x80xi32, #tpu.memory_space<vmem>> -> memref<1x80xi32, #tpu.memory_space<vmem>>
        %dma_start3A_191 = tpu.memref_squeeze %dma_start3A_190 : memref<1x80xi32, #tpu.memory_space<vmem>> -> memref<80xi32, #tpu.memory_space<vmem>>
        %dma_start3A_192 = arith.constant 0 : i32
        %dma_start3A_193 = arith.constant 0 : i32
        %dma_start3A_194 = tpu.memref_slice %arg14[%dma_start3A_192, %dma_start3A_193] : memref<10240x128xf32, #tpu.memory_space<vmem_shared>> -> memref<10240x128xf32, #tpu.memory_space<vmem_shared>>
        tpu.enqueue_indirect_dma source(%arg10 : memref<80x128xf32, #tpu.memory_space<vmem>>) target(%dma_start3A_194 : memref<10240x128xf32, #tpu.memory_space<vmem_shared>>) offsets(%dma_start3A_191 : memref<80xi32, #tpu.memory_space<vmem>>) semaphore(%run_scoped3A : memref<!tpu.dma_semaphore, #tpu.memory_space<semaphore_mem>>) {add = true}
        %dma_wait3A_195 = arith.constant 0 : i32
        %dma_wait3A_196 = tpu.memref_slice %arg9[%rem3A_124, %dma_wait3A_195] : memref<4x80xi32, #tpu.memory_space<vmem>> -> memref<1x80xi32, #tpu.memory_space<vmem>>
        %dma_wait3A_197 = tpu.memref_squeeze %dma_wait3A_196 : memref<1x80xi32, #tpu.memory_space<vmem>> -> memref<80xi32, #tpu.memory_space<vmem>>
        %dma_wait3A_198 = arith.constant 0 : i32
        %dma_wait3A_199 = arith.constant 0 : i32
        %dma_wait3A_200 = tpu.memref_slice %arg14[%dma_wait3A_198, %dma_wait3A_199] : memref<10240x128xf32, #tpu.memory_space<vmem_shared>> -> memref<10240x128xf32, #tpu.memory_space<vmem_shared>>
        tpu.wait_indirect_dma semaphore(%run_scoped3A : memref<!tpu.dma_semaphore, #tpu.memory_space<semaphore_mem>>) src(%arg10 : memref<80x128xf32, #tpu.memory_space<vmem>>) dst(%dma_wait3A_200 : memref<10240x128xf32, #tpu.memory_space<vmem_shared>>)
        tpu.yield
      }) : () -> ()
      %convert_element_type3A_169 = arith.extui %lt3A_137 : i1 to i32
      %cond3A_170 = arith.constant 0 : i32
      %cond3A_171 = arith.cmpi ne, %convert_element_type3A_169, %cond3A_170 : i32
      scf.if %cond3A_171 {
        %dma_wait3A_189 = arith.constant 0 : i32
        %dma_wait3A_190 = arith.constant 0 : i32
        %dma_wait3A_191 = tpu.memref_slice %arg8[%dma_wait3A_189, %dma_wait3A_190] : memref<4x80xi32, #tpu.memory_space<vmem>> -> memref<1x80xi32, #tpu.memory_space<vmem>>
        %dma_wait3A_192 = tpu.memref_squeeze %dma_wait3A_191 : memref<1x80xi32, #tpu.memory_space<vmem>> -> memref<80xi32, #tpu.memory_space<vmem>>
        %dma_wait3A_193 = arith.constant 0 : i32
        %dma_wait3A_194 = tpu.memref_slice %arg4[%dma_wait3A_193] : memref<327680xi32, #tpu.memory_space<hbm>> -> memref<80xi32, #tpu.memory_space<hbm>>
        %dma_wait3A_195 = arith.constant 0 : i32
        %dma_wait3A_196 = tpu.memref_slice %arg8[%dma_wait3A_189, %dma_wait3A_195] : memref<4x80xi32, #tpu.memory_space<vmem>> -> memref<1x80xi32, #tpu.memory_space<vmem>>
        %dma_wait3A_197 = tpu.memref_squeeze %dma_wait3A_196 : memref<1x80xi32, #tpu.memory_space<vmem>> -> memref<80xi32, #tpu.memory_space<vmem>>
        %dma_wait3A_198 = arith.constant 0 : i32
        %dma_wait3A_199 = tpu.memref_slice %arg4[%dma_wait3A_198] : memref<327680xi32, #tpu.memory_space<hbm>> -> memref<80xi32, #tpu.memory_space<hbm>>
        tpu.wait_dma2 semaphore(%arg15 : memref<!tpu.dma_semaphore, #tpu.memory_space<semaphore_mem>>) src(%dma_wait3A_199 : memref<80xi32, #tpu.memory_space<hbm>>) dst(%dma_wait3A_197 : memref<80xi32, #tpu.memory_space<vmem>>)
        %dma_wait3A_200 = arith.constant 0 : i32
        %dma_wait3A_201 = arith.constant 0 : i32
        %dma_wait3A_202 = tpu.memref_slice %arg9[%dma_wait3A_200, %dma_wait3A_201] : memref<4x80xi32, #tpu.memory_space<vmem>> -> memref<1x80xi32, #tpu.memory_space<vmem>>
        %dma_wait3A_203 = tpu.memref_squeeze %dma_wait3A_202 : memref<1x80xi32, #tpu.memory_space<vmem>> -> memref<80xi32, #tpu.memory_space<vmem>>
        %dma_wait3A_204 = arith.constant 0 : i32
        %dma_wait3A_205 = tpu.memref_slice %arg5[%dma_wait3A_204] : memref<327680xi32, #tpu.memory_space<hbm>> -> memref<80xi32, #tpu.memory_space<hbm>>
        %dma_wait3A_206 = arith.constant 0 : i32
        %dma_wait3A_207 = tpu.memref_slice %arg9[%dma_wait3A_200, %dma_wait3A_206] : memref<4x80xi32, #tpu.memory_space<vmem>> -> memref<1x80xi32, #tpu.memory_space<vmem>>
        %dma_wait3A_208 = tpu.memref_squeeze %dma_wait3A_207 : memref<1x80xi32, #tpu.memory_space<vmem>> -> memref<80xi32, #tpu.memory_space<vmem>>
        %dma_wait3A_209 = arith.constant 0 : i32
        %dma_wait3A_210 = tpu.memref_slice %arg5[%dma_wait3A_209] : memref<327680xi32, #tpu.memory_space<hbm>> -> memref<80xi32, #tpu.memory_space<hbm>>
        tpu.wait_dma2 semaphore(%arg15 : memref<!tpu.dma_semaphore, #tpu.memory_space<semaphore_mem>>) src(%dma_wait3A_210 : memref<80xi32, #tpu.memory_space<hbm>>) dst(%dma_wait3A_208 : memref<80xi32, #tpu.memory_space<vmem>>)
        %dma_wait3A_211 = arith.constant 0 : i32
        %dma_wait3A_212 = arith.constant 0 : i32
        %dma_wait3A_213 = tpu.memref_slice %arg8[%dma_wait3A_211, %dma_wait3A_212] : memref<4x80xi32, #tpu.memory_space<vmem>> -> memref<1x80xi32, #tpu.memory_space<vmem>>
        %dma_wait3A_214 = tpu.memref_squeeze %dma_wait3A_213 : memref<1x80xi32, #tpu.memory_space<vmem>> -> memref<80xi32, #tpu.memory_space<vmem>>
        %dma_wait3A_215 = arith.constant 0 : i32
        %dma_wait3A_216 = tpu.memref_slice %arg4[%dma_wait3A_215] : memref<327680xi32, #tpu.memory_space<hbm>> -> memref<80xi32, #tpu.memory_space<hbm>>
        %dma_wait3A_217 = arith.constant 0 : i32
        %dma_wait3A_218 = tpu.memref_slice %arg8[%dma_wait3A_211, %dma_wait3A_217] : memref<4x80xi32, #tpu.memory_space<vmem>> -> memref<1x80xi32, #tpu.memory_space<vmem>>
        %dma_wait3A_219 = tpu.memref_squeeze %dma_wait3A_218 : memref<1x80xi32, #tpu.memory_space<vmem>> -> memref<80xi32, #tpu.memory_space<vmem>>
        %dma_wait3A_220 = arith.constant 0 : i32
        %dma_wait3A_221 = tpu.memref_slice %arg4[%dma_wait3A_220] : memref<327680xi32, #tpu.memory_space<hbm>> -> memref<80xi32, #tpu.memory_space<hbm>>
        tpu.wait_dma2 semaphore(%arg15 : memref<!tpu.dma_semaphore, #tpu.memory_space<semaphore_mem>>) src(%dma_wait3A_221 : memref<80xi32, #tpu.memory_space<hbm>>) dst(%dma_wait3A_219 : memref<80xi32, #tpu.memory_space<vmem>>)
        %dma_wait3A_222 = arith.constant 0 : i32
        %dma_wait3A_223 = arith.constant 0 : i32
        %dma_wait3A_224 = tpu.memref_slice %arg9[%dma_wait3A_222, %dma_wait3A_223] : memref<4x80xi32, #tpu.memory_space<vmem>> -> memref<1x80xi32, #tpu.memory_space<vmem>>
        %dma_wait3A_225 = tpu.memref_squeeze %dma_wait3A_224 : memref<1x80xi32, #tpu.memory_space<vmem>> -> memref<80xi32, #tpu.memory_space<vmem>>
        %dma_wait3A_226 = arith.constant 0 : i32
        %dma_wait3A_227 = tpu.memref_slice %arg5[%dma_wait3A_226] : memref<327680xi32, #tpu.memory_space<hbm>> -> memref<80xi32, #tpu.memory_space<hbm>>
        %dma_wait3A_228 = arith.constant 0 : i32
        %dma_wait3A_229 = tpu.memref_slice %arg9[%dma_wait3A_222, %dma_wait3A_228] : memref<4x80xi32, #tpu.memory_space<vmem>> -> memref<1x80xi32, #tpu.memory_space<vmem>>
        %dma_wait3A_230 = tpu.memref_squeeze %dma_wait3A_229 : memref<1x80xi32, #tpu.memory_space<vmem>> -> memref<80xi32, #tpu.memory_space<vmem>>
        %dma_wait3A_231 = arith.constant 0 : i32
        %dma_wait3A_232 = tpu.memref_slice %arg5[%dma_wait3A_231] : memref<327680xi32, #tpu.memory_space<hbm>> -> memref<80xi32, #tpu.memory_space<hbm>>
        tpu.wait_dma2 semaphore(%arg15 : memref<!tpu.dma_semaphore, #tpu.memory_space<semaphore_mem>>) src(%dma_wait3A_232 : memref<80xi32, #tpu.memory_space<hbm>>) dst(%dma_wait3A_230 : memref<80xi32, #tpu.memory_space<vmem>>)
        %add3A_233 = arith.constant 2 : i32
        %add3A_234 = arith.addi %mul3A_123, %add3A_233 : i32
        %add3A_235 = arith.addi %mul3A_2, %add3A_234 : i32
        %mul3A_236 = arith.constant 80 : i32
        %mul3A_237 = arith.muli %add3A_235, %mul3A_236 : i32
        %dma_start3A_238 = arith.constant 0 : i32
        %dma_start3A_239 = tpu.memref_slice %arg3[%mul3A_237, %dma_start3A_238] : memref<327680x128xf32, #tpu.memory_space<hbm>> -> memref<80x128xf32, #tpu.memory_space<hbm>>
        %dma_start3A_240 = arith.constant 0 : i32
        %dma_start3A_241 = tpu.memref_slice %arg3[%mul3A_237, %dma_start3A_240] : memref<327680x128xf32, #tpu.memory_space<hbm>> -> memref<80x128xf32, #tpu.memory_space<hbm>>
        tpu.enqueue_dma source(%dma_start3A_241 : memref<80x128xf32, #tpu.memory_space<hbm>>) target(%arg12 : memref<80x128xf32, #tpu.memory_space<vmem>>) target_semaphore(%arg18 : memref<!tpu.dma_semaphore, #tpu.memory_space<semaphore_mem>>)
        %dma_start3A_242 = arith.constant 0 : i32
        %dma_start3A_243 = tpu.memref_slice %arg8[%rem3A_132, %dma_start3A_242] : memref<4x80xi32, #tpu.memory_space<vmem>> -> memref<1x80xi32, #tpu.memory_space<vmem>>
        %dma_start3A_244 = tpu.memref_squeeze %dma_start3A_243 : memref<1x80xi32, #tpu.memory_space<vmem>> -> memref<80xi32, #tpu.memory_space<vmem>>
        %dma_start3A_245 = arith.constant 0 : i32
        %dma_start3A_246 = arith.constant 0 : i32
        %dma_start3A_247 = tpu.memref_slice %arg2[%dma_start3A_245, %dma_start3A_246] : memref<10000x128xf32, #tpu.memory_space<hbm>> -> memref<10000x128xf32, #tpu.memory_space<hbm>>
        tpu.enqueue_indirect_dma source(%dma_start3A_247 : memref<10000x128xf32, #tpu.memory_space<hbm>>) target(%arg10 : memref<80x128xf32, #tpu.memory_space<vmem>>) offsets(%dma_start3A_244 : memref<80xi32, #tpu.memory_space<vmem>>) semaphore(%arg16 : memref<!tpu.dma_semaphore, #tpu.memory_space<semaphore_mem>>)
      } else {
      }
      %dma_wait3A_172 = arith.constant 0 : i32
      %dma_wait3A_173 = arith.constant 0 : i32
      %dma_wait3A_174 = tpu.memref_slice %arg3[%dma_wait3A_172, %dma_wait3A_173] : memref<327680x128xf32, #tpu.memory_space<hbm>> -> memref<80x128xf32, #tpu.memory_space<hbm>>
      %dma_wait3A_175 = arith.constant 0 : i32
      %dma_wait3A_176 = arith.constant 0 : i32
      %dma_wait3A_177 = tpu.memref_slice %arg3[%dma_wait3A_175, %dma_wait3A_176] : memref<327680x128xf32, #tpu.memory_space<hbm>> -> memref<80x128xf32, #tpu.memory_space<hbm>>
      tpu.wait_dma2 semaphore(%arg19 : memref<!tpu.dma_semaphore, #tpu.memory_space<semaphore_mem>>) src(%dma_wait3A_177 : memref<80x128xf32, #tpu.memory_space<hbm>>) dst(%arg13 : memref<80x128xf32, #tpu.memory_space<vmem>>)
      %dma_wait3A_178 = arith.constant 0 : i32
      %dma_wait3A_179 = arith.constant 0 : i32
      %dma_wait3A_180 = tpu.memref_slice %arg8[%dma_wait3A_178, %dma_wait3A_179] : memref<4x80xi32, #tpu.memory_space<vmem>> -> memref<1x80xi32, #tpu.memory_space<vmem>>
      %dma_wait3A_181 = tpu.memref_squeeze %dma_wait3A_180 : memref<1x80xi32, #tpu.memory_space<vmem>> -> memref<80xi32, #tpu.memory_space<vmem>>
      %dma_wait3A_182 = arith.constant 0 : i32
      %dma_wait3A_183 = arith.constant 0 : i32
      %dma_wait3A_184 = tpu.memref_slice %arg2[%dma_wait3A_182, %dma_wait3A_183] : memref<10000x128xf32, #tpu.memory_space<hbm>> -> memref<10000x128xf32, #tpu.memory_space<hbm>>
      tpu.wait_indirect_dma semaphore(%arg17 : memref<!tpu.dma_semaphore, #tpu.memory_space<semaphore_mem>>) src(%dma_wait3A_184 : memref<10000x128xf32, #tpu.memory_space<hbm>>) dst(%arg11 : memref<80x128xf32, #tpu.memory_space<vmem>>)
      %parallel_loop3A_185 = arith.constant 0 : i32
      %parallel_loop3A_186 = arith.constant 80 : i32
      %parallel_loop3A_187 = arith.constant 1 : i32
      scf.for %parallel_loop3A_189 = %parallel_loop3A_185 to %parallel_loop3A_186 step %parallel_loop3A_187  : i32 {
        %parallel_loop3A_190 = arith.index_cast %parallel_loop3A_189 : i32 to index
        %parallel_loop3A_191 = arith.constant 0 : index
        %parallel_loop3A_192 = tpu.vector_load %arg11[%parallel_loop3A_190, %parallel_loop3A_191] {strides = array<i32>} : memref<80x128xf32, #tpu.memory_space<vmem>>, vector<1x16xf32>,
        %parallel_loop3A_193 = vector.shape_cast %parallel_loop3A_192 : vector<1x16xf32> to vector<16xf32>
        %parallel_loop3A_194 = arith.index_cast %parallel_loop3A_189 : i32 to index
        %parallel_loop3A_195 = arith.constant 0 : index
        %parallel_loop3A_196 = tpu.vector_load %arg13[%parallel_loop3A_194, %parallel_loop3A_195] {strides = array<i32>} : memref<80x128xf32, #tpu.memory_space<vmem>>, vector<1x16xf32>,
        %parallel_loop3A_197 = vector.shape_cast %parallel_loop3A_196 : vector<1x16xf32> to vector<16xf32>
        %parallel_loop3A_198 = arith.mulf %parallel_loop3A_193, %parallel_loop3A_197 : vector<16xf32>
        %parallel_loop3A_199 = arith.index_cast %parallel_loop3A_189 : i32 to index
        %parallel_loop3A_200 = arith.constant 0 : index
        %parallel_loop3A_201 = tpu.vector_load %arg11[%parallel_loop3A_199, %parallel_loop3A_200] {strides = array<i32>} : memref<80x128xf32, #tpu.memory_space<vmem>>, vector<1x16xf32>,
        %parallel_loop3A_202 = vector.shape_cast %parallel_loop3A_201 : vector<1x16xf32> to vector<16xf32>
        %parallel_loop3A_203 = vector.shape_cast %parallel_loop3A_198 : vector<16xf32> to vector<1x16xf32>
        tpu.vector_store %arg11[%parallel_loop3A_199, %parallel_loop3A_200], %parallel_loop3A_203 {strides = array<i32>} : memref<80x128xf32, #tpu.memory_space<vmem>>, vector<1x16xf32>,
        %parallel_loop3A_204 = arith.index_cast %parallel_loop3A_189 : i32 to index
        %parallel_loop3A_205 = arith.constant 16 : index
        %parallel_loop3A_206 = tpu.vector_load %arg11[%parallel_loop3A_204, %parallel_loop3A_205] {strides = array<i32>} : memref<80x128xf32, #tpu.memory_space<vmem>>, vector<1x16xf32>,
        %parallel_loop3A_207 = vector.shape_cast %parallel_loop3A_206 : vector<1x16xf32> to vector<16xf32>
        %parallel_loop3A_208 = arith.index_cast %parallel_loop3A_189 : i32 to index
        %parallel_loop3A_209 = arith.constant 16 : index
        %parallel_loop3A_210 = tpu.vector_load %arg13[%parallel_loop3A_208, %parallel_loop3A_209] {strides = array<i32>} : memref<80x128xf32, #tpu.memory_space<vmem>>, vector<1x16xf32>,
        %parallel_loop3A_211 = vector.shape_cast %parallel_loop3A_210 : vector<1x16xf32> to vector<16xf32>
        %parallel_loop3A_212 = arith.mulf %parallel_loop3A_207, %parallel_loop3A_211 : vector<16xf32>
        %parallel_loop3A_213 = arith.index_cast %parallel_loop3A_189 : i32 to index
        %parallel_loop3A_214 = arith.constant 16 : index
        %parallel_loop3A_215 = tpu.vector_load %arg11[%parallel_loop3A_213, %parallel_loop3A_214] {strides = array<i32>} : memref<80x128xf32, #tpu.memory_space<vmem>>, vector<1x16xf32>,
        %parallel_loop3A_216 = vector.shape_cast %parallel_loop3A_215 : vector<1x16xf32> to vector<16xf32>
        %parallel_loop3A_217 = vector.shape_cast %parallel_loop3A_212 : vector<16xf32> to vector<1x16xf32>
        tpu.vector_store %arg11[%parallel_loop3A_213, %parallel_loop3A_214], %parallel_loop3A_217 {strides = array<i32>} : memref<80x128xf32, #tpu.memory_space<vmem>>, vector<1x16xf32>,
        %parallel_loop3A_218 = arith.index_cast %parallel_loop3A_189 : i32 to index
        %parallel_loop3A_219 = arith.constant 32 : index
        %parallel_loop3A_220 = tpu.vector_load %arg11[%parallel_loop3A_218, %parallel_loop3A_219] {strides = array<i32>} : memref<80x128xf32, #tpu.memory_space<vmem>>, vector<1x16xf32>,
        %parallel_loop3A_221 = vector.shape_cast %parallel_loop3A_220 : vector<1x16xf32> to vector<16xf32>
        %parallel_loop3A_222 = arith.index_cast %parallel_loop3A_189 : i32 to index
        %parallel_loop3A_223 = arith.constant 32 : index
        %parallel_loop3A_224 = tpu.vector_load %arg13[%parallel_loop3A_222, %parallel_loop3A_223] {strides = array<i32>} : memref<80x128xf32, #tpu.memory_space<vmem>>, vector<1x16xf32>,
        %parallel_loop3A_225 = vector.shape_cast %parallel_loop3A_224 : vector<1x16xf32> to vector<16xf32>
        %parallel_loop3A_226 = arith.mulf %parallel_loop3A_221, %parallel_loop3A_225 : vector<16xf32>
        %parallel_loop3A_227 = arith.index_cast %parallel_loop3A_189 : i32 to index
        %parallel_loop3A_228 = arith.constant 32 : index
        %parallel_loop3A_229 = tpu.vector_load %arg11[%parallel_loop3A_227, %parallel_loop3A_228] {strides = array<i32>} : memref<80x128xf32, #tpu.memory_space<vmem>>, vector<1x16xf32>,
        %parallel_loop3A_230 = vector.shape_cast %parallel_loop3A_229 : vector<1x16xf32> to vector<16xf32>
        %parallel_loop3A_231 = vector.shape_cast %parallel_loop3A_226 : vector<16xf32> to vector<1x16xf32>
        tpu.vector_store %arg11[%parallel_loop3A_227, %parallel_loop3A_228], %parallel_loop3A_231 {strides = array<i32>} : memref<80x128xf32, #tpu.memory_space<vmem>>, vector<1x16xf32>,
        %parallel_loop3A_232 = arith.index_cast %parallel_loop3A_189 : i32 to index
        %parallel_loop3A_233 = arith.constant 48 : index
        %parallel_loop3A_234 = tpu.vector_load %arg11[%parallel_loop3A_232, %parallel_loop3A_233] {strides = array<i32>} : memref<80x128xf32, #tpu.memory_space<vmem>>, vector<1x16xf32>,
        %parallel_loop3A_235 = vector.shape_cast %parallel_loop3A_234 : vector<1x16xf32> to vector<16xf32>
        %parallel_loop3A_236 = arith.index_cast %parallel_loop3A_189 : i32 to index
        %parallel_loop3A_237 = arith.constant 48 : index
        %parallel_loop3A_238 = tpu.vector_load %arg13[%parallel_loop3A_236, %parallel_loop3A_237] {strides = array<i32>} : memref<80x128xf32, #tpu.memory_space<vmem>>, vector<1x16xf32>,
        %parallel_loop3A_239 = vector.shape_cast %parallel_loop3A_238 : vector<1x16xf32> to vector<16xf32>
        %parallel_loop3A_240 = arith.mulf %parallel_loop3A_235, %parallel_loop3A_239 : vector<16xf32>
        %parallel_loop3A_241 = arith.index_cast %parallel_loop3A_189 : i32 to index
        %parallel_loop3A_242 = arith.constant 48 : index
        %parallel_loop3A_243 = tpu.vector_load %arg11[%parallel_loop3A_241, %parallel_loop3A_242] {strides = array<i32>} : memref<80x128xf32, #tpu.memory_space<vmem>>, vector<1x16xf32>,
        %parallel_loop3A_244 = vector.shape_cast %parallel_loop3A_243 : vector<1x16xf32> to vector<16xf32>
        %parallel_loop3A_245 = vector.shape_cast %parallel_loop3A_240 : vector<16xf32> to vector<1x16xf32>
        tpu.vector_store %arg11[%parallel_loop3A_241, %parallel_loop3A_242], %parallel_loop3A_245 {strides = array<i32>} : memref<80x128xf32, #tpu.memory_space<vmem>>, vector<1x16xf32>,
        %parallel_loop3A_246 = arith.index_cast %parallel_loop3A_189 : i32 to index
        %parallel_loop3A_247 = arith.constant 64 : index
        %parallel_loop3A_248 = tpu.vector_load %arg11[%parallel_loop3A_246, %parallel_loop3A_247] {strides = array<i32>} : memref<80x128xf32, #tpu.memory_space<vmem>>, vector<1x16xf32>,
        %parallel_loop3A_249 = vector.shape_cast %parallel_loop3A_248 : vector<1x16xf32> to vector<16xf32>
        %parallel_loop3A_250 = arith.index_cast %parallel_loop3A_189 : i32 to index
        %parallel_loop3A_251 = arith.constant 64 : index
        %parallel_loop3A_252 = tpu.vector_load %arg13[%parallel_loop3A_250, %parallel_loop3A_251] {strides = array<i32>} : memref<80x128xf32, #tpu.memory_space<vmem>>, vector<1x16xf32>,
        %parallel_loop3A_253 = vector.shape_cast %parallel_loop3A_252 : vector<1x16xf32> to vector<16xf32>
        %parallel_loop3A_254 = arith.mulf %parallel_loop3A_249, %parallel_loop3A_253 : vector<16xf32>
        %parallel_loop3A_255 = arith.index_cast %parallel_loop3A_189 : i32 to index
        %parallel_loop3A_256 = arith.constant 64 : index
        %parallel_loop3A_257 = tpu.vector_load %arg11[%parallel_loop3A_255, %parallel_loop3A_256] {strides = array<i32>} : memref<80x128xf32, #tpu.memory_space<vmem>>, vector<1x16xf32>,
        %parallel_loop3A_258 = vector.shape_cast %parallel_loop3A_257 : vector<1x16xf32> to vector<16xf32>
        %parallel_loop3A_259 = vector.shape_cast %parallel_loop3A_254 : vector<16xf32> to vector<1x16xf32>
        tpu.vector_store %arg11[%parallel_loop3A_255, %parallel_loop3A_256], %parallel_loop3A_259 {strides = array<i32>} : memref<80x128xf32, #tpu.memory_space<vmem>>, vector<1x16xf32>,
        %parallel_loop3A_260 = arith.index_cast %parallel_loop3A_189 : i32 to index
        %parallel_loop3A_261 = arith.constant 80 : index
        %parallel_loop3A_262 = tpu.vector_load %arg11[%parallel_loop3A_260, %parallel_loop3A_261] {strides = array<i32>} : memref<80x128xf32, #tpu.memory_space<vmem>>, vector<1x16xf32>,
        %parallel_loop3A_263 = vector.shape_cast %parallel_loop3A_262 : vector<1x16xf32> to vector<16xf32>
        %parallel_loop3A_264 = arith.index_cast %parallel_loop3A_189 : i32 to index
        %parallel_loop3A_265 = arith.constant 80 : index
        %parallel_loop3A_266 = tpu.vector_load %arg13[%parallel_loop3A_264, %parallel_loop3A_265] {strides = array<i32>} : memref<80x128xf32, #tpu.memory_space<vmem>>, vector<1x16xf32>,
        %parallel_loop3A_267 = vector.shape_cast %parallel_loop3A_266 : vector<1x16xf32> to vector<16xf32>
        %parallel_loop3A_268 = arith.mulf %parallel_loop3A_263, %parallel_loop3A_267 : vector<16xf32>
        %parallel_loop3A_269 = arith.index_cast %parallel_loop3A_189 : i32 to index
        %parallel_loop3A_270 = arith.constant 80 : index
        %parallel_loop3A_271 = tpu.vector_load %arg11[%parallel_loop3A_269, %parallel_loop3A_270] {strides = array<i32>} : memref<80x128xf32, #tpu.memory_space<vmem>>, vector<1x16xf32>,
        %parallel_loop3A_272 = vector.shape_cast %parallel_loop3A_271 : vector<1x16xf32> to vector<16xf32>
        %parallel_loop3A_273 = vector.shape_cast %parallel_loop3A_268 : vector<16xf32> to vector<1x16xf32>
        tpu.vector_store %arg11[%parallel_loop3A_269, %parallel_loop3A_270], %parallel_loop3A_273 {strides = array<i32>} : memref<80x128xf32, #tpu.memory_space<vmem>>, vector<1x16xf32>,
        %parallel_loop3A_274 = arith.index_cast %parallel_loop3A_189 : i32 to index
        %parallel_loop3A_275 = arith.constant 96 : index
        %parallel_loop3A_276 = tpu.vector_load %arg11[%parallel_loop3A_274, %parallel_loop3A_275] {strides = array<i32>} : memref<80x128xf32, #tpu.memory_space<vmem>>, vector<1x16xf32>,
        %parallel_loop3A_277 = vector.shape_cast %parallel_loop3A_276 : vector<1x16xf32> to vector<16xf32>
        %parallel_loop3A_278 = arith.index_cast %parallel_loop3A_189 : i32 to index
        %parallel_loop3A_279 = arith.constant 96 : index
        %parallel_loop3A_280 = tpu.vector_load %arg13[%parallel_loop3A_278, %parallel_loop3A_279] {strides = array<i32>} : memref<80x128xf32, #tpu.memory_space<vmem>>, vector<1x16xf32>,
        %parallel_loop3A_281 = vector.shape_cast %parallel_loop3A_280 : vector<1x16xf32> to vector<16xf32>
        %parallel_loop3A_282 = arith.mulf %parallel_loop3A_277, %parallel_loop3A_281 : vector<16xf32>
        %parallel_loop3A_283 = arith.index_cast %parallel_loop3A_189 : i32 to index
        %parallel_loop3A_284 = arith.constant 96 : index
        %parallel_loop3A_285 = tpu.vector_load %arg11[%parallel_loop3A_283, %parallel_loop3A_284] {strides = array<i32>} : memref<80x128xf32, #tpu.memory_space<vmem>>, vector<1x16xf32>,
        %parallel_loop3A_286 = vector.shape_cast %parallel_loop3A_285 : vector<1x16xf32> to vector<16xf32>
        %parallel_loop3A_287 = vector.shape_cast %parallel_loop3A_282 : vector<16xf32> to vector<1x16xf32>
        tpu.vector_store %arg11[%parallel_loop3A_283, %parallel_loop3A_284], %parallel_loop3A_287 {strides = array<i32>} : memref<80x128xf32, #tpu.memory_space<vmem>>, vector<1x16xf32>,
        %parallel_loop3A_288 = arith.index_cast %parallel_loop3A_189 : i32 to index
        %parallel_loop3A_289 = arith.constant 112 : index
        %parallel_loop3A_290 = tpu.vector_load %arg11[%parallel_loop3A_288, %parallel_loop3A_289] {strides = array<i32>} : memref<80x128xf32, #tpu.memory_space<vmem>>, vector<1x16xf32>,
        %parallel_loop3A_291 = vector.shape_cast %parallel_loop3A_290 : vector<1x16xf32> to vector<16xf32>
        %parallel_loop3A_292 = arith.index_cast %parallel_loop3A_189 : i32 to index
        %parallel_loop3A_293 = arith.constant 112 : index
        %parallel_loop3A_294 = tpu.vector_load %arg13[%parallel_loop3A_292, %parallel_loop3A_293] {strides = array<i32>} : memref<80x128xf32, #tpu.memory_space<vmem>>, vector<1x16xf32>,
        %parallel_loop3A_295 = vector.shape_cast %parallel_loop3A_294 : vector<1x16xf32> to vector<16xf32>
        %parallel_loop3A_296 = arith.mulf %parallel_loop3A_291, %parallel_loop3A_295 : vector<16xf32>
        %parallel_loop3A_297 = arith.index_cast %parallel_loop3A_189 : i32 to index
        %parallel_loop3A_298 = arith.constant 112 : index
        %parallel_loop3A_299 = tpu.vector_load %arg11[%parallel_loop3A_297, %parallel_loop3A_298] {strides = array<i32>} : memref<80x128xf32, #tpu.memory_space<vmem>>, vector<1x16xf32>,
        %parallel_loop3A_300 = vector.shape_cast %parallel_loop3A_299 : vector<1x16xf32> to vector<16xf32>
        %parallel_loop3A_301 = vector.shape_cast %parallel_loop3A_296 : vector<16xf32> to vector<1x16xf32>
        tpu.vector_store %arg11[%parallel_loop3A_297, %parallel_loop3A_298], %parallel_loop3A_301 {strides = array<i32>} : memref<80x128xf32, #tpu.memory_space<vmem>>, vector<1x16xf32>,
      } {sc.loop_unroll_factor = 4 : i64, sc.parallel_access}
      "tpu.region"() ({
        %run_scoped3A = tpu.sem_alloc : memref<!tpu.dma_semaphore, #tpu.memory_space<semaphore_mem>>
        %dma_start3A_189 = arith.constant 0 : i32
        %dma_start3A_190 = tpu.memref_slice %arg9[%rem3A_128, %dma_start3A_189] : memref<4x80xi32, #tpu.memory_space<vmem>> -> memref<1x80xi32, #tpu.memory_space<vmem>>
        %dma_start3A_191 = tpu.memref_squeeze %dma_start3A_190 : memref<1x80xi32, #tpu.memory_space<vmem>> -> memref<80xi32, #tpu.memory_space<vmem>>
        %dma_start3A_192 = arith.constant 0 : i32
        %dma_start3A_193 = arith.constant 0 : i32
        %dma_start3A_194 = tpu.memref_slice %arg14[%dma_start3A_192, %dma_start3A_193] : memref<10240x128xf32, #tpu.memory_space<vmem_shared>> -> memref<10240x128xf32, #tpu.memory_space<vmem_shared>>
        tpu.enqueue_indirect_dma source(%arg11 : memref<80x128xf32, #tpu.memory_space<vmem>>) target(%dma_start3A_194 : memref<10240x128xf32, #tpu.memory_space<vmem_shared>>) offsets(%dma_start3A_191 : memref<80xi32, #tpu.memory_space<vmem>>) semaphore(%run_scoped3A : memref<!tpu.dma_semaphore, #tpu.memory_space<semaphore_mem>>) {add = true}
        %dma_wait3A_195 = arith.constant 0 : i32
        %dma_wait3A_196 = tpu.memref_slice %arg9[%rem3A_128, %dma_wait3A_195] : memref<4x80xi32, #tpu.memory_space<vmem>> -> memref<1x80xi32, #tpu.memory_space<vmem>>
        %dma_wait3A_197 = tpu.memref_squeeze %dma_wait3A_196 : memref<1x80xi32, #tpu.memory_space<vmem>> -> memref<80xi32, #tpu.memory_space<vmem>>
        %dma_wait3A_198 = arith.constant 0 : i32
        %dma_wait3A_199 = arith.constant 0 : i32
        %dma_wait3A_200 = tpu.memref_slice %arg14[%dma_wait3A_198, %dma_wait3A_199] : memref<10240x128xf32, #tpu.memory_space<vmem_shared>> -> memref<10240x128xf32, #tpu.memory_space<vmem_shared>>
        tpu.wait_indirect_dma semaphore(%run_scoped3A : memref<!tpu.dma_semaphore, #tpu.memory_space<semaphore_mem>>) src(%arg11 : memref<80x128xf32, #tpu.memory_space<vmem>>) dst(%dma_wait3A_200 : memref<10240x128xf32, #tpu.memory_space<vmem_shared>>)
        tpu.yield
      }) : () -> ()
      %scan3A_188 = arith.constant 0 : i32
      scf.yield %scan3A_188 : i32
    }
    %scan3A_111 = arith.constant 64 : i32
    %barrier3A_112 = arith.constant 0 : index
    tpu.barrier barrier_id(%barrier3A_112)
    %mul3A_113 = arith.constant 640 : i32
    %mul3A_114 = arith.muli %arg1, %mul3A_113 : i32
    %mul3A_115 = arith.constant 10240 : i32
    %mul3A_116 = arith.muli %arg0, %mul3A_115 : i32
    %mul3A_117 = arith.constant 640 : i32
    %mul3A_118 = arith.muli %arg1, %mul3A_117 : i32
    %add3A_119 = arith.addi %mul3A_116, %mul3A_118 : i32
    "tpu.region"() ({
      %run_scoped3A = tpu.sem_alloc : memref<!tpu.dma_semaphore, #tpu.memory_space<semaphore_mem>>
      %dma_start3A_120 = arith.constant 0 : i32
      %dma_start3A_121 = tpu.memref_slice %arg7[%add3A_119, %dma_start3A_120] : memref<20480x128xf32, #tpu.memory_space<hbm>> -> memref<640x128xf32, #tpu.memory_space<hbm>>
      %dma_start3A_122 = arith.constant 0 : i32
      %dma_start3A_123 = tpu.memref_slice %arg14[%mul3A_114, %dma_start3A_122] : memref<10240x128xf32, #tpu.memory_space<vmem_shared>> -> memref<640x128xf32, #tpu.memory_space<vmem_shared>>
      tpu.enqueue_dma source(%dma_start3A_123 : memref<640x128xf32, #tpu.memory_space<vmem_shared>>) target(%dma_start3A_121 : memref<640x128xf32, #tpu.memory_space<hbm>>) target_semaphore(%run_scoped3A : memref<!tpu.dma_semaphore, #tpu.memory_space<semaphore_mem>>)
      %dma_wait3A_124 = arith.constant 0 : i32
      %dma_wait3A_125 = tpu.memref_slice %arg7[%add3A_119, %dma_wait3A_124] : memref<20480x128xf32, #tpu.memory_space<hbm>> -> memref<640x128xf32, #tpu.memory_space<hbm>>
      %dma_wait3A_126 = arith.constant 0 : i32
      %dma_wait3A_127 = tpu.memref_slice %arg14[%mul3A_114, %dma_wait3A_126] : memref<10240x128xf32, #tpu.memory_space<vmem_shared>> -> memref<640x128xf32, #tpu.memory_space<vmem_shared>>
      tpu.wait_dma2 semaphore(%run_scoped3A : memref<!tpu.dma_semaphore, #tpu.memory_space<semaphore_mem>>) src(%dma_wait3A_127 : memref<640x128xf32, #tpu.memory_space<vmem_shared>>) dst(%dma_wait3A_125 : memref<640x128xf32, #tpu.memory_space<hbm>>)
      tpu.yield
    }) : () -> ()
    return
  }
}

#map = affine_map<(d0, d1) -> (0, 0)>
#map1 = affine_map<(d0, d1) -> (0)>
module attributes {stable_mosaic.version = 14 : i64} {
  func.func @_edge_kernel(%arg0: i32, %arg1: i32, %arg2: memref<10000x128xf32, #tpu.memory_space<hbm>>, %arg3: memref<327680x128xf32, #tpu.memory_space<hbm>>, %arg4: memref<327680xi32, #tpu.memory_space<hbm>>, %arg5: memref<327680xi32, #tpu.memory_space<hbm>>, %arg6: memref<640x128xf32, #tpu.memory_space<hbm>>, %arg7: memref<20480x128xf32, #tpu.memory_space<hbm>>, %arg8: memref<4x80xi32, #tpu.memory_space<vmem>>, %arg9: memref<4x80xi32, #tpu.memory_space<vmem>>, %arg10: memref<80x128xf32, #tpu.memory_space<vmem>>, %arg11: memref<80x128xf32, #tpu.memory_space<vmem>>, %arg12: memref<80x128xf32, #tpu.memory_space<vmem>>, %arg13: memref<80x128xf32, #tpu.memory_space<vmem>>, %arg14: memref<10240x128xf32, #tpu.memory_space<vmem_shared>>, %arg15: memref<!tpu.dma_semaphore, #tpu.memory_space<semaphore_mem>>, %arg16: memref<!tpu.dma_semaphore, #tpu.memory_space<semaphore_mem>>, %arg17: memref<!tpu.dma_semaphore, #tpu.memory_space<semaphore_mem>>, %arg18: memref<!tpu.dma_semaphore, #tpu.memory_space<semaphore_mem>>, %arg19: memref<!tpu.dma_semaphore, #tpu.memory_space<semaphore_mem>>) attributes {dimension_semantics = [#tpu.dimension_semantics<core_parallel>, #tpu.dimension_semantics<subcore_parallel>], iteration_bounds = array<i64: 2, 16>, scalar_prefetch = 0 : i64, scratch_operands = 12 : i64, tpu.core_type = #tpu.core_type<sc_vector_subcore>, window_params = [{transform_indices = #map}, {transform_indices = #map}, {transform_indices = #map1}, {transform_indices = #map1}, {transform_indices = #map}, {transform_indices = #map}]} {
    %mul3A = arith.constant 2 : i32
    %mul3A_0 = arith.muli %arg1, %mul3A : i32
    %add3A = arith.addi %mul3A_0, %arg0 : i32
    %mul3A_1 = arith.constant 128 : i32
    %mul3A_2 = arith.muli %add3A, %mul3A_1 : i32
    %mul3A_3 = arith.constant 640 : i32
    %mul3A_4 = arith.muli %arg1, %mul3A_3 : i32
    "tpu.region"() ({
      %run_scoped3A = tpu.sem_alloc : memref<!tpu.dma_semaphore, #tpu.memory_space<semaphore_mem>>
      %dma_start3A_120 = arith.constant 0 : i32
      %dma_start3A_121 = tpu.memref_slice %arg14[%mul3A_4, %dma_start3A_120] : memref<10240x128xf32, #tpu.memory_space<vmem_shared>> -> memref<640x128xf32, #tpu.memory_space<vmem_shared>>
      tpu.enqueue_dma source(%arg6 : memref<640x128xf32, #tpu.memory_space<hbm>>) target(%dma_start3A_121 : memref<640x128xf32, #tpu.memory_space<vmem_shared>>) target_semaphore(%run_scoped3A : memref<!tpu.dma_semaphore, #tpu.memory_space<semaphore_mem>>)
      %dma_wait3A_122 = arith.constant 0 : i32
      %dma_wait3A_123 = tpu.memref_slice %arg14[%mul3A_4, %dma_wait3A_122] : memref<10240x128xf32, #tpu.memory_space<vmem_shared>> -> memref<640x128xf32, #tpu.memory_space<vmem_shared>>
      tpu.wait_dma2 semaphore(%run_scoped3A : memref<!tpu.dma_semaphore, #tpu.memory_space<semaphore_mem>>) src(%arg6 : memref<640x128xf32, #tpu.memory_space<hbm>>) dst(%dma_wait3A_123 : memref<640x128xf32, #tpu.memory_space<vmem_shared>>)
      tpu.yield
    }) : () -> ()
    %barrier3A = arith.constant 0 : index
    tpu.barrier barrier_id(%barrier3A)
    %add3A_5 = arith.constant 0 : i32
    %add3A_6 = arith.addi %mul3A_2, %add3A_5 : i32
    %mul3A_7 = arith.constant 80 : i32
    %mul3A_8 = arith.muli %add3A_6, %mul3A_7 : i32
    %dma_start3A = arith.constant 0 : i32
    %dma_start3A_9 = arith.constant 0 : i32
    %dma_start3A_10 = tpu.memref_slice %arg8[%dma_start3A, %dma_start3A_9] : memref<4x80xi32, #tpu.memory_space<vmem>> -> memref<1x80xi32, #tpu.memory_space<vmem>>
    %dma_start3A_11 = tpu.memref_squeeze %dma_start3A_10 : memref<1x80xi32, #tpu.memory_space<vmem>> -> memref<80xi32, #tpu.memory_space<vmem>>
    %dma_start3A_12 = tpu.memref_slice %arg4[%mul3A_8] : memref<327680xi32, #tpu.memory_space<hbm>> -> memref<80xi32, #tpu.memory_space<hbm>>
    %dma_start3A_13 = arith.constant 0 : i32
    %dma_start3A_14 = tpu.memref_slice %arg8[%dma_start3A, %dma_start3A_13] : memref<4x80xi32, #tpu.memory_space<vmem>> -> memref<1x80xi32, #tpu.memory_space<vmem>>
    %dma_start3A_15 = tpu.memref_squeeze %dma_start3A_14 : memref<1x80xi32, #tpu.memory_space<vmem>> -> memref<80xi32, #tpu.memory_space<vmem>>
    %dma_start3A_16 = tpu.memref_slice %arg4[%mul3A_8] : memref<327680xi32, #tpu.memory_space<hbm>> -> memref<80xi32, #tpu.memory_space<hbm>>
    tpu.enqueue_dma source(%dma_start3A_16 : memref<80xi32, #tpu.memory_space<hbm>>) target(%dma_start3A_15 : memref<80xi32, #tpu.memory_space<vmem>>) target_semaphore(%arg15 : memref<!tpu.dma_semaphore, #tpu.memory_space<semaphore_mem>>)
    %dma_start3A_17 = arith.constant 0 : i32
    %dma_start3A_18 = arith.constant 0 : i32
    %dma_start3A_19 = tpu.memref_slice %arg9[%dma_start3A_17, %dma_start3A_18] : memref<4x80xi32, #tpu.memory_space<vmem>> -> memref<1x80xi32, #tpu.memory_space<vmem>>
    %dma_start3A_20 = tpu.memref_squeeze %dma_start3A_19 : memref<1x80xi32, #tpu.memory_space<vmem>> -> memref<80xi32, #tpu.memory_space<vmem>>
    %dma_start3A_21 = tpu.memref_slice %arg5[%mul3A_8] : memref<327680xi32, #tpu.memory_space<hbm>> -> memref<80xi32, #tpu.memory_space<hbm>>
    %dma_start3A_22 = arith.constant 0 : i32
    %dma_start3A_23 = tpu.memref_slice %arg9[%dma_start3A_17, %dma_start3A_22] : memref<4x80xi32, #tpu.memory_space<vmem>> -> memref<1x80xi32, #tpu.memory_space<vmem>>
    %dma_start3A_24 = tpu.memref_squeeze %dma_start3A_23 : memref<1x80xi32, #tpu.memory_space<vmem>> -> memref<80xi32, #tpu.memory_space<vmem>>
    %dma_start3A_25 = tpu.memref_slice %arg5[%mul3A_8] : memref<327680xi32, #tpu.memory_space<hbm>> -> memref<80xi32, #tpu.memory_space<hbm>>
    tpu.enqueue_dma source(%dma_start3A_25 : memref<80xi32, #tpu.memory_space<hbm>>) target(%dma_start3A_24 : memref<80xi32, #tpu.memory_space<vmem>>) target_semaphore(%arg15 : memref<!tpu.dma_semaphore, #tpu.memory_space<semaphore_mem>>)
    %add3A_26 = arith.constant 1 : i32
    %add3A_27 = arith.addi %mul3A_2, %add3A_26 : i32
    %mul3A_28 = arith.constant 80 : i32
    %mul3A_29 = arith.muli %add3A_27, %mul3A_28 : i32
    %dma_start3A_30 = arith.constant 1 : i32
    %dma_start3A_31 = arith.constant 0 : i32
    %dma_start3A_32 = tpu.memref_slice %arg8[%dma_start3A_30, %dma_start3A_31] : memref<4x80xi32, #tpu.memory_space<vmem>> -> memref<1x80xi32, #tpu.memory_space<vmem>>
    %dma_start3A_33 = tpu.memref_squeeze %dma_start3A_32 : memref<1x80xi32, #tpu.memory_space<vmem>> -> memref<80xi32, #tpu.memory_space<vmem>>
    %dma_start3A_34 = tpu.memref_slice %arg4[%mul3A_29] : memref<327680xi32, #tpu.memory_space<hbm>> -> memref<80xi32, #tpu.memory_space<hbm>>
    %dma_start3A_35 = arith.constant 0 : i32
    %dma_start3A_36 = tpu.memref_slice %arg8[%dma_start3A_30, %dma_start3A_35] : memref<4x80xi32, #tpu.memory_space<vmem>> -> memref<1x80xi32, #tpu.memory_space<vmem>>
    %dma_start3A_37 = tpu.memref_squeeze %dma_start3A_36 : memref<1x80xi32, #tpu.memory_space<vmem>> -> memref<80xi32, #tpu.memory_space<vmem>>
    %dma_start3A_38 = tpu.memref_slice %arg4[%mul3A_29] : memref<327680xi32, #tpu.memory_space<hbm>> -> memref<80xi32, #tpu.memory_space<hbm>>
    tpu.enqueue_dma source(%dma_start3A_38 : memref<80xi32, #tpu.memory_space<hbm>>) target(%dma_start3A_37 : memref<80xi32, #tpu.memory_space<vmem>>) target_semaphore(%arg15 : memref<!tpu.dma_semaphore, #tpu.memory_space<semaphore_mem>>)
    %dma_start3A_39 = arith.constant 1 : i32
    %dma_start3A_40 = arith.constant 0 : i32
    %dma_start3A_41 = tpu.memref_slice %arg9[%dma_start3A_39, %dma_start3A_40] : memref<4x80xi32, #tpu.memory_space<vmem>> -> memref<1x80xi32, #tpu.memory_space<vmem>>
    %dma_start3A_42 = tpu.memref_squeeze %dma_start3A_41 : memref<1x80xi32, #tpu.memory_space<vmem>> -> memref<80xi32, #tpu.memory_space<vmem>>
    %dma_start3A_43 = tpu.memref_slice %arg5[%mul3A_29] : memref<327680xi32, #tpu.memory_space<hbm>> -> memref<80xi32, #tpu.memory_space<hbm>>
    %dma_start3A_44 = arith.constant 0 : i32
    %dma_start3A_45 = tpu.memref_slice %arg9[%dma_start3A_39, %dma_start3A_44] : memref<4x80xi32, #tpu.memory_space<vmem>> -> memref<1x80xi32, #tpu.memory_space<vmem>>
    %dma_start3A_46 = tpu.memref_squeeze %dma_start3A_45 : memref<1x80xi32, #tpu.memory_space<vmem>> -> memref<80xi32, #tpu.memory_space<vmem>>
    %dma_start3A_47 = tpu.memref_slice %arg5[%mul3A_29] : memref<327680xi32, #tpu.memory_space<hbm>> -> memref<80xi32, #tpu.memory_space<hbm>>
    tpu.enqueue_dma source(%dma_start3A_47 : memref<80xi32, #tpu.memory_space<hbm>>) target(%dma_start3A_46 : memref<80xi32, #tpu.memory_space<vmem>>) target_semaphore(%arg15 : memref<!tpu.dma_semaphore, #tpu.memory_space<semaphore_mem>>)
    %dma_wait3A = arith.constant 0 : i32
    %dma_wait3A_48 = arith.constant 0 : i32
    %dma_wait3A_49 = tpu.memref_slice %arg8[%dma_wait3A, %dma_wait3A_48] : memref<4x80xi32, #tpu.memory_space<vmem>> -> memref<1x80xi32, #tpu.memory_space<vmem>>
    %dma_wait3A_50 = tpu.memref_squeeze %dma_wait3A_49 : memref<1x80xi32, #tpu.memory_space<vmem>> -> memref<80xi32, #tpu.memory_space<vmem>>
    %dma_wait3A_51 = arith.constant 0 : i32
    %dma_wait3A_52 = tpu.memref_slice %arg4[%dma_wait3A_51] : memref<327680xi32, #tpu.memory_space<hbm>> -> memref<80xi32, #tpu.memory_space<hbm>>
    %dma_wait3A_53 = arith.constant 0 : i32
    %dma_wait3A_54 = tpu.memref_slice %arg8[%dma_wait3A, %dma_wait3A_53] : memref<4x80xi32, #tpu.memory_space<vmem>> -> memref<1x80xi32, #tpu.memory_space<vmem>>
    %dma_wait3A_55 = tpu.memref_squeeze %dma_wait3A_54 : memref<1x80xi32, #tpu.memory_space<vmem>> -> memref<80xi32, #tpu.memory_space<vmem>>
    %dma_wait3A_56 = arith.constant 0 : i32
    %dma_wait3A_57 = tpu.memref_slice %arg4[%dma_wait3A_56] : memref<327680xi32, #tpu.memory_space<hbm>> -> memref<80xi32, #tpu.memory_space<hbm>>
    tpu.wait_dma2 semaphore(%arg15 : memref<!tpu.dma_semaphore, #tpu.memory_space<semaphore_mem>>) src(%dma_wait3A_57 : memref<80xi32, #tpu.memory_space<hbm>>) dst(%dma_wait3A_55 : memref<80xi32, #tpu.memory_space<vmem>>)
    %dma_wait3A_58 = arith.constant 0 : i32
    %dma_wait3A_59 = arith.constant 0 : i32
    %dma_wait3A_60 = tpu.memref_slice %arg9[%dma_wait3A_58, %dma_wait3A_59] : memref<4x80xi32, #tpu.memory_space<vmem>> -> memref<1x80xi32, #tpu.memory_space<vmem>>
    %dma_wait3A_61 = tpu.memref_squeeze %dma_wait3A_60 : memref<1x80xi32, #tpu.memory_space<vmem>> -> memref<80xi32, #tpu.memory_space<vmem>>
    %dma_wait3A_62 = arith.constant 0 : i32
    %dma_wait3A_63 = tpu.memref_slice %arg5[%dma_wait3A_62] : memref<327680xi32, #tpu.memory_space<hbm>> -> memref<80xi32, #tpu.memory_space<hbm>>
    %dma_wait3A_64 = arith.constant 0 : i32
    %dma_wait3A_65 = tpu.memref_slice %arg9[%dma_wait3A_58, %dma_wait3A_64] : memref<4x80xi32, #tpu.memory_space<vmem>> -> memref<1x80xi32, #tpu.memory_space<vmem>>
    %dma_wait3A_66 = tpu.memref_squeeze %dma_wait3A_65 : memref<1x80xi32, #tpu.memory_space<vmem>> -> memref<80xi32, #tpu.memory_space<vmem>>
    %dma_wait3A_67 = arith.constant 0 : i32
    %dma_wait3A_68 = tpu.memref_slice %arg5[%dma_wait3A_67] : memref<327680xi32, #tpu.memory_space<hbm>> -> memref<80xi32, #tpu.memory_space<hbm>>
    tpu.wait_dma2 semaphore(%arg15 : memref<!tpu.dma_semaphore, #tpu.memory_space<semaphore_mem>>) src(%dma_wait3A_68 : memref<80xi32, #tpu.memory_space<hbm>>) dst(%dma_wait3A_66 : memref<80xi32, #tpu.memory_space<vmem>>)
    %dma_wait3A_69 = arith.constant 0 : i32
    %dma_wait3A_70 = arith.constant 0 : i32
    %dma_wait3A_71 = tpu.memref_slice %arg8[%dma_wait3A_69, %dma_wait3A_70] : memref<4x80xi32, #tpu.memory_space<vmem>> -> memref<1x80xi32, #tpu.memory_space<vmem>>
    %dma_wait3A_72 = tpu.memref_squeeze %dma_wait3A_71 : memref<1x80xi32, #tpu.memory_space<vmem>> -> memref<80xi32, #tpu.memory_space<vmem>>
    %dma_wait3A_73 = arith.constant 0 : i32
    %dma_wait3A_74 = tpu.memref_slice %arg4[%dma_wait3A_73] : memref<327680xi32, #tpu.memory_space<hbm>> -> memref<80xi32, #tpu.memory_space<hbm>>
    %dma_wait3A_75 = arith.constant 0 : i32
    %dma_wait3A_76 = tpu.memref_slice %arg8[%dma_wait3A_69, %dma_wait3A_75] : memref<4x80xi32, #tpu.memory_space<vmem>> -> memref<1x80xi32, #tpu.memory_space<vmem>>
    %dma_wait3A_77 = tpu.memref_squeeze %dma_wait3A_76 : memref<1x80xi32, #tpu.memory_space<vmem>> -> memref<80xi32, #tpu.memory_space<vmem>>
    %dma_wait3A_78 = arith.constant 0 : i32
    %dma_wait3A_79 = tpu.memref_slice %arg4[%dma_wait3A_78] : memref<327680xi32, #tpu.memory_space<hbm>> -> memref<80xi32, #tpu.memory_space<hbm>>
    tpu.wait_dma2 semaphore(%arg15 : memref<!tpu.dma_semaphore, #tpu.memory_space<semaphore_mem>>) src(%dma_wait3A_79 : memref<80xi32, #tpu.memory_space<hbm>>) dst(%dma_wait3A_77 : memref<80xi32, #tpu.memory_space<vmem>>)
    %dma_wait3A_80 = arith.constant 0 : i32
    %dma_wait3A_81 = arith.constant 0 : i32
    %dma_wait3A_82 = tpu.memref_slice %arg9[%dma_wait3A_80, %dma_wait3A_81] : memref<4x80xi32, #tpu.memory_space<vmem>> -> memref<1x80xi32, #tpu.memory_space<vmem>>
    %dma_wait3A_83 = tpu.memref_squeeze %dma_wait3A_82 : memref<1x80xi32, #tpu.memory_space<vmem>> -> memref<80xi32, #tpu.memory_space<vmem>>
    %dma_wait3A_84 = arith.constant 0 : i32
    %dma_wait3A_85 = tpu.memref_slice %arg5[%dma_wait3A_84] : memref<327680xi32, #tpu.memory_space<hbm>> -> memref<80xi32, #tpu.memory_space<hbm>>
    %dma_wait3A_86 = arith.constant 0 : i32
    %dma_wait3A_87 = tpu.memref_slice %arg9[%dma_wait3A_80, %dma_wait3A_86] : memref<4x80xi32, #tpu.memory_space<vmem>> -> memref<1x80xi32, #tpu.memory_space<vmem>>
    %dma_wait3A_88 = tpu.memref_squeeze %dma_wait3A_87 : memref<1x80xi32, #tpu.memory_space<vmem>> -> memref<80xi32, #tpu.memory_space<vmem>>
    %dma_wait3A_89 = arith.constant 0 : i32
    %dma_wait3A_90 = tpu.memref_slice %arg5[%dma_wait3A_89] : memref<327680xi32, #tpu.memory_space<hbm>> -> memref<80xi32, #tpu.memory_space<hbm>>
    tpu.wait_dma2 semaphore(%arg15 : memref<!tpu.dma_semaphore, #tpu.memory_space<semaphore_mem>>) src(%dma_wait3A_90 : memref<80xi32, #tpu.memory_space<hbm>>) dst(%dma_wait3A_88 : memref<80xi32, #tpu.memory_space<vmem>>)
    %add3A_91 = arith.constant 0 : i32
    %add3A_92 = arith.addi %mul3A_2, %add3A_91 : i32
    %mul3A_93 = arith.constant 80 : i32
    %mul3A_94 = arith.muli %add3A_92, %mul3A_93 : i32
    %dma_start3A_95 = arith.constant 0 : i32
    %dma_start3A_96 = tpu.memref_slice %arg3[%mul3A_94, %dma_start3A_95] : memref<327680x128xf32, #tpu.memory_space<hbm>> -> memref<80x128xf32, #tpu.memory_space<hbm>>
    %dma_start3A_97 = arith.constant 0 : i32
    %dma_start3A_98 = tpu.memref_slice %arg3[%mul3A_94, %dma_start3A_97] : memref<327680x128xf32, #tpu.memory_space<hbm>> -> memref<80x128xf32, #tpu.memory_space<hbm>>
    tpu.enqueue_dma source(%dma_start3A_98 : memref<80x128xf32, #tpu.memory_space<hbm>>) target(%arg12 : memref<80x128xf32, #tpu.memory_space<vmem>>) target_semaphore(%arg18 : memref<!tpu.dma_semaphore, #tpu.memory_space<semaphore_mem>>)
    %dma_start3A_99 = arith.constant 0 : i32
    %dma_start3A_100 = arith.constant 0 : i32
    %dma_start3A_101 = tpu.memref_slice %arg8[%dma_start3A_99, %dma_start3A_100] : memref<4x80xi32, #tpu.memory_space<vmem>> -> memref<1x80xi32, #tpu.memory_space<vmem>>
    %dma_start3A_102 = tpu.memref_squeeze %dma_start3A_101 : memref<1x80xi32, #tpu.memory_space<vmem>> -> memref<80xi32, #tpu.memory_space<vmem>>
    %dma_start3A_103 = arith.constant 0 : i32
    %dma_start3A_104 = arith.constant 0 : i32
    %dma_start3A_105 = tpu.memref_slice %arg2[%dma_start3A_103, %dma_start3A_104] : memref<10000x128xf32, #tpu.memory_space<hbm>> -> memref<10000x128xf32, #tpu.memory_space<hbm>>
    tpu.enqueue_indirect_dma source(%dma_start3A_105 : memref<10000x128xf32, #tpu.memory_space<hbm>>) target(%arg10 : memref<80x128xf32, #tpu.memory_space<vmem>>) offsets(%dma_start3A_102 : memref<80xi32, #tpu.memory_space<vmem>>) semaphore(%arg16 : memref<!tpu.dma_semaphore, #tpu.memory_space<semaphore_mem>>)
    %scan3A = arith.constant 0 : i32
    %scan3A_106 = arith.constant 0 : i32
    %scan3A_107 = arith.constant 64 : i32
    %scan3A_108 = arith.addi %scan3A_106, %scan3A_107 : i32
    %scan3A_109 = arith.constant 1 : i32
    %scan3A_110 = scf.for %scan3A_120 = %scan3A_106 to %scan3A_108 step %scan3A_109 iter_args(%scan3A_121 = %scan3A) -> (i32)  : i32 {
      %mul3A_122 = arith.constant 2 : i32
      %mul3A_123 = arith.muli %scan3A_120, %mul3A_122 : i32
      %rem3A = arith.constant 4 : i32
      %rem3A_124 = arith.remsi %mul3A_123, %rem3A : i32
      %add3A_125 = arith.constant 1 : i32
      %add3A_126 = arith.addi %mul3A_123, %add3A_125 : i32
      %rem3A_127 = arith.constant 4 : i32
      %rem3A_128 = arith.remsi %add3A_126, %rem3A_127 : i32
      %add3A_129 = arith.constant 2 : i32
      %add3A_130 = arith.addi %mul3A_123, %add3A_129 : i32
      %rem3A_131 = arith.constant 4 : i32
      %rem3A_132 = arith.remsi %add3A_130, %rem3A_131 : i32
      %add3A_133 = arith.constant 3 : i32
      %add3A_134 = arith.addi %mul3A_123, %add3A_133 : i32
      %rem3A_135 = arith.constant 4 : i32
      %rem3A_136 = arith.remsi %add3A_134, %rem3A_135 : i32
      %lt3A = arith.constant 63 : i32
      %lt3A_137 = arith.cmpi slt, %scan3A_120, %lt3A : i32
      %convert_element_type3A = arith.extui %lt3A_137 : i1 to i32
      %cond3A = arith.constant 0 : i32
      %cond3A_138 = arith.cmpi ne, %convert_element_type3A, %cond3A : i32
      scf.if %cond3A_138 {
        %add3A_189 = arith.constant 2 : i32
        %add3A_190 = arith.addi %mul3A_123, %add3A_189 : i32
        %add3A_191 = arith.addi %mul3A_2, %add3A_190 : i32
        %mul3A_192 = arith.constant 80 : i32
        %mul3A_193 = arith.muli %add3A_191, %mul3A_192 : i32
        %dma_start3A_194 = arith.constant 0 : i32
        %dma_start3A_195 = tpu.memref_slice %arg8[%rem3A_132, %dma_start3A_194] : memref<4x80xi32, #tpu.memory_space<vmem>> -> memref<1x80xi32, #tpu.memory_space<vmem>>
        %dma_start3A_196 = tpu.memref_squeeze %dma_start3A_195 : memref<1x80xi32, #tpu.memory_space<vmem>> -> memref<80xi32, #tpu.memory_space<vmem>>
        %dma_start3A_197 = tpu.memref_slice %arg4[%mul3A_193] : memref<327680xi32, #tpu.memory_space<hbm>> -> memref<80xi32, #tpu.memory_space<hbm>>
        %dma_start3A_198 = arith.constant 0 : i32
        %dma_start3A_199 = tpu.memref_slice %arg8[%rem3A_132, %dma_start3A_198] : memref<4x80xi32, #tpu.memory_space<vmem>> -> memref<1x80xi32, #tpu.memory_space<vmem>>
        %dma_start3A_200 = tpu.memref_squeeze %dma_start3A_199 : memref<1x80xi32, #tpu.memory_space<vmem>> -> memref<80xi32, #tpu.memory_space<vmem>>
        %dma_start3A_201 = tpu.memref_slice %arg4[%mul3A_193] : memref<327680xi32, #tpu.memory_space<hbm>> -> memref<80xi32, #tpu.memory_space<hbm>>
        tpu.enqueue_dma source(%dma_start3A_201 : memref<80xi32, #tpu.memory_space<hbm>>) target(%dma_start3A_200 : memref<80xi32, #tpu.memory_space<vmem>>) target_semaphore(%arg15 : memref<!tpu.dma_semaphore, #tpu.memory_space<semaphore_mem>>)
        %dma_start3A_202 = arith.constant 0 : i32
        %dma_start3A_203 = tpu.memref_slice %arg9[%rem3A_132, %dma_start3A_202] : memref<4x80xi32, #tpu.memory_space<vmem>> -> memref<1x80xi32, #tpu.memory_space<vmem>>
        %dma_start3A_204 = tpu.memref_squeeze %dma_start3A_203 : memref<1x80xi32, #tpu.memory_space<vmem>> -> memref<80xi32, #tpu.memory_space<vmem>>
        %dma_start3A_205 = tpu.memref_slice %arg5[%mul3A_193] : memref<327680xi32, #tpu.memory_space<hbm>> -> memref<80xi32, #tpu.memory_space<hbm>>
        %dma_start3A_206 = arith.constant 0 : i32
        %dma_start3A_207 = tpu.memref_slice %arg9[%rem3A_132, %dma_start3A_206] : memref<4x80xi32, #tpu.memory_space<vmem>> -> memref<1x80xi32, #tpu.memory_space<vmem>>
        %dma_start3A_208 = tpu.memref_squeeze %dma_start3A_207 : memref<1x80xi32, #tpu.memory_space<vmem>> -> memref<80xi32, #tpu.memory_space<vmem>>
        %dma_start3A_209 = tpu.memref_slice %arg5[%mul3A_193] : memref<327680xi32, #tpu.memory_space<hbm>> -> memref<80xi32, #tpu.memory_space<hbm>>
        tpu.enqueue_dma source(%dma_start3A_209 : memref<80xi32, #tpu.memory_space<hbm>>) target(%dma_start3A_208 : memref<80xi32, #tpu.memory_space<vmem>>) target_semaphore(%arg15 : memref<!tpu.dma_semaphore, #tpu.memory_space<semaphore_mem>>)
        %add3A_210 = arith.constant 3 : i32
        %add3A_211 = arith.addi %mul3A_123, %add3A_210 : i32
        %add3A_212 = arith.addi %mul3A_2, %add3A_211 : i32
        %mul3A_213 = arith.constant 80 : i32
        %mul3A_214 = arith.muli %add3A_212, %mul3A_213 : i32
        %dma_start3A_215 = arith.constant 0 : i32
        %dma_start3A_216 = tpu.memref_slice %arg8[%rem3A_136, %dma_start3A_215] : memref<4x80xi32, #tpu.memory_space<vmem>> -> memref<1x80xi32, #tpu.memory_space<vmem>>
        %dma_start3A_217 = tpu.memref_squeeze %dma_start3A_216 : memref<1x80xi32, #tpu.memory_space<vmem>> -> memref<80xi32, #tpu.memory_space<vmem>>
        %dma_start3A_218 = tpu.memref_slice %arg4[%mul3A_214] : memref<327680xi32, #tpu.memory_space<hbm>> -> memref<80xi32, #tpu.memory_space<hbm>>
        %dma_start3A_219 = arith.constant 0 : i32
        %dma_start3A_220 = tpu.memref_slice %arg8[%rem3A_136, %dma_start3A_219] : memref<4x80xi32, #tpu.memory_space<vmem>> -> memref<1x80xi32, #tpu.memory_space<vmem>>
        %dma_start3A_221 = tpu.memref_squeeze %dma_start3A_220 : memref<1x80xi32, #tpu.memory_space<vmem>> -> memref<80xi32, #tpu.memory_space<vmem>>
        %dma_start3A_222 = tpu.memref_slice %arg4[%mul3A_214] : memref<327680xi32, #tpu.memory_space<hbm>> -> memref<80xi32, #tpu.memory_space<hbm>>
        tpu.enqueue_dma source(%dma_start3A_222 : memref<80xi32, #tpu.memory_space<hbm>>) target(%dma_start3A_221 : memref<80xi32, #tpu.memory_space<vmem>>) target_semaphore(%arg15 : memref<!tpu.dma_semaphore, #tpu.memory_space<semaphore_mem>>)
        %dma_start3A_223 = arith.constant 0 : i32
        %dma_start3A_224 = tpu.memref_slice %arg9[%rem3A_136, %dma_start3A_223] : memref<4x80xi32, #tpu.memory_space<vmem>> -> memref<1x80xi32, #tpu.memory_space<vmem>>
        %dma_start3A_225 = tpu.memref_squeeze %dma_start3A_224 : memref<1x80xi32, #tpu.memory_space<vmem>> -> memref<80xi32, #tpu.memory_space<vmem>>
        %dma_start3A_226 = tpu.memref_slice %arg5[%mul3A_214] : memref<327680xi32, #tpu.memory_space<hbm>> -> memref<80xi32, #tpu.memory_space<hbm>>
        %dma_start3A_227 = arith.constant 0 : i32
        %dma_start3A_228 = tpu.memref_slice %arg9[%rem3A_136, %dma_start3A_227] : memref<4x80xi32, #tpu.memory_space<vmem>> -> memref<1x80xi32, #tpu.memory_space<vmem>>
        %dma_start3A_229 = tpu.memref_squeeze %dma_start3A_228 : memref<1x80xi32, #tpu.memory_space<vmem>> -> memref<80xi32, #tpu.memory_space<vmem>>
        %dma_start3A_230 = tpu.memref_slice %arg5[%mul3A_214] : memref<327680xi32, #tpu.memory_space<hbm>> -> memref<80xi32, #tpu.memory_space<hbm>>
        tpu.enqueue_dma source(%dma_start3A_230 : memref<80xi32, #tpu.memory_space<hbm>>) target(%dma_start3A_229 : memref<80xi32, #tpu.memory_space<vmem>>) target_semaphore(%arg15 : memref<!tpu.dma_semaphore, #tpu.memory_space<semaphore_mem>>)
      } else {
      }
      %add3A_139 = arith.constant 1 : i32
      %add3A_140 = arith.addi %mul3A_123, %add3A_139 : i32
      %add3A_141 = arith.addi %mul3A_2, %add3A_140 : i32
      %mul3A_142 = arith.constant 80 : i32
      %mul3A_143 = arith.muli %add3A_141, %mul3A_142 : i32
      %dma_start3A_144 = arith.constant 0 : i32
      %dma_start3A_145 = tpu.memref_slice %arg3[%mul3A_143, %dma_start3A_144] : memref<327680x128xf32, #tpu.memory_space<hbm>> -> memref<80x128xf32, #tpu.memory_space<hbm>>
      %dma_start3A_146 = arith.constant 0 : i32
      %dma_start3A_147 = tpu.memref_slice %arg3[%mul3A_143, %dma_start3A_146] : memref<327680x128xf32, #tpu.memory_space<hbm>> -> memref<80x128xf32, #tpu.memory_space<hbm>>
      tpu.enqueue_dma source(%dma_start3A_147 : memref<80x128xf32, #tpu.memory_space<hbm>>) target(%arg13 : memref<80x128xf32, #tpu.memory_space<vmem>>) target_semaphore(%arg19 : memref<!tpu.dma_semaphore, #tpu.memory_space<semaphore_mem>>)
      %dma_start3A_148 = arith.constant 0 : i32
      %dma_start3A_149 = tpu.memref_slice %arg8[%rem3A_128, %dma_start3A_148] : memref<4x80xi32, #tpu.memory_space<vmem>> -> memref<1x80xi32, #tpu.memory_space<vmem>>
      %dma_start3A_150 = tpu.memref_squeeze %dma_start3A_149 : memref<1x80xi32, #tpu.memory_space<vmem>> -> memref<80xi32, #tpu.memory_space<vmem>>
      %dma_start3A_151 = arith.constant 0 : i32
      %dma_start3A_152 = arith.constant 0 : i32
      %dma_start3A_153 = tpu.memref_slice %arg2[%dma_start3A_151, %dma_start3A_152] : memref<10000x128xf32, #tpu.memory_space<hbm>> -> memref<10000x128xf32, #tpu.memory_space<hbm>>
      tpu.enqueue_indirect_dma source(%dma_start3A_153 : memref<10000x128xf32, #tpu.memory_space<hbm>>) target(%arg11 : memref<80x128xf32, #tpu.memory_space<vmem>>) offsets(%dma_start3A_150 : memref<80xi32, #tpu.memory_space<vmem>>) semaphore(%arg17 : memref<!tpu.dma_semaphore, #tpu.memory_space<semaphore_mem>>)
      %dma_wait3A_154 = arith.constant 0 : i32
      %dma_wait3A_155 = arith.constant 0 : i32
      %dma_wait3A_156 = tpu.memref_slice %arg3[%dma_wait3A_154, %dma_wait3A_155] : memref<327680x128xf32, #tpu.memory_space<hbm>> -> memref<80x128xf32, #tpu.memory_space<hbm>>
      %dma_wait3A_157 = arith.constant 0 : i32
      %dma_wait3A_158 = arith.constant 0 : i32
      %dma_wait3A_159 = tpu.memref_slice %arg3[%dma_wait3A_157, %dma_wait3A_158] : memref<327680x128xf32, #tpu.memory_space<hbm>> -> memref<80x128xf32, #tpu.memory_space<hbm>>
      tpu.wait_dma2 semaphore(%arg18 : memref<!tpu.dma_semaphore, #tpu.memory_space<semaphore_mem>>) src(%dma_wait3A_159 : memref<80x128xf32, #tpu.memory_space<hbm>>) dst(%arg12 : memref<80x128xf32, #tpu.memory_space<vmem>>)
      %dma_wait3A_160 = arith.constant 0 : i32
      %dma_wait3A_161 = arith.constant 0 : i32
      %dma_wait3A_162 = tpu.memref_slice %arg8[%dma_wait3A_160, %dma_wait3A_161] : memref<4x80xi32, #tpu.memory_space<vmem>> -> memref<1x80xi32, #tpu.memory_space<vmem>>
      %dma_wait3A_163 = tpu.memref_squeeze %dma_wait3A_162 : memref<1x80xi32, #tpu.memory_space<vmem>> -> memref<80xi32, #tpu.memory_space<vmem>>
      %dma_wait3A_164 = arith.constant 0 : i32
      %dma_wait3A_165 = arith.constant 0 : i32
      %dma_wait3A_166 = tpu.memref_slice %arg2[%dma_wait3A_164, %dma_wait3A_165] : memref<10000x128xf32, #tpu.memory_space<hbm>> -> memref<10000x128xf32, #tpu.memory_space<hbm>>
      tpu.wait_indirect_dma semaphore(%arg16 : memref<!tpu.dma_semaphore, #tpu.memory_space<semaphore_mem>>) src(%dma_wait3A_166 : memref<10000x128xf32, #tpu.memory_space<hbm>>) dst(%arg10 : memref<80x128xf32, #tpu.memory_space<vmem>>)
      %parallel_loop3A = arith.constant 0 : i32
      %parallel_loop3A_167 = arith.constant 80 : i32
      %parallel_loop3A_168 = arith.constant 1 : i32
      scf.for %parallel_loop3A_189 = %parallel_loop3A to %parallel_loop3A_167 step %parallel_loop3A_168  : i32 {
        %parallel_loop3A_190 = arith.index_cast %parallel_loop3A_189 : i32 to index
        %parallel_loop3A_191 = arith.constant 0 : index
        %parallel_loop3A_192 = tpu.vector_load %arg10[%parallel_loop3A_190, %parallel_loop3A_191] {strides = array<i32>} : memref<80x128xf32, #tpu.memory_space<vmem>>, vector<1x16xf32>,
        %parallel_loop3A_193 = vector.shape_cast %parallel_loop3A_192 : vector<1x16xf32> to vector<16xf32>
        %parallel_loop3A_194 = arith.index_cast %parallel_loop3A_189 : i32 to index
        %parallel_loop3A_195 = arith.constant 0 : index
        %parallel_loop3A_196 = tpu.vector_load %arg12[%parallel_loop3A_194, %parallel_loop3A_195] {strides = array<i32>} : memref<80x128xf32, #tpu.memory_space<vmem>>, vector<1x16xf32>,
        %parallel_loop3A_197 = vector.shape_cast %parallel_loop3A_196 : vector<1x16xf32> to vector<16xf32>
        %parallel_loop3A_198 = arith.mulf %parallel_loop3A_193, %parallel_loop3A_197 : vector<16xf32>
        %parallel_loop3A_199 = arith.index_cast %parallel_loop3A_189 : i32 to index
        %parallel_loop3A_200 = arith.constant 0 : index
        %parallel_loop3A_201 = tpu.vector_load %arg10[%parallel_loop3A_199, %parallel_loop3A_200] {strides = array<i32>} : memref<80x128xf32, #tpu.memory_space<vmem>>, vector<1x16xf32>,
        %parallel_loop3A_202 = vector.shape_cast %parallel_loop3A_201 : vector<1x16xf32> to vector<16xf32>
        %parallel_loop3A_203 = vector.shape_cast %parallel_loop3A_198 : vector<16xf32> to vector<1x16xf32>
        tpu.vector_store %arg10[%parallel_loop3A_199, %parallel_loop3A_200], %parallel_loop3A_203 {strides = array<i32>} : memref<80x128xf32, #tpu.memory_space<vmem>>, vector<1x16xf32>,
        %parallel_loop3A_204 = arith.index_cast %parallel_loop3A_189 : i32 to index
        %parallel_loop3A_205 = arith.constant 16 : index
        %parallel_loop3A_206 = tpu.vector_load %arg10[%parallel_loop3A_204, %parallel_loop3A_205] {strides = array<i32>} : memref<80x128xf32, #tpu.memory_space<vmem>>, vector<1x16xf32>,
        %parallel_loop3A_207 = vector.shape_cast %parallel_loop3A_206 : vector<1x16xf32> to vector<16xf32>
        %parallel_loop3A_208 = arith.index_cast %parallel_loop3A_189 : i32 to index
        %parallel_loop3A_209 = arith.constant 16 : index
        %parallel_loop3A_210 = tpu.vector_load %arg12[%parallel_loop3A_208, %parallel_loop3A_209] {strides = array<i32>} : memref<80x128xf32, #tpu.memory_space<vmem>>, vector<1x16xf32>,
        %parallel_loop3A_211 = vector.shape_cast %parallel_loop3A_210 : vector<1x16xf32> to vector<16xf32>
        %parallel_loop3A_212 = arith.mulf %parallel_loop3A_207, %parallel_loop3A_211 : vector<16xf32>
        %parallel_loop3A_213 = arith.index_cast %parallel_loop3A_189 : i32 to index
        %parallel_loop3A_214 = arith.constant 16 : index
        %parallel_loop3A_215 = tpu.vector_load %arg10[%parallel_loop3A_213, %parallel_loop3A_214] {strides = array<i32>} : memref<80x128xf32, #tpu.memory_space<vmem>>, vector<1x16xf32>,
        %parallel_loop3A_216 = vector.shape_cast %parallel_loop3A_215 : vector<1x16xf32> to vector<16xf32>
        %parallel_loop3A_217 = vector.shape_cast %parallel_loop3A_212 : vector<16xf32> to vector<1x16xf32>
        tpu.vector_store %arg10[%parallel_loop3A_213, %parallel_loop3A_214], %parallel_loop3A_217 {strides = array<i32>} : memref<80x128xf32, #tpu.memory_space<vmem>>, vector<1x16xf32>,
        %parallel_loop3A_218 = arith.index_cast %parallel_loop3A_189 : i32 to index
        %parallel_loop3A_219 = arith.constant 32 : index
        %parallel_loop3A_220 = tpu.vector_load %arg10[%parallel_loop3A_218, %parallel_loop3A_219] {strides = array<i32>} : memref<80x128xf32, #tpu.memory_space<vmem>>, vector<1x16xf32>,
        %parallel_loop3A_221 = vector.shape_cast %parallel_loop3A_220 : vector<1x16xf32> to vector<16xf32>
        %parallel_loop3A_222 = arith.index_cast %parallel_loop3A_189 : i32 to index
        %parallel_loop3A_223 = arith.constant 32 : index
        %parallel_loop3A_224 = tpu.vector_load %arg12[%parallel_loop3A_222, %parallel_loop3A_223] {strides = array<i32>} : memref<80x128xf32, #tpu.memory_space<vmem>>, vector<1x16xf32>,
        %parallel_loop3A_225 = vector.shape_cast %parallel_loop3A_224 : vector<1x16xf32> to vector<16xf32>
        %parallel_loop3A_226 = arith.mulf %parallel_loop3A_221, %parallel_loop3A_225 : vector<16xf32>
        %parallel_loop3A_227 = arith.index_cast %parallel_loop3A_189 : i32 to index
        %parallel_loop3A_228 = arith.constant 32 : index
        %parallel_loop3A_229 = tpu.vector_load %arg10[%parallel_loop3A_227, %parallel_loop3A_228] {strides = array<i32>} : memref<80x128xf32, #tpu.memory_space<vmem>>, vector<1x16xf32>,
        %parallel_loop3A_230 = vector.shape_cast %parallel_loop3A_229 : vector<1x16xf32> to vector<16xf32>
        %parallel_loop3A_231 = vector.shape_cast %parallel_loop3A_226 : vector<16xf32> to vector<1x16xf32>
        tpu.vector_store %arg10[%parallel_loop3A_227, %parallel_loop3A_228], %parallel_loop3A_231 {strides = array<i32>} : memref<80x128xf32, #tpu.memory_space<vmem>>, vector<1x16xf32>,
        %parallel_loop3A_232 = arith.index_cast %parallel_loop3A_189 : i32 to index
        %parallel_loop3A_233 = arith.constant 48 : index
        %parallel_loop3A_234 = tpu.vector_load %arg10[%parallel_loop3A_232, %parallel_loop3A_233] {strides = array<i32>} : memref<80x128xf32, #tpu.memory_space<vmem>>, vector<1x16xf32>,
        %parallel_loop3A_235 = vector.shape_cast %parallel_loop3A_234 : vector<1x16xf32> to vector<16xf32>
        %parallel_loop3A_236 = arith.index_cast %parallel_loop3A_189 : i32 to index
        %parallel_loop3A_237 = arith.constant 48 : index
        %parallel_loop3A_238 = tpu.vector_load %arg12[%parallel_loop3A_236, %parallel_loop3A_237] {strides = array<i32>} : memref<80x128xf32, #tpu.memory_space<vmem>>, vector<1x16xf32>,
        %parallel_loop3A_239 = vector.shape_cast %parallel_loop3A_238 : vector<1x16xf32> to vector<16xf32>
        %parallel_loop3A_240 = arith.mulf %parallel_loop3A_235, %parallel_loop3A_239 : vector<16xf32>
        %parallel_loop3A_241 = arith.index_cast %parallel_loop3A_189 : i32 to index
        %parallel_loop3A_242 = arith.constant 48 : index
        %parallel_loop3A_243 = tpu.vector_load %arg10[%parallel_loop3A_241, %parallel_loop3A_242] {strides = array<i32>} : memref<80x128xf32, #tpu.memory_space<vmem>>, vector<1x16xf32>,
        %parallel_loop3A_244 = vector.shape_cast %parallel_loop3A_243 : vector<1x16xf32> to vector<16xf32>
        %parallel_loop3A_245 = vector.shape_cast %parallel_loop3A_240 : vector<16xf32> to vector<1x16xf32>
        tpu.vector_store %arg10[%parallel_loop3A_241, %parallel_loop3A_242], %parallel_loop3A_245 {strides = array<i32>} : memref<80x128xf32, #tpu.memory_space<vmem>>, vector<1x16xf32>,
        %parallel_loop3A_246 = arith.index_cast %parallel_loop3A_189 : i32 to index
        %parallel_loop3A_247 = arith.constant 64 : index
        %parallel_loop3A_248 = tpu.vector_load %arg10[%parallel_loop3A_246, %parallel_loop3A_247] {strides = array<i32>} : memref<80x128xf32, #tpu.memory_space<vmem>>, vector<1x16xf32>,
        %parallel_loop3A_249 = vector.shape_cast %parallel_loop3A_248 : vector<1x16xf32> to vector<16xf32>
        %parallel_loop3A_250 = arith.index_cast %parallel_loop3A_189 : i32 to index
        %parallel_loop3A_251 = arith.constant 64 : index
        %parallel_loop3A_252 = tpu.vector_load %arg12[%parallel_loop3A_250, %parallel_loop3A_251] {strides = array<i32>} : memref<80x128xf32, #tpu.memory_space<vmem>>, vector<1x16xf32>,
        %parallel_loop3A_253 = vector.shape_cast %parallel_loop3A_252 : vector<1x16xf32> to vector<16xf32>
        %parallel_loop3A_254 = arith.mulf %parallel_loop3A_249, %parallel_loop3A_253 : vector<16xf32>
        %parallel_loop3A_255 = arith.index_cast %parallel_loop3A_189 : i32 to index
        %parallel_loop3A_256 = arith.constant 64 : index
        %parallel_loop3A_257 = tpu.vector_load %arg10[%parallel_loop3A_255, %parallel_loop3A_256] {strides = array<i32>} : memref<80x128xf32, #tpu.memory_space<vmem>>, vector<1x16xf32>,
        %parallel_loop3A_258 = vector.shape_cast %parallel_loop3A_257 : vector<1x16xf32> to vector<16xf32>
        %parallel_loop3A_259 = vector.shape_cast %parallel_loop3A_254 : vector<16xf32> to vector<1x16xf32>
        tpu.vector_store %arg10[%parallel_loop3A_255, %parallel_loop3A_256], %parallel_loop3A_259 {strides = array<i32>} : memref<80x128xf32, #tpu.memory_space<vmem>>, vector<1x16xf32>,
        %parallel_loop3A_260 = arith.index_cast %parallel_loop3A_189 : i32 to index
        %parallel_loop3A_261 = arith.constant 80 : index
        %parallel_loop3A_262 = tpu.vector_load %arg10[%parallel_loop3A_260, %parallel_loop3A_261] {strides = array<i32>} : memref<80x128xf32, #tpu.memory_space<vmem>>, vector<1x16xf32>,
        %parallel_loop3A_263 = vector.shape_cast %parallel_loop3A_262 : vector<1x16xf32> to vector<16xf32>
        %parallel_loop3A_264 = arith.index_cast %parallel_loop3A_189 : i32 to index
        %parallel_loop3A_265 = arith.constant 80 : index
        %parallel_loop3A_266 = tpu.vector_load %arg12[%parallel_loop3A_264, %parallel_loop3A_265] {strides = array<i32>} : memref<80x128xf32, #tpu.memory_space<vmem>>, vector<1x16xf32>,
        %parallel_loop3A_267 = vector.shape_cast %parallel_loop3A_266 : vector<1x16xf32> to vector<16xf32>
        %parallel_loop3A_268 = arith.mulf %parallel_loop3A_263, %parallel_loop3A_267 : vector<16xf32>
        %parallel_loop3A_269 = arith.index_cast %parallel_loop3A_189 : i32 to index
        %parallel_loop3A_270 = arith.constant 80 : index
        %parallel_loop3A_271 = tpu.vector_load %arg10[%parallel_loop3A_269, %parallel_loop3A_270] {strides = array<i32>} : memref<80x128xf32, #tpu.memory_space<vmem>>, vector<1x16xf32>,
        %parallel_loop3A_272 = vector.shape_cast %parallel_loop3A_271 : vector<1x16xf32> to vector<16xf32>
        %parallel_loop3A_273 = vector.shape_cast %parallel_loop3A_268 : vector<16xf32> to vector<1x16xf32>
        tpu.vector_store %arg10[%parallel_loop3A_269, %parallel_loop3A_270], %parallel_loop3A_273 {strides = array<i32>} : memref<80x128xf32, #tpu.memory_space<vmem>>, vector<1x16xf32>,
        %parallel_loop3A_274 = arith.index_cast %parallel_loop3A_189 : i32 to index
        %parallel_loop3A_275 = arith.constant 96 : index
        %parallel_loop3A_276 = tpu.vector_load %arg10[%parallel_loop3A_274, %parallel_loop3A_275] {strides = array<i32>} : memref<80x128xf32, #tpu.memory_space<vmem>>, vector<1x16xf32>,
        %parallel_loop3A_277 = vector.shape_cast %parallel_loop3A_276 : vector<1x16xf32> to vector<16xf32>
        %parallel_loop3A_278 = arith.index_cast %parallel_loop3A_189 : i32 to index
        %parallel_loop3A_279 = arith.constant 96 : index
        %parallel_loop3A_280 = tpu.vector_load %arg12[%parallel_loop3A_278, %parallel_loop3A_279] {strides = array<i32>} : memref<80x128xf32, #tpu.memory_space<vmem>>, vector<1x16xf32>,
        %parallel_loop3A_281 = vector.shape_cast %parallel_loop3A_280 : vector<1x16xf32> to vector<16xf32>
        %parallel_loop3A_282 = arith.mulf %parallel_loop3A_277, %parallel_loop3A_281 : vector<16xf32>
        %parallel_loop3A_283 = arith.index_cast %parallel_loop3A_189 : i32 to index
        %parallel_loop3A_284 = arith.constant 96 : index
        %parallel_loop3A_285 = tpu.vector_load %arg10[%parallel_loop3A_283, %parallel_loop3A_284] {strides = array<i32>} : memref<80x128xf32, #tpu.memory_space<vmem>>, vector<1x16xf32>,
        %parallel_loop3A_286 = vector.shape_cast %parallel_loop3A_285 : vector<1x16xf32> to vector<16xf32>
        %parallel_loop3A_287 = vector.shape_cast %parallel_loop3A_282 : vector<16xf32> to vector<1x16xf32>
        tpu.vector_store %arg10[%parallel_loop3A_283, %parallel_loop3A_284], %parallel_loop3A_287 {strides = array<i32>} : memref<80x128xf32, #tpu.memory_space<vmem>>, vector<1x16xf32>,
        %parallel_loop3A_288 = arith.index_cast %parallel_loop3A_189 : i32 to index
        %parallel_loop3A_289 = arith.constant 112 : index
        %parallel_loop3A_290 = tpu.vector_load %arg10[%parallel_loop3A_288, %parallel_loop3A_289] {strides = array<i32>} : memref<80x128xf32, #tpu.memory_space<vmem>>, vector<1x16xf32>,
        %parallel_loop3A_291 = vector.shape_cast %parallel_loop3A_290 : vector<1x16xf32> to vector<16xf32>
        %parallel_loop3A_292 = arith.index_cast %parallel_loop3A_189 : i32 to index
        %parallel_loop3A_293 = arith.constant 112 : index
        %parallel_loop3A_294 = tpu.vector_load %arg12[%parallel_loop3A_292, %parallel_loop3A_293] {strides = array<i32>} : memref<80x128xf32, #tpu.memory_space<vmem>>, vector<1x16xf32>,
        %parallel_loop3A_295 = vector.shape_cast %parallel_loop3A_294 : vector<1x16xf32> to vector<16xf32>
        %parallel_loop3A_296 = arith.mulf %parallel_loop3A_291, %parallel_loop3A_295 : vector<16xf32>
        %parallel_loop3A_297 = arith.index_cast %parallel_loop3A_189 : i32 to index
        %parallel_loop3A_298 = arith.constant 112 : index
        %parallel_loop3A_299 = tpu.vector_load %arg10[%parallel_loop3A_297, %parallel_loop3A_298] {strides = array<i32>} : memref<80x128xf32, #tpu.memory_space<vmem>>, vector<1x16xf32>,
        %parallel_loop3A_300 = vector.shape_cast %parallel_loop3A_299 : vector<1x16xf32> to vector<16xf32>
        %parallel_loop3A_301 = vector.shape_cast %parallel_loop3A_296 : vector<16xf32> to vector<1x16xf32>
        tpu.vector_store %arg10[%parallel_loop3A_297, %parallel_loop3A_298], %parallel_loop3A_301 {strides = array<i32>} : memref<80x128xf32, #tpu.memory_space<vmem>>, vector<1x16xf32>,
      } {sc.loop_unroll_factor = 4 : i64, sc.parallel_access}
      "tpu.region"() ({
        %run_scoped3A = tpu.sem_alloc : memref<!tpu.dma_semaphore, #tpu.memory_space<semaphore_mem>>
        %dma_start3A_189 = arith.constant 0 : i32
        %dma_start3A_190 = tpu.memref_slice %arg9[%rem3A_124, %dma_start3A_189] : memref<4x80xi32, #tpu.memory_space<vmem>> -> memref<1x80xi32, #tpu.memory_space<vmem>>
        %dma_start3A_191 = tpu.memref_squeeze %dma_start3A_190 : memref<1x80xi32, #tpu.memory_space<vmem>> -> memref<80xi32, #tpu.memory_space<vmem>>
        %dma_start3A_192 = arith.constant 0 : i32
        %dma_start3A_193 = arith.constant 0 : i32
        %dma_start3A_194 = tpu.memref_slice %arg14[%dma_start3A_192, %dma_start3A_193] : memref<10240x128xf32, #tpu.memory_space<vmem_shared>> -> memref<10240x128xf32, #tpu.memory_space<vmem_shared>>
        tpu.enqueue_indirect_dma source(%arg10 : memref<80x128xf32, #tpu.memory_space<vmem>>) target(%dma_start3A_194 : memref<10240x128xf32, #tpu.memory_space<vmem_shared>>) offsets(%dma_start3A_191 : memref<80xi32, #tpu.memory_space<vmem>>) semaphore(%run_scoped3A : memref<!tpu.dma_semaphore, #tpu.memory_space<semaphore_mem>>) {add = true}
        %dma_wait3A_195 = arith.constant 0 : i32
        %dma_wait3A_196 = tpu.memref_slice %arg9[%rem3A_124, %dma_wait3A_195] : memref<4x80xi32, #tpu.memory_space<vmem>> -> memref<1x80xi32, #tpu.memory_space<vmem>>
        %dma_wait3A_197 = tpu.memref_squeeze %dma_wait3A_196 : memref<1x80xi32, #tpu.memory_space<vmem>> -> memref<80xi32, #tpu.memory_space<vmem>>
        %dma_wait3A_198 = arith.constant 0 : i32
        %dma_wait3A_199 = arith.constant 0 : i32
        %dma_wait3A_200 = tpu.memref_slice %arg14[%dma_wait3A_198, %dma_wait3A_199] : memref<10240x128xf32, #tpu.memory_space<vmem_shared>> -> memref<10240x128xf32, #tpu.memory_space<vmem_shared>>
        tpu.wait_indirect_dma semaphore(%run_scoped3A : memref<!tpu.dma_semaphore, #tpu.memory_space<semaphore_mem>>) src(%arg10 : memref<80x128xf32, #tpu.memory_space<vmem>>) dst(%dma_wait3A_200 : memref<10240x128xf32, #tpu.memory_space<vmem_shared>>)
        tpu.yield
      }) : () -> ()
      %convert_element_type3A_169 = arith.extui %lt3A_137 : i1 to i32
      %cond3A_170 = arith.constant 0 : i32
      %cond3A_171 = arith.cmpi ne, %convert_element_type3A_169, %cond3A_170 : i32
      scf.if %cond3A_171 {
        %dma_wait3A_189 = arith.constant 0 : i32
        %dma_wait3A_190 = arith.constant 0 : i32
        %dma_wait3A_191 = tpu.memref_slice %arg8[%dma_wait3A_189, %dma_wait3A_190] : memref<4x80xi32, #tpu.memory_space<vmem>> -> memref<1x80xi32, #tpu.memory_space<vmem>>
        %dma_wait3A_192 = tpu.memref_squeeze %dma_wait3A_191 : memref<1x80xi32, #tpu.memory_space<vmem>> -> memref<80xi32, #tpu.memory_space<vmem>>
        %dma_wait3A_193 = arith.constant 0 : i32
        %dma_wait3A_194 = tpu.memref_slice %arg4[%dma_wait3A_193] : memref<327680xi32, #tpu.memory_space<hbm>> -> memref<80xi32, #tpu.memory_space<hbm>>
        %dma_wait3A_195 = arith.constant 0 : i32
        %dma_wait3A_196 = tpu.memref_slice %arg8[%dma_wait3A_189, %dma_wait3A_195] : memref<4x80xi32, #tpu.memory_space<vmem>> -> memref<1x80xi32, #tpu.memory_space<vmem>>
        %dma_wait3A_197 = tpu.memref_squeeze %dma_wait3A_196 : memref<1x80xi32, #tpu.memory_space<vmem>> -> memref<80xi32, #tpu.memory_space<vmem>>
        %dma_wait3A_198 = arith.constant 0 : i32
        %dma_wait3A_199 = tpu.memref_slice %arg4[%dma_wait3A_198] : memref<327680xi32, #tpu.memory_space<hbm>> -> memref<80xi32, #tpu.memory_space<hbm>>
        tpu.wait_dma2 semaphore(%arg15 : memref<!tpu.dma_semaphore, #tpu.memory_space<semaphore_mem>>) src(%dma_wait3A_199 : memref<80xi32, #tpu.memory_space<hbm>>) dst(%dma_wait3A_197 : memref<80xi32, #tpu.memory_space<vmem>>)
        %dma_wait3A_200 = arith.constant 0 : i32
        %dma_wait3A_201 = arith.constant 0 : i32
        %dma_wait3A_202 = tpu.memref_slice %arg9[%dma_wait3A_200, %dma_wait3A_201] : memref<4x80xi32, #tpu.memory_space<vmem>> -> memref<1x80xi32, #tpu.memory_space<vmem>>
        %dma_wait3A_203 = tpu.memref_squeeze %dma_wait3A_202 : memref<1x80xi32, #tpu.memory_space<vmem>> -> memref<80xi32, #tpu.memory_space<vmem>>
        %dma_wait3A_204 = arith.constant 0 : i32
        %dma_wait3A_205 = tpu.memref_slice %arg5[%dma_wait3A_204] : memref<327680xi32, #tpu.memory_space<hbm>> -> memref<80xi32, #tpu.memory_space<hbm>>
        %dma_wait3A_206 = arith.constant 0 : i32
        %dma_wait3A_207 = tpu.memref_slice %arg9[%dma_wait3A_200, %dma_wait3A_206] : memref<4x80xi32, #tpu.memory_space<vmem>> -> memref<1x80xi32, #tpu.memory_space<vmem>>
        %dma_wait3A_208 = tpu.memref_squeeze %dma_wait3A_207 : memref<1x80xi32, #tpu.memory_space<vmem>> -> memref<80xi32, #tpu.memory_space<vmem>>
        %dma_wait3A_209 = arith.constant 0 : i32
        %dma_wait3A_210 = tpu.memref_slice %arg5[%dma_wait3A_209] : memref<327680xi32, #tpu.memory_space<hbm>> -> memref<80xi32, #tpu.memory_space<hbm>>
        tpu.wait_dma2 semaphore(%arg15 : memref<!tpu.dma_semaphore, #tpu.memory_space<semaphore_mem>>) src(%dma_wait3A_210 : memref<80xi32, #tpu.memory_space<hbm>>) dst(%dma_wait3A_208 : memref<80xi32, #tpu.memory_space<vmem>>)
        %dma_wait3A_211 = arith.constant 0 : i32
        %dma_wait3A_212 = arith.constant 0 : i32
        %dma_wait3A_213 = tpu.memref_slice %arg8[%dma_wait3A_211, %dma_wait3A_212] : memref<4x80xi32, #tpu.memory_space<vmem>> -> memref<1x80xi32, #tpu.memory_space<vmem>>
        %dma_wait3A_214 = tpu.memref_squeeze %dma_wait3A_213 : memref<1x80xi32, #tpu.memory_space<vmem>> -> memref<80xi32, #tpu.memory_space<vmem>>
        %dma_wait3A_215 = arith.constant 0 : i32
        %dma_wait3A_216 = tpu.memref_slice %arg4[%dma_wait3A_215] : memref<327680xi32, #tpu.memory_space<hbm>> -> memref<80xi32, #tpu.memory_space<hbm>>
        %dma_wait3A_217 = arith.constant 0 : i32
        %dma_wait3A_218 = tpu.memref_slice %arg8[%dma_wait3A_211, %dma_wait3A_217] : memref<4x80xi32, #tpu.memory_space<vmem>> -> memref<1x80xi32, #tpu.memory_space<vmem>>
        %dma_wait3A_219 = tpu.memref_squeeze %dma_wait3A_218 : memref<1x80xi32, #tpu.memory_space<vmem>> -> memref<80xi32, #tpu.memory_space<vmem>>
        %dma_wait3A_220 = arith.constant 0 : i32
        %dma_wait3A_221 = tpu.memref_slice %arg4[%dma_wait3A_220] : memref<327680xi32, #tpu.memory_space<hbm>> -> memref<80xi32, #tpu.memory_space<hbm>>
        tpu.wait_dma2 semaphore(%arg15 : memref<!tpu.dma_semaphore, #tpu.memory_space<semaphore_mem>>) src(%dma_wait3A_221 : memref<80xi32, #tpu.memory_space<hbm>>) dst(%dma_wait3A_219 : memref<80xi32, #tpu.memory_space<vmem>>)
        %dma_wait3A_222 = arith.constant 0 : i32
        %dma_wait3A_223 = arith.constant 0 : i32
        %dma_wait3A_224 = tpu.memref_slice %arg9[%dma_wait3A_222, %dma_wait3A_223] : memref<4x80xi32, #tpu.memory_space<vmem>> -> memref<1x80xi32, #tpu.memory_space<vmem>>
        %dma_wait3A_225 = tpu.memref_squeeze %dma_wait3A_224 : memref<1x80xi32, #tpu.memory_space<vmem>> -> memref<80xi32, #tpu.memory_space<vmem>>
        %dma_wait3A_226 = arith.constant 0 : i32
        %dma_wait3A_227 = tpu.memref_slice %arg5[%dma_wait3A_226] : memref<327680xi32, #tpu.memory_space<hbm>> -> memref<80xi32, #tpu.memory_space<hbm>>
        %dma_wait3A_228 = arith.constant 0 : i32
        %dma_wait3A_229 = tpu.memref_slice %arg9[%dma_wait3A_222, %dma_wait3A_228] : memref<4x80xi32, #tpu.memory_space<vmem>> -> memref<1x80xi32, #tpu.memory_space<vmem>>
        %dma_wait3A_230 = tpu.memref_squeeze %dma_wait3A_229 : memref<1x80xi32, #tpu.memory_space<vmem>> -> memref<80xi32, #tpu.memory_space<vmem>>
        %dma_wait3A_231 = arith.constant 0 : i32
        %dma_wait3A_232 = tpu.memref_slice %arg5[%dma_wait3A_231] : memref<327680xi32, #tpu.memory_space<hbm>> -> memref<80xi32, #tpu.memory_space<hbm>>
        tpu.wait_dma2 semaphore(%arg15 : memref<!tpu.dma_semaphore, #tpu.memory_space<semaphore_mem>>) src(%dma_wait3A_232 : memref<80xi32, #tpu.memory_space<hbm>>) dst(%dma_wait3A_230 : memref<80xi32, #tpu.memory_space<vmem>>)
        %add3A_233 = arith.constant 2 : i32
        %add3A_234 = arith.addi %mul3A_123, %add3A_233 : i32
        %add3A_235 = arith.addi %mul3A_2, %add3A_234 : i32
        %mul3A_236 = arith.constant 80 : i32
        %mul3A_237 = arith.muli %add3A_235, %mul3A_236 : i32
        %dma_start3A_238 = arith.constant 0 : i32
        %dma_start3A_239 = tpu.memref_slice %arg3[%mul3A_237, %dma_start3A_238] : memref<327680x128xf32, #tpu.memory_space<hbm>> -> memref<80x128xf32, #tpu.memory_space<hbm>>
        %dma_start3A_240 = arith.constant 0 : i32
        %dma_start3A_241 = tpu.memref_slice %arg3[%mul3A_237, %dma_start3A_240] : memref<327680x128xf32, #tpu.memory_space<hbm>> -> memref<80x128xf32, #tpu.memory_space<hbm>>
        tpu.enqueue_dma source(%dma_start3A_241 : memref<80x128xf32, #tpu.memory_space<hbm>>) target(%arg12 : memref<80x128xf32, #tpu.memory_space<vmem>>) target_semaphore(%arg18 : memref<!tpu.dma_semaphore, #tpu.memory_space<semaphore_mem>>)
        %dma_start3A_242 = arith.constant 0 : i32
        %dma_start3A_243 = tpu.memref_slice %arg8[%rem3A_132, %dma_start3A_242] : memref<4x80xi32, #tpu.memory_space<vmem>> -> memref<1x80xi32, #tpu.memory_space<vmem>>
        %dma_start3A_244 = tpu.memref_squeeze %dma_start3A_243 : memref<1x80xi32, #tpu.memory_space<vmem>> -> memref<80xi32, #tpu.memory_space<vmem>>
        %dma_start3A_245 = arith.constant 0 : i32
        %dma_start3A_246 = arith.constant 0 : i32
        %dma_start3A_247 = tpu.memref_slice %arg2[%dma_start3A_245, %dma_start3A_246] : memref<10000x128xf32, #tpu.memory_space<hbm>> -> memref<10000x128xf32, #tpu.memory_space<hbm>>
        tpu.enqueue_indirect_dma source(%dma_start3A_247 : memref<10000x128xf32, #tpu.memory_space<hbm>>) target(%arg10 : memref<80x128xf32, #tpu.memory_space<vmem>>) offsets(%dma_start3A_244 : memref<80xi32, #tpu.memory_space<vmem>>) semaphore(%arg16 : memref<!tpu.dma_semaphore, #tpu.memory_space<semaphore_mem>>)
      } else {
      }
      %dma_wait3A_172 = arith.constant 0 : i32
      %dma_wait3A_173 = arith.constant 0 : i32
      %dma_wait3A_174 = tpu.memref_slice %arg3[%dma_wait3A_172, %dma_wait3A_173] : memref<327680x128xf32, #tpu.memory_space<hbm>> -> memref<80x128xf32, #tpu.memory_space<hbm>>
      %dma_wait3A_175 = arith.constant 0 : i32
      %dma_wait3A_176 = arith.constant 0 : i32
      %dma_wait3A_177 = tpu.memref_slice %arg3[%dma_wait3A_175, %dma_wait3A_176] : memref<327680x128xf32, #tpu.memory_space<hbm>> -> memref<80x128xf32, #tpu.memory_space<hbm>>
      tpu.wait_dma2 semaphore(%arg19 : memref<!tpu.dma_semaphore, #tpu.memory_space<semaphore_mem>>) src(%dma_wait3A_177 : memref<80x128xf32, #tpu.memory_space<hbm>>) dst(%arg13 : memref<80x128xf32, #tpu.memory_space<vmem>>)
      %dma_wait3A_178 = arith.constant 0 : i32
      %dma_wait3A_179 = arith.constant 0 : i32
      %dma_wait3A_180 = tpu.memref_slice %arg8[%dma_wait3A_178, %dma_wait3A_179] : memref<4x80xi32, #tpu.memory_space<vmem>> -> memref<1x80xi32, #tpu.memory_space<vmem>>
      %dma_wait3A_181 = tpu.memref_squeeze %dma_wait3A_180 : memref<1x80xi32, #tpu.memory_space<vmem>> -> memref<80xi32, #tpu.memory_space<vmem>>
      %dma_wait3A_182 = arith.constant 0 : i32
      %dma_wait3A_183 = arith.constant 0 : i32
      %dma_wait3A_184 = tpu.memref_slice %arg2[%dma_wait3A_182, %dma_wait3A_183] : memref<10000x128xf32, #tpu.memory_space<hbm>> -> memref<10000x128xf32, #tpu.memory_space<hbm>>
      tpu.wait_indirect_dma semaphore(%arg17 : memref<!tpu.dma_semaphore, #tpu.memory_space<semaphore_mem>>) src(%dma_wait3A_184 : memref<10000x128xf32, #tpu.memory_space<hbm>>) dst(%arg11 : memref<80x128xf32, #tpu.memory_space<vmem>>)
      %parallel_loop3A_185 = arith.constant 0 : i32
      %parallel_loop3A_186 = arith.constant 80 : i32
      %parallel_loop3A_187 = arith.constant 1 : i32
      scf.for %parallel_loop3A_189 = %parallel_loop3A_185 to %parallel_loop3A_186 step %parallel_loop3A_187  : i32 {
        %parallel_loop3A_190 = arith.index_cast %parallel_loop3A_189 : i32 to index
        %parallel_loop3A_191 = arith.constant 0 : index
        %parallel_loop3A_192 = tpu.vector_load %arg11[%parallel_loop3A_190, %parallel_loop3A_191] {strides = array<i32>} : memref<80x128xf32, #tpu.memory_space<vmem>>, vector<1x16xf32>,
        %parallel_loop3A_193 = vector.shape_cast %parallel_loop3A_192 : vector<1x16xf32> to vector<16xf32>
        %parallel_loop3A_194 = arith.index_cast %parallel_loop3A_189 : i32 to index
        %parallel_loop3A_195 = arith.constant 0 : index
        %parallel_loop3A_196 = tpu.vector_load %arg13[%parallel_loop3A_194, %parallel_loop3A_195] {strides = array<i32>} : memref<80x128xf32, #tpu.memory_space<vmem>>, vector<1x16xf32>,
        %parallel_loop3A_197 = vector.shape_cast %parallel_loop3A_196 : vector<1x16xf32> to vector<16xf32>
        %parallel_loop3A_198 = arith.mulf %parallel_loop3A_193, %parallel_loop3A_197 : vector<16xf32>
        %parallel_loop3A_199 = arith.index_cast %parallel_loop3A_189 : i32 to index
        %parallel_loop3A_200 = arith.constant 0 : index
        %parallel_loop3A_201 = tpu.vector_load %arg11[%parallel_loop3A_199, %parallel_loop3A_200] {strides = array<i32>} : memref<80x128xf32, #tpu.memory_space<vmem>>, vector<1x16xf32>,
        %parallel_loop3A_202 = vector.shape_cast %parallel_loop3A_201 : vector<1x16xf32> to vector<16xf32>
        %parallel_loop3A_203 = vector.shape_cast %parallel_loop3A_198 : vector<16xf32> to vector<1x16xf32>
        tpu.vector_store %arg11[%parallel_loop3A_199, %parallel_loop3A_200], %parallel_loop3A_203 {strides = array<i32>} : memref<80x128xf32, #tpu.memory_space<vmem>>, vector<1x16xf32>,
        %parallel_loop3A_204 = arith.index_cast %parallel_loop3A_189 : i32 to index
        %parallel_loop3A_205 = arith.constant 16 : index
        %parallel_loop3A_206 = tpu.vector_load %arg11[%parallel_loop3A_204, %parallel_loop3A_205] {strides = array<i32>} : memref<80x128xf32, #tpu.memory_space<vmem>>, vector<1x16xf32>,
        %parallel_loop3A_207 = vector.shape_cast %parallel_loop3A_206 : vector<1x16xf32> to vector<16xf32>
        %parallel_loop3A_208 = arith.index_cast %parallel_loop3A_189 : i32 to index
        %parallel_loop3A_209 = arith.constant 16 : index
        %parallel_loop3A_210 = tpu.vector_load %arg13[%parallel_loop3A_208, %parallel_loop3A_209] {strides = array<i32>} : memref<80x128xf32, #tpu.memory_space<vmem>>, vector<1x16xf32>,
        %parallel_loop3A_211 = vector.shape_cast %parallel_loop3A_210 : vector<1x16xf32> to vector<16xf32>
        %parallel_loop3A_212 = arith.mulf %parallel_loop3A_207, %parallel_loop3A_211 : vector<16xf32>
        %parallel_loop3A_213 = arith.index_cast %parallel_loop3A_189 : i32 to index
        %parallel_loop3A_214 = arith.constant 16 : index
        %parallel_loop3A_215 = tpu.vector_load %arg11[%parallel_loop3A_213, %parallel_loop3A_214] {strides = array<i32>} : memref<80x128xf32, #tpu.memory_space<vmem>>, vector<1x16xf32>,
        %parallel_loop3A_216 = vector.shape_cast %parallel_loop3A_215 : vector<1x16xf32> to vector<16xf32>
        %parallel_loop3A_217 = vector.shape_cast %parallel_loop3A_212 : vector<16xf32> to vector<1x16xf32>
        tpu.vector_store %arg11[%parallel_loop3A_213, %parallel_loop3A_214], %parallel_loop3A_217 {strides = array<i32>} : memref<80x128xf32, #tpu.memory_space<vmem>>, vector<1x16xf32>,
        %parallel_loop3A_218 = arith.index_cast %parallel_loop3A_189 : i32 to index
        %parallel_loop3A_219 = arith.constant 32 : index
        %parallel_loop3A_220 = tpu.vector_load %arg11[%parallel_loop3A_218, %parallel_loop3A_219] {strides = array<i32>} : memref<80x128xf32, #tpu.memory_space<vmem>>, vector<1x16xf32>,
        %parallel_loop3A_221 = vector.shape_cast %parallel_loop3A_220 : vector<1x16xf32> to vector<16xf32>
        %parallel_loop3A_222 = arith.index_cast %parallel_loop3A_189 : i32 to index
        %parallel_loop3A_223 = arith.constant 32 : index
        %parallel_loop3A_224 = tpu.vector_load %arg13[%parallel_loop3A_222, %parallel_loop3A_223] {strides = array<i32>} : memref<80x128xf32, #tpu.memory_space<vmem>>, vector<1x16xf32>,
        %parallel_loop3A_225 = vector.shape_cast %parallel_loop3A_224 : vector<1x16xf32> to vector<16xf32>
        %parallel_loop3A_226 = arith.mulf %parallel_loop3A_221, %parallel_loop3A_225 : vector<16xf32>
        %parallel_loop3A_227 = arith.index_cast %parallel_loop3A_189 : i32 to index
        %parallel_loop3A_228 = arith.constant 32 : index
        %parallel_loop3A_229 = tpu.vector_load %arg11[%parallel_loop3A_227, %parallel_loop3A_228] {strides = array<i32>} : memref<80x128xf32, #tpu.memory_space<vmem>>, vector<1x16xf32>,
        %parallel_loop3A_230 = vector.shape_cast %parallel_loop3A_229 : vector<1x16xf32> to vector<16xf32>
        %parallel_loop3A_231 = vector.shape_cast %parallel_loop3A_226 : vector<16xf32> to vector<1x16xf32>
        tpu.vector_store %arg11[%parallel_loop3A_227, %parallel_loop3A_228], %parallel_loop3A_231 {strides = array<i32>} : memref<80x128xf32, #tpu.memory_space<vmem>>, vector<1x16xf32>,
        %parallel_loop3A_232 = arith.index_cast %parallel_loop3A_189 : i32 to index
        %parallel_loop3A_233 = arith.constant 48 : index
        %parallel_loop3A_234 = tpu.vector_load %arg11[%parallel_loop3A_232, %parallel_loop3A_233] {strides = array<i32>} : memref<80x128xf32, #tpu.memory_space<vmem>>, vector<1x16xf32>,
        %parallel_loop3A_235 = vector.shape_cast %parallel_loop3A_234 : vector<1x16xf32> to vector<16xf32>
        %parallel_loop3A_236 = arith.index_cast %parallel_loop3A_189 : i32 to index
        %parallel_loop3A_237 = arith.constant 48 : index
        %parallel_loop3A_238 = tpu.vector_load %arg13[%parallel_loop3A_236, %parallel_loop3A_237] {strides = array<i32>} : memref<80x128xf32, #tpu.memory_space<vmem>>, vector<1x16xf32>,
        %parallel_loop3A_239 = vector.shape_cast %parallel_loop3A_238 : vector<1x16xf32> to vector<16xf32>
        %parallel_loop3A_240 = arith.mulf %parallel_loop3A_235, %parallel_loop3A_239 : vector<16xf32>
        %parallel_loop3A_241 = arith.index_cast %parallel_loop3A_189 : i32 to index
        %parallel_loop3A_242 = arith.constant 48 : index
        %parallel_loop3A_243 = tpu.vector_load %arg11[%parallel_loop3A_241, %parallel_loop3A_242] {strides = array<i32>} : memref<80x128xf32, #tpu.memory_space<vmem>>, vector<1x16xf32>,
        %parallel_loop3A_244 = vector.shape_cast %parallel_loop3A_243 : vector<1x16xf32> to vector<16xf32>
        %parallel_loop3A_245 = vector.shape_cast %parallel_loop3A_240 : vector<16xf32> to vector<1x16xf32>
        tpu.vector_store %arg11[%parallel_loop3A_241, %parallel_loop3A_242], %parallel_loop3A_245 {strides = array<i32>} : memref<80x128xf32, #tpu.memory_space<vmem>>, vector<1x16xf32>,
        %parallel_loop3A_246 = arith.index_cast %parallel_loop3A_189 : i32 to index
        %parallel_loop3A_247 = arith.constant 64 : index
        %parallel_loop3A_248 = tpu.vector_load %arg11[%parallel_loop3A_246, %parallel_loop3A_247] {strides = array<i32>} : memref<80x128xf32, #tpu.memory_space<vmem>>, vector<1x16xf32>,
        %parallel_loop3A_249 = vector.shape_cast %parallel_loop3A_248 : vector<1x16xf32> to vector<16xf32>
        %parallel_loop3A_250 = arith.index_cast %parallel_loop3A_189 : i32 to index
        %parallel_loop3A_251 = arith.constant 64 : index
        %parallel_loop3A_252 = tpu.vector_load %arg13[%parallel_loop3A_250, %parallel_loop3A_251] {strides = array<i32>} : memref<80x128xf32, #tpu.memory_space<vmem>>, vector<1x16xf32>,
        %parallel_loop3A_253 = vector.shape_cast %parallel_loop3A_252 : vector<1x16xf32> to vector<16xf32>
        %parallel_loop3A_254 = arith.mulf %parallel_loop3A_249, %parallel_loop3A_253 : vector<16xf32>
        %parallel_loop3A_255 = arith.index_cast %parallel_loop3A_189 : i32 to index
        %parallel_loop3A_256 = arith.constant 64 : index
        %parallel_loop3A_257 = tpu.vector_load %arg11[%parallel_loop3A_255, %parallel_loop3A_256] {strides = array<i32>} : memref<80x128xf32, #tpu.memory_space<vmem>>, vector<1x16xf32>,
        %parallel_loop3A_258 = vector.shape_cast %parallel_loop3A_257 : vector<1x16xf32> to vector<16xf32>
        %parallel_loop3A_259 = vector.shape_cast %parallel_loop3A_254 : vector<16xf32> to vector<1x16xf32>
        tpu.vector_store %arg11[%parallel_loop3A_255, %parallel_loop3A_256], %parallel_loop3A_259 {strides = array<i32>} : memref<80x128xf32, #tpu.memory_space<vmem>>, vector<1x16xf32>,
        %parallel_loop3A_260 = arith.index_cast %parallel_loop3A_189 : i32 to index
        %parallel_loop3A_261 = arith.constant 80 : index
        %parallel_loop3A_262 = tpu.vector_load %arg11[%parallel_loop3A_260, %parallel_loop3A_261] {strides = array<i32>} : memref<80x128xf32, #tpu.memory_space<vmem>>, vector<1x16xf32>,
        %parallel_loop3A_263 = vector.shape_cast %parallel_loop3A_262 : vector<1x16xf32> to vector<16xf32>
        %parallel_loop3A_264 = arith.index_cast %parallel_loop3A_189 : i32 to index
        %parallel_loop3A_265 = arith.constant 80 : index
        %parallel_loop3A_266 = tpu.vector_load %arg13[%parallel_loop3A_264, %parallel_loop3A_265] {strides = array<i32>} : memref<80x128xf32, #tpu.memory_space<vmem>>, vector<1x16xf32>,
        %parallel_loop3A_267 = vector.shape_cast %parallel_loop3A_266 : vector<1x16xf32> to vector<16xf32>
        %parallel_loop3A_268 = arith.mulf %parallel_loop3A_263, %parallel_loop3A_267 : vector<16xf32>
        %parallel_loop3A_269 = arith.index_cast %parallel_loop3A_189 : i32 to index
        %parallel_loop3A_270 = arith.constant 80 : index
        %parallel_loop3A_271 = tpu.vector_load %arg11[%parallel_loop3A_269, %parallel_loop3A_270] {strides = array<i32>} : memref<80x128xf32, #tpu.memory_space<vmem>>, vector<1x16xf32>,
        %parallel_loop3A_272 = vector.shape_cast %parallel_loop3A_271 : vector<1x16xf32> to vector<16xf32>
        %parallel_loop3A_273 = vector.shape_cast %parallel_loop3A_268 : vector<16xf32> to vector<1x16xf32>
        tpu.vector_store %arg11[%parallel_loop3A_269, %parallel_loop3A_270], %parallel_loop3A_273 {strides = array<i32>} : memref<80x128xf32, #tpu.memory_space<vmem>>, vector<1x16xf32>,
        %parallel_loop3A_274 = arith.index_cast %parallel_loop3A_189 : i32 to index
        %parallel_loop3A_275 = arith.constant 96 : index
        %parallel_loop3A_276 = tpu.vector_load %arg11[%parallel_loop3A_274, %parallel_loop3A_275] {strides = array<i32>} : memref<80x128xf32, #tpu.memory_space<vmem>>, vector<1x16xf32>,
        %parallel_loop3A_277 = vector.shape_cast %parallel_loop3A_276 : vector<1x16xf32> to vector<16xf32>
        %parallel_loop3A_278 = arith.index_cast %parallel_loop3A_189 : i32 to index
        %parallel_loop3A_279 = arith.constant 96 : index
        %parallel_loop3A_280 = tpu.vector_load %arg13[%parallel_loop3A_278, %parallel_loop3A_279] {strides = array<i32>} : memref<80x128xf32, #tpu.memory_space<vmem>>, vector<1x16xf32>,
        %parallel_loop3A_281 = vector.shape_cast %parallel_loop3A_280 : vector<1x16xf32> to vector<16xf32>
        %parallel_loop3A_282 = arith.mulf %parallel_loop3A_277, %parallel_loop3A_281 : vector<16xf32>
        %parallel_loop3A_283 = arith.index_cast %parallel_loop3A_189 : i32 to index
        %parallel_loop3A_284 = arith.constant 96 : index
        %parallel_loop3A_285 = tpu.vector_load %arg11[%parallel_loop3A_283, %parallel_loop3A_284] {strides = array<i32>} : memref<80x128xf32, #tpu.memory_space<vmem>>, vector<1x16xf32>,
        %parallel_loop3A_286 = vector.shape_cast %parallel_loop3A_285 : vector<1x16xf32> to vector<16xf32>
        %parallel_loop3A_287 = vector.shape_cast %parallel_loop3A_282 : vector<16xf32> to vector<1x16xf32>
        tpu.vector_store %arg11[%parallel_loop3A_283, %parallel_loop3A_284], %parallel_loop3A_287 {strides = array<i32>} : memref<80x128xf32, #tpu.memory_space<vmem>>, vector<1x16xf32>,
        %parallel_loop3A_288 = arith.index_cast %parallel_loop3A_189 : i32 to index
        %parallel_loop3A_289 = arith.constant 112 : index
        %parallel_loop3A_290 = tpu.vector_load %arg11[%parallel_loop3A_288, %parallel_loop3A_289] {strides = array<i32>} : memref<80x128xf32, #tpu.memory_space<vmem>>, vector<1x16xf32>,
        %parallel_loop3A_291 = vector.shape_cast %parallel_loop3A_290 : vector<1x16xf32> to vector<16xf32>
        %parallel_loop3A_292 = arith.index_cast %parallel_loop3A_189 : i32 to index
        %parallel_loop3A_293 = arith.constant 112 : index
        %parallel_loop3A_294 = tpu.vector_load %arg13[%parallel_loop3A_292, %parallel_loop3A_293] {strides = array<i32>} : memref<80x128xf32, #tpu.memory_space<vmem>>, vector<1x16xf32>,
        %parallel_loop3A_295 = vector.shape_cast %parallel_loop3A_294 : vector<1x16xf32> to vector<16xf32>
        %parallel_loop3A_296 = arith.mulf %parallel_loop3A_291, %parallel_loop3A_295 : vector<16xf32>
        %parallel_loop3A_297 = arith.index_cast %parallel_loop3A_189 : i32 to index
        %parallel_loop3A_298 = arith.constant 112 : index
        %parallel_loop3A_299 = tpu.vector_load %arg11[%parallel_loop3A_297, %parallel_loop3A_298] {strides = array<i32>} : memref<80x128xf32, #tpu.memory_space<vmem>>, vector<1x16xf32>,
        %parallel_loop3A_300 = vector.shape_cast %parallel_loop3A_299 : vector<1x16xf32> to vector<16xf32>
        %parallel_loop3A_301 = vector.shape_cast %parallel_loop3A_296 : vector<16xf32> to vector<1x16xf32>
        tpu.vector_store %arg11[%parallel_loop3A_297, %parallel_loop3A_298], %parallel_loop3A_301 {strides = array<i32>} : memref<80x128xf32, #tpu.memory_space<vmem>>, vector<1x16xf32>,
      } {sc.loop_unroll_factor = 4 : i64, sc.parallel_access}
      "tpu.region"() ({
        %run_scoped3A = tpu.sem_alloc : memref<!tpu.dma_semaphore, #tpu.memory_space<semaphore_mem>>
        %dma_start3A_189 = arith.constant 0 : i32
        %dma_start3A_190 = tpu.memref_slice %arg9[%rem3A_128, %dma_start3A_189] : memref<4x80xi32, #tpu.memory_space<vmem>> -> memref<1x80xi32, #tpu.memory_space<vmem>>
        %dma_start3A_191 = tpu.memref_squeeze %dma_start3A_190 : memref<1x80xi32, #tpu.memory_space<vmem>> -> memref<80xi32, #tpu.memory_space<vmem>>
        %dma_start3A_192 = arith.constant 0 : i32
        %dma_start3A_193 = arith.constant 0 : i32
        %dma_start3A_194 = tpu.memref_slice %arg14[%dma_start3A_192, %dma_start3A_193] : memref<10240x128xf32, #tpu.memory_space<vmem_shared>> -> memref<10240x128xf32, #tpu.memory_space<vmem_shared>>
        tpu.enqueue_indirect_dma source(%arg11 : memref<80x128xf32, #tpu.memory_space<vmem>>) target(%dma_start3A_194 : memref<10240x128xf32, #tpu.memory_space<vmem_shared>>) offsets(%dma_start3A_191 : memref<80xi32, #tpu.memory_space<vmem>>) semaphore(%run_scoped3A : memref<!tpu.dma_semaphore, #tpu.memory_space<semaphore_mem>>) {add = true}
        %dma_wait3A_195 = arith.constant 0 : i32
        %dma_wait3A_196 = tpu.memref_slice %arg9[%rem3A_128, %dma_wait3A_195] : memref<4x80xi32, #tpu.memory_space<vmem>> -> memref<1x80xi32, #tpu.memory_space<vmem>>
        %dma_wait3A_197 = tpu.memref_squeeze %dma_wait3A_196 : memref<1x80xi32, #tpu.memory_space<vmem>> -> memref<80xi32, #tpu.memory_space<vmem>>
        %dma_wait3A_198 = arith.constant 0 : i32
        %dma_wait3A_199 = arith.constant 0 : i32
        %dma_wait3A_200 = tpu.memref_slice %arg14[%dma_wait3A_198, %dma_wait3A_199] : memref<10240x128xf32, #tpu.memory_space<vmem_shared>> -> memref<10240x128xf32, #tpu.memory_space<vmem_shared>>
        tpu.wait_indirect_dma semaphore(%run_scoped3A : memref<!tpu.dma_semaphore, #tpu.memory_space<semaphore_mem>>) src(%arg11 : memref<80x128xf32, #tpu.memory_space<vmem>>) dst(%dma_wait3A_200 : memref<10240x128xf32, #tpu.memory_space<vmem_shared>>)
        tpu.yield
      }) : () -> ()
      %scan3A_188 = arith.constant 0 : i32
      scf.yield %scan3A_188 : i32
    }
    %scan3A_111 = arith.constant 64 : i32
    %barrier3A_112 = arith.constant 0 : index
    tpu.barrier barrier_id(%barrier3A_112)
    %mul3A_113 = arith.constant 640 : i32
    %mul3A_114 = arith.muli %arg1, %mul3A_113 : i32
    %mul3A_115 = arith.constant 10240 : i32
    %mul3A_116 = arith.muli %arg0, %mul3A_115 : i32
    %mul3A_117 = arith.constant 640 : i32
    %mul3A_118 = arith.muli %arg1, %mul3A_117 : i32
    %add3A_119 = arith.addi %mul3A_116, %mul3A_118 : i32
    "tpu.region"() ({
      %run_scoped3A = tpu.sem_alloc : memref<!tpu.dma_semaphore, #tpu.memory_space<semaphore_mem>>
      %dma_start3A_120 = arith.constant 0 : i32
      %dma_start3A_121 = tpu.memref_slice %arg7[%add3A_119, %dma_start3A_120] : memref<20480x128xf32, #tpu.memory_space<hbm>> -> memref<640x128xf32, #tpu.memory_space<hbm>>
      %dma_start3A_122 = arith.constant 0 : i32
      %dma_start3A_123 = tpu.memref_slice %arg14[%mul3A_114, %dma_start3A_122] : memref<10240x128xf32, #tpu.memory_space<vmem_shared>> -> memref<640x128xf32, #tpu.memory_space<vmem_shared>>
      tpu.enqueue_dma source(%dma_start3A_123 : memref<640x128xf32, #tpu.memory_space<vmem_shared>>) target(%dma_start3A_121 : memref<640x128xf32, #tpu.memory_space<hbm>>) target_semaphore(%run_scoped3A : memref<!tpu.dma_semaphore, #tpu.memory_space<semaphore_mem>>)
      %dma_wait3A_124 = arith.constant 0 : i32
      %dma_wait3A_125 = tpu.memref_slice %arg7[%add3A_119, %dma_wait3A_124] : memref<20480x128xf32, #tpu.memory_space<hbm>> -> memref<640x128xf32, #tpu.memory_space<hbm>>
      %dma_wait3A_126 = arith.constant 0 : i32
      %dma_wait3A_127 = tpu.memref_slice %arg14[%mul3A_114, %dma_wait3A_126] : memref<10240x128xf32, #tpu.memory_space<vmem_shared>> -> memref<640x128xf32, #tpu.memory_space<vmem_shared>>
      tpu.wait_dma2 semaphore(%run_scoped3A : memref<!tpu.dma_semaphore, #tpu.memory_space<semaphore_mem>>) src(%dma_wait3A_127 : memref<640x128xf32, #tpu.memory_space<vmem_shared>>) dst(%dma_wait3A_125 : memref<640x128xf32, #tpu.memory_space<hbm>>)
      tpu.yield
    }) : () -> ()
    return
  }
}

module attributes {stable_mosaic.version = 14 : i64} {
  func.func @_emb_body(%arg0: memref<10000x26xf32, #tpu.memory_space<vmem>>, %arg1: memref<26x128xf32, #tpu.memory_space<vmem>>, %arg2: memref<1x128xf32, #tpu.memory_space<vmem>>, %arg3: memref<128x128xf32, #tpu.memory_space<vmem>>, %arg4: memref<1x128xf32, #tpu.memory_space<vmem>>, %arg5: memref<128x128xf32, #tpu.memory_space<vmem>>, %arg6: memref<1x128xf32, #tpu.memory_space<vmem>>, %arg7: memref<10000x128xf32, #tpu.memory_space<vmem>>, %arg8: memref<10000x128xf32, #tpu.memory_space<vmem>>) attributes {dimension_semantics = [], scalar_prefetch = 0 : i64, scratch_operands = 0 : i64, tpu.core_type = #tpu.core_type<tc>} {
    %get3A = arith.constant 0 : index
    %get3A_0 = arith.constant 0 : index
    %get3A_1 = vector.load %arg0[%get3A, %get3A_0] : memref<10000x26xf32, #tpu.memory_space<vmem>>, vector<10000x26xf32>
    %get3A_2 = arith.constant 0 : index
    %get3A_3 = arith.constant 0 : index
    %get3A_4 = vector.load %arg1[%get3A_2, %get3A_3] : memref<26x128xf32, #tpu.memory_space<vmem>>, vector<26x128xf32>
    %dot_general3A = arith.constant dense<0.000000e+00> : vector<10000x128xf32>
    %dot_general3A_5 = tpu.matmul %get3A_1, %get3A_4, %dot_general3A {dimension_numbers = #tpu.dot_dimension_numbers<[1], [0], [0], [1], [0, 0, 1, 1], [], []>, transpose_lhs_hint = false} : vector<10000x26xf32>, vector<26x128xf32>, vector<10000x128xf32> -> vector<10000x128xf32>
    %get3A_6 = arith.constant 0 : index
    %get3A_7 = arith.constant 0 : index
    %get3A_8 = vector.load %arg2[%get3A_6, %get3A_7] : memref<1x128xf32, #tpu.memory_space<vmem>>, vector<1x128xf32>
    %add3A = vector.broadcast %get3A_8 : vector<1x128xf32> to vector<10000x128xf32>
    %add3A_9 = arith.addf %dot_general3A_5, %add3A : vector<10000x128xf32>
    %neg3A = arith.constant 0.000000e+00 : f32
    %neg3A_10 = vector.broadcast %neg3A : f32 to vector<10000x128xf32>
    %neg3A_11 = arith.subf %neg3A_10, %add3A_9 : vector<10000x128xf32>
    %exp3A = math.exp %neg3A_11 : vector<10000x128xf32>
    %add3A_12 = arith.constant 1.000000e+00 : f32
    %add3A_13 = vector.broadcast %add3A_12 : f32 to vector<10000x128xf32>
    %add3A_14 = arith.addf %add3A_13, %exp3A : vector<10000x128xf32>
    %div3A = arith.divf %add3A_9, %add3A_14 : vector<10000x128xf32>
    %get3A_15 = arith.constant 0 : index
    %get3A_16 = arith.constant 0 : index
    %get3A_17 = vector.load %arg3[%get3A_15, %get3A_16] : memref<128x128xf32, #tpu.memory_space<vmem>>, vector<128x128xf32>
    %dot_general3A_18 = arith.constant dense<0.000000e+00> : vector<10000x128xf32>
    %dot_general3A_19 = tpu.matmul %div3A, %get3A_17, %dot_general3A_18 {dimension_numbers = #tpu.dot_dimension_numbers<[1], [0], [0], [1], [0, 0, 1, 1], [], []>, transpose_lhs_hint = false} : vector<10000x128xf32>, vector<128x128xf32>, vector<10000x128xf32> -> vector<10000x128xf32>
    %get3A_20 = arith.constant 0 : index
    %get3A_21 = arith.constant 0 : index
    %get3A_22 = vector.load %arg4[%get3A_20, %get3A_21] : memref<1x128xf32, #tpu.memory_space<vmem>>, vector<1x128xf32>
    %add3A_23 = vector.broadcast %get3A_22 : vector<1x128xf32> to vector<10000x128xf32>
    %add3A_24 = arith.addf %dot_general3A_19, %add3A_23 : vector<10000x128xf32>
    %swap3A = arith.constant 0 : index
    %swap3A_25 = arith.constant 0 : index
    %swap3A_26 = vector.load %arg7[%swap3A, %swap3A_25] : memref<10000x128xf32, #tpu.memory_space<vmem>>, vector<10000x128xf32>
    tpu.vector_store %arg7[%swap3A, %swap3A_25], %add3A_24 {strides = array<i32>} : memref<10000x128xf32, #tpu.memory_space<vmem>>, vector<10000x128xf32>,
    %get3A_27 = arith.constant 0 : index
    %get3A_28 = arith.constant 0 : index
    %get3A_29 = vector.load %arg5[%get3A_27, %get3A_28] : memref<128x128xf32, #tpu.memory_space<vmem>>, vector<128x128xf32>
    %dot_general3A_30 = arith.constant dense<0.000000e+00> : vector<10000x128xf32>
    %dot_general3A_31 = tpu.matmul %add3A_24, %get3A_29, %dot_general3A_30 {dimension_numbers = #tpu.dot_dimension_numbers<[1], [0], [0], [1], [0, 0, 1, 1], [], []>, transpose_lhs_hint = false} : vector<10000x128xf32>, vector<128x128xf32>, vector<10000x128xf32> -> vector<10000x128xf32>
    %get3A_32 = arith.constant 0 : index
    %get3A_33 = arith.constant 0 : index
    %get3A_34 = vector.load %arg6[%get3A_32, %get3A_33] : memref<1x128xf32, #tpu.memory_space<vmem>>, vector<1x128xf32>
    %add3A_35 = vector.broadcast %get3A_34 : vector<1x128xf32> to vector<10000x128xf32>
    %add3A_36 = arith.addf %dot_general3A_31, %add3A_35 : vector<10000x128xf32>
    %swap3A_37 = arith.constant 0 : index
    %swap3A_38 = arith.constant 0 : index
    %swap3A_39 = vector.load %arg8[%swap3A_37, %swap3A_38] : memref<10000x128xf32, #tpu.memory_space<vmem>>, vector<10000x128xf32>
    tpu.vector_store %arg8[%swap3A_37, %swap3A_38], %add3A_36 {strides = array<i32>} : memref<10000x128xf32, #tpu.memory_space<vmem>>, vector<10000x128xf32>,
    return
  }
}

module attributes {stable_mosaic.version = 14 : i64} {
  func.func @_gate_body(%arg0: i32, %arg1: memref<2560x8xf32, #tpu.memory_space<vmem>>, %arg2: memref<2560x8xf32, #tpu.memory_space<vmem>>, %arg3: memref<16x128xf32, #tpu.memory_space<vmem>>, %arg4: memref<1x128xf32, #tpu.memory_space<vmem>>, %arg5: memref<2560x128xf32, #tpu.memory_space<vmem>>) attributes {dimension_semantics = [#tpu.dimension_semantics<arbitrary>], iteration_bounds = array<i64: 128>, scalar_prefetch = 0 : i64, scratch_operands = 0 : i64, tpu.core_type = #tpu.core_type<tc>, window_params = [{transform_indices = @transform_0, window_bounds = array<i64: 2560, 8>}, {transform_indices = @transform_1, window_bounds = array<i64: 2560, 8>}, {pipeline_mode = #tpu.pipeline_mode<synchronous>, transform_indices = @transform_2, window_bounds = array<i64: 16, 128>}, {pipeline_mode = #tpu.pipeline_mode<synchronous>, transform_indices = @transform_3, window_bounds = array<i64: 1, 128>}, {transform_indices = @transform_4, window_bounds = array<i64: 2560, 128>}]} {
    %get3A = arith.constant 0 : index
    %get3A_0 = arith.constant 0 : index
    %get3A_1 = vector.load %arg2[%get3A, %get3A_0] : memref<2560x8xf32, #tpu.memory_space<vmem>>, vector<2560x8xf32>
    %get3A_2 = arith.constant 0 : index
    %get3A_3 = arith.constant 0 : index
    %get3A_4 = vector.load %arg1[%get3A_2, %get3A_3] : memref<2560x8xf32, #tpu.memory_space<vmem>>, vector<2560x8xf32>
    %sub3A = arith.subf %get3A_1, %get3A_4 : vector<2560x8xf32>
    %mul3A = arith.mulf %sub3A, %sub3A : vector<2560x8xf32>
    %reduce_sum3A = arith.constant dense<0.000000e+00> : vector<2560xf32>
    %reduce_sum3A_5 = vector.multi_reduction <add>, %mul3A, %reduce_sum3A [1] : vector<2560x8xf32> to vector<2560xf32>
    %broadcast_in_dim3A = vector.shape_cast %reduce_sum3A_5 : vector<2560xf32> to vector<2560x1xf32>
    %add3A = arith.constant 9.99999996E-13 : f32
    %add3A_6 = vector.broadcast %add3A : f32 to vector<2560x1xf32>
    %add3A_7 = arith.addf %broadcast_in_dim3A, %add3A_6 : vector<2560x1xf32>
    %sqrt3A = math.sqrt %add3A_7 : vector<2560x1xf32>
    %iota3A = tpu.iota {dimensions = array<i32: 1>} : vector<1x16xi32>
    %convert_element_type3A = arith.sitofp %iota3A : vector<1x16xi32> to vector<1x16xf32>
    %mul3A_8 = arith.constant 0.666666686 : f32
    %mul3A_9 = vector.broadcast %mul3A_8 : f32 to vector<1x16xf32>
    %mul3A_10 = arith.mulf %mul3A_9, %convert_element_type3A : vector<1x16xf32>
    %sub3A_11 = vector.broadcast %sqrt3A : vector<2560x1xf32> to vector<2560x16xf32>
    %sub3A_12 = vector.broadcast %mul3A_10 : vector<1x16xf32> to vector<2560x16xf32>
    %sub3A_13 = arith.subf %sub3A_11, %sub3A_12 : vector<2560x16xf32>
    %div3A = arith.constant 6.250000e-01 : f32
    %div3A_14 = vector.broadcast %div3A : f32 to vector<2560x16xf32>
    %div3A_15 = arith.divf %sub3A_13, %div3A_14 : vector<2560x16xf32>
    %integer_pow3A = arith.mulf %div3A_15, %div3A_15 : vector<2560x16xf32>
    %mul3A_16 = arith.constant -5.000000e-01 : f32
    %mul3A_17 = vector.broadcast %mul3A_16 : f32 to vector<2560x16xf32>
    %mul3A_18 = arith.mulf %mul3A_17, %integer_pow3A : vector<2560x16xf32>
    %exp3A = math.exp %mul3A_18 : vector<2560x16xf32>
    %div3A_19 = arith.constant 1.000000e+01 : f32
    %div3A_20 = vector.broadcast %div3A_19 : f32 to vector<2560x1xf32>
    %div3A_21 = arith.divf %sqrt3A, %div3A_20 : vector<2560x1xf32>
    %jit3A = arith.constant 0.000000e+00 : f32
    %jit3A_22 = arith.constant 1.000000e+00 : f32
    %max3A = vector.broadcast %jit3A : f32 to vector<2560x1xf32>
    %max3A_23 = arith.maximumf %max3A, %div3A_21 : vector<2560x1xf32>
    %min3A = vector.broadcast %jit3A_22 : f32 to vector<2560x1xf32>
    %min3A_24 = arith.minimumf %min3A, %max3A_23 : vector<2560x1xf32>
    %mul3A_25 = arith.constant 3.14159274 : f32
    %mul3A_26 = vector.broadcast %mul3A_25 : f32 to vector<2560x1xf32>
    %mul3A_27 = arith.mulf %mul3A_26, %min3A_24 : vector<2560x1xf32>
    %cos3A = math.cos %mul3A_27 : vector<2560x1xf32>
    %add3A_28 = arith.constant 1.000000e+00 : f32
    %add3A_29 = vector.broadcast %add3A_28 : f32 to vector<2560x1xf32>
    %add3A_30 = arith.addf %cos3A, %add3A_29 : vector<2560x1xf32>
    %mul3A_31 = arith.constant 5.000000e-01 : f32
    %mul3A_32 = vector.broadcast %mul3A_31 : f32 to vector<2560x1xf32>
    %mul3A_33 = arith.mulf %mul3A_32, %add3A_30 : vector<2560x1xf32>
    %mul3A_34 = vector.broadcast %mul3A_33 : vector<2560x1xf32> to vector<2560x16xf32>
    %mul3A_35 = arith.mulf %exp3A, %mul3A_34 : vector<2560x16xf32>
    %get3A_36 = arith.constant 0 : index
    %get3A_37 = arith.constant 0 : index
    %get3A_38 = vector.load %arg3[%get3A_36, %get3A_37] : memref<16x128xf32, #tpu.memory_space<vmem>>, vector<16x128xf32>
    %dot_general3A = arith.constant dense<0.000000e+00> : vector<2560x128xf32>
    %dot_general3A_39 = tpu.matmul %mul3A_35, %get3A_38, %dot_general3A {dimension_numbers = #tpu.dot_dimension_numbers<[1], [0], [0], [1], [0, 0, 1, 1], [], []>, transpose_lhs_hint = false} : vector<2560x16xf32>, vector<16x128xf32>, vector<2560x128xf32> -> vector<2560x128xf32>
    %get3A_40 = arith.constant 0 : index
    %get3A_41 = arith.constant 0 : index
    %get3A_42 = vector.load %arg4[%get3A_40, %get3A_41] : memref<1x128xf32, #tpu.memory_space<vmem>>, vector<1x128xf32>
    %add3A_43 = vector.broadcast %get3A_42 : vector<1x128xf32> to vector<2560x128xf32>
    %add3A_44 = arith.addf %dot_general3A_39, %add3A_43 : vector<2560x128xf32>
    %neg3A = arith.constant 0.000000e+00 : f32
    %neg3A_45 = vector.broadcast %neg3A : f32 to vector<2560x128xf32>
    %neg3A_46 = arith.subf %neg3A_45, %add3A_44 : vector<2560x128xf32>
    %exp3A_47 = math.exp %neg3A_46 : vector<2560x128xf32>
    %add3A_48 = arith.constant 1.000000e+00 : f32
    %add3A_49 = vector.broadcast %add3A_48 : f32 to vector<2560x128xf32>
    %add3A_50 = arith.addf %add3A_49, %exp3A_47 : vector<2560x128xf32>
    %div3A_51 = arith.divf %add3A_44, %add3A_50 : vector<2560x128xf32>
    %swap3A = arith.constant 0 : index
    %swap3A_52 = arith.constant 0 : index
    %swap3A_53 = vector.load %arg5[%swap3A, %swap3A_52] : memref<2560x128xf32, #tpu.memory_space<vmem>>, vector<2560x128xf32>
    tpu.vector_store %arg5[%swap3A, %swap3A_52], %div3A_51 {strides = array<i32>} : memref<2560x128xf32, #tpu.memory_space<vmem>>, vector<2560x128xf32>,
    return
  }
  func.func @transform_0(%arg0: i32) -> (i32, i32) {
    %c0_i32 = arith.constant 0 : i32
    %c0_i32_0 = arith.constant 0 : i32
    return %arg0, %c0_i32 : i32, i32
  }
  func.func @transform_1(%arg0: i32) -> (i32, i32) {
    %c0_i32 = arith.constant 0 : i32
    %c0_i32_0 = arith.constant 0 : i32
    return %arg0, %c0_i32 : i32, i32
  }
  func.func @transform_2(%arg0: i32) -> (i32, i32) {
    %c0_i32 = arith.constant 0 : i32
    %c0_i32_0 = arith.constant 0 : i32
    %c0_i32_1 = arith.constant 0 : i32
    return %c0_i32, %c0_i32_0 : i32, i32
  }
  func.func @transform_3(%arg0: i32) -> (i32, i32) {
    %c0_i32 = arith.constant 0 : i32
    %c0_i32_0 = arith.constant 0 : i32
    %c0_i32_1 = arith.constant 0 : i32
    return %c0_i32, %c0_i32_0 : i32, i32
  }
  func.func @transform_4(%arg0: i32) -> (i32, i32) {
    %c0_i32 = arith.constant 0 : i32
    %c0_i32_0 = arith.constant 0 : i32
    return %arg0, %c0_i32 : i32, i32
  }
}

module attributes {stable_mosaic.version = 14 : i64} {
  func.func @_upd_body(%arg0: memref<10000x128xf32, #tpu.memory_space<vmem>>, %arg1: memref<2x10240x128xf32, #tpu.memory_space<vmem>>, %arg2: memref<128x128xf32, #tpu.memory_space<vmem>>, %arg3: memref<128x128xf32, #tpu.memory_space<vmem>>, %arg4: memref<1x128xf32, #tpu.memory_space<vmem>>, %arg5: memref<128x128xf32, #tpu.memory_space<vmem>>, %arg6: memref<1x128xf32, #tpu.memory_space<vmem>>, %arg7: memref<10000x128xf32, #tpu.memory_space<vmem>>, %arg8: memref<10000x128xf32, #tpu.memory_space<vmem>>) attributes {dimension_semantics = [], scalar_prefetch = 0 : i64, scratch_operands = 0 : i64, tpu.core_type = #tpu.core_type<tc>} {
    %get3A = arith.constant 0 : index
    %get3A_0 = arith.constant 0 : index
    %get3A_1 = arith.constant 0 : index
    %get3A_2 = vector.load %arg1[%get3A, %get3A_0, %get3A_1] : memref<2x10240x128xf32, #tpu.memory_space<vmem>>, vector<1x10000x128xf32>
    %get3A_3 = vector.shape_cast %get3A_2 : vector<1x10000x128xf32> to vector<10000x128xf32>
    %get3A_4 = arith.constant 1 : index
    %get3A_5 = arith.constant 0 : index
    %get3A_6 = arith.constant 0 : index
    %get3A_7 = vector.load %arg1[%get3A_4, %get3A_5, %get3A_6] : memref<2x10240x128xf32, #tpu.memory_space<vmem>>, vector<1x10000x128xf32>
    %get3A_8 = vector.shape_cast %get3A_7 : vector<1x10000x128xf32> to vector<10000x128xf32>
    %add3A = arith.addf %get3A_3, %get3A_8 : vector<10000x128xf32>
    %get3A_9 = arith.constant 0 : index
    %get3A_10 = arith.constant 0 : index
    %get3A_11 = vector.load %arg0[%get3A_9, %get3A_10] : memref<10000x128xf32, #tpu.memory_space<vmem>>, vector<10000x128xf32>
    %get3A_12 = arith.constant 0 : index
    %get3A_13 = arith.constant 0 : index
    %get3A_14 = vector.load %arg2[%get3A_12, %get3A_13] : memref<128x128xf32, #tpu.memory_space<vmem>>, vector<128x128xf32>
    %dot_general3A = arith.constant dense<0.000000e+00> : vector<10000x128xf32>
    %dot_general3A_15 = tpu.matmul %get3A_11, %get3A_14, %dot_general3A {dimension_numbers = #tpu.dot_dimension_numbers<[1], [0], [0], [1], [0, 0, 1, 1], [], []>, transpose_lhs_hint = false} : vector<10000x128xf32>, vector<128x128xf32>, vector<10000x128xf32> -> vector<10000x128xf32>
    %get3A_16 = arith.constant 0 : index
    %get3A_17 = arith.constant 0 : index
    %get3A_18 = vector.load %arg3[%get3A_16, %get3A_17] : memref<128x128xf32, #tpu.memory_space<vmem>>, vector<128x128xf32>
    %dot_general3A_19 = arith.constant dense<0.000000e+00> : vector<10000x128xf32>
    %dot_general3A_20 = tpu.matmul %add3A, %get3A_18, %dot_general3A_19 {dimension_numbers = #tpu.dot_dimension_numbers<[1], [0], [0], [1], [0, 0, 1, 1], [], []>, transpose_lhs_hint = false} : vector<10000x128xf32>, vector<128x128xf32>, vector<10000x128xf32> -> vector<10000x128xf32>
    %add3A_21 = arith.addf %dot_general3A_15, %dot_general3A_20 : vector<10000x128xf32>
    %get3A_22 = arith.constant 0 : index
    %get3A_23 = arith.constant 0 : index
    %get3A_24 = vector.load %arg4[%get3A_22, %get3A_23] : memref<1x128xf32, #tpu.memory_space<vmem>>, vector<1x128xf32>
    %add3A_25 = vector.broadcast %get3A_24 : vector<1x128xf32> to vector<10000x128xf32>
    %add3A_26 = arith.addf %add3A_21, %add3A_25 : vector<10000x128xf32>
    %neg3A = arith.constant 0.000000e+00 : f32
    %neg3A_27 = vector.broadcast %neg3A : f32 to vector<10000x128xf32>
    %neg3A_28 = arith.subf %neg3A_27, %add3A_26 : vector<10000x128xf32>
    %exp3A = math.exp %neg3A_28 : vector<10000x128xf32>
    %add3A_29 = arith.constant 1.000000e+00 : f32
    %add3A_30 = vector.broadcast %add3A_29 : f32 to vector<10000x128xf32>
    %add3A_31 = arith.addf %add3A_30, %exp3A : vector<10000x128xf32>
    %div3A = arith.divf %add3A_26, %add3A_31 : vector<10000x128xf32>
    %get3A_32 = arith.constant 0 : index
    %get3A_33 = arith.constant 0 : index
    %get3A_34 = vector.load %arg0[%get3A_32, %get3A_33] : memref<10000x128xf32, #tpu.memory_space<vmem>>, vector<10000x128xf32>
    %add3A_35 = arith.addf %get3A_34, %div3A : vector<10000x128xf32>
    %swap3A = arith.constant 0 : index
    %swap3A_36 = arith.constant 0 : index
    %swap3A_37 = vector.load %arg7[%swap3A, %swap3A_36] : memref<10000x128xf32, #tpu.memory_space<vmem>>, vector<10000x128xf32>
    tpu.vector_store %arg7[%swap3A, %swap3A_36], %add3A_35 {strides = array<i32>} : memref<10000x128xf32, #tpu.memory_space<vmem>>, vector<10000x128xf32>,
    %get3A_38 = arith.constant 0 : index
    %get3A_39 = arith.constant 0 : index
    %get3A_40 = vector.load %arg5[%get3A_38, %get3A_39] : memref<128x128xf32, #tpu.memory_space<vmem>>, vector<128x128xf32>
    %dot_general3A_41 = arith.constant dense<0.000000e+00> : vector<10000x128xf32>
    %dot_general3A_42 = tpu.matmul %add3A_35, %get3A_40, %dot_general3A_41 {dimension_numbers = #tpu.dot_dimension_numbers<[1], [0], [0], [1], [0, 0, 1, 1], [], []>, transpose_lhs_hint = false} : vector<10000x128xf32>, vector<128x128xf32>, vector<10000x128xf32> -> vector<10000x128xf32>
    %get3A_43 = arith.constant 0 : index
    %get3A_44 = arith.constant 0 : index
    %get3A_45 = vector.load %arg6[%get3A_43, %get3A_44] : memref<1x128xf32, #tpu.memory_space<vmem>>, vector<1x128xf32>
    %add3A_46 = vector.broadcast %get3A_45 : vector<1x128xf32> to vector<10000x128xf32>
    %add3A_47 = arith.addf %dot_general3A_42, %add3A_46 : vector<10000x128xf32>
    %swap3A_48 = arith.constant 0 : index
    %swap3A_49 = arith.constant 0 : index
    %swap3A_50 = vector.load %arg8[%swap3A_48, %swap3A_49] : memref<10000x128xf32, #tpu.memory_space<vmem>>, vector<10000x128xf32>
    tpu.vector_store %arg8[%swap3A_48, %swap3A_49], %add3A_47 {strides = array<i32>} : memref<10000x128xf32, #tpu.memory_space<vmem>>, vector<10000x128xf32>,
    return
  }
}

module attributes {stable_mosaic.version = 14 : i64} {
  func.func @_final_body(%arg0: memref<10000x128xf32, #tpu.memory_space<vmem>>, %arg1: memref<2x10240x128xf32, #tpu.memory_space<vmem>>, %arg2: memref<128x128xf32, #tpu.memory_space<vmem>>, %arg3: memref<128x128xf32, #tpu.memory_space<vmem>>, %arg4: memref<1x128xf32, #tpu.memory_space<vmem>>, %arg5: memref<128x256xf32, #tpu.memory_space<vmem>>, %arg6: memref<1x256xf32, #tpu.memory_space<vmem>>, %arg7: memref<256x64xf32, #tpu.memory_space<vmem>>, %arg8: memref<1x64xf32, #tpu.memory_space<vmem>>, %arg9: memref<1x64xf32, #tpu.memory_space<vmem>>) attributes {dimension_semantics = [], scalar_prefetch = 0 : i64, scratch_operands = 0 : i64, tpu.core_type = #tpu.core_type<tc>} {
    %get3A = arith.constant 0 : index
    %get3A_0 = arith.constant 0 : index
    %get3A_1 = arith.constant 0 : index
    %get3A_2 = vector.load %arg1[%get3A, %get3A_0, %get3A_1] : memref<2x10240x128xf32, #tpu.memory_space<vmem>>, vector<1x10000x128xf32>
    %get3A_3 = vector.shape_cast %get3A_2 : vector<1x10000x128xf32> to vector<10000x128xf32>
    %get3A_4 = arith.constant 1 : index
    %get3A_5 = arith.constant 0 : index
    %get3A_6 = arith.constant 0 : index
    %get3A_7 = vector.load %arg1[%get3A_4, %get3A_5, %get3A_6] : memref<2x10240x128xf32, #tpu.memory_space<vmem>>, vector<1x10000x128xf32>
    %get3A_8 = vector.shape_cast %get3A_7 : vector<1x10000x128xf32> to vector<10000x128xf32>
    %add3A = arith.addf %get3A_3, %get3A_8 : vector<10000x128xf32>
    %get3A_9 = arith.constant 0 : index
    %get3A_10 = arith.constant 0 : index
    %get3A_11 = vector.load %arg0[%get3A_9, %get3A_10] : memref<10000x128xf32, #tpu.memory_space<vmem>>, vector<10000x128xf32>
    %get3A_12 = arith.constant 0 : index
    %get3A_13 = arith.constant 0 : index
    %get3A_14 = vector.load %arg2[%get3A_12, %get3A_13] : memref<128x128xf32, #tpu.memory_space<vmem>>, vector<128x128xf32>
    %dot_general3A = arith.constant dense<0.000000e+00> : vector<10000x128xf32>
    %dot_general3A_15 = tpu.matmul %get3A_11, %get3A_14, %dot_general3A {dimension_numbers = #tpu.dot_dimension_numbers<[1], [0], [0], [1], [0, 0, 1, 1], [], []>, transpose_lhs_hint = false} : vector<10000x128xf32>, vector<128x128xf32>, vector<10000x128xf32> -> vector<10000x128xf32>
    %get3A_16 = arith.constant 0 : index
    %get3A_17 = arith.constant 0 : index
    %get3A_18 = vector.load %arg3[%get3A_16, %get3A_17] : memref<128x128xf32, #tpu.memory_space<vmem>>, vector<128x128xf32>
    %dot_general3A_19 = arith.constant dense<0.000000e+00> : vector<10000x128xf32>
    %dot_general3A_20 = tpu.matmul %add3A, %get3A_18, %dot_general3A_19 {dimension_numbers = #tpu.dot_dimension_numbers<[1], [0], [0], [1], [0, 0, 1, 1], [], []>, transpose_lhs_hint = false} : vector<10000x128xf32>, vector<128x128xf32>, vector<10000x128xf32> -> vector<10000x128xf32>
    %add3A_21 = arith.addf %dot_general3A_15, %dot_general3A_20 : vector<10000x128xf32>
    %get3A_22 = arith.constant 0 : index
    %get3A_23 = arith.constant 0 : index
    %get3A_24 = vector.load %arg4[%get3A_22, %get3A_23] : memref<1x128xf32, #tpu.memory_space<vmem>>, vector<1x128xf32>
    %add3A_25 = vector.broadcast %get3A_24 : vector<1x128xf32> to vector<10000x128xf32>
    %add3A_26 = arith.addf %add3A_21, %add3A_25 : vector<10000x128xf32>
    %neg3A = arith.constant 0.000000e+00 : f32
    %neg3A_27 = vector.broadcast %neg3A : f32 to vector<10000x128xf32>
    %neg3A_28 = arith.subf %neg3A_27, %add3A_26 : vector<10000x128xf32>
    %exp3A = math.exp %neg3A_28 : vector<10000x128xf32>
    %add3A_29 = arith.constant 1.000000e+00 : f32
    %add3A_30 = vector.broadcast %add3A_29 : f32 to vector<10000x128xf32>
    %add3A_31 = arith.addf %add3A_30, %exp3A : vector<10000x128xf32>
    %div3A = arith.divf %add3A_26, %add3A_31 : vector<10000x128xf32>
    %get3A_32 = arith.constant 0 : index
    %get3A_33 = arith.constant 0 : index
    %get3A_34 = vector.load %arg0[%get3A_32, %get3A_33] : memref<10000x128xf32, #tpu.memory_space<vmem>>, vector<10000x128xf32>
    %add3A_35 = arith.addf %get3A_34, %div3A : vector<10000x128xf32>
    %reduce_sum3A = arith.constant dense<0.000000e+00> : vector<128xf32>
    %reduce_sum3A_36 = vector.multi_reduction <add>, %add3A_35, %reduce_sum3A [0] : vector<10000x128xf32> to vector<128xf32>
    %broadcast_in_dim3A = vector.shape_cast %reduce_sum3A_36 : vector<128xf32> to vector<1x128xf32>
    %div3A_37 = arith.constant 1.000000e+04 : f32
    %div3A_38 = vector.broadcast %div3A_37 : f32 to vector<1x128xf32>
    %div3A_39 = arith.divf %broadcast_in_dim3A, %div3A_38 : vector<1x128xf32>
    %get3A_40 = arith.constant 0 : index
    %get3A_41 = arith.constant 0 : index
    %get3A_42 = vector.load %arg5[%get3A_40, %get3A_41] : memref<128x256xf32, #tpu.memory_space<vmem>>, vector<128x256xf32>
    %dot_general3A_43 = arith.constant dense<0.000000e+00> : vector<1x256xf32>
    %dot_general3A_44 = tpu.matmul %div3A_39, %get3A_42, %dot_general3A_43 {dimension_numbers = #tpu.dot_dimension_numbers<[1], [0], [0], [1], [0, 0, 1, 1], [], []>, transpose_lhs_hint = false} : vector<1x128xf32>, vector<128x256xf32>, vector<1x256xf32> -> vector<1x256xf32>
    %get3A_45 = arith.constant 0 : index
    %get3A_46 = arith.constant 0 : index
    %get3A_47 = vector.load %arg6[%get3A_45, %get3A_46] : memref<1x256xf32, #tpu.memory_space<vmem>>, vector<1x256xf32>
    %add3A_48 = arith.addf %dot_general3A_44, %get3A_47 : vector<1x256xf32>
    %neg3A_49 = arith.constant 0.000000e+00 : f32
    %neg3A_50 = vector.broadcast %neg3A_49 : f32 to vector<1x256xf32>
    %neg3A_51 = arith.subf %neg3A_50, %add3A_48 : vector<1x256xf32>
    %exp3A_52 = math.exp %neg3A_51 : vector<1x256xf32>
    %add3A_53 = arith.constant 1.000000e+00 : f32
    %add3A_54 = vector.broadcast %add3A_53 : f32 to vector<1x256xf32>
    %add3A_55 = arith.addf %add3A_54, %exp3A_52 : vector<1x256xf32>
    %div3A_56 = arith.divf %add3A_48, %add3A_55 : vector<1x256xf32>
    %get3A_57 = arith.constant 0 : index
    %get3A_58 = arith.constant 0 : index
    %get3A_59 = vector.load %arg7[%get3A_57, %get3A_58] : memref<256x64xf32, #tpu.memory_space<vmem>>, vector<256x64xf32>
    %dot_general3A_60 = arith.constant dense<0.000000e+00> : vector<1x64xf32>
    %dot_general3A_61 = tpu.matmul %div3A_56, %get3A_59, %dot_general3A_60 {dimension_numbers = #tpu.dot_dimension_numbers<[1], [0], [0], [1], [0, 0, 1, 1], [], []>, transpose_lhs_hint = false} : vector<1x256xf32>, vector<256x64xf32>, vector<1x64xf32> -> vector<1x64xf32>
    %get3A_62 = arith.constant 0 : index
    %get3A_63 = arith.constant 0 : index
    %get3A_64 = vector.load %arg8[%get3A_62, %get3A_63] : memref<1x64xf32, #tpu.memory_space<vmem>>, vector<1x64xf32>
    %add3A_65 = arith.addf %dot_general3A_61, %get3A_64 : vector<1x64xf32>
    %swap3A = arith.constant 0 : index
    %swap3A_66 = arith.constant 0 : index
    %swap3A_67 = vector.load %arg9[%swap3A, %swap3A_66] : memref<1x64xf32, #tpu.memory_space<vmem>>, vector<1x64xf32>
    tpu.vector_store %arg9[%swap3A, %swap3A_66], %add3A_65 {strides = array<i32>} : memref<1x64xf32, #tpu.memory_space<vmem>>, vector<1x64xf32>,
    return
  }
}

</mosaic_0001>

<sc_bundles>
// kernel: kernel.16.cloned.1.call-start
scs
__scs_entry_jumppad:
0x0: {  	(pc) =	sbr.rel $0x88, $3  }
0x1: {  	(tag) =	ssettag $0x0;
	lr =	simm.s32 $0x1  }
0x2: {  	[smem:$0x3F90] =	sst lr;
	_ =	strace $0xD0000000  }
0x3: {  	_ = 	snop  }
0x4: {  	_ = 	snop  }
0x5: {  	_ = 	snop  }
0x6: {  	_ = 	snop  }
0x7: {  	_ = 	snop  }
__scs_overlays_trampoline_lowered:
0x8: {  	[smem:$0x3F9F] =	sst s0  }
0x9: {  	[smem:$0x3FA0] =	sst s1  }
0xa: {  	[smem:$0x3FA1] =	sst s2  }
0xb: {  	[smem:$0x3FA2] =	sst s3  }
0xc: {  	[smem:$0x3FA3] =	sst s4  }
0xd: {  	[smem:$0x3FA4] =	sst s5  }
0xe: {  	[smem:$0x3FA5] =	sst s6  }
0xf: {  	[smem:$0x3FA6] =	sst s7  }
0x10: {  	[smem:$0x3FA7] =	sst s8  }
0x11: {  	[smem:$0x3FA8] =	sst s9;
	s0 =	simm.s32 @!p0 $0x0  }
0x12: {  	s1 =	sld [smem:$0x3F8E];
	s0 =	simm.s32 @p0 $0x1  }
0x13: {  	[smem:$0x3FA9] =	sst s0;
	s0 =	simm.s32 @!p1 $0x0  }
0x14: {  	s2 =	sld [smem:$0x3F8D];
	s0 =	simm.s32 @p1 $0x1  }
0x15: {  	[smem:$0x3FAA] =	sst s0;
	s0 =	simm.s32 @!p2 $0x0  }
0x16: {  	s3 =	sld [smem:$0x3FDB];
	s0 =	simm.s32 @p2 $0x1  }
0x17: {  	s4 =	simm.s32 $0x1BF5;
	[smem:$0x3FAC] =	sst s0  }
0x18: {  	s0 =	sld [smem:$0x3F8F];
	_ =	swait.ge [sflag:s4], $0x0  }
0x19: {  	s7 =	sld [smem:$0x3F90]  }
0x1a: {  	s8 =	sadd.s32 $0xFFFFE003, lr  }
0x1b: {  	s9 =	sadd.s32 $0xFFFFFEF7, lr;
	s5 =	simm.s32 $0xFFFFFFFF;
	p2 =	slt.u32 s8, $0xFFFFF086  }
0x1c: {  	p1 =	slt.u32 s9, $0xF7A;
	s5 =	simm.s32 @!p2 $0x0  }
0x1d: {  	s5 =	simm.s32 @p1 $0x1;
	p0 =	seq.s32 s7, s2  }
0x1e: {  	s7 =	smul.u32 @!p0 $0xF7A, s2;
	p2 =	seq.s32 @!p0 s5, $0x0  }
0x1f: {  	s9 =	smul.u32 $0xF7A, s1;
	s8 =	simm.s32 @!p0 $0x1BF5;
	p2 =	por !p2, p0  }
0x20: {  	[sflag:s8] =	ssyncset.s32 @!p0 $0xFFFFF086;
	s6 =	sadd.s32 @!p0 s3, s7;
	s7 =	simm.s32 @!p0 $0x108  }
0x21: {  	s3 =	sadd.s32 s3, s9;
	s6 =	sadd.s32 @!p0 $0x88, s6;
	s7 =	simm.s32 @p2 $0x1082  }
0x22: {  	[simem:s7], [sflag:s8] =	dma.local @!p0 [hbm:s6], $0xF7A  }
0x23: {  	s9 =	sor.u32 $0xD0000000, s2;
	s6 =	simm.s32 $0x108;
	_ =	swait.ge @!p0 [sflag:s8], $0x0  }
0x24: {  	s3 =	sadd.s32 $0x88, s3;
	s6 =	simm.s32 @!p1 $0x1082;
	[sflag:s4] =	ssyncset.s32 $0xFFFFF086  }
0x25: {  	[simem:s6], [sflag:s4] =	dma.local [hbm:s3], $0xF7A  }
0x26: {  	[smem:$0x3F90] =	sst s1;
	(tag) =	ssettag s2;
	_ =	strace s9  }
0x27: {  	s1 =	sld [smem:$0x3FA0]  }
0x28: {  	s2 =	sld [smem:$0x3FA1]  }
0x29: {  	s4 =	sld [smem:$0x3FA3]  }
0x2a: {  	p0 =	seq.s32 s5, $0x0;
	s5 =	sld [smem:$0x3FA4]  }
0x2b: {  	s6 =	sld [smem:$0x3FA5]  }
0x2c: {  	s7 =	sld [smem:$0x3FA6]  }
0x2d: {  	s3 =	simm.s32 $0x108;
	s8 =	sld [smem:$0x3FA7]  }
0x2e: {  	s3 =	simm.s32 @!p0 $0x1082;
	s9 =	sld [smem:$0x3FA8]  }
0x2f: {  	lr =	sadd.s32 s0, s3;
	s0 =	sld [smem:$0x3F9F]  }
0x30: {  	s3 =	sld [smem:$0x3FA2]  }
0x31: {  	[smem:$0x3FAB] =	sst s10  }
0x32: {  	s10 =	sld [smem:$0x3FA9];
	_ =	sdelay $0x3  }
0x33: {  	p0 =	seq.s32 s10, $0x1;
	s10 =	sld [smem:$0x3FAB];
	_ =	sdelay $0x3  }
0x34: {  	[smem:$0x3FAB] =	sst s10  }
0x35: {  	s10 =	sld [smem:$0x3FAA];
	_ =	sdelay $0x3  }
0x36: {  	p1 =	seq.s32 s10, $0x1;
	s10 =	sld [smem:$0x3FAB];
	_ =	sdelay $0x3  }
0x37: {  	[smem:$0x3FAB] =	sst s10  }
0x38: {  	s10 =	sld [smem:$0x3FAC]  }
0x39: {  	_ = 	snop;
	(pc) =	sbr.ind lr, $3  }
0x3a: {  	_ = 	snop  }
0x3b: {  	_ = 	snop  }
0x3c: {  	p2 =	seq.s32 s10, $0x1;
	s10 =	sld [smem:$0x3FAB]  }
0x3d: {  	_ =	shalt  }
0x3e: {  	_ =	shalt  }
0x3f: {  	_ =	shalt  }
0x40: {  	_ =	shalt  }
0x41: {  	_ =	shalt  }
0x42: {  	_ =	shalt  }
0x43: {  	_ =	shalt  }
0x44: {  	_ =	shalt  }
0x45: {  	_ =	shalt  }
0x46: {  	_ =	shalt  }
0x47: {  	_ =	shalt  }
0x48: {  	_ =	shalt  }
0x49: {  	_ =	shalt  }
0x4a: {  	_ =	shalt  }
0x4b: {  	_ =	shalt  }
0x4c: {  	_ =	shalt  }
0x4d: {  	_ =	shalt  }
0x4e: {  	_ =	shalt  }
0x4f: {  	_ =	shalt  }
0x50: {  	_ =	shalt  }
0x51: {  	_ =	shalt  }
0x52: {  	_ =	shalt  }
0x53: {  	_ =	shalt  }
0x54: {  	_ =	shalt  }
0x55: {  	_ =	shalt  }
0x56: {  	_ =	shalt  }
0x57: {  	_ =	shalt  }
0x58: {  	_ =	shalt  }
0x59: {  	_ =	shalt  }
0x5a: {  	_ =	shalt  }
0x5b: {  	_ =	shalt  }
0x5c: {  	_ =	shalt  }
0x5d: {  	_ =	shalt  }
0x5e: {  	_ =	shalt  }
0x5f: {  	_ =	shalt  }
0x60: {  	_ =	shalt  }
0x61: {  	_ =	shalt  }
0x62: {  	_ =	shalt  }
0x63: {  	_ =	shalt  }
0x64: {  	_ =	shalt  }
0x65: {  	_ =	shalt  }
0x66: {  	_ =	shalt  }
0x67: {  	_ =	shalt  }
0x68: {  	_ =	shalt  }
0x69: {  	_ =	shalt  }
0x6a: {  	_ =	shalt  }
0x6b: {  	_ =	shalt  }
0x6c: {  	_ =	shalt  }
0x6d: {  	_ =	shalt  }
0x6e: {  	_ =	shalt  }
0x6f: {  	_ =	shalt  }
0x70: {  	_ =	shalt  }
0x71: {  	_ =	shalt  }
0x72: {  	_ =	shalt  }
0x73: {  	_ =	shalt  }
0x74: {  	_ =	shalt  }
0x75: {  	_ =	shalt  }
0x76: {  	_ =	shalt  }
0x77: {  	_ =	shalt  }
0x78: {  	_ =	shalt  }
0x79: {  	_ =	shalt  }
0x7a: {  	_ =	shalt  }
0x7b: {  	_ =	shalt  }
0x7c: {  	_ =	shalt  }
0x7d: {  	_ =	shalt  }
0x7e: {  	_ =	shalt  }
0x7f: {  	_ =	shalt  }
0x80: {  	_ =	shalt  }
0x81: {  	_ =	shalt  }
0x82: {  	_ =	shalt  }
0x83: {  	_ =	shalt  }
0x84: {  	_ =	shalt  }
0x85: {  	_ =	shalt  }
0x86: {  	_ =	shalt  }
0x87: {  	_ =	shalt  }
.Lfunc_end0:
.L_simem_size_0:
called_computation_lowered:
.L_overlay_start_0:
0x88: {  	s2 =	sld [smem:$0x3FD9]  }
0x89: {  	s3 =	sld [smem:$0x3FFE];
	_ =	sdelay $0x1  }
0x8a: {  	s1 =	srdreg.scid  }
0x8b: {  	s0 =	sand.u32 $0x1, s1  }
0x8c: {  	s16 =	sshll.u32 s0, $0xA;
	s2 =	sadd.s32 s3, s2  }
0x8d: {  	s2 =	sadd.s32 s2, s16  }
0x8e: {  	[smem:$0x3FB7] =	sst s2  }
0x8f: {  	_ = 	snop  }
0x90: {  	(tm) =	ssettm $0x1  }
0x91: {  	s17 =	sld [smem:$0x3FFB];
	_ =	sdelay $0x3  }
0x92: {  	_ =	strace s17  }
0x93: {  	s2 =	sld [smem:$0x3FFC];
	_ =	sdelay $0x3  }
0x94: {  	_ =	strace s2  }
0x95: {  	s2 =	sld [smem:$0x3FFD];
	_ =	sdelay $0x3  }
0x96: {  	_ =	strace s2  }
0x97: {  	_ =	strace $0x8FFFFFFF  }
0x98: {  	s18 =	sld [smem:$0x3FDB];
	_ =	sdelay $0x1  }
0x99: {  	s19 =	simm.s32 $_scs_section_size  }
0x9a: {  	s4 =	simm.s32 $_size__tile_overlayer_lowered;
	s5 =	simm.s32 $_tile_overlayer_lowered  }
0x9b: {  	s22 =	simm.s32 $0x1BFF;
	s21 =	sshll.u32 s5, $0x1;
	s2 =	sadd.s32 s19, s18  }
0x9c: {  	s6 =	simm.s32 $0x0;
	s20 =	sshll.u32 s4, $0x1;
	s4 =	sadd.s32 s21, s2  }
0x9d: {  	[timem:s6], [sflag:s22] =	dma.local [hbm:s4], s20  }
0x9e: {  	_ =	swait.ge [sflag:s22], s20  }
0x9f: {  	s3 =	ssub.s32 $0x0, s20;
	[sflag:s22] =	ssyncset.done $0x0  }
0xa0: {  	[sflag:s22] =	ssyncadd.s32 s3;
	_ =	sdelay $0x1  }
0xa1: {  	s23 =	simm.s32 $0x1B8B  }
0xa2: {  	_ =	swait.ge [sflag:s23], $0x1  }
0xa3: {  	[sflag:s23] =	ssyncset.done $0x0  }
0xa4: {  	s25 =	simm.s32 $0x1B8E;
	s24 =	sld [smem:$0x3FFE];
	[sflag:s23] =	ssyncadd.s32 $0xFFFFFFFF  }
0xa5: {  	s26 =	simm.s32 $execute0_lowered;
	[smem:$0x3FD2] =	sst s25  }
0xa6: {  	s4 =	sshll.u32 s26, $0x1;
	_ =	strace $0x80000046;
	[dreg:$0x1] =	wrdreg $0xFFFFFFFF  }
0xa7: {  	s28 =	simm.s32 $_size_execute0_lowered;
	s2 =	sadd.s32 s2, s4;
	[dreg:$0x0] =	wrdreg $0x0  }
0xa8: {  	s4 =	sshll.u32 s28, $0x1;
	[dreg:$0x2] =	wrdreg s2  }
0xa9: {  	[dreg:$0x3] =	wrdreg s4  }
0xaa: {  	[dreg:$0x4] =	wrdreg $0xC0  }
0xab: {  	_ =	task [dreg:s6], $0x5FFFF  }
0xac: {  	[dreg:$0x1] =	wrdreg $0xFFFFFFFF  }
0xad: {  	[dreg:$0x0] =	wrdreg $0x60  }
0xae: {  	[dreg:$0x2] =	wrdreg s24  }
0xaf: {  	[dreg:$0x3] =	wrdreg $0x9  }
0xb0: {  	_ =	task.clear_ibuf [dreg:s6], $0x4FFFF;
	_ =	strace $0x90000046  }
0xb1: {  	s29 =	simm.s32 $0x9;
	_ =	strace $0x80000048  }
0xb2: {  	_ =	swait.ge [sflag:s29], $0x1  }
0xb3: {  	[sflag:s29] =	ssyncadd.s32 $0xFFFFFFFF  }
0xb4: {  	_ =	strace $0x90000048  }
0xb5: {  	_ =	sfence  }
0xb6: {  	s30 =	sld [smem:$0x0];
	_ =	sdelay $0x2  }
0xb7: {  	s31 =	sshll.u32 s1, $0xD;
	s1 =	sshrl.u32 s1, $0x2  }
0xb8: {  	s3 =	sand.u32 $0x4000, s31;
	s1 =	sadd.s32 s1, s30  }
0xb9: {  	s0 =	sor.u32 s3, s0;
	s1 =	sshll.u32 s1, $0x11  }
0xba: {  	s0 =	sor.u32 s1, s0  }
0xbb: {  	s0 =	sadd.s32 $0x8F2B, s0  }
0xbc: {  	[sflag:s0] =	ssyncadd.remote.s32 $0x1  }
0xbd: {  	_ =	sfence.sel $0xFFFF  }
0xbe: {  	[dreg:$0x0] =	wrdreg $0xFFFFFFFF;
	(pc) =	sbr.abs _section_cstart, $3  }
0xbf: {  	[dreg:$0x1] =	wrdreg $0xFFFFFFFF  }
0xc0: {  	_ =	task.clear_ibuf [dreg:s6], $0x2FFFF;
	_ =	strace $0x9FFFFFFF  }
0xc1: {  	(tm) =	ssettm $0x7FFFFFFF  }
tec
execute0_lowered:
.L_overlay_start_1:
0x0: {  	(tag) =	ssettag $0x1  }
0x1: {  	s4 =	rddreg [dreg:$0x0]  }
0x2: {  	s0 =	rddreg [dreg:$0x1];
	s2 =	simm.s32 $0x0;
	s1 =	stileid.u32  }
0x3: {  	s3 =	srdreg.scid;
	s11 =	simm.s32 $0xA0;
	s12 =	simm.s32 $0x1  }
0x4: {  	s13 =	simm.s32 $0x320;
	s14 =	simm.s32 $0x0;
	s5 =	smul.u32 $0xA00, s1  }
0x5: {  	[smem:$0x7FF] =	sst s2;
	s6 =	smul.u32 $0x5000, s1;
	s7 =	sand.u32 $0x1, s3  }
0x6: {  	s3 =	sadd.s32 $0x9000, s4;
	s8 =	ssub.s32 $0x2, s7;
	s9 =	smul.u32 $0x500, s7  }
0x7: {  	_ =	strace $0x80000047;
	s7 =	smul.u32 $0x2800, s7;
	s10 =	sshrl.u32 s8, $0x1  }
0x8: {  	s5 =	sadd.s32 s5, s4;
	s6 =	sadd.s32 s6, s4;
	s29 =	ssub.s32 s8, s10  }
0x9: {  	s30 =	sadd.s32 s9, s5;
	s31 =	sadd.s32 s7, s6;
	s9 =	simm.s32 $0x2  }
0xa: {  	s10 =	simm.s32 $0x50;
	s4 =	smax.u32 s29, $0x1;
	s5 =	sadd.s32 $0xB800, s30  }
0xb: {  	s6 =	sadd.s32 $0x15800, s30;
	s7 =	sadd.s32 $0x1F800, s31;
	s8 =	sadd.s32 $0x6F800, s31  }
.LBB2_1:
0xc: {  	s15 =	sadd.s32 $0x0, s5  }
0xd: {  	[tilespmem:s2], [sflag:$0x2] =	stream.linear.gather [hbm4b:s15+s2], $0x50, $0x38;
	[tilespmem:$0x5A0] =	vst v63  }
0xe: {  	_ =	swait.ge [sflag:s9], $0x50  }
0xf: {  	[sflag:s9] =	ssyncset.done $0x0  }
0x10: {  	s31 =	sadd.s32 $0x0, s6;
	[sflag:s9] =	ssyncadd.s32 $0xFFFFFFB0  }
0x11: {  	[tilespmem:s10], [sflag:$0x2] =	stream.linear.gather [hbm4b:s31+s2], $0x50, $0x38;
	[tilespmem:$0x5A0] =	vst v63  }
0x12: {  	_ =	swait.ge [sflag:s9], $0x50  }
0x13: {  	[sflag:s9] =	ssyncset.done $0x0  }
0x14: {  	[sflag:s9] =	ssyncadd.s32 $0xFFFFFFB0  }
0x15: {  	[tilespmem:s11], [sflag:$0x1] =	stream.indirect.gather [hbm4b:s3+s10], $0x8, s2, s10, $0xb8;
	[tilespmem:$0x5A0] =	vst v63  }
0x16: {  	_ =	swait.ge [sflag:s12], $0x280  }
0x17: {  	[sflag:s12] =	ssyncset.done $0x0  }
0x18: {  	[sflag:s12] =	ssyncadd.s32 $0xFFFFFD80  }
0x19: {  	[tilespmem:s13], [sflag:$0x1] =	stream.indirect.gather [hbm4b:s3+s10], $0x8, s10, s10, $0xb8;
	[tilespmem:$0x5A0] =	vst v63  }
0x1a: {  	_ =	swait.ge [sflag:s12], $0x280  }
0x1b: {  	[sflag:s12] =	ssyncset.done $0x0  }
0x1c: {  	[sflag:s12] =	ssyncadd.s32 $0xFFFFFD80  }
0x1d: {  	[hbm4b:s7+s2] =	stream.linear.scatter [tilespmem:s11], [sflag:$0x2], $0x280, $0x38;
	[tilespmem:$0x5A0] =	vst v63  }
0x1e: {  	_ =	swait.ge [sflag:s9], $0x280  }
0x1f: {  	[sflag:s9] =	ssyncset.done $0x0  }
0x20: {  	[sflag:s9] =	ssyncadd.s32 $0xFFFFFD80  }
0x21: {  	[hbm4b:s8+s2] =	stream.linear.scatter [tilespmem:s13], [sflag:$0x2], $0x280, $0x38;
	[tilespmem:$0x5A0] =	vst v63  }
0x22: {  	s17 =	simm.s32 $0xA;
	s18 =	simm.s32 $0x14;
	_ =	swait.ge [sflag:s9], $0x280  }
0x23: {  	s16 =	sadd.s32 $0x50, s7;
	s15 =	sadd.s32 $0x50, s8;
	[sflag:s9] =	ssyncset.done $0x0  }
.LBB2_2:
0x24: {  	s19 =	sadd.s32 s17, s5  }
0x25: {  	[sflag:s9] =	ssyncadd.s32 $0xFFFFFD80;
	s20 =	smov.u32 s18;
	s21 =	sadd.s32 $0xA, s18  }
0x26: {  	[tilespmem:s2], [sflag:$0x2] =	stream.linear.gather [hbm4b:s19+s2], $0x50, $0x38;
	[tilespmem:$0x5A0] =	vst v63  }
0x27: {  	p0 =	sne.s32 s18, $0x4F6;
	_ =	swait.ge [sflag:s9], $0x50  }
0x28: {  	[sflag:s9] =	ssyncset.done $0x0  }
0x29: {  	s18 =	sadd.s32 s17, s6;
	s17 =	smov.u32 s20;
	[sflag:s9] =	ssyncadd.s32 $0xFFFFFFB0  }
0x2a: {  	[tilespmem:s10], [sflag:$0x2] =	stream.linear.gather [hbm4b:s18+s2], $0x50, $0x38;
	[tilespmem:$0x5A0] =	vst v63  }
0x2b: {  	_ =	swait.ge [sflag:s9], $0x50  }
0x2c: {  	[sflag:s9] =	ssyncset.done $0x0  }
0x2d: {  	[sflag:s9] =	ssyncadd.s32 $0xFFFFFFB0  }
0x2e: {  	[tilespmem:s11], [sflag:$0x1] =	stream.indirect.gather [hbm4b:s3+s10], $0x8, s2, s10, $0xb8;
	[tilespmem:$0x5A0] =	vst v63  }
0x2f: {  	_ =	swait.ge [sflag:s12], $0x280  }
0x30: {  	[sflag:s12] =	ssyncset.done $0x0  }
0x31: {  	[sflag:s12] =	ssyncadd.s32 $0xFFFFFD80  }
0x32: {  	[tilespmem:s13], [sflag:$0x1] =	stream.indirect.gather [hbm4b:s3+s10], $0x8, s10, s10, $0xb8;
	[tilespmem:$0x5A0] =	vst v63  }
0x33: {  	_ =	swait.ge [sflag:s12], $0x280  }
0x34: {  	[sflag:s12] =	ssyncset.done $0x0  }
0x35: {  	[sflag:s12] =	ssyncadd.s32 $0xFFFFFD80  }
0x36: {  	[hbm4b:s16+s2] =	stream.linear.scatter [tilespmem:s11], [sflag:$0x2], $0x280, $0x38;
	[tilespmem:$0x5A0] =	vst v63  }
0x37: {  	_ =	swait.ge [sflag:s9], $0x280  }
.Ltmp0:
0x38: {  	[sflag:s9] =	ssyncset.done $0x0;
	(pc) =	sbr.rel @p0 .LBB2_2-.Ltmp0, $4  }
0x39: {  	[sflag:s9] =	ssyncadd.s32 $0xFFFFFD80  }
0x3a: {  	[hbm4b:s15+s2] =	stream.linear.scatter [tilespmem:s13], [sflag:$0x2], $0x280, $0x38;
	[tilespmem:$0x5A0] =	vst v63  }
0x3b: {  	s18 =	smov.u32 s21;
	_ =	swait.ge [sflag:s9], $0x280  }
0x3c: {  	s16 =	sadd.s32 $0x50, s16;
	s15 =	sadd.s32 $0x50, s15;
	[sflag:s9] =	ssyncset.done $0x0  }
0x3d: {  	s18 =	sadd.s32 s17, s5;
	[sflag:s9] =	ssyncadd.s32 $0xFFFFFD80  }
0x3e: {  	[tilespmem:s2], [sflag:$0x2] =	stream.linear.gather [hbm4b:s18+s2], $0x50, $0x38;
	[tilespmem:$0x5A0] =	vst v63  }
0x3f: {  	_ =	swait.ge [sflag:s9], $0x50  }
0x40: {  	[sflag:s9] =	ssyncset.done $0x0  }
0x41: {  	s31 =	sadd.s32 s17, s6;
	[sflag:s9] =	ssyncadd.s32 $0xFFFFFFB0  }
0x42: {  	[tilespmem:s10], [sflag:$0x2] =	stream.linear.gather [hbm4b:s31+s2], $0x50, $0x38;
	[tilespmem:$0x5A0] =	vst v63  }
0x43: {  	_ =	swait.ge [sflag:s9], $0x50  }
0x44: {  	[sflag:s9] =	ssyncset.done $0x0  }
0x45: {  	[sflag:s9] =	ssyncadd.s32 $0xFFFFFFB0  }
0x46: {  	[tilespmem:s11], [sflag:$0x1] =	stream.indirect.gather [hbm4b:s3+s10], $0x8, s2, s10, $0xb8;
	[tilespmem:$0x5A0] =	vst v63  }
0x47: {  	_ =	swait.ge [sflag:s12], $0x280  }
0x48: {  	[sflag:s12] =	ssyncset.done $0x0  }
0x49: {  	[sflag:s12] =	ssyncadd.s32 $0xFFFFFD80  }
0x4a: {  	[tilespmem:s13], [sflag:$0x1] =	stream.indirect.gather [hbm4b:s3+s10], $0x8, s10, s10, $0xb8;
	[tilespmem:$0x5A0] =	vst v63  }
0x4b: {  	_ =	swait.ge [sflag:s12], $0x280  }
0x4c: {  	[sflag:s12] =	ssyncset.done $0x0  }
0x4d: {  	[sflag:s12] =	ssyncadd.s32 $0xFFFFFD80  }
0x4e: {  	[hbm4b:s16+s2] =	stream.linear.scatter [tilespmem:s11], [sflag:$0x2], $0x280, $0x38;
	[tilespmem:$0x5A0] =	vst v63  }
0x4f: {  	s14 =	sadd.s32 $0x1, s14;
	_ =	swait.ge [sflag:s9], $0x280  }
0x50: {  	p0 =	sne.s32 s14, s4;
	[sflag:s9] =	ssyncset.done $0x0  }
.Ltmp1:
0x51: {  	[sflag:s9] =	ssyncadd.s32 $0xFFFFFD80;
	(pc) =	sbr.rel @p0 .LBB2_1-.Ltmp1, $4  }
0x52: {  	[hbm4b:s15+s2] =	stream.linear.scatter [tilespmem:s13], [sflag:$0x2], $0x280, $0x38;
	[tilespmem:$0x5A0] =	vst v63  }
0x53: {  	_ =	swait.ge [sflag:s9], $0x280  }
0x54: {  	[sflag:s9] =	ssyncset.done $0x0  }
0x55: {  	[sflag:s9] =	ssyncadd.s32 $0xFFFFFD80  }
0x56: {  	_ =	sfence.sel $0x180000  }
0x57: {  	[bflag:$0x0] =	sbarrier.arrive $0xFFFF  }
0x58: {  	p0 =	sne.s32 s1, $0x0;
	_ =	strace $0x90000047  }
0x59: {  	s0 =	sadd.s32 @!p0 $0x100000, s0;
	[bflag:$0x2] =	sbarrier.arrive $0xFFFF  }
0x5a: {  	[sflag:s0] =	ssyncadd.tile.s32 @!p0 $0x1;
	_ =	shalt  }
.Lfunc_end2:
_tile_overlayer_lowered:
.L_overlay_start_2:
0x5b: {  	(tag) =	ssettag $0x2  }
0x5c: {  	s0 =	rddreg [dreg:$0x0];
	s2 =	stileid.u32  }
0x5d: {  	s1 =	rddreg [dreg:$0x1];
	p0 =	sne.s32 s2, $0x0  }
0x5e: {  	s3 =	rddreg [dreg:$0x2];
	[bflag:$0x3] =	sbarrier.arrive $0xFFFF;
	s2 =	simm.s32 @!p0 $0x1C02  }
0x5f: {  	[timem:s3], [sflag:s2] =	dma.local @!p0 [hbm:s0], s1  }
0x60: {  	s0 =	simm.s32 @!p0 $0x2  }
0x61: {  	_ =	swait.ge @!p0 [sflag:s0], s1  }
0x62: {  	s1 =	ssub.s32 @!p0 $0x0, s1;
	[sflag:s0] =	ssyncset.done @!p0 $0x0  }
0x63: {  	[sflag:s0] =	ssyncadd.s32 @!p0 s1  }
0x64: {  	[bflag:$0x3] =	sbarrier.arrive $0xFFFF  }
0x65: {  	_ =	shalt  }

// kernel: kernel.19.cloned.1.call-start
scs
__scs_entry_jumppad:
0x0: {  	(pc) =	sbr.rel $0x88, $3  }
0x1: {  	(tag) =	ssettag $0x0;
	lr =	simm.s32 $0x1  }
0x2: {  	[smem:$0x3F90] =	sst lr;
	_ =	strace $0xD0000000  }
0x3: {  	_ = 	snop  }
0x4: {  	_ = 	snop  }
0x5: {  	_ = 	snop  }
0x6: {  	_ = 	snop  }
0x7: {  	_ = 	snop  }
__scs_overlays_trampoline_lowered:
0x8: {  	[smem:$0x3F9F] =	sst s0  }
0x9: {  	[smem:$0x3FA0] =	sst s1  }
0xa: {  	[smem:$0x3FA1] =	sst s2  }
0xb: {  	[smem:$0x3FA2] =	sst s3  }
0xc: {  	[smem:$0x3FA3] =	sst s4  }
0xd: {  	[smem:$0x3FA4] =	sst s5  }
0xe: {  	[smem:$0x3FA5] =	sst s6  }
0xf: {  	[smem:$0x3FA6] =	sst s7  }
0x10: {  	[smem:$0x3FA7] =	sst s8  }
0x11: {  	[smem:$0x3FA8] =	sst s9;
	s0 =	simm.s32 @!p0 $0x0  }
0x12: {  	s1 =	sld [smem:$0x3F8E];
	s0 =	simm.s32 @p0 $0x1  }
0x13: {  	[smem:$0x3FA9] =	sst s0;
	s0 =	simm.s32 @!p1 $0x0  }
0x14: {  	s2 =	sld [smem:$0x3F8D];
	s0 =	simm.s32 @p1 $0x1  }
0x15: {  	[smem:$0x3FAA] =	sst s0;
	s0 =	simm.s32 @!p2 $0x0  }
0x16: {  	s3 =	sld [smem:$0x3FDB];
	s0 =	simm.s32 @p2 $0x1  }
0x17: {  	s4 =	simm.s32 $0x1BF5;
	[smem:$0x3FAC] =	sst s0  }
0x18: {  	s0 =	sld [smem:$0x3F8F];
	_ =	swait.ge [sflag:s4], $0x0  }
0x19: {  	s7 =	sld [smem:$0x3F90]  }
0x1a: {  	s8 =	sadd.s32 $0xFFFFE003, lr  }
0x1b: {  	s9 =	sadd.s32 $0xFFFFFEF7, lr;
	s5 =	simm.s32 $0xFFFFFFFF;
	p2 =	slt.u32 s8, $0xFFFFF086  }
0x1c: {  	p1 =	slt.u32 s9, $0xF7A;
	s5 =	simm.s32 @!p2 $0x0  }
0x1d: {  	s5 =	simm.s32 @p1 $0x1;
	p0 =	seq.s32 s7, s2  }
0x1e: {  	s7 =	smul.u32 @!p0 $0xF7A, s2;
	p2 =	seq.s32 @!p0 s5, $0x0  }
0x1f: {  	s9 =	smul.u32 $0xF7A, s1;
	s8 =	simm.s32 @!p0 $0x1BF5;
	p2 =	por !p2, p0  }
0x20: {  	[sflag:s8] =	ssyncset.s32 @!p0 $0xFFFFF086;
	s6 =	sadd.s32 @!p0 s3, s7;
	s7 =	simm.s32 @!p0 $0x108  }
0x21: {  	s3 =	sadd.s32 s3, s9;
	s6 =	sadd.s32 @!p0 $0x88, s6;
	s7 =	simm.s32 @p2 $0x1082  }
0x22: {  	[simem:s7], [sflag:s8] =	dma.local @!p0 [hbm:s6], $0xF7A  }
0x23: {  	s9 =	sor.u32 $0xD0000000, s2;
	s6 =	simm.s32 $0x108;
	_ =	swait.ge @!p0 [sflag:s8], $0x0  }
0x24: {  	s3 =	sadd.s32 $0x88, s3;
	s6 =	simm.s32 @!p1 $0x1082;
	[sflag:s4] =	ssyncset.s32 $0xFFFFF086  }
0x25: {  	[simem:s6], [sflag:s4] =	dma.local [hbm:s3], $0xF7A  }
0x26: {  	[smem:$0x3F90] =	sst s1;
	(tag) =	ssettag s2;
	_ =	strace s9  }
0x27: {  	s1 =	sld [smem:$0x3FA0]  }
0x28: {  	s2 =	sld [smem:$0x3FA1]  }
0x29: {  	s4 =	sld [smem:$0x3FA3]  }
0x2a: {  	p0 =	seq.s32 s5, $0x0;
	s5 =	sld [smem:$0x3FA4]  }
0x2b: {  	s6 =	sld [smem:$0x3FA5]  }
0x2c: {  	s7 =	sld [smem:$0x3FA6]  }
0x2d: {  	s3 =	simm.s32 $0x108;
	s8 =	sld [smem:$0x3FA7]  }
0x2e: {  	s3 =	simm.s32 @!p0 $0x1082;
	s9 =	sld [smem:$0x3FA8]  }
0x2f: {  	lr =	sadd.s32 s0, s3;
	s0 =	sld [smem:$0x3F9F]  }
0x30: {  	s3 =	sld [smem:$0x3FA2]  }
0x31: {  	[smem:$0x3FAB] =	sst s10  }
0x32: {  	s10 =	sld [smem:$0x3FA9];
	_ =	sdelay $0x3  }
0x33: {  	p0 =	seq.s32 s10, $0x1;
	s10 =	sld [smem:$0x3FAB];
	_ =	sdelay $0x3  }
0x34: {  	[smem:$0x3FAB] =	sst s10  }
0x35: {  	s10 =	sld [smem:$0x3FAA];
	_ =	sdelay $0x3  }
0x36: {  	p1 =	seq.s32 s10, $0x1;
	s10 =	sld [smem:$0x3FAB];
	_ =	sdelay $0x3  }
0x37: {  	[smem:$0x3FAB] =	sst s10  }
0x38: {  	s10 =	sld [smem:$0x3FAC]  }
0x39: {  	_ = 	snop;
	(pc) =	sbr.ind lr, $3  }
0x3a: {  	_ = 	snop  }
0x3b: {  	_ = 	snop  }
0x3c: {  	p2 =	seq.s32 s10, $0x1;
	s10 =	sld [smem:$0x3FAB]  }
0x3d: {  	_ =	shalt  }
0x3e: {  	_ =	shalt  }
0x3f: {  	_ =	shalt  }
0x40: {  	_ =	shalt  }
0x41: {  	_ =	shalt  }
0x42: {  	_ =	shalt  }
0x43: {  	_ =	shalt  }
0x44: {  	_ =	shalt  }
0x45: {  	_ =	shalt  }
0x46: {  	_ =	shalt  }
0x47: {  	_ =	shalt  }
0x48: {  	_ =	shalt  }
0x49: {  	_ =	shalt  }
0x4a: {  	_ =	shalt  }
0x4b: {  	_ =	shalt  }
0x4c: {  	_ =	shalt  }
0x4d: {  	_ =	shalt  }
0x4e: {  	_ =	shalt  }
0x4f: {  	_ =	shalt  }
0x50: {  	_ =	shalt  }
0x51: {  	_ =	shalt  }
0x52: {  	_ =	shalt  }
0x53: {  	_ =	shalt  }
0x54: {  	_ =	shalt  }
0x55: {  	_ =	shalt  }
0x56: {  	_ =	shalt  }
0x57: {  	_ =	shalt  }
0x58: {  	_ =	shalt  }
0x59: {  	_ =	shalt  }
0x5a: {  	_ =	shalt  }
0x5b: {  	_ =	shalt  }
0x5c: {  	_ =	shalt  }
0x5d: {  	_ =	shalt  }
0x5e: {  	_ =	shalt  }
0x5f: {  	_ =	shalt  }
0x60: {  	_ =	shalt  }
0x61: {  	_ =	shalt  }
0x62: {  	_ =	shalt  }
0x63: {  	_ =	shalt  }
0x64: {  	_ =	shalt  }
0x65: {  	_ =	shalt  }
0x66: {  	_ =	shalt  }
0x67: {  	_ =	shalt  }
0x68: {  	_ =	shalt  }
0x69: {  	_ =	shalt  }
0x6a: {  	_ =	shalt  }
0x6b: {  	_ =	shalt  }
0x6c: {  	_ =	shalt  }
0x6d: {  	_ =	shalt  }
0x6e: {  	_ =	shalt  }
0x6f: {  	_ =	shalt  }
0x70: {  	_ =	shalt  }
0x71: {  	_ =	shalt  }
0x72: {  	_ =	shalt  }
0x73: {  	_ =	shalt  }
0x74: {  	_ =	shalt  }
0x75: {  	_ =	shalt  }
0x76: {  	_ =	shalt  }
0x77: {  	_ =	shalt  }
0x78: {  	_ =	shalt  }
0x79: {  	_ =	shalt  }
0x7a: {  	_ =	shalt  }
0x7b: {  	_ =	shalt  }
0x7c: {  	_ =	shalt  }
0x7d: {  	_ =	shalt  }
0x7e: {  	_ =	shalt  }
0x7f: {  	_ =	shalt  }
0x80: {  	_ =	shalt  }
0x81: {  	_ =	shalt  }
0x82: {  	_ =	shalt  }
0x83: {  	_ =	shalt  }
0x84: {  	_ =	shalt  }
0x85: {  	_ =	shalt  }
0x86: {  	_ =	shalt  }
0x87: {  	_ =	shalt  }
.Lfunc_end0:
.L_simem_size_0:
called_computation.1_lowered:
.L_overlay_start_0:
0x88: {  	s2 =	sld [smem:$0x3FD9]  }
0x89: {  	s3 =	sld [smem:$0x3FFE];
	_ =	sdelay $0x1  }
0x8a: {  	s1 =	srdreg.scid  }
0x8b: {  	s0 =	sand.u32 $0x1, s1  }
0x8c: {  	s16 =	sshll.u32 s0, $0xA;
	s2 =	sadd.s32 s3, s2  }
0x8d: {  	s2 =	sadd.s32 s2, s16  }
0x8e: {  	[smem:$0x3FB7] =	sst s2  }
0x8f: {  	_ = 	snop  }
0x90: {  	(tm) =	ssettm $0x1  }
0x91: {  	s17 =	sld [smem:$0x3FFB];
	_ =	sdelay $0x3  }
0x92: {  	_ =	strace s17  }
0x93: {  	s2 =	sld [smem:$0x3FFC];
	_ =	sdelay $0x3  }
0x94: {  	_ =	strace s2  }
0x95: {  	s2 =	sld [smem:$0x3FFD];
	_ =	sdelay $0x3  }
0x96: {  	_ =	strace s2  }
0x97: {  	_ =	strace $0x8FFFFFFF  }
0x98: {  	s18 =	sld [smem:$0x3FDB];
	_ =	sdelay $0x1  }
0x99: {  	s19 =	simm.s32 $_scs_section_size  }
0x9a: {  	s4 =	simm.s32 $_size__tile_overlayer_lowered;
	s5 =	simm.s32 $_tile_overlayer_lowered  }
0x9b: {  	s22 =	simm.s32 $0x1BFF;
	s21 =	sshll.u32 s5, $0x1;
	s2 =	sadd.s32 s19, s18  }
0x9c: {  	s6 =	simm.s32 $0x0;
	s20 =	sshll.u32 s4, $0x1;
	s4 =	sadd.s32 s21, s2  }
0x9d: {  	[timem:s6], [sflag:s22] =	dma.local [hbm:s4], s20  }
0x9e: {  	_ =	swait.ge [sflag:s22], s20  }
0x9f: {  	s3 =	ssub.s32 $0x0, s20;
	[sflag:s22] =	ssyncset.done $0x0  }
0xa0: {  	[sflag:s22] =	ssyncadd.s32 s3;
	_ =	sdelay $0x1  }
0xa1: {  	s23 =	simm.s32 $0x1B8B  }
0xa2: {  	_ =	swait.ge [sflag:s23], $0x1  }
0xa3: {  	[sflag:s23] =	ssyncset.done $0x0  }
0xa4: {  	s25 =	simm.s32 $0x1B8E;
	s24 =	sld [smem:$0x3FFE];
	[sflag:s23] =	ssyncadd.s32 $0xFFFFFFFF  }
0xa5: {  	s26 =	simm.s32 $execute0_lowered;
	[smem:$0x3FD2] =	sst s25  }
0xa6: {  	s4 =	sshll.u32 s26, $0x1;
	_ =	strace $0x80000049;
	[dreg:$0x1] =	wrdreg $0xFFFFFFFF  }
0xa7: {  	s28 =	simm.s32 $_size_execute0_lowered;
	s2 =	sadd.s32 s2, s4;
	[dreg:$0x0] =	wrdreg $0x0  }
0xa8: {  	s4 =	sshll.u32 s28, $0x1;
	[dreg:$0x2] =	wrdreg s2  }
0xa9: {  	[dreg:$0x3] =	wrdreg s4  }
0xaa: {  	[dreg:$0x4] =	wrdreg $0xC0  }
0xab: {  	_ =	task [dreg:s6], $0x5FFFF  }
0xac: {  	[dreg:$0x1] =	wrdreg $0xFFFFFFFF  }
0xad: {  	[dreg:$0x0] =	wrdreg $0x60  }
0xae: {  	[dreg:$0x2] =	wrdreg s24  }
0xaf: {  	[dreg:$0x3] =	wrdreg $0xA4000  }
0xb0: {  	[dreg:$0x4] =	wrdreg $0x9  }
0xb1: {  	_ =	task.clear_ibuf [dreg:s6], $0x5FFFF;
	_ =	strace $0x90000049  }
0xb2: {  	s29 =	simm.s32 $0x9;
	_ =	strace $0x8000004B  }
0xb3: {  	_ =	swait.ge [sflag:s29], $0x1  }
0xb4: {  	[sflag:s29] =	ssyncadd.s32 $0xFFFFFFFF  }
0xb5: {  	_ =	strace $0x9000004B  }
0xb6: {  	_ =	sfence  }
0xb7: {  	s30 =	sld [smem:$0x0];
	_ =	sdelay $0x2  }
0xb8: {  	s31 =	sshll.u32 s1, $0xD;
	s1 =	sshrl.u32 s1, $0x2  }
0xb9: {  	s3 =	sand.u32 $0x4000, s31;
	s1 =	sadd.s32 s1, s30  }
0xba: {  	s0 =	sor.u32 s3, s0;
	s1 =	sshll.u32 s1, $0x11  }
0xbb: {  	s0 =	sor.u32 s1, s0  }
0xbc: {  	s0 =	sadd.s32 $0x8F2B, s0  }
0xbd: {  	[sflag:s0] =	ssyncadd.remote.s32 $0x1  }
0xbe: {  	_ =	sfence.sel $0xFFFF  }
0xbf: {  	[dreg:$0x0] =	wrdreg $0xFFFFFFFF;
	(pc) =	sbr.abs _section_cstart, $3  }
0xc0: {  	[dreg:$0x1] =	wrdreg $0xFFFFFFFF  }
0xc1: {  	_ =	task.clear_ibuf [dreg:s6], $0x2FFFF;
	_ =	strace $0x9FFFFFFF  }
0xc2: {  	(tm) =	ssettm $0x7FFFFFFF  }
0xc3: {  	_ =	shalt  }
tec
execute0_lowered:
.L_overlay_start_1:
0x0: {  	(tag) =	ssettag $0x1  }
0x1: {  	s0 =	rddreg [dreg:$0x0]  }
0x2: {  	s1 =	rddreg [dreg:$0x1];
	s3 =	simm.s32 $0x0;
	s2 =	srdreg.scid  }
0x3: {  	s12 =	stileid.u32;
	s28 =	simm.s32 $0x7C00;
	s29 =	simm.s32 $0x2C00  }
0x4: {  	s30 =	simm.s32 $0x4;
	s31 =	simm.s32 $0x2;
	[smem:$0x7FF] =	sst s3  }
0x5: {  	s2 =	sand.u32 $0x1, s2;
	s8 =	smul.u32 $0x2800, s12;
	s4 =	sadd.s32 $0xC3C00, s0  }
0x6: {  	s5 =	sadd.s32 $0xB12C00, s0;
	s6 =	sadd.s32 $0xB800, s0;
	s7 =	sadd.s32 $0x15800, s0  }
0x7: {  	s10 =	sadd.s32 $0x1F800, s0;
	s19 =	sshll.u32 s12, $0x1;
	s20 =	smul.u32 $0x50000, s12  }
0x8: {  	s22 =	sshll.u32 s12, $0x6;
	_ =	strace $0x8000004A;
	s9 =	smul.u32 $0x28000, s2  }
0x9: {  	[dreg:$0x3] =	wrdreg s10;
	s18 =	ssub.s32 $0x2, s2;
	s2 =	sor.u32 s2, s19  }
0xa: {  	s19 =	simm.s32 $0x6;
	s11 =	sshrl.u32 s18, $0x1;
	s10 =	sshrl.u32 s20, $0x2  }
0xb: {  	s23 =	smul.u32 $0x500, s2;
	s20 =	simm.s32 $0x0;
	s8 =	sadd.s32 s8, s9  }
0xc: {  	s21 =	ssub.s32 s18, s11;
	s9 =	sshll.u32 s2, $0x7;
	s13 =	sadd.s32 s10, s1  }
0xd: {  	s10 =	sor.u32 $0x1C06, s22;
	s2 =	smul.u32 $0x28000, s2;
	s0 =	sadd.s32 s8, s0  }
0xe: {  	s24 =	sadd.s32 s6, s23;
	s25 =	sadd.s32 s7, s23;
	s26 =	sor.u32 $0xA, s23  }
0xf: {  	s17 =	smax.u32 s21, $0x1;
	s18 =	sshrl.u32 s13, $0x3;
	[dreg:$0x4] =	wrdreg s24  }
0x10: {  	s23 =	simm.s32 $0x1;
	[dreg:$0x5] =	wrdreg s25;
	s12 =	sadd.s32 s6, s26  }
0x11: {  	s11 =	sadd.s32 s7, s26;
	s15 =	sadd.s32 s5, s2;
	s16 =	sadd.s32 $0x22000, s0  }
0x12: {  	s25 =	simm.s32 $0x50;
	s26 =	simm.s32 $0x400;
	[dreg:$0x6] =	wrdreg s12  }
0x13: {  	s0 =	simm.s32 $0x5;
	s2 =	simm.s32 $0x3;
	[dreg:$0x7] =	wrdreg s11  }
.LBB2_1:
0x14: {  	s8 =	rddreg [dreg:$0x3]  }
0x15: {  	[spmem:s18], [sflag:s10] =	dma.local [hbm:s8], $0x2800  }
0x16: {  	_ =	swait.ge [sflag:s19], $0x2800  }
0x17: {  	[sflag:s19] =	ssyncset.done $0x0  }
0x18: {  	[sflag:s19] =	ssyncadd.s32 $0xFFFFD800  }
0x19: {  	[bflag:$0x0] =	sbarrier.arrive $0xFFFF  }
0x1a: {  	s11 =	rddreg [dreg:$0x4]  }
0x1b: {  	[tilespmem:s3], [sflag:$0x1] =	stream.linear.gather [hbm4b:s11+s3], $0x50, $0x38;
	[tilespmem:$0x1E400] =	vst v63  }
0x1c: {  	s12 =	rddreg [dreg:$0x5];
	s11 =	simm.s32 $0x200  }
0x1d: {  	[tilespmem:s11], [sflag:$0x1] =	stream.linear.gather [hbm4b:s12+s3], $0x50, $0x38;
	[tilespmem:$0x1E400] =	vst v63  }
0x1e: {  	s14 =	simm.s32 $0x80;
	s13 =	rddreg [dreg:$0x6]  }
0x1f: {  	[tilespmem:s14], [sflag:$0x1] =	stream.linear.gather [hbm4b:s13+s3], $0x50, $0x38;
	[tilespmem:$0x1E400] =	vst v63  }
0x20: {  	s22 =	simm.s32 $0x280;
	s21 =	rddreg [dreg:$0x7]  }
0x21: {  	[tilespmem:s22], [sflag:$0x1] =	stream.linear.gather [hbm4b:s21+s3], $0x50, $0x38;
	[tilespmem:$0x1E400] =	vst v63  }
0x22: {  	_ =	swait.ge [sflag:s23], $0x50  }
0x23: {  	[sflag:s23] =	ssyncset.done $0x0  }
0x24: {  	[sflag:s23] =	ssyncadd.s32 $0xFFFFFFB0  }
0x25: {  	_ =	swait.ge [sflag:s23], $0x50  }
0x26: {  	[sflag:s23] =	ssyncset.done $0x0  }
0x27: {  	[sflag:s23] =	ssyncadd.s32 $0xFFFFFFB0  }
0x28: {  	_ =	swait.ge [sflag:s23], $0x50  }
0x29: {  	[sflag:s23] =	ssyncset.done $0x0  }
0x2a: {  	[sflag:s23] =	ssyncadd.s32 $0xFFFFFFB0  }
0x2b: {  	_ =	swait.ge [sflag:s23], $0x50  }
0x2c: {  	[sflag:s23] =	ssyncset.done $0x0  }
0x2d: {  	s24 =	simm.s32 $0x5400;
	[sflag:s23] =	ssyncadd.s32 $0xFFFFFFB0  }
0x2e: {  	[tilespmem:s24], [sflag:$0x4] =	stream.linear.gather [hbm4b:s15+s3], $0x2800, $0x38;
	[tilespmem:$0x1E400] =	vst v63  }
0x2f: {  	s21 =	simm.s32 $0x0  }
0x30: {  	[tilespmem:s26], [sflag:$0x2] =	stream.indirect.gather [hbm4b:s4+s25], $0x80, s3, s25, $0xb8;
	[tilespmem:$0x1E400] =	vst v63  }
.LBB2_2:
0x31: {  	s11 =	sshll.u32 s21, $0x1  }
0x32: {  	p0 =	seq.s32 s21, $0x3F;
	s12 =	sadd.s32 $0x2, s11  }
0x33: {  	s8 =	sadd.s32 @!p0 s9, s12  }
0x34: {  	s13 =	smul.u32 @!p0 $0xA, s8  }
0x35: {  	s12 =	sand.u32 $0x2, s12  }
0x36: {  	s14 =	simm.s32 @!p0 $0x0;
	s24 =	sshll.u32 @!p0 s12, $0x7;
	s12 =	sadd.s32 @!p0 s6, s13  }
0x37: {  	[tilespmem:s24], [sflag:$0x1] =	stream.linear.gather @!p0 [hbm4b:s12+s14], $0x50, $0x38;
	[tilespmem:$0x1E400] =	vst v63  }
0x38: {  	s11 =	sadd.s32 @!p0 $0x3, s11;
	s13 =	sadd.s32 @!p0 s7, s13;
	s12 =	sor.u32 @!p0 $0x200, s24  }
0x39: {  	[tilespmem:s12], [sflag:$0x1] =	stream.linear.gather @!p0 [hbm4b:s13+s14], $0x50, $0x38;
	[tilespmem:$0x1E400] =	vst v63  }
0x3a: {  	s12 =	sadd.s32 @!p0 s9, s11  }
0x3b: {  	s12 =	smul.u32 @!p0 $0xA, s12  }
0x3c: {  	s11 =	sshll.u32 @!p0 s11, $0x7  }
0x3d: {  	s13 =	sshllo.u32 s21, $0x1;
	s11 =	sand.u32 @!p0 $0x180, s11;
	s22 =	sadd.s32 @!p0 s6, s12  }
0x3e: {  	[tilespmem:s11], [sflag:$0x1] =	stream.linear.gather @!p0 [hbm4b:s22+s14], $0x50, $0x38;
	[tilespmem:$0x1E400] =	vst v63  }
0x3f: {  	s22 =	sadd.s32 s9, s13  }
0x40: {  	s12 =	sadd.s32 @!p0 s7, s12;
	s11 =	sor.u32 @!p0 $0x200, s11;
	s22 =	smul.u32 $0x500, s22  }
0x41: {  	[tilespmem:s11], [sflag:$0x1] =	stream.linear.gather @!p0 [hbm4b:s12+s14], $0x50, $0x38;
	[tilespmem:$0x1E400] =	vst v63  }
0x42: {  	s14 =	sadd.s32 s5, s22;
	s22 =	sshll.u32 s13, $0x7  }
0x43: {  	[tilespmem:s28], [sflag:$0x5] =	stream.linear.gather [hbm4b:s14+s3], $0x2800, $0x38;
	[tilespmem:$0x1E400] =	vst v63  }
0x44: {  	s22 =	sand.u32 $0x180, s22  }
0x45: {  	[tilespmem:s29], [sflag:$0x3] =	stream.indirect.gather [hbm4b:s4+s25], $0x80, s22, s25, $0xb8;
	[tilespmem:$0x1E400] =	vst v63  }
0x46: {  	_ =	swait.ge [sflag:s30], $0x2800  }
0x47: {  	[sflag:s30] =	ssyncset.done $0x0  }
0x48: {  	[sflag:s30] =	ssyncadd.s32 $0xFFFFD800  }
0x49: {  	_ =	swait.ge [sflag:s31], $0x2800  }
0x4a: {  	[sflag:s31] =	ssyncset.done $0x0  }
0x4b: {  	s11 =	simm.s32 $0x500;
	[sflag:s31] =	ssyncadd.s32 $0xFFFFD800  }
0x4c: {  	s12 =	simm.s32 $0x5500;
	v0 =	vld [tilespmem:s11+$0x80]  }
0x4d: {  	v1 =	vld [tilespmem:s12+$0x80]  }
0x4e: {  	v2 =	vld [tilespmem:s11+$0xFFFFFF80]  }
0x4f: {  	v3 =	vld [tilespmem:s12+$0xFFFFFF80]  }
0x50: {  	v4 =	vld [tilespmem:s11+$0x0]  }
0x51: {  	v5 =	vld [tilespmem:s12+$0x0]  }
0x52: {  	v6 =	vld [tilespmem:s11+$0xFFFFFF00];
	v0 =	vmul.f32 v1, v0  }
0x53: {  	v1 =	vld [tilespmem:s12+$0xFFFFFF00]  }
0x54: {  	[tilespmem:s11+$0x80] =	vst v0;
	v0 =	vld [tilespmem:s11+$0x90]  }
0x55: {  	v2 =	vmul.f32 v3, v2;
	v3 =	vld [tilespmem:s12+$0x90]  }
0x56: {  	v7 =	vld [tilespmem:s11+$0xFFFFFF10]  }
0x57: {  	[tilespmem:s11+$0xFFFFFF80] =	vst v2;
	v2 =	vmul.f32 v5, v4;
	v4 =	vld [tilespmem:s11+$0xFFFFFF90]  }
0x58: {  	v5 =	vld [tilespmem:s12+$0xFFFFFF90];
	v1 =	vmul.f32 v1, v6  }
0x59: {  	[tilespmem:s11+$0x0] =	vst v2;
	v2 =	vld [tilespmem:s11+$0x10]  }
0x5a: {  	v6 =	vld [tilespmem:s12+$0x10];
	[tilespmem:s11+$0xFFFFFF00] =	vst v1;
	v0 =	vmul.f32 v3, v0  }
0x5b: {  	v1 =	vld [tilespmem:s12+$0xFFFFFF10]  }
0x5c: {  	[tilespmem:s11+$0x90] =	vst v0;
	v0 =	vld [tilespmem:s11+$0xA0]  }
0x5d: {  	v3 =	vmul.f32 v5, v4;
	v4 =	vld [tilespmem:s12+$0xA0]  }
0x5e: {  	v5 =	vld [tilespmem:s11+$0xFFFFFF20]  }
0x5f: {  	[tilespmem:s11+$0xFFFFFF90] =	vst v3;
	v2 =	vmul.f32 v6, v2;
	v3 =	vld [tilespmem:s11+$0xFFFFFFA0]  }
0x60: {  	v6 =	vld [tilespmem:s12+$0xFFFFFFA0];
	v1 =	vmul.f32 v1, v7  }
0x61: {  	[tilespmem:s11+$0x10] =	vst v2;
	v2 =	vld [tilespmem:s11+$0x20]  }
0x62: {  	v7 =	vld [tilespmem:s12+$0x20];
	[tilespmem:s11+$0xFFFFFF10] =	vst v1;
	v0 =	vmul.f32 v4, v0  }
0x63: {  	v1 =	vld [tilespmem:s12+$0xFFFFFF20]  }
0x64: {  	[tilespmem:s11+$0xA0] =	vst v0;
	v0 =	vld [tilespmem:s11+$0xB0]  }
0x65: {  	v3 =	vmul.f32 v6, v3;
	v4 =	vld [tilespmem:s12+$0xB0]  }
0x66: {  	v6 =	vld [tilespmem:s11+$0xFFFFFF30]  }
0x67: {  	[tilespmem:s11+$0xFFFFFFA0] =	vst v3;
	v2 =	vmul.f32 v7, v2;
	v3 =	vld [tilespmem:s11+$0xFFFFFFB0]  }
0x68: {  	v7 =	vld [tilespmem:s12+$0xFFFFFFB0];
	v1 =	vmul.f32 v1, v5  }
0x69: {  	[tilespmem:s11+$0x20] =	vst v2;
	v2 =	vld [tilespmem:s11+$0x30]  }
0x6a: {  	v5 =	vld [tilespmem:s12+$0x30];
	[tilespmem:s11+$0xFFFFFF20] =	vst v1;
	v0 =	vmul.f32 v4, v0  }
0x6b: {  	v1 =	vld [tilespmem:s12+$0xFFFFFF30]  }
0x6c: {  	[tilespmem:s11+$0xB0] =	vst v0;
	v0 =	vld [tilespmem:s11+$0xC0]  }
0x6d: {  	v3 =	vmul.f32 v7, v3;
	v4 =	vld [tilespmem:s12+$0xC0]  }
0x6e: {  	v7 =	vld [tilespmem:s11+$0xFFFFFF40]  }
0x6f: {  	[tilespmem:s11+$0xFFFFFFB0] =	vst v3;
	v2 =	vmul.f32 v5, v2;
	v3 =	vld [tilespmem:s11+$0xFFFFFFC0]  }
0x70: {  	v5 =	vld [tilespmem:s12+$0xFFFFFFC0];
	v1 =	vmul.f32 v1, v6  }
0x71: {  	[tilespmem:s11+$0x30] =	vst v2;
	v2 =	vld [tilespmem:s11+$0x40]  }
0x72: {  	v6 =	vld [tilespmem:s12+$0x40];
	[tilespmem:s11+$0xFFFFFF30] =	vst v1;
	v0 =	vmul.f32 v4, v0  }
0x73: {  	v1 =	vld [tilespmem:s12+$0xFFFFFF40]  }
0x74: {  	[tilespmem:s11+$0xC0] =	vst v0;
	v0 =	vld [tilespmem:s11+$0xD0]  }
0x75: {  	v3 =	vmul.f32 v5, v3;
	v4 =	vld [tilespmem:s12+$0xD0]  }
0x76: {  	v5 =	vld [tilespmem:s11+$0xFFFFFF50]  }
0x77: {  	[tilespmem:s11+$0xFFFFFFC0] =	vst v3;
	v2 =	vmul.f32 v6, v2;
	v3 =	vld [tilespmem:s11+$0xFFFFFFD0]  }
0x78: {  	v6 =	vld [tilespmem:s12+$0xFFFFFFD0];
	v1 =	vmul.f32 v1, v7  }
0x79: {  	[tilespmem:s11+$0x40] =	vst v2;
	v2 =	vld [tilespmem:s11+$0x50]  }
0x7a: {  	v7 =	vld [tilespmem:s12+$0x50];
	[tilespmem:s11+$0xFFFFFF40] =	vst v1;
	v0 =	vmul.f32 v4, v0  }
0x7b: {  	v1 =	vld [tilespmem:s12+$0xFFFFFF50]  }
0x7c: {  	[tilespmem:s11+$0xD0] =	vst v0;
	v0 =	vld [tilespmem:s11+$0xE0]  }
0x7d: {  	v3 =	vmul.f32 v6, v3;
	v4 =	vld [tilespmem:s12+$0xE0]  }
0x7e: {  	v6 =	vld [tilespmem:s11+$0xFFFFFF60]  }
0x7f: {  	[tilespmem:s11+$0xFFFFFFD0] =	vst v3;
	v2 =	vmul.f32 v7, v2;
	v3 =	vld [tilespmem:s11+$0xFFFFFFE0]  }
0x80: {  	v7 =	vld [tilespmem:s12+$0xFFFFFFE0];
	v1 =	vmul.f32 v1, v5  }
0x81: {  	[tilespmem:s11+$0x50] =	vst v2;
	v2 =	vld [tilespmem:s11+$0x60]  }
0x82: {  	v5 =	vld [tilespmem:s12+$0x60];
	[tilespmem:s11+$0xFFFFFF50] =	vst v1;
	v0 =	vmul.f32 v4, v0  }
0x83: {  	v4 =	vld [tilespmem:s12+$0xFFFFFF60]  }
0x84: {  	v8 =	vld [tilespmem:s11+$0xF0];
	[tilespmem:s11+$0xE0] =	vst v0  }
0x85: {  	v1 =	vmul.f32 v7, v3;
	v7 =	vld [tilespmem:s12+$0xF0]  }
0x86: {  	v0 =	vld [tilespmem:s11+$0xFFFFFF70]  }
0x87: {  	[tilespmem:s11+$0xFFFFFFE0] =	vst v1;
	v2 =	vmul.f32 v5, v2;
	v1 =	vld [tilespmem:s11+$0xFFFFFFF0]  }
0x88: {  	v3 =	vld [tilespmem:s12+$0xFFFFFFF0];
	v4 =	vmul.f32 v4, v6  }
0x89: {  	[tilespmem:s11+$0x60] =	vst v2;
	v2 =	vld [tilespmem:s11+$0x70]  }
0x8a: {  	[tilespmem:s11+$0xFFFFFF60] =	vst v4;
	v4 =	vld [tilespmem:s12+$0x70];
	v6 =	vmul.f32 v7, v8  }
0x8b: {  	s13 =	simm.s32 $0x0;
	s14 =	simm.s32 $0x700;
	v5 =	vld [tilespmem:s12+$0xFFFFFF70]  }
.LBB2_3:
0x8c: {  	v7 =	vld [tilespmem:s14+$0x80];
	[tilespmem:s11+$0xF0] =	vst v6;
	s12 =	sadd.s32 $0x200, s12  }
0x8d: {  	s13 =	sadd.s32 $0x4, s13;
	v6 =	vld [tilespmem:s12+$0x80];
	v1 =	vmul.f32 v3, v1  }
0x8e: {  	p1 =	slt.u32 s13, $0x4C;
	v3 =	vld [tilespmem:s12+$0xFFFFFF00]  }
0x8f: {  	v8 =	vld [tilespmem:s14+$0xFFFFFF80];
	[tilespmem:s11+$0xFFFFFFF0] =	vst v1;
	v1 =	vmul.f32 v4, v2  }
0x90: {  	v2 =	vld [tilespmem:s12+$0xFFFFFF80];
	v0 =	vmul.f32 v5, v0  }
0x91: {  	v4 =	vld [tilespmem:s14+$0x0];
	[tilespmem:s11+$0x70] =	vst v1  }
0x92: {  	v1 =	vld [tilespmem:s12+$0x0];
	v5 =	vmul.f32 v6, v7;
	[tilespmem:s11+$0xFFFFFF70] =	vst v0;
	s11 =	smov.u32 s14  }
0x93: {  	v0 =	vld [tilespmem:s14+$0xFFFFFF00]  }
0x94: {  	[tilespmem:s14+$0x80] =	vst v5;
	v5 =	vld [tilespmem:s14+$0x90]  }
0x95: {  	v2 =	vmul.f32 v2, v8;
	v6 =	vld [tilespmem:s12+$0x90]  }
0x96: {  	v7 =	vld [tilespmem:s14+$0xFFFFFF10]  }
0x97: {  	[tilespmem:s14+$0xFFFFFF80] =	vst v2;
	v2 =	vld [tilespmem:s14+$0xFFFFFF90];
	v1 =	vmul.f32 v1, v4  }
0x98: {  	v0 =	vmul.f32 v3, v0;
	v3 =	vld [tilespmem:s12+$0xFFFFFF90]  }
0x99: {  	[tilespmem:s14+$0x0] =	vst v1;
	v1 =	vld [tilespmem:s14+$0x10]  }
0x9a: {  	[tilespmem:s14+$0xFFFFFF00] =	vst v0;
	v0 =	vld [tilespmem:s12+$0x10];
	v4 =	vmul.f32 v6, v5  }
0x9b: {  	v5 =	vld [tilespmem:s12+$0xFFFFFF10]  }
0x9c: {  	[tilespmem:s14+$0x90] =	vst v4;
	v4 =	vld [tilespmem:s14+$0xA0]  }
0x9d: {  	v2 =	vmul.f32 v3, v2;
	v3 =	vld [tilespmem:s12+$0xA0]  }
0x9e: {  	v6 =	vld [tilespmem:s14+$0xFFFFFF20]  }
0x9f: {  	[tilespmem:s14+$0xFFFFFF90] =	vst v2;
	v2 =	vld [tilespmem:s14+$0xFFFFFFA0];
	v0 =	vmul.f32 v0, v1  }
0xa0: {  	v1 =	vmul.f32 v5, v7;
	v5 =	vld [tilespmem:s12+$0xFFFFFFA0]  }
0xa1: {  	[tilespmem:s14+$0x10] =	vst v0;
	v0 =	vld [tilespmem:s14+$0x20]  }
0xa2: {  	[tilespmem:s14+$0xFFFFFF10] =	vst v1;
	v1 =	vld [tilespmem:s12+$0x20];
	v3 =	vmul.f32 v3, v4  }
0xa3: {  	v4 =	vld [tilespmem:s12+$0xFFFFFF20]  }
0xa4: {  	[tilespmem:s14+$0xA0] =	vst v3;
	v3 =	vld [tilespmem:s14+$0xB0]  }
0xa5: {  	v2 =	vmul.f32 v5, v2;
	v5 =	vld [tilespmem:s12+$0xB0]  }
0xa6: {  	v7 =	vld [tilespmem:s14+$0xFFFFFF30]  }
0xa7: {  	[tilespmem:s14+$0xFFFFFFA0] =	vst v2;
	v2 =	vld [tilespmem:s14+$0xFFFFFFB0];
	v0 =	vmul.f32 v1, v0  }
0xa8: {  	v1 =	vmul.f32 v4, v6;
	v4 =	vld [tilespmem:s12+$0xFFFFFFB0]  }
0xa9: {  	[tilespmem:s14+$0x20] =	vst v0;
	v0 =	vld [tilespmem:s14+$0x30]  }
0xaa: {  	[tilespmem:s14+$0xFFFFFF20] =	vst v1;
	v1 =	vld [tilespmem:s12+$0x30];
	v3 =	vmul.f32 v5, v3  }
0xab: {  	v5 =	vld [tilespmem:s12+$0xFFFFFF30]  }
0xac: {  	[tilespmem:s14+$0xB0] =	vst v3;
	v3 =	vld [tilespmem:s14+$0xC0]  }
0xad: {  	v2 =	vmul.f32 v4, v2;
	v4 =	vld [tilespmem:s12+$0xC0]  }
0xae: {  	v6 =	vld [tilespmem:s14+$0xFFFFFF40]  }
0xaf: {  	[tilespmem:s14+$0xFFFFFFB0] =	vst v2;
	v2 =	vld [tilespmem:s14+$0xFFFFFFC0];
	v0 =	vmul.f32 v1, v0  }
0xb0: {  	v1 =	vmul.f32 v5, v7;
	v5 =	vld [tilespmem:s12+$0xFFFFFFC0]  }
0xb1: {  	[tilespmem:s14+$0x30] =	vst v0;
	v0 =	vld [tilespmem:s14+$0x40]  }
0xb2: {  	[tilespmem:s14+$0xFFFFFF30] =	vst v1;
	v1 =	vld [tilespmem:s12+$0x40];
	v3 =	vmul.f32 v4, v3  }
0xb3: {  	v4 =	vld [tilespmem:s12+$0xFFFFFF40]  }
0xb4: {  	[tilespmem:s14+$0xC0] =	vst v3;
	v3 =	vld [tilespmem:s14+$0xD0]  }
0xb5: {  	v2 =	vmul.f32 v5, v2;
	v5 =	vld [tilespmem:s12+$0xD0]  }
0xb6: {  	v7 =	vld [tilespmem:s14+$0xFFFFFF50]  }
0xb7: {  	[tilespmem:s14+$0xFFFFFFC0] =	vst v2;
	v2 =	vld [tilespmem:s14+$0xFFFFFFD0];
	v0 =	vmul.f32 v1, v0  }
0xb8: {  	v1 =	vmul.f32 v4, v6;
	v4 =	vld [tilespmem:s12+$0xFFFFFFD0]  }
0xb9: {  	[tilespmem:s14+$0x40] =	vst v0;
	v0 =	vld [tilespmem:s14+$0x50]  }
0xba: {  	[tilespmem:s14+$0xFFFFFF40] =	vst v1;
	v1 =	vld [tilespmem:s12+$0x50];
	v3 =	vmul.f32 v5, v3  }
0xbb: {  	v5 =	vld [tilespmem:s12+$0xFFFFFF50]  }
0xbc: {  	[tilespmem:s14+$0xD0] =	vst v3;
	v3 =	vld [tilespmem:s14+$0xE0]  }
0xbd: {  	v2 =	vmul.f32 v4, v2;
	v4 =	vld [tilespmem:s12+$0xE0]  }
0xbe: {  	v6 =	vld [tilespmem:s14+$0xFFFFFF60]  }
0xbf: {  	[tilespmem:s14+$0xFFFFFFD0] =	vst v2;
	v2 =	vld [tilespmem:s14+$0xFFFFFFE0];
	v0 =	vmul.f32 v1, v0  }
0xc0: {  	v1 =	vmul.f32 v5, v7;
	v5 =	vld [tilespmem:s12+$0xFFFFFFE0]  }
0xc1: {  	[tilespmem:s14+$0x50] =	vst v0;
	v7 =	vld [tilespmem:s14+$0x60]  }
0xc2: {  	[tilespmem:s14+$0xFFFFFF50] =	vst v1;
	v8 =	vld [tilespmem:s12+$0x60];
	v0 =	vmul.f32 v4, v3  }
0xc3: {  	v3 =	vld [tilespmem:s12+$0xFFFFFF60]  }
0xc4: {  	[tilespmem:s14+$0xE0] =	vst v0;
	v9 =	vld [tilespmem:s14+$0xF0]  }
0xc5: {  	v1 =	vmul.f32 v5, v2;
	v5 =	vld [tilespmem:s12+$0xF0]  }
0xc6: {  	v0 =	vld [tilespmem:s14+$0xFFFFFF70]  }
.Ltmp0:
0xc7: {  	[tilespmem:s14+$0xFFFFFFE0] =	vst v1;
	v1 =	vld [tilespmem:s14+$0xFFFFFFF0];
	v2 =	vmul.f32 v8, v7;
	(pc) =	sbr.rel @p1 .LBB2_3-.Ltmp0, $4  }
0xc8: {  	v4 =	vmul.f32 v3, v6;
	v3 =	vld [tilespmem:s12+$0xFFFFFFF0]  }
0xc9: {  	[tilespmem:s14+$0x60] =	vst v2;
	v2 =	vld [tilespmem:s14+$0x70]  }
0xca: {  	[tilespmem:s14+$0xFFFFFF60] =	vst v4;
	v4 =	vld [tilespmem:s12+$0x70];
	v6 =	vmul.f32 v5, v9  }
0xcb: {  	s14 =	sadd.s32 $0x200, s14;
	v5 =	vld [tilespmem:s12+$0xFFFFFF70]  }
0xcc: {  	_ =	sdelay $0x1  }
0xcd: {  	v1 =	vmul.f32 v3, v1  }
0xce: {  	[tilespmem:s11+$0xF0] =	vst v6;
	v2 =	vmul.f32 v4, v2  }
0xcf: {  	s12 =	sshll.u32 s21, $0x8;
	[tilespmem:s11+$0xFFFFFFF0] =	vst v1;
	v0 =	vmul.f32 v5, v0  }
0xd0: {  	s12 =	sand.u32 $0x100, s12;
	[tilespmem:s11+$0x70] =	vst v2  }
0xd1: {  	s14 =	sor.u32 $0x200, s12;
	[tilespmem:s11+$0xFFFFFF70] =	vst v0  }
0xd2: {  	[spmem:s1] =	stream.indirect.scatter.add.f32 [tilespmem:s26], [sflag:$0x6], $0x80, s14, s25, $0xb8;
	[tilespmem:$0x1E400] =	vst v63  }
0xd3: {  	_ =	swait.ge [sflag:s19], $0x2800  }
0xd4: {  	[sflag:s19] =	ssyncset.done $0x0  }
0xd5: {  	s11 =	simm.s32 @!p0 $0x1;
	[sflag:s19] =	ssyncadd.s32 $0xFFFFD800  }
0xd6: {  	_ =	swait.ge @!p0 [sflag:s11], $0x50  }
0xd7: {  	[sflag:s11] =	ssyncset.done @!p0 $0x0  }
0xd8: {  	[sflag:s11] =	ssyncadd.s32 @!p0 $0xFFFFFFB0  }
0xd9: {  	_ =	swait.ge @!p0 [sflag:s11], $0x50  }
0xda: {  	[sflag:s11] =	ssyncset.done @!p0 $0x0  }
0xdb: {  	[sflag:s11] =	ssyncadd.s32 @!p0 $0xFFFFFFB0  }
0xdc: {  	_ =	swait.ge @!p0 [sflag:s11], $0x50  }
0xdd: {  	[sflag:s11] =	ssyncset.done @!p0 $0x0  }
0xde: {  	s8 =	smul.u32 @!p0 $0x500, s8;
	[sflag:s11] =	ssyncadd.s32 @!p0 $0xFFFFFFB0  }
0xdf: {  	_ =	swait.ge @!p0 [sflag:s11], $0x50  }
0xe0: {  	s8 =	sadd.s32 @!p0 s5, s8;
	[sflag:s11] =	ssyncset.done @!p0 $0x0  }
0xe1: {  	s12 =	simm.s32 @!p0 $0x5400;
	[sflag:s11] =	ssyncadd.s32 @!p0 $0xFFFFFFB0;
	s11 =	simm.s32 @!p0 $0x0  }
0xe2: {  	[tilespmem:s12], [sflag:$0x4] =	stream.linear.gather @!p0 [hbm4b:s8+s11], $0x2800, $0x38;
	[tilespmem:$0x1E400] =	vst v63  }
0xe3: {  	s8 =	simm.s32 @!p0 $0x50;
	s11 =	simm.s32 @!p0 $0x400  }
0xe4: {  	[tilespmem:s11], [sflag:$0x2] =	stream.indirect.gather @!p0 [hbm4b:s4+s8], $0x80, s24, s8, $0xb8;
	[tilespmem:$0x1E400] =	vst v63  }
0xe5: {  	_ =	swait.ge [sflag:s0], $0x2800  }
0xe6: {  	[sflag:s0] =	ssyncset.done $0x0  }
0xe7: {  	[sflag:s0] =	ssyncadd.s32 $0xFFFFD800  }
0xe8: {  	_ =	swait.ge [sflag:s2], $0x2800  }
0xe9: {  	[sflag:s2] =	ssyncset.done $0x0  }
0xea: {  	s8 =	simm.s32 $0x2D00;
	[sflag:s2] =	ssyncadd.s32 $0xFFFFD800  }
0xeb: {  	s11 =	simm.s32 $0x7D00;
	v0 =	vld [tilespmem:s8+$0x80]  }
0xec: {  	v1 =	vld [tilespmem:s11+$0x80]  }
0xed: {  	v2 =	vld [tilespmem:s8+$0xFFFFFF80]  }
0xee: {  	v3 =	vld [tilespmem:s11+$0xFFFFFF80]  }
0xef: {  	v4 =	vld [tilespmem:s8+$0x0]  }
0xf0: {  	v5 =	vld [tilespmem:s11+$0x0]  }
0xf1: {  	v6 =	vld [tilespmem:s8+$0xFFFFFF00];
	v0 =	vmul.f32 v1, v0  }
0xf2: {  	v1 =	vld [tilespmem:s11+$0xFFFFFF00]  }
0xf3: {  	[tilespmem:s8+$0x80] =	vst v0;
	v0 =	vld [tilespmem:s8+$0x90]  }
0xf4: {  	v2 =	vmul.f32 v3, v2;
	v3 =	vld [tilespmem:s11+$0x90]  }
0xf5: {  	v7 =	vld [tilespmem:s8+$0xFFFFFF10]  }
0xf6: {  	[tilespmem:s8+$0xFFFFFF80] =	vst v2;
	v2 =	vmul.f32 v5, v4;
	v4 =	vld [tilespmem:s8+$0xFFFFFF90]  }
0xf7: {  	v5 =	vld [tilespmem:s11+$0xFFFFFF90];
	v1 =	vmul.f32 v1, v6  }
0xf8: {  	[tilespmem:s8+$0x0] =	vst v2;
	v2 =	vld [tilespmem:s8+$0x10]  }
0xf9: {  	v6 =	vld [tilespmem:s11+$0x10];
	[tilespmem:s8+$0xFFFFFF00] =	vst v1;
	v0 =	vmul.f32 v3, v0  }
0xfa: {  	v1 =	vld [tilespmem:s11+$0xFFFFFF10]  }
0xfb: {  	[tilespmem:s8+$0x90] =	vst v0;
	v0 =	vld [tilespmem:s8+$0xA0]  }
0xfc: {  	v3 =	vmul.f32 v5, v4;
	v4 =	vld [tilespmem:s11+$0xA0]  }
0xfd: {  	v5 =	vld [tilespmem:s8+$0xFFFFFF20]  }
0xfe: {  	[tilespmem:s8+$0xFFFFFF90] =	vst v3;
	v2 =	vmul.f32 v6, v2;
	v3 =	vld [tilespmem:s8+$0xFFFFFFA0]  }
0xff: {  	v6 =	vld [tilespmem:s11+$0xFFFFFFA0];
	v1 =	vmul.f32 v1, v7  }
0x100: {  	[tilespmem:s8+$0x10] =	vst v2;
	v2 =	vld [tilespmem:s8+$0x20]  }
0x101: {  	v7 =	vld [tilespmem:s11+$0x20];
	[tilespmem:s8+$0xFFFFFF10] =	vst v1;
	v0 =	vmul.f32 v4, v0  }
0x102: {  	v1 =	vld [tilespmem:s11+$0xFFFFFF20]  }
0x103: {  	[tilespmem:s8+$0xA0] =	vst v0;
	v0 =	vld [tilespmem:s8+$0xB0]  }
0x104: {  	v3 =	vmul.f32 v6, v3;
	v4 =	vld [tilespmem:s11+$0xB0]  }
0x105: {  	v6 =	vld [tilespmem:s8+$0xFFFFFF30]  }
0x106: {  	[tilespmem:s8+$0xFFFFFFA0] =	vst v3;
	v2 =	vmul.f32 v7, v2;
	v3 =	vld [tilespmem:s8+$0xFFFFFFB0]  }
0x107: {  	v7 =	vld [tilespmem:s11+$0xFFFFFFB0];
	v1 =	vmul.f32 v1, v5  }
0x108: {  	[tilespmem:s8+$0x20] =	vst v2;
	v2 =	vld [tilespmem:s8+$0x30]  }
0x109: {  	v5 =	vld [tilespmem:s11+$0x30];
	[tilespmem:s8+$0xFFFFFF20] =	vst v1;
	v0 =	vmul.f32 v4, v0  }
0x10a: {  	v1 =	vld [tilespmem:s11+$0xFFFFFF30]  }
0x10b: {  	[tilespmem:s8+$0xB0] =	vst v0;
	v0 =	vld [tilespmem:s8+$0xC0]  }
0x10c: {  	v3 =	vmul.f32 v7, v3;
	v4 =	vld [tilespmem:s11+$0xC0]  }
0x10d: {  	v7 =	vld [tilespmem:s8+$0xFFFFFF40]  }
0x10e: {  	[tilespmem:s8+$0xFFFFFFB0] =	vst v3;
	v2 =	vmul.f32 v5, v2;
	v3 =	vld [tilespmem:s8+$0xFFFFFFC0]  }
0x10f: {  	v5 =	vld [tilespmem:s11+$0xFFFFFFC0];
	v1 =	vmul.f32 v1, v6  }
0x110: {  	[tilespmem:s8+$0x30] =	vst v2;
	v2 =	vld [tilespmem:s8+$0x40]  }
0x111: {  	v6 =	vld [tilespmem:s11+$0x40];
	[tilespmem:s8+$0xFFFFFF30] =	vst v1;
	v0 =	vmul.f32 v4, v0  }
0x112: {  	v1 =	vld [tilespmem:s11+$0xFFFFFF40]  }
0x113: {  	[tilespmem:s8+$0xC0] =	vst v0;
	v0 =	vld [tilespmem:s8+$0xD0]  }
0x114: {  	v3 =	vmul.f32 v5, v3;
	v4 =	vld [tilespmem:s11+$0xD0]  }
0x115: {  	v5 =	vld [tilespmem:s8+$0xFFFFFF50]  }
0x116: {  	[tilespmem:s8+$0xFFFFFFC0] =	vst v3;
	v2 =	vmul.f32 v6, v2;
	v3 =	vld [tilespmem:s8+$0xFFFFFFD0]  }
0x117: {  	v6 =	vld [tilespmem:s11+$0xFFFFFFD0];
	v1 =	vmul.f32 v1, v7  }
0x118: {  	[tilespmem:s8+$0x40] =	vst v2;
	v2 =	vld [tilespmem:s8+$0x50]  }
0x119: {  	v7 =	vld [tilespmem:s11+$0x50];
	[tilespmem:s8+$0xFFFFFF40] =	vst v1;
	v0 =	vmul.f32 v4, v0  }
0x11a: {  	v1 =	vld [tilespmem:s11+$0xFFFFFF50]  }
0x11b: {  	[tilespmem:s8+$0xD0] =	vst v0;
	v0 =	vld [tilespmem:s8+$0xE0]  }
0x11c: {  	v3 =	vmul.f32 v6, v3;
	v4 =	vld [tilespmem:s11+$0xE0]  }
0x11d: {  	v6 =	vld [tilespmem:s8+$0xFFFFFF60]  }
0x11e: {  	[tilespmem:s8+$0xFFFFFFD0] =	vst v3;
	v2 =	vmul.f32 v7, v2;
	v3 =	vld [tilespmem:s8+$0xFFFFFFE0]  }
0x11f: {  	v7 =	vld [tilespmem:s11+$0xFFFFFFE0];
	v1 =	vmul.f32 v1, v5  }
0x120: {  	[tilespmem:s8+$0x50] =	vst v2;
	v2 =	vld [tilespmem:s8+$0x60]  }
0x121: {  	v5 =	vld [tilespmem:s11+$0x60];
	[tilespmem:s8+$0xFFFFFF50] =	vst v1;
	v0 =	vmul.f32 v4, v0  }
0x122: {  	v4 =	vld [tilespmem:s11+$0xFFFFFF60]  }
0x123: {  	v8 =	vld [tilespmem:s8+$0xF0];
	[tilespmem:s8+$0xE0] =	vst v0  }
0x124: {  	v1 =	vmul.f32 v7, v3;
	v7 =	vld [tilespmem:s11+$0xF0]  }
0x125: {  	v0 =	vld [tilespmem:s8+$0xFFFFFF70]  }
0x126: {  	[tilespmem:s8+$0xFFFFFFE0] =	vst v1;
	v2 =	vmul.f32 v5, v2;
	v1 =	vld [tilespmem:s8+$0xFFFFFFF0]  }
0x127: {  	v3 =	vld [tilespmem:s11+$0xFFFFFFF0];
	v4 =	vmul.f32 v4, v6  }
0x128: {  	[tilespmem:s8+$0x60] =	vst v2;
	v2 =	vld [tilespmem:s8+$0x70]  }
0x129: {  	[tilespmem:s8+$0xFFFFFF60] =	vst v4;
	v4 =	vld [tilespmem:s11+$0x70];
	v6 =	vmul.f32 v7, v8  }
0x12a: {  	s13 =	simm.s32 $0x2F00;
	s12 =	simm.s32 $0x0;
	v5 =	vld [tilespmem:s11+$0xFFFFFF70]  }
.LBB2_5:
0x12b: {  	v7 =	vld [tilespmem:s13+$0x80];
	[tilespmem:s8+$0xF0] =	vst v6;
	s11 =	sadd.s32 $0x200, s11  }
0x12c: {  	s12 =	sadd.s32 $0x4, s12;
	v6 =	vld [tilespmem:s11+$0x80];
	v1 =	vmul.f32 v3, v1  }
0x12d: {  	p0 =	slt.u32 s12, $0x4C;
	v3 =	vld [tilespmem:s11+$0xFFFFFF00]  }
0x12e: {  	v8 =	vld [tilespmem:s13+$0xFFFFFF80];
	[tilespmem:s8+$0xFFFFFFF0] =	vst v1;
	v1 =	vmul.f32 v4, v2  }
0x12f: {  	v2 =	vld [tilespmem:s11+$0xFFFFFF80];
	v0 =	vmul.f32 v5, v0  }
0x130: {  	v4 =	vld [tilespmem:s13+$0x0];
	[tilespmem:s8+$0x70] =	vst v1  }
0x131: {  	v1 =	vld [tilespmem:s11+$0x0];
	v5 =	vmul.f32 v6, v7;
	[tilespmem:s8+$0xFFFFFF70] =	vst v0;
	s8 =	smov.u32 s13  }
0x132: {  	v0 =	vld [tilespmem:s13+$0xFFFFFF00]  }
0x133: {  	[tilespmem:s13+$0x80] =	vst v5;
	v5 =	vld [tilespmem:s13+$0x90]  }
0x134: {  	v2 =	vmul.f32 v2, v8;
	v6 =	vld [tilespmem:s11+$0x90]  }
0x135: {  	v7 =	vld [tilespmem:s13+$0xFFFFFF10]  }
0x136: {  	[tilespmem:s13+$0xFFFFFF80] =	vst v2;
	v2 =	vld [tilespmem:s13+$0xFFFFFF90];
	v1 =	vmul.f32 v1, v4  }
0x137: {  	v0 =	vmul.f32 v3, v0;
	v3 =	vld [tilespmem:s11+$0xFFFFFF90]  }
0x138: {  	[tilespmem:s13+$0x0] =	vst v1;
	v1 =	vld [tilespmem:s13+$0x10]  }
0x139: {  	[tilespmem:s13+$0xFFFFFF00] =	vst v0;
	v0 =	vld [tilespmem:s11+$0x10];
	v4 =	vmul.f32 v6, v5  }
0x13a: {  	v5 =	vld [tilespmem:s11+$0xFFFFFF10]  }
0x13b: {  	[tilespmem:s13+$0x90] =	vst v4;
	v4 =	vld [tilespmem:s13+$0xA0]  }
0x13c: {  	v2 =	vmul.f32 v3, v2;
	v3 =	vld [tilespmem:s11+$0xA0]  }
0x13d: {  	v6 =	vld [tilespmem:s13+$0xFFFFFF20]  }
0x13e: {  	[tilespmem:s13+$0xFFFFFF90] =	vst v2;
	v2 =	vld [tilespmem:s13+$0xFFFFFFA0];
	v0 =	vmul.f32 v0, v1  }
0x13f: {  	v1 =	vmul.f32 v5, v7;
	v5 =	vld [tilespmem:s11+$0xFFFFFFA0]  }
0x140: {  	[tilespmem:s13+$0x10] =	vst v0;
	v0 =	vld [tilespmem:s13+$0x20]  }
0x141: {  	[tilespmem:s13+$0xFFFFFF10] =	vst v1;
	v1 =	vld [tilespmem:s11+$0x20];
	v3 =	vmul.f32 v3, v4  }
0x142: {  	v4 =	vld [tilespmem:s11+$0xFFFFFF20]  }
0x143: {  	[tilespmem:s13+$0xA0] =	vst v3;
	v3 =	vld [tilespmem:s13+$0xB0]  }
0x144: {  	v2 =	vmul.f32 v5, v2;
	v5 =	vld [tilespmem:s11+$0xB0]  }
0x145: {  	v7 =	vld [tilespmem:s13+$0xFFFFFF30]  }
0x146: {  	[tilespmem:s13+$0xFFFFFFA0] =	vst v2;
	v2 =	vld [tilespmem:s13+$0xFFFFFFB0];
	v0 =	vmul.f32 v1, v0  }
0x147: {  	v1 =	vmul.f32 v4, v6;
	v4 =	vld [tilespmem:s11+$0xFFFFFFB0]  }
0x148: {  	[tilespmem:s13+$0x20] =	vst v0;
	v0 =	vld [tilespmem:s13+$0x30]  }
0x149: {  	[tilespmem:s13+$0xFFFFFF20] =	vst v1;
	v1 =	vld [tilespmem:s11+$0x30];
	v3 =	vmul.f32 v5, v3  }
0x14a: {  	v5 =	vld [tilespmem:s11+$0xFFFFFF30]  }
0x14b: {  	[tilespmem:s13+$0xB0] =	vst v3;
	v3 =	vld [tilespmem:s13+$0xC0]  }
0x14c: {  	v2 =	vmul.f32 v4, v2;
	v4 =	vld [tilespmem:s11+$0xC0]  }
0x14d: {  	v6 =	vld [tilespmem:s13+$0xFFFFFF40]  }
0x14e: {  	[tilespmem:s13+$0xFFFFFFB0] =	vst v2;
	v2 =	vld [tilespmem:s13+$0xFFFFFFC0];
	v0 =	vmul.f32 v1, v0  }
0x14f: {  	v1 =	vmul.f32 v5, v7;
	v5 =	vld [tilespmem:s11+$0xFFFFFFC0]  }
0x150: {  	[tilespmem:s13+$0x30] =	vst v0;
	v0 =	vld [tilespmem:s13+$0x40]  }
0x151: {  	[tilespmem:s13+$0xFFFFFF30] =	vst v1;
	v1 =	vld [tilespmem:s11+$0x40];
	v3 =	vmul.f32 v4, v3  }
0x152: {  	v4 =	vld [tilespmem:s11+$0xFFFFFF40]  }
0x153: {  	[tilespmem:s13+$0xC0] =	vst v3;
	v3 =	vld [tilespmem:s13+$0xD0]  }
0x154: {  	v2 =	vmul.f32 v5, v2;
	v5 =	vld [tilespmem:s11+$0xD0]  }
0x155: {  	v7 =	vld [tilespmem:s13+$0xFFFFFF50]  }
0x156: {  	[tilespmem:s13+$0xFFFFFFC0] =	vst v2;
	v2 =	vld [tilespmem:s13+$0xFFFFFFD0];
	v0 =	vmul.f32 v1, v0  }
0x157: {  	v1 =	vmul.f32 v4, v6;
	v4 =	vld [tilespmem:s11+$0xFFFFFFD0]  }
0x158: {  	[tilespmem:s13+$0x40] =	vst v0;
	v0 =	vld [tilespmem:s13+$0x50]  }
0x159: {  	[tilespmem:s13+$0xFFFFFF40] =	vst v1;
	v1 =	vld [tilespmem:s11+$0x50];
	v3 =	vmul.f32 v5, v3  }
0x15a: {  	v5 =	vld [tilespmem:s11+$0xFFFFFF50]  }
0x15b: {  	[tilespmem:s13+$0xD0] =	vst v3;
	v3 =	vld [tilespmem:s13+$0xE0]  }
0x15c: {  	v2 =	vmul.f32 v4, v2;
	v4 =	vld [tilespmem:s11+$0xE0]  }
0x15d: {  	v6 =	vld [tilespmem:s13+$0xFFFFFF60]  }
0x15e: {  	[tilespmem:s13+$0xFFFFFFD0] =	vst v2;
	v2 =	vld [tilespmem:s13+$0xFFFFFFE0];
	v0 =	vmul.f32 v1, v0  }
0x15f: {  	v1 =	vmul.f32 v5, v7;
	v5 =	vld [tilespmem:s11+$0xFFFFFFE0]  }
0x160: {  	[tilespmem:s13+$0x50] =	vst v0;
	v7 =	vld [tilespmem:s13+$0x60]  }
0x161: {  	[tilespmem:s13+$0xFFFFFF50] =	vst v1;
	v8 =	vld [tilespmem:s11+$0x60];
	v0 =	vmul.f32 v4, v3  }
0x162: {  	v3 =	vld [tilespmem:s11+$0xFFFFFF60]  }
0x163: {  	[tilespmem:s13+$0xE0] =	vst v0;
	v9 =	vld [tilespmem:s13+$0xF0]  }
0x164: {  	v1 =	vmul.f32 v5, v2;
	v5 =	vld [tilespmem:s11+$0xF0]  }
0x165: {  	v0 =	vld [tilespmem:s13+$0xFFFFFF70]  }
.Ltmp1:
0x166: {  	[tilespmem:s13+$0xFFFFFFE0] =	vst v1;
	v1 =	vld [tilespmem:s13+$0xFFFFFFF0];
	v2 =	vmul.f32 v8, v7;
	(pc) =	sbr.rel @p0 .LBB2_5-.Ltmp1, $4  }
0x167: {  	v4 =	vmul.f32 v3, v6;
	v3 =	vld [tilespmem:s11+$0xFFFFFFF0]  }
0x168: {  	[tilespmem:s13+$0x60] =	vst v2;
	v2 =	vld [tilespmem:s13+$0x70]  }
0x169: {  	[tilespmem:s13+$0xFFFFFF60] =	vst v4;
	v4 =	vld [tilespmem:s11+$0x70];
	v6 =	vmul.f32 v5, v9  }
0x16a: {  	s13 =	sadd.s32 $0x200, s13;
	v5 =	vld [tilespmem:s11+$0xFFFFFF70]  }
0x16b: {  	_ =	sdelay $0x1  }
0x16c: {  	v1 =	vmul.f32 v3, v1  }
0x16d: {  	[tilespmem:s8+$0xF0] =	vst v6;
	v2 =	vmul.f32 v4, v2  }
0x16e: {  	s21 =	sadd.s32 $0x1, s21;
	[tilespmem:s8+$0xFFFFFFF0] =	vst v1;
	v0 =	vmul.f32 v5, v0  }
0x16f: {  	p0 =	sne.s32 s21, $0x40;
	[tilespmem:s8+$0x70] =	vst v2  }
.Ltmp2:
0x170: {  	s24 =	sor.u32 $0x200, s22;
	[tilespmem:s8+$0xFFFFFF70] =	vst v0;
	(pc) =	sbr.rel @p0 .LBB2_2-.Ltmp2, $4  }
0x171: {  	[spmem:s1] =	stream.indirect.scatter.add.f32 [tilespmem:s29], [sflag:$0x6], $0x80, s24, s25, $0xb8;
	[tilespmem:$0x1E400] =	vst v63  }
0x172: {  	_ =	swait.ge [sflag:s19], $0x2800  }
0x173: {  	[sflag:s19] =	ssyncset.done $0x0  }
0x174: {  	[sflag:s19] =	ssyncadd.s32 $0xFFFFD800  }
0x175: {  	s20 =	sadd.s32 $0x1, s20  }
0x176: {  	p0 =	sne.s32 s20, s17  }
.Ltmp3:
0x177: {  	[bflag:$0x0] =	sbarrier.arrive $0xFFFF;
	(pc) =	sbr.rel @p0 .LBB2_1-.Ltmp3, $4  }
0x178: {  	[hbm:s16], [sflag:s10] =	dma.local [spmem:s18], $0x2800  }
0x179: {  	_ =	swait.ge [sflag:s19], $0x2800  }
0x17a: {  	[sflag:s19] =	ssyncset.done $0x0  }
0x17b: {  	[sflag:s19] =	ssyncadd.s32 $0xFFFFD800  }
0x17c: {  	_ =	sfence.sel $0x180000  }
0x17d: {  	[bflag:$0x0] =	sbarrier.arrive $0xFFFF  }
0x17e: {  	_ =	strace $0x9000004A  }
0x17f: {  	s0 =	stileid.u32;
	[bflag:$0x2] =	sbarrier.arrive $0xFFFF  }
0x180: {  	p0 =	sne.s32 s0, $0x0;
	s0 =	rddreg [dreg:$0x2]  }
0x181: {  	s0 =	sadd.s32 @!p0 $0x100000, s0  }
0x182: {  	[sflag:s0] =	ssyncadd.tile.s32 @!p0 $0x1;
	_ =	shalt  }
.Lfunc_end2:
_tile_overlayer_lowered:
.L_overlay_start_2:
0x183: {  	(tag) =	ssettag $0x2  }
0x184: {  	s0 =	rddreg [dreg:$0x0];
	s2 =	stileid.u32  }
0x185: {  	s1 =	rddreg [dreg:$0x1];
	p0 =	sne.s32 s2, $0x0  }
0x186: {  	s3 =	rddreg [dreg:$0x2];
	[bflag:$0x3] =	sbarrier.arrive $0xFFFF;
	s2 =	simm.s32 @!p0 $0x1C06  }
0x187: {  	[timem:s3], [sflag:s2] =	dma.local @!p0 [hbm:s0], s1  }
0x188: {  	s0 =	simm.s32 @!p0 $0x6  }
0x189: {  	_ =	swait.ge @!p0 [sflag:s0], s1  }
0x18a: {  	s1 =	ssub.s32 @!p0 $0x0, s1;
	[sflag:s0] =	ssyncset.done @!p0 $0x0  }
0x18b: {  	[sflag:s0] =	ssyncadd.s32 @!p0 s1  }
0x18c: {  	[bflag:$0x3] =	sbarrier.arrive $0xFFFF  }
0x18d: {  	_ =	shalt  }

// kernel: kernel.22.cloned.1.call-start
scs
__scs_entry_jumppad:
0x0: {  	(pc) =	sbr.rel $0x88, $3  }
0x1: {  	(tag) =	ssettag $0x0;
	lr =	simm.s32 $0x1  }
0x2: {  	[smem:$0x3F90] =	sst lr;
	_ =	strace $0xD0000000  }
0x3: {  	_ = 	snop  }
0x4: {  	_ = 	snop  }
0x5: {  	_ = 	snop  }
0x6: {  	_ = 	snop  }
0x7: {  	_ = 	snop  }
__scs_overlays_trampoline_lowered:
0x8: {  	[smem:$0x3F9F] =	sst s0  }
0x9: {  	[smem:$0x3FA0] =	sst s1  }
0xa: {  	[smem:$0x3FA1] =	sst s2  }
0xb: {  	[smem:$0x3FA2] =	sst s3  }
0xc: {  	[smem:$0x3FA3] =	sst s4  }
0xd: {  	[smem:$0x3FA4] =	sst s5  }
0xe: {  	[smem:$0x3FA5] =	sst s6  }
0xf: {  	[smem:$0x3FA6] =	sst s7  }
0x10: {  	[smem:$0x3FA7] =	sst s8  }
0x11: {  	[smem:$0x3FA8] =	sst s9;
	s0 =	simm.s32 @!p0 $0x0  }
0x12: {  	s1 =	sld [smem:$0x3F8E];
	s0 =	simm.s32 @p0 $0x1  }
0x13: {  	[smem:$0x3FA9] =	sst s0;
	s0 =	simm.s32 @!p1 $0x0  }
0x14: {  	s2 =	sld [smem:$0x3F8D];
	s0 =	simm.s32 @p1 $0x1  }
0x15: {  	[smem:$0x3FAA] =	sst s0;
	s0 =	simm.s32 @!p2 $0x0  }
0x16: {  	s3 =	sld [smem:$0x3FDB];
	s0 =	simm.s32 @p2 $0x1  }
0x17: {  	s4 =	simm.s32 $0x1BF5;
	[smem:$0x3FAC] =	sst s0  }
0x18: {  	s0 =	sld [smem:$0x3F8F];
	_ =	swait.ge [sflag:s4], $0x0  }
0x19: {  	s7 =	sld [smem:$0x3F90]  }
0x1a: {  	s8 =	sadd.s32 $0xFFFFE003, lr  }
0x1b: {  	s9 =	sadd.s32 $0xFFFFFEF7, lr;
	s5 =	simm.s32 $0xFFFFFFFF;
	p2 =	slt.u32 s8, $0xFFFFF086  }
0x1c: {  	p1 =	slt.u32 s9, $0xF7A;
	s5 =	simm.s32 @!p2 $0x0  }
0x1d: {  	s5 =	simm.s32 @p1 $0x1;
	p0 =	seq.s32 s7, s2  }
0x1e: {  	s7 =	smul.u32 @!p0 $0xF7A, s2;
	p2 =	seq.s32 @!p0 s5, $0x0  }
0x1f: {  	s9 =	smul.u32 $0xF7A, s1;
	s8 =	simm.s32 @!p0 $0x1BF5;
	p2 =	por !p2, p0  }
0x20: {  	[sflag:s8] =	ssyncset.s32 @!p0 $0xFFFFF086;
	s6 =	sadd.s32 @!p0 s3, s7;
	s7 =	simm.s32 @!p0 $0x108  }
0x21: {  	s3 =	sadd.s32 s3, s9;
	s6 =	sadd.s32 @!p0 $0x88, s6;
	s7 =	simm.s32 @p2 $0x1082  }
0x22: {  	[simem:s7], [sflag:s8] =	dma.local @!p0 [hbm:s6], $0xF7A  }
0x23: {  	s9 =	sor.u32 $0xD0000000, s2;
	s6 =	simm.s32 $0x108;
	_ =	swait.ge @!p0 [sflag:s8], $0x0  }
0x24: {  	s3 =	sadd.s32 $0x88, s3;
	s6 =	simm.s32 @!p1 $0x1082;
	[sflag:s4] =	ssyncset.s32 $0xFFFFF086  }
0x25: {  	[simem:s6], [sflag:s4] =	dma.local [hbm:s3], $0xF7A  }
0x26: {  	[smem:$0x3F90] =	sst s1;
	(tag) =	ssettag s2;
	_ =	strace s9  }
0x27: {  	s1 =	sld [smem:$0x3FA0]  }
0x28: {  	s2 =	sld [smem:$0x3FA1]  }
0x29: {  	s4 =	sld [smem:$0x3FA3]  }
0x2a: {  	p0 =	seq.s32 s5, $0x0;
	s5 =	sld [smem:$0x3FA4]  }
0x2b: {  	s6 =	sld [smem:$0x3FA5]  }
0x2c: {  	s7 =	sld [smem:$0x3FA6]  }
0x2d: {  	s3 =	simm.s32 $0x108;
	s8 =	sld [smem:$0x3FA7]  }
0x2e: {  	s3 =	simm.s32 @!p0 $0x1082;
	s9 =	sld [smem:$0x3FA8]  }
0x2f: {  	lr =	sadd.s32 s0, s3;
	s0 =	sld [smem:$0x3F9F]  }
0x30: {  	s3 =	sld [smem:$0x3FA2]  }
0x31: {  	[smem:$0x3FAB] =	sst s10  }
0x32: {  	s10 =	sld [smem:$0x3FA9];
	_ =	sdelay $0x3  }
0x33: {  	p0 =	seq.s32 s10, $0x1;
	s10 =	sld [smem:$0x3FAB];
	_ =	sdelay $0x3  }
0x34: {  	[smem:$0x3FAB] =	sst s10  }
0x35: {  	s10 =	sld [smem:$0x3FAA];
	_ =	sdelay $0x3  }
0x36: {  	p1 =	seq.s32 s10, $0x1;
	s10 =	sld [smem:$0x3FAB];
	_ =	sdelay $0x3  }
0x37: {  	[smem:$0x3FAB] =	sst s10  }
0x38: {  	s10 =	sld [smem:$0x3FAC]  }
0x39: {  	_ = 	snop;
	(pc) =	sbr.ind lr, $3  }
0x3a: {  	_ = 	snop  }
0x3b: {  	_ = 	snop  }
0x3c: {  	p2 =	seq.s32 s10, $0x1;
	s10 =	sld [smem:$0x3FAB]  }
0x3d: {  	_ =	shalt  }
0x3e: {  	_ =	shalt  }
0x3f: {  	_ =	shalt  }
0x40: {  	_ =	shalt  }
0x41: {  	_ =	shalt  }
0x42: {  	_ =	shalt  }
0x43: {  	_ =	shalt  }
0x44: {  	_ =	shalt  }
0x45: {  	_ =	shalt  }
0x46: {  	_ =	shalt  }
0x47: {  	_ =	shalt  }
0x48: {  	_ =	shalt  }
0x49: {  	_ =	shalt  }
0x4a: {  	_ =	shalt  }
0x4b: {  	_ =	shalt  }
0x4c: {  	_ =	shalt  }
0x4d: {  	_ =	shalt  }
0x4e: {  	_ =	shalt  }
0x4f: {  	_ =	shalt  }
0x50: {  	_ =	shalt  }
0x51: {  	_ =	shalt  }
0x52: {  	_ =	shalt  }
0x53: {  	_ =	shalt  }
0x54: {  	_ =	shalt  }
0x55: {  	_ =	shalt  }
0x56: {  	_ =	shalt  }
0x57: {  	_ =	shalt  }
0x58: {  	_ =	shalt  }
0x59: {  	_ =	shalt  }
0x5a: {  	_ =	shalt  }
0x5b: {  	_ =	shalt  }
0x5c: {  	_ =	shalt  }
0x5d: {  	_ =	shalt  }
0x5e: {  	_ =	shalt  }
0x5f: {  	_ =	shalt  }
0x60: {  	_ =	shalt  }
0x61: {  	_ =	shalt  }
0x62: {  	_ =	shalt  }
0x63: {  	_ =	shalt  }
0x64: {  	_ =	shalt  }
0x65: {  	_ =	shalt  }
0x66: {  	_ =	shalt  }
0x67: {  	_ =	shalt  }
0x68: {  	_ =	shalt  }
0x69: {  	_ =	shalt  }
0x6a: {  	_ =	shalt  }
0x6b: {  	_ =	shalt  }
0x6c: {  	_ =	shalt  }
0x6d: {  	_ =	shalt  }
0x6e: {  	_ =	shalt  }
0x6f: {  	_ =	shalt  }
0x70: {  	_ =	shalt  }
0x71: {  	_ =	shalt  }
0x72: {  	_ =	shalt  }
0x73: {  	_ =	shalt  }
0x74: {  	_ =	shalt  }
0x75: {  	_ =	shalt  }
0x76: {  	_ =	shalt  }
0x77: {  	_ =	shalt  }
0x78: {  	_ =	shalt  }
0x79: {  	_ =	shalt  }
0x7a: {  	_ =	shalt  }
0x7b: {  	_ =	shalt  }
0x7c: {  	_ =	shalt  }
0x7d: {  	_ =	shalt  }
0x7e: {  	_ =	shalt  }
0x7f: {  	_ =	shalt  }
0x80: {  	_ =	shalt  }
0x81: {  	_ =	shalt  }
0x82: {  	_ =	shalt  }
0x83: {  	_ =	shalt  }
0x84: {  	_ =	shalt  }
0x85: {  	_ =	shalt  }
0x86: {  	_ =	shalt  }
0x87: {  	_ =	shalt  }
.Lfunc_end0:
.L_simem_size_0:
called_computation.2_lowered:
.L_overlay_start_0:
0x88: {  	s2 =	sld [smem:$0x3FD9]  }
0x89: {  	s3 =	sld [smem:$0x3FFE];
	_ =	sdelay $0x1  }
0x8a: {  	s1 =	srdreg.scid  }
0x8b: {  	s0 =	sand.u32 $0x1, s1  }
0x8c: {  	s16 =	sshll.u32 s0, $0xA;
	s2 =	sadd.s32 s3, s2  }
0x8d: {  	s2 =	sadd.s32 s2, s16  }
0x8e: {  	[smem:$0x3FB7] =	sst s2  }
0x8f: {  	_ = 	snop  }
0x90: {  	(tm) =	ssettm $0x1  }
0x91: {  	s17 =	sld [smem:$0x3FFB];
	_ =	sdelay $0x3  }
0x92: {  	_ =	strace s17  }
0x93: {  	s2 =	sld [smem:$0x3FFC];
	_ =	sdelay $0x3  }
0x94: {  	_ =	strace s2  }
0x95: {  	s2 =	sld [smem:$0x3FFD];
	_ =	sdelay $0x3  }
0x96: {  	_ =	strace s2  }
0x97: {  	_ =	strace $0x8FFFFFFF  }
0x98: {  	s18 =	sld [smem:$0x3FDB];
	_ =	sdelay $0x1  }
0x99: {  	s19 =	simm.s32 $_scs_section_size  }
0x9a: {  	s4 =	simm.s32 $_size__tile_overlayer_lowered;
	s5 =	simm.s32 $_tile_overlayer_lowered  }
0x9b: {  	s22 =	simm.s32 $0x1BFF;
	s21 =	sshll.u32 s5, $0x1;
	s2 =	sadd.s32 s19, s18  }
0x9c: {  	s6 =	simm.s32 $0x0;
	s20 =	sshll.u32 s4, $0x1;
	s4 =	sadd.s32 s21, s2  }
0x9d: {  	[timem:s6], [sflag:s22] =	dma.local [hbm:s4], s20  }
0x9e: {  	_ =	swait.ge [sflag:s22], s20  }
0x9f: {  	s3 =	ssub.s32 $0x0, s20;
	[sflag:s22] =	ssyncset.done $0x0  }
0xa0: {  	[sflag:s22] =	ssyncadd.s32 s3;
	_ =	sdelay $0x1  }
0xa1: {  	s23 =	simm.s32 $0x1B8B  }
0xa2: {  	_ =	swait.ge [sflag:s23], $0x1  }
0xa3: {  	[sflag:s23] =	ssyncset.done $0x0  }
0xa4: {  	s25 =	simm.s32 $0x1B8E;
	s24 =	sld [smem:$0x3FFE];
	[sflag:s23] =	ssyncadd.s32 $0xFFFFFFFF  }
0xa5: {  	s26 =	simm.s32 $execute0_lowered;
	[smem:$0x3FD2] =	sst s25  }
0xa6: {  	s4 =	sshll.u32 s26, $0x1;
	_ =	strace $0x8000004C;
	[dreg:$0x1] =	wrdreg $0xFFFFFFFF  }
0xa7: {  	s28 =	simm.s32 $_size_execute0_lowered;
	s2 =	sadd.s32 s2, s4;
	[dreg:$0x0] =	wrdreg $0x0  }
0xa8: {  	s4 =	sshll.u32 s28, $0x1;
	[dreg:$0x2] =	wrdreg s2  }
0xa9: {  	[dreg:$0x3] =	wrdreg s4  }
0xaa: {  	[dreg:$0x4] =	wrdreg $0xC0  }
0xab: {  	_ =	task [dreg:s6], $0x5FFFF  }
0xac: {  	[dreg:$0x1] =	wrdreg $0xFFFFFFFF  }
0xad: {  	[dreg:$0x0] =	wrdreg $0x60  }
0xae: {  	[dreg:$0x2] =	wrdreg s24  }
0xaf: {  	[dreg:$0x3] =	wrdreg $0xA4000  }
0xb0: {  	[dreg:$0x4] =	wrdreg $0x9  }
0xb1: {  	_ =	task.clear_ibuf [dreg:s6], $0x5FFFF;
	_ =	strace $0x9000004C  }
0xb2: {  	s29 =	simm.s32 $0x9;
	_ =	strace $0x8000004E  }
0xb3: {  	_ =	swait.ge [sflag:s29], $0x1  }
0xb4: {  	[sflag:s29] =	ssyncadd.s32 $0xFFFFFFFF  }
0xb5: {  	_ =	strace $0x9000004E  }
0xb6: {  	_ =	sfence  }
0xb7: {  	s30 =	sld [smem:$0x0];
	_ =	sdelay $0x2  }
0xb8: {  	s31 =	sshll.u32 s1, $0xD;
	s1 =	sshrl.u32 s1, $0x2  }
0xb9: {  	s3 =	sand.u32 $0x4000, s31;
	s1 =	sadd.s32 s1, s30  }
0xba: {  	s0 =	sor.u32 s3, s0;
	s1 =	sshll.u32 s1, $0x11  }
0xbb: {  	s0 =	sor.u32 s1, s0  }
0xbc: {  	s0 =	sadd.s32 $0x8F2B, s0  }
0xbd: {  	[sflag:s0] =	ssyncadd.remote.s32 $0x1  }
0xbe: {  	_ =	sfence.sel $0xFFFF  }
0xbf: {  	[dreg:$0x0] =	wrdreg $0xFFFFFFFF;
	(pc) =	sbr.abs _section_cstart, $3  }
0xc0: {  	[dreg:$0x1] =	wrdreg $0xFFFFFFFF  }
0xc1: {  	_ =	task.clear_ibuf [dreg:s6], $0x2FFFF;
	_ =	strace $0x9FFFFFFF  }
0xc2: {  	(tm) =	ssettm $0x7FFFFFFF  }
0xc3: {  	_ =	shalt  }
tec
execute0_lowered:
.L_overlay_start_1:
0x0: {  	(tag) =	ssettag $0x1  }
0x1: {  	s0 =	rddreg [dreg:$0x0]  }
0x2: {  	s1 =	rddreg [dreg:$0x1];
	s3 =	simm.s32 $0x0;
	s2 =	srdreg.scid  }
0x3: {  	s12 =	stileid.u32;
	s28 =	simm.s32 $0x7C00;
	s29 =	simm.s32 $0x2C00  }
0x4: {  	s30 =	simm.s32 $0x4;
	s31 =	simm.s32 $0x2;
	[smem:$0x7FF] =	sst s3  }
0x5: {  	s2 =	sand.u32 $0x1, s2;
	s8 =	smul.u32 $0x2800, s12;
	s4 =	sadd.s32 $0x73000, s0  }
0x6: {  	s5 =	sadd.s32 $0x1012C00, s0;
	s6 =	sadd.s32 $0xB800, s0;
	s7 =	sadd.s32 $0x15800, s0  }
0x7: {  	s10 =	sadd.s32 $0x1F800, s0;
	s19 =	sshll.u32 s12, $0x1;
	s20 =	smul.u32 $0x50000, s12  }
0x8: {  	s22 =	sshll.u32 s12, $0x6;
	_ =	strace $0x8000004D;
	s9 =	smul.u32 $0x28000, s2  }
0x9: {  	[dreg:$0x3] =	wrdreg s10;
	s18 =	ssub.s32 $0x2, s2;
	s2 =	sor.u32 s2, s19  }
0xa: {  	s19 =	simm.s32 $0x6;
	s11 =	sshrl.u32 s18, $0x1;
	s10 =	sshrl.u32 s20, $0x2  }
0xb: {  	s23 =	smul.u32 $0x500, s2;
	s20 =	simm.s32 $0x0;
	s8 =	sadd.s32 s8, s9  }
0xc: {  	s21 =	ssub.s32 s18, s11;
	s9 =	sshll.u32 s2, $0x7;
	s13 =	sadd.s32 s10, s1  }
0xd: {  	s10 =	sor.u32 $0x1C06, s22;
	s2 =	smul.u32 $0x28000, s2;
	s0 =	sadd.s32 s8, s0  }
0xe: {  	s24 =	sadd.s32 s6, s23;
	s25 =	sadd.s32 s7, s23;
	s26 =	sor.u32 $0xA, s23  }
0xf: {  	s17 =	smax.u32 s21, $0x1;
	s18 =	sshrl.u32 s13, $0x3;
	[dreg:$0x4] =	wrdreg s24  }
0x10: {  	s23 =	simm.s32 $0x1;
	[dreg:$0x5] =	wrdreg s25;
	s12 =	sadd.s32 s6, s26  }
0x11: {  	s11 =	sadd.s32 s7, s26;
	s15 =	sadd.s32 s5, s2;
	s16 =	sadd.s32 $0x22000, s0  }
0x12: {  	s25 =	simm.s32 $0x50;
	s26 =	simm.s32 $0x400;
	[dreg:$0x6] =	wrdreg s12  }
0x13: {  	s0 =	simm.s32 $0x5;
	s2 =	simm.s32 $0x3;
	[dreg:$0x7] =	wrdreg s11  }
.LBB2_1:
0x14: {  	s8 =	rddreg [dreg:$0x3]  }
0x15: {  	[spmem:s18], [sflag:s10] =	dma.local [hbm:s8], $0x2800  }
0x16: {  	_ =	swait.ge [sflag:s19], $0x2800  }
0x17: {  	[sflag:s19] =	ssyncset.done $0x0  }
0x18: {  	[sflag:s19] =	ssyncadd.s32 $0xFFFFD800  }
0x19: {  	[bflag:$0x0] =	sbarrier.arrive $0xFFFF  }
0x1a: {  	s11 =	rddreg [dreg:$0x4]  }
0x1b: {  	[tilespmem:s3], [sflag:$0x1] =	stream.linear.gather [hbm4b:s11+s3], $0x50, $0x38;
	[tilespmem:$0x1E400] =	vst v63  }
0x1c: {  	s12 =	rddreg [dreg:$0x5];
	s11 =	simm.s32 $0x200  }
0x1d: {  	[tilespmem:s11], [sflag:$0x1] =	stream.linear.gather [hbm4b:s12+s3], $0x50, $0x38;
	[tilespmem:$0x1E400] =	vst v63  }
0x1e: {  	s14 =	simm.s32 $0x80;
	s13 =	rddreg [dreg:$0x6]  }
0x1f: {  	[tilespmem:s14], [sflag:$0x1] =	stream.linear.gather [hbm4b:s13+s3], $0x50, $0x38;
	[tilespmem:$0x1E400] =	vst v63  }
0x20: {  	s22 =	simm.s32 $0x280;
	s21 =	rddreg [dreg:$0x7]  }
0x21: {  	[tilespmem:s22], [sflag:$0x1] =	stream.linear.gather [hbm4b:s21+s3], $0x50, $0x38;
	[tilespmem:$0x1E400] =	vst v63  }
0x22: {  	_ =	swait.ge [sflag:s23], $0x50  }
0x23: {  	[sflag:s23] =	ssyncset.done $0x0  }
0x24: {  	[sflag:s23] =	ssyncadd.s32 $0xFFFFFFB0  }
0x25: {  	_ =	swait.ge [sflag:s23], $0x50  }
0x26: {  	[sflag:s23] =	ssyncset.done $0x0  }
0x27: {  	[sflag:s23] =	ssyncadd.s32 $0xFFFFFFB0  }
0x28: {  	_ =	swait.ge [sflag:s23], $0x50  }
0x29: {  	[sflag:s23] =	ssyncset.done $0x0  }
0x2a: {  	[sflag:s23] =	ssyncadd.s32 $0xFFFFFFB0  }
0x2b: {  	_ =	swait.ge [sflag:s23], $0x50  }
0x2c: {  	[sflag:s23] =	ssyncset.done $0x0  }
0x2d: {  	s24 =	simm.s32 $0x5400;
	[sflag:s23] =	ssyncadd.s32 $0xFFFFFFB0  }
0x2e: {  	[tilespmem:s24], [sflag:$0x4] =	stream.linear.gather [hbm4b:s15+s3], $0x2800, $0x38;
	[tilespmem:$0x1E400] =	vst v63  }
0x2f: {  	s21 =	simm.s32 $0x0  }
0x30: {  	[tilespmem:s26], [sflag:$0x2] =	stream.indirect.gather [hbm4b:s4+s25], $0x80, s3, s25, $0xb8;
	[tilespmem:$0x1E400] =	vst v63  }
.LBB2_2:
0x31: {  	s11 =	sshll.u32 s21, $0x1  }
0x32: {  	p0 =	seq.s32 s21, $0x3F;
	s12 =	sadd.s32 $0x2, s11  }
0x33: {  	s8 =	sadd.s32 @!p0 s9, s12  }
0x34: {  	s13 =	smul.u32 @!p0 $0xA, s8  }
0x35: {  	s12 =	sand.u32 $0x2, s12  }
0x36: {  	s14 =	simm.s32 @!p0 $0x0;
	s24 =	sshll.u32 @!p0 s12, $0x7;
	s12 =	sadd.s32 @!p0 s6, s13  }
0x37: {  	[tilespmem:s24], [sflag:$0x1] =	stream.linear.gather @!p0 [hbm4b:s12+s14], $0x50, $0x38;
	[tilespmem:$0x1E400] =	vst v63  }
0x38: {  	s11 =	sadd.s32 @!p0 $0x3, s11;
	s13 =	sadd.s32 @!p0 s7, s13;
	s12 =	sor.u32 @!p0 $0x200, s24  }
0x39: {  	[tilespmem:s12], [sflag:$0x1] =	stream.linear.gather @!p0 [hbm4b:s13+s14], $0x50, $0x38;
	[tilespmem:$0x1E400] =	vst v63  }
0x3a: {  	s12 =	sadd.s32 @!p0 s9, s11  }
0x3b: {  	s12 =	smul.u32 @!p0 $0xA, s12  }
0x3c: {  	s11 =	sshll.u32 @!p0 s11, $0x7  }
0x3d: {  	s13 =	sshllo.u32 s21, $0x1;
	s11 =	sand.u32 @!p0 $0x180, s11;
	s22 =	sadd.s32 @!p0 s6, s12  }
0x3e: {  	[tilespmem:s11], [sflag:$0x1] =	stream.linear.gather @!p0 [hbm4b:s22+s14], $0x50, $0x38;
	[tilespmem:$0x1E400] =	vst v63  }
0x3f: {  	s22 =	sadd.s32 s9, s13  }
0x40: {  	s12 =	sadd.s32 @!p0 s7, s12;
	s11 =	sor.u32 @!p0 $0x200, s11;
	s22 =	smul.u32 $0x500, s22  }
0x41: {  	[tilespmem:s11], [sflag:$0x1] =	stream.linear.gather @!p0 [hbm4b:s12+s14], $0x50, $0x38;
	[tilespmem:$0x1E400] =	vst v63  }
0x42: {  	s14 =	sadd.s32 s5, s22;
	s22 =	sshll.u32 s13, $0x7  }
0x43: {  	[tilespmem:s28], [sflag:$0x5] =	stream.linear.gather [hbm4b:s14+s3], $0x2800, $0x38;
	[tilespmem:$0x1E400] =	vst v63  }
0x44: {  	s22 =	sand.u32 $0x180, s22  }
0x45: {  	[tilespmem:s29], [sflag:$0x3] =	stream.indirect.gather [hbm4b:s4+s25], $0x80, s22, s25, $0xb8;
	[tilespmem:$0x1E400] =	vst v63  }
0x46: {  	_ =	swait.ge [sflag:s30], $0x2800  }
0x47: {  	[sflag:s30] =	ssyncset.done $0x0  }
0x48: {  	[sflag:s30] =	ssyncadd.s32 $0xFFFFD800  }
0x49: {  	_ =	swait.ge [sflag:s31], $0x2800  }
0x4a: {  	[sflag:s31] =	ssyncset.done $0x0  }
0x4b: {  	s11 =	simm.s32 $0x500;
	[sflag:s31] =	ssyncadd.s32 $0xFFFFD800  }
0x4c: {  	s12 =	simm.s32 $0x5500;
	v0 =	vld [tilespmem:s11+$0x80]  }
0x4d: {  	v1 =	vld [tilespmem:s12+$0x80]  }
0x4e: {  	v2 =	vld [tilespmem:s11+$0xFFFFFF80]  }
0x4f: {  	v3 =	vld [tilespmem:s12+$0xFFFFFF80]  }
0x50: {  	v4 =	vld [tilespmem:s11+$0x0]  }
0x51: {  	v5 =	vld [tilespmem:s12+$0x0]  }
0x52: {  	v6 =	vld [tilespmem:s11+$0xFFFFFF00];
	v0 =	vmul.f32 v1, v0  }
0x53: {  	v1 =	vld [tilespmem:s12+$0xFFFFFF00]  }
0x54: {  	[tilespmem:s11+$0x80] =	vst v0;
	v0 =	vld [tilespmem:s11+$0x90]  }
0x55: {  	v2 =	vmul.f32 v3, v2;
	v3 =	vld [tilespmem:s12+$0x90]  }
0x56: {  	v7 =	vld [tilespmem:s11+$0xFFFFFF10]  }
0x57: {  	[tilespmem:s11+$0xFFFFFF80] =	vst v2;
	v2 =	vmul.f32 v5, v4;
	v4 =	vld [tilespmem:s11+$0xFFFFFF90]  }
0x58: {  	v5 =	vld [tilespmem:s12+$0xFFFFFF90];
	v1 =	vmul.f32 v1, v6  }
0x59: {  	[tilespmem:s11+$0x0] =	vst v2;
	v2 =	vld [tilespmem:s11+$0x10]  }
0x5a: {  	v6 =	vld [tilespmem:s12+$0x10];
	[tilespmem:s11+$0xFFFFFF00] =	vst v1;
	v0 =	vmul.f32 v3, v0  }
0x5b: {  	v1 =	vld [tilespmem:s12+$0xFFFFFF10]  }
0x5c: {  	[tilespmem:s11+$0x90] =	vst v0;
	v0 =	vld [tilespmem:s11+$0xA0]  }
0x5d: {  	v3 =	vmul.f32 v5, v4;
	v4 =	vld [tilespmem:s12+$0xA0]  }
0x5e: {  	v5 =	vld [tilespmem:s11+$0xFFFFFF20]  }
0x5f: {  	[tilespmem:s11+$0xFFFFFF90] =	vst v3;
	v2 =	vmul.f32 v6, v2;
	v3 =	vld [tilespmem:s11+$0xFFFFFFA0]  }
0x60: {  	v6 =	vld [tilespmem:s12+$0xFFFFFFA0];
	v1 =	vmul.f32 v1, v7  }
0x61: {  	[tilespmem:s11+$0x10] =	vst v2;
	v2 =	vld [tilespmem:s11+$0x20]  }
0x62: {  	v7 =	vld [tilespmem:s12+$0x20];
	[tilespmem:s11+$0xFFFFFF10] =	vst v1;
	v0 =	vmul.f32 v4, v0  }
0x63: {  	v1 =	vld [tilespmem:s12+$0xFFFFFF20]  }
0x64: {  	[tilespmem:s11+$0xA0] =	vst v0;
	v0 =	vld [tilespmem:s11+$0xB0]  }
0x65: {  	v3 =	vmul.f32 v6, v3;
	v4 =	vld [tilespmem:s12+$0xB0]  }
0x66: {  	v6 =	vld [tilespmem:s11+$0xFFFFFF30]  }
0x67: {  	[tilespmem:s11+$0xFFFFFFA0] =	vst v3;
	v2 =	vmul.f32 v7, v2;
	v3 =	vld [tilespmem:s11+$0xFFFFFFB0]  }
0x68: {  	v7 =	vld [tilespmem:s12+$0xFFFFFFB0];
	v1 =	vmul.f32 v1, v5  }
0x69: {  	[tilespmem:s11+$0x20] =	vst v2;
	v2 =	vld [tilespmem:s11+$0x30]  }
0x6a: {  	v5 =	vld [tilespmem:s12+$0x30];
	[tilespmem:s11+$0xFFFFFF20] =	vst v1;
	v0 =	vmul.f32 v4, v0  }
0x6b: {  	v1 =	vld [tilespmem:s12+$0xFFFFFF30]  }
0x6c: {  	[tilespmem:s11+$0xB0] =	vst v0;
	v0 =	vld [tilespmem:s11+$0xC0]  }
0x6d: {  	v3 =	vmul.f32 v7, v3;
	v4 =	vld [tilespmem:s12+$0xC0]  }
0x6e: {  	v7 =	vld [tilespmem:s11+$0xFFFFFF40]  }
0x6f: {  	[tilespmem:s11+$0xFFFFFFB0] =	vst v3;
	v2 =	vmul.f32 v5, v2;
	v3 =	vld [tilespmem:s11+$0xFFFFFFC0]  }
0x70: {  	v5 =	vld [tilespmem:s12+$0xFFFFFFC0];
	v1 =	vmul.f32 v1, v6  }
0x71: {  	[tilespmem:s11+$0x30] =	vst v2;
	v2 =	vld [tilespmem:s11+$0x40]  }
0x72: {  	v6 =	vld [tilespmem:s12+$0x40];
	[tilespmem:s11+$0xFFFFFF30] =	vst v1;
	v0 =	vmul.f32 v4, v0  }
0x73: {  	v1 =	vld [tilespmem:s12+$0xFFFFFF40]  }
0x74: {  	[tilespmem:s11+$0xC0] =	vst v0;
	v0 =	vld [tilespmem:s11+$0xD0]  }
0x75: {  	v3 =	vmul.f32 v5, v3;
	v4 =	vld [tilespmem:s12+$0xD0]  }
0x76: {  	v5 =	vld [tilespmem:s11+$0xFFFFFF50]  }
0x77: {  	[tilespmem:s11+$0xFFFFFFC0] =	vst v3;
	v2 =	vmul.f32 v6, v2;
	v3 =	vld [tilespmem:s11+$0xFFFFFFD0]  }
0x78: {  	v6 =	vld [tilespmem:s12+$0xFFFFFFD0];
	v1 =	vmul.f32 v1, v7  }
0x79: {  	[tilespmem:s11+$0x40] =	vst v2;
	v2 =	vld [tilespmem:s11+$0x50]  }
0x7a: {  	v7 =	vld [tilespmem:s12+$0x50];
	[tilespmem:s11+$0xFFFFFF40] =	vst v1;
	v0 =	vmul.f32 v4, v0  }
0x7b: {  	v1 =	vld [tilespmem:s12+$0xFFFFFF50]  }
0x7c: {  	[tilespmem:s11+$0xD0] =	vst v0;
	v0 =	vld [tilespmem:s11+$0xE0]  }
0x7d: {  	v3 =	vmul.f32 v6, v3;
	v4 =	vld [tilespmem:s12+$0xE0]  }
0x7e: {  	v6 =	vld [tilespmem:s11+$0xFFFFFF60]  }
0x7f: {  	[tilespmem:s11+$0xFFFFFFD0] =	vst v3;
	v2 =	vmul.f32 v7, v2;
	v3 =	vld [tilespmem:s11+$0xFFFFFFE0]  }
0x80: {  	v7 =	vld [tilespmem:s12+$0xFFFFFFE0];
	v1 =	vmul.f32 v1, v5  }
0x81: {  	[tilespmem:s11+$0x50] =	vst v2;
	v2 =	vld [tilespmem:s11+$0x60]  }
0x82: {  	v5 =	vld [tilespmem:s12+$0x60];
	[tilespmem:s11+$0xFFFFFF50] =	vst v1;
	v0 =	vmul.f32 v4, v0  }
0x83: {  	v4 =	vld [tilespmem:s12+$0xFFFFFF60]  }
0x84: {  	v8 =	vld [tilespmem:s11+$0xF0];
	[tilespmem:s11+$0xE0] =	vst v0  }
0x85: {  	v1 =	vmul.f32 v7, v3;
	v7 =	vld [tilespmem:s12+$0xF0]  }
0x86: {  	v0 =	vld [tilespmem:s11+$0xFFFFFF70]  }
0x87: {  	[tilespmem:s11+$0xFFFFFFE0] =	vst v1;
	v2 =	vmul.f32 v5, v2;
	v1 =	vld [tilespmem:s11+$0xFFFFFFF0]  }
0x88: {  	v3 =	vld [tilespmem:s12+$0xFFFFFFF0];
	v4 =	vmul.f32 v4, v6  }
0x89: {  	[tilespmem:s11+$0x60] =	vst v2;
	v2 =	vld [tilespmem:s11+$0x70]  }
0x8a: {  	[tilespmem:s11+$0xFFFFFF60] =	vst v4;
	v4 =	vld [tilespmem:s12+$0x70];
	v6 =	vmul.f32 v7, v8  }
0x8b: {  	s13 =	simm.s32 $0x0;
	s14 =	simm.s32 $0x700;
	v5 =	vld [tilespmem:s12+$0xFFFFFF70]  }
.LBB2_3:
0x8c: {  	v7 =	vld [tilespmem:s14+$0x80];
	[tilespmem:s11+$0xF0] =	vst v6;
	s12 =	sadd.s32 $0x200, s12  }
0x8d: {  	s13 =	sadd.s32 $0x4, s13;
	v6 =	vld [tilespmem:s12+$0x80];
	v1 =	vmul.f32 v3, v1  }
0x8e: {  	p1 =	slt.u32 s13, $0x4C;
	v3 =	vld [tilespmem:s12+$0xFFFFFF00]  }
0x8f: {  	v8 =	vld [tilespmem:s14+$0xFFFFFF80];
	[tilespmem:s11+$0xFFFFFFF0] =	vst v1;
	v1 =	vmul.f32 v4, v2  }
0x90: {  	v2 =	vld [tilespmem:s12+$0xFFFFFF80];
	v0 =	vmul.f32 v5, v0  }
0x91: {  	v4 =	vld [tilespmem:s14+$0x0];
	[tilespmem:s11+$0x70] =	vst v1  }
0x92: {  	v1 =	vld [tilespmem:s12+$0x0];
	v5 =	vmul.f32 v6, v7;
	[tilespmem:s11+$0xFFFFFF70] =	vst v0;
	s11 =	smov.u32 s14  }
0x93: {  	v0 =	vld [tilespmem:s14+$0xFFFFFF00]  }
0x94: {  	[tilespmem:s14+$0x80] =	vst v5;
	v5 =	vld [tilespmem:s14+$0x90]  }
0x95: {  	v2 =	vmul.f32 v2, v8;
	v6 =	vld [tilespmem:s12+$0x90]  }
0x96: {  	v7 =	vld [tilespmem:s14+$0xFFFFFF10]  }
0x97: {  	[tilespmem:s14+$0xFFFFFF80] =	vst v2;
	v2 =	vld [tilespmem:s14+$0xFFFFFF90];
	v1 =	vmul.f32 v1, v4  }
0x98: {  	v0 =	vmul.f32 v3, v0;
	v3 =	vld [tilespmem:s12+$0xFFFFFF90]  }
0x99: {  	[tilespmem:s14+$0x0] =	vst v1;
	v1 =	vld [tilespmem:s14+$0x10]  }
0x9a: {  	[tilespmem:s14+$0xFFFFFF00] =	vst v0;
	v0 =	vld [tilespmem:s12+$0x10];
	v4 =	vmul.f32 v6, v5  }
0x9b: {  	v5 =	vld [tilespmem:s12+$0xFFFFFF10]  }
0x9c: {  	[tilespmem:s14+$0x90] =	vst v4;
	v4 =	vld [tilespmem:s14+$0xA0]  }
0x9d: {  	v2 =	vmul.f32 v3, v2;
	v3 =	vld [tilespmem:s12+$0xA0]  }
0x9e: {  	v6 =	vld [tilespmem:s14+$0xFFFFFF20]  }
0x9f: {  	[tilespmem:s14+$0xFFFFFF90] =	vst v2;
	v2 =	vld [tilespmem:s14+$0xFFFFFFA0];
	v0 =	vmul.f32 v0, v1  }
0xa0: {  	v1 =	vmul.f32 v5, v7;
	v5 =	vld [tilespmem:s12+$0xFFFFFFA0]  }
0xa1: {  	[tilespmem:s14+$0x10] =	vst v0;
	v0 =	vld [tilespmem:s14+$0x20]  }
0xa2: {  	[tilespmem:s14+$0xFFFFFF10] =	vst v1;
	v1 =	vld [tilespmem:s12+$0x20];
	v3 =	vmul.f32 v3, v4  }
0xa3: {  	v4 =	vld [tilespmem:s12+$0xFFFFFF20]  }
0xa4: {  	[tilespmem:s14+$0xA0] =	vst v3;
	v3 =	vld [tilespmem:s14+$0xB0]  }
0xa5: {  	v2 =	vmul.f32 v5, v2;
	v5 =	vld [tilespmem:s12+$0xB0]  }
0xa6: {  	v7 =	vld [tilespmem:s14+$0xFFFFFF30]  }
0xa7: {  	[tilespmem:s14+$0xFFFFFFA0] =	vst v2;
	v2 =	vld [tilespmem:s14+$0xFFFFFFB0];
	v0 =	vmul.f32 v1, v0  }
0xa8: {  	v1 =	vmul.f32 v4, v6;
	v4 =	vld [tilespmem:s12+$0xFFFFFFB0]  }
0xa9: {  	[tilespmem:s14+$0x20] =	vst v0;
	v0 =	vld [tilespmem:s14+$0x30]  }
0xaa: {  	[tilespmem:s14+$0xFFFFFF20] =	vst v1;
	v1 =	vld [tilespmem:s12+$0x30];
	v3 =	vmul.f32 v5, v3  }
0xab: {  	v5 =	vld [tilespmem:s12+$0xFFFFFF30]  }
0xac: {  	[tilespmem:s14+$0xB0] =	vst v3;
	v3 =	vld [tilespmem:s14+$0xC0]  }
0xad: {  	v2 =	vmul.f32 v4, v2;
	v4 =	vld [tilespmem:s12+$0xC0]  }
0xae: {  	v6 =	vld [tilespmem:s14+$0xFFFFFF40]  }
0xaf: {  	[tilespmem:s14+$0xFFFFFFB0] =	vst v2;
	v2 =	vld [tilespmem:s14+$0xFFFFFFC0];
	v0 =	vmul.f32 v1, v0  }
0xb0: {  	v1 =	vmul.f32 v5, v7;
	v5 =	vld [tilespmem:s12+$0xFFFFFFC0]  }
0xb1: {  	[tilespmem:s14+$0x30] =	vst v0;
	v0 =	vld [tilespmem:s14+$0x40]  }
0xb2: {  	[tilespmem:s14+$0xFFFFFF30] =	vst v1;
	v1 =	vld [tilespmem:s12+$0x40];
	v3 =	vmul.f32 v4, v3  }
0xb3: {  	v4 =	vld [tilespmem:s12+$0xFFFFFF40]  }
0xb4: {  	[tilespmem:s14+$0xC0] =	vst v3;
	v3 =	vld [tilespmem:s14+$0xD0]  }
0xb5: {  	v2 =	vmul.f32 v5, v2;
	v5 =	vld [tilespmem:s12+$0xD0]  }
0xb6: {  	v7 =	vld [tilespmem:s14+$0xFFFFFF50]  }
0xb7: {  	[tilespmem:s14+$0xFFFFFFC0] =	vst v2;
	v2 =	vld [tilespmem:s14+$0xFFFFFFD0];
	v0 =	vmul.f32 v1, v0  }
0xb8: {  	v1 =	vmul.f32 v4, v6;
	v4 =	vld [tilespmem:s12+$0xFFFFFFD0]  }
0xb9: {  	[tilespmem:s14+$0x40] =	vst v0;
	v0 =	vld [tilespmem:s14+$0x50]  }
0xba: {  	[tilespmem:s14+$0xFFFFFF40] =	vst v1;
	v1 =	vld [tilespmem:s12+$0x50];
	v3 =	vmul.f32 v5, v3  }
0xbb: {  	v5 =	vld [tilespmem:s12+$0xFFFFFF50]  }
0xbc: {  	[tilespmem:s14+$0xD0] =	vst v3;
	v3 =	vld [tilespmem:s14+$0xE0]  }
0xbd: {  	v2 =	vmul.f32 v4, v2;
	v4 =	vld [tilespmem:s12+$0xE0]  }
0xbe: {  	v6 =	vld [tilespmem:s14+$0xFFFFFF60]  }
0xbf: {  	[tilespmem:s14+$0xFFFFFFD0] =	vst v2;
	v2 =	vld [tilespmem:s14+$0xFFFFFFE0];
	v0 =	vmul.f32 v1, v0  }
0xc0: {  	v1 =	vmul.f32 v5, v7;
	v5 =	vld [tilespmem:s12+$0xFFFFFFE0]  }
0xc1: {  	[tilespmem:s14+$0x50] =	vst v0;
	v7 =	vld [tilespmem:s14+$0x60]  }
0xc2: {  	[tilespmem:s14+$0xFFFFFF50] =	vst v1;
	v8 =	vld [tilespmem:s12+$0x60];
	v0 =	vmul.f32 v4, v3  }
0xc3: {  	v3 =	vld [tilespmem:s12+$0xFFFFFF60]  }
0xc4: {  	[tilespmem:s14+$0xE0] =	vst v0;
	v9 =	vld [tilespmem:s14+$0xF0]  }
0xc5: {  	v1 =	vmul.f32 v5, v2;
	v5 =	vld [tilespmem:s12+$0xF0]  }
0xc6: {  	v0 =	vld [tilespmem:s14+$0xFFFFFF70]  }
.Ltmp0:
0xc7: {  	[tilespmem:s14+$0xFFFFFFE0] =	vst v1;
	v1 =	vld [tilespmem:s14+$0xFFFFFFF0];
	v2 =	vmul.f32 v8, v7;
	(pc) =	sbr.rel @p1 .LBB2_3-.Ltmp0, $4  }
0xc8: {  	v4 =	vmul.f32 v3, v6;
	v3 =	vld [tilespmem:s12+$0xFFFFFFF0]  }
0xc9: {  	[tilespmem:s14+$0x60] =	vst v2;
	v2 =	vld [tilespmem:s14+$0x70]  }
0xca: {  	[tilespmem:s14+$0xFFFFFF60] =	vst v4;
	v4 =	vld [tilespmem:s12+$0x70];
	v6 =	vmul.f32 v5, v9  }
0xcb: {  	s14 =	sadd.s32 $0x200, s14;
	v5 =	vld [tilespmem:s12+$0xFFFFFF70]  }
0xcc: {  	_ =	sdelay $0x1  }
0xcd: {  	v1 =	vmul.f32 v3, v1  }
0xce: {  	[tilespmem:s11+$0xF0] =	vst v6;
	v2 =	vmul.f32 v4, v2  }
0xcf: {  	s12 =	sshll.u32 s21, $0x8;
	[tilespmem:s11+$0xFFFFFFF0] =	vst v1;
	v0 =	vmul.f32 v5, v0  }
0xd0: {  	s12 =	sand.u32 $0x100, s12;
	[tilespmem:s11+$0x70] =	vst v2  }
0xd1: {  	s14 =	sor.u32 $0x200, s12;
	[tilespmem:s11+$0xFFFFFF70] =	vst v0  }
0xd2: {  	[spmem:s1] =	stream.indirect.scatter.add.f32 [tilespmem:s26], [sflag:$0x6], $0x80, s14, s25, $0xb8;
	[tilespmem:$0x1E400] =	vst v63  }
0xd3: {  	_ =	swait.ge [sflag:s19], $0x2800  }
0xd4: {  	[sflag:s19] =	ssyncset.done $0x0  }
0xd5: {  	s11 =	simm.s32 @!p0 $0x1;
	[sflag:s19] =	ssyncadd.s32 $0xFFFFD800  }
0xd6: {  	_ =	swait.ge @!p0 [sflag:s11], $0x50  }
0xd7: {  	[sflag:s11] =	ssyncset.done @!p0 $0x0  }
0xd8: {  	[sflag:s11] =	ssyncadd.s32 @!p0 $0xFFFFFFB0  }
0xd9: {  	_ =	swait.ge @!p0 [sflag:s11], $0x50  }
0xda: {  	[sflag:s11] =	ssyncset.done @!p0 $0x0  }
0xdb: {  	[sflag:s11] =	ssyncadd.s32 @!p0 $0xFFFFFFB0  }
0xdc: {  	_ =	swait.ge @!p0 [sflag:s11], $0x50  }
0xdd: {  	[sflag:s11] =	ssyncset.done @!p0 $0x0  }
0xde: {  	s8 =	smul.u32 @!p0 $0x500, s8;
	[sflag:s11] =	ssyncadd.s32 @!p0 $0xFFFFFFB0  }
0xdf: {  	_ =	swait.ge @!p0 [sflag:s11], $0x50  }
0xe0: {  	s8 =	sadd.s32 @!p0 s5, s8;
	[sflag:s11] =	ssyncset.done @!p0 $0x0  }
0xe1: {  	s12 =	simm.s32 @!p0 $0x5400;
	[sflag:s11] =	ssyncadd.s32 @!p0 $0xFFFFFFB0;
	s11 =	simm.s32 @!p0 $0x0  }
0xe2: {  	[tilespmem:s12], [sflag:$0x4] =	stream.linear.gather @!p0 [hbm4b:s8+s11], $0x2800, $0x38;
	[tilespmem:$0x1E400] =	vst v63  }
0xe3: {  	s8 =	simm.s32 @!p0 $0x50;
	s11 =	simm.s32 @!p0 $0x400  }
0xe4: {  	[tilespmem:s11], [sflag:$0x2] =	stream.indirect.gather @!p0 [hbm4b:s4+s8], $0x80, s24, s8, $0xb8;
	[tilespmem:$0x1E400] =	vst v63  }
0xe5: {  	_ =	swait.ge [sflag:s0], $0x2800  }
0xe6: {  	[sflag:s0] =	ssyncset.done $0x0  }
0xe7: {  	[sflag:s0] =	ssyncadd.s32 $0xFFFFD800  }
0xe8: {  	_ =	swait.ge [sflag:s2], $0x2800  }
0xe9: {  	[sflag:s2] =	ssyncset.done $0x0  }
0xea: {  	s8 =	simm.s32 $0x2D00;
	[sflag:s2] =	ssyncadd.s32 $0xFFFFD800  }
0xeb: {  	s11 =	simm.s32 $0x7D00;
	v0 =	vld [tilespmem:s8+$0x80]  }
0xec: {  	v1 =	vld [tilespmem:s11+$0x80]  }
0xed: {  	v2 =	vld [tilespmem:s8+$0xFFFFFF80]  }
0xee: {  	v3 =	vld [tilespmem:s11+$0xFFFFFF80]  }
0xef: {  	v4 =	vld [tilespmem:s8+$0x0]  }
0xf0: {  	v5 =	vld [tilespmem:s11+$0x0]  }
0xf1: {  	v6 =	vld [tilespmem:s8+$0xFFFFFF00];
	v0 =	vmul.f32 v1, v0  }
0xf2: {  	v1 =	vld [tilespmem:s11+$0xFFFFFF00]  }
0xf3: {  	[tilespmem:s8+$0x80] =	vst v0;
	v0 =	vld [tilespmem:s8+$0x90]  }
0xf4: {  	v2 =	vmul.f32 v3, v2;
	v3 =	vld [tilespmem:s11+$0x90]  }
0xf5: {  	v7 =	vld [tilespmem:s8+$0xFFFFFF10]  }
0xf6: {  	[tilespmem:s8+$0xFFFFFF80] =	vst v2;
	v2 =	vmul.f32 v5, v4;
	v4 =	vld [tilespmem:s8+$0xFFFFFF90]  }
0xf7: {  	v5 =	vld [tilespmem:s11+$0xFFFFFF90];
	v1 =	vmul.f32 v1, v6  }
0xf8: {  	[tilespmem:s8+$0x0] =	vst v2;
	v2 =	vld [tilespmem:s8+$0x10]  }
0xf9: {  	v6 =	vld [tilespmem:s11+$0x10];
	[tilespmem:s8+$0xFFFFFF00] =	vst v1;
	v0 =	vmul.f32 v3, v0  }
0xfa: {  	v1 =	vld [tilespmem:s11+$0xFFFFFF10]  }
0xfb: {  	[tilespmem:s8+$0x90] =	vst v0;
	v0 =	vld [tilespmem:s8+$0xA0]  }
0xfc: {  	v3 =	vmul.f32 v5, v4;
	v4 =	vld [tilespmem:s11+$0xA0]  }
0xfd: {  	v5 =	vld [tilespmem:s8+$0xFFFFFF20]  }
0xfe: {  	[tilespmem:s8+$0xFFFFFF90] =	vst v3;
	v2 =	vmul.f32 v6, v2;
	v3 =	vld [tilespmem:s8+$0xFFFFFFA0]  }
0xff: {  	v6 =	vld [tilespmem:s11+$0xFFFFFFA0];
	v1 =	vmul.f32 v1, v7  }
0x100: {  	[tilespmem:s8+$0x10] =	vst v2;
	v2 =	vld [tilespmem:s8+$0x20]  }
0x101: {  	v7 =	vld [tilespmem:s11+$0x20];
	[tilespmem:s8+$0xFFFFFF10] =	vst v1;
	v0 =	vmul.f32 v4, v0  }
0x102: {  	v1 =	vld [tilespmem:s11+$0xFFFFFF20]  }
0x103: {  	[tilespmem:s8+$0xA0] =	vst v0;
	v0 =	vld [tilespmem:s8+$0xB0]  }
0x104: {  	v3 =	vmul.f32 v6, v3;
	v4 =	vld [tilespmem:s11+$0xB0]  }
0x105: {  	v6 =	vld [tilespmem:s8+$0xFFFFFF30]  }
0x106: {  	[tilespmem:s8+$0xFFFFFFA0] =	vst v3;
	v2 =	vmul.f32 v7, v2;
	v3 =	vld [tilespmem:s8+$0xFFFFFFB0]  }
0x107: {  	v7 =	vld [tilespmem:s11+$0xFFFFFFB0];
	v1 =	vmul.f32 v1, v5  }
0x108: {  	[tilespmem:s8+$0x20] =	vst v2;
	v2 =	vld [tilespmem:s8+$0x30]  }
0x109: {  	v5 =	vld [tilespmem:s11+$0x30];
	[tilespmem:s8+$0xFFFFFF20] =	vst v1;
	v0 =	vmul.f32 v4, v0  }
0x10a: {  	v1 =	vld [tilespmem:s11+$0xFFFFFF30]  }
0x10b: {  	[tilespmem:s8+$0xB0] =	vst v0;
	v0 =	vld [tilespmem:s8+$0xC0]  }
0x10c: {  	v3 =	vmul.f32 v7, v3;
	v4 =	vld [tilespmem:s11+$0xC0]  }
0x10d: {  	v7 =	vld [tilespmem:s8+$0xFFFFFF40]  }
0x10e: {  	[tilespmem:s8+$0xFFFFFFB0] =	vst v3;
	v2 =	vmul.f32 v5, v2;
	v3 =	vld [tilespmem:s8+$0xFFFFFFC0]  }
0x10f: {  	v5 =	vld [tilespmem:s11+$0xFFFFFFC0];
	v1 =	vmul.f32 v1, v6  }
0x110: {  	[tilespmem:s8+$0x30] =	vst v2;
	v2 =	vld [tilespmem:s8+$0x40]  }
0x111: {  	v6 =	vld [tilespmem:s11+$0x40];
	[tilespmem:s8+$0xFFFFFF30] =	vst v1;
	v0 =	vmul.f32 v4, v0  }
0x112: {  	v1 =	vld [tilespmem:s11+$0xFFFFFF40]  }
0x113: {  	[tilespmem:s8+$0xC0] =	vst v0;
	v0 =	vld [tilespmem:s8+$0xD0]  }
0x114: {  	v3 =	vmul.f32 v5, v3;
	v4 =	vld [tilespmem:s11+$0xD0]  }
0x115: {  	v5 =	vld [tilespmem:s8+$0xFFFFFF50]  }
0x116: {  	[tilespmem:s8+$0xFFFFFFC0] =	vst v3;
	v2 =	vmul.f32 v6, v2;
	v3 =	vld [tilespmem:s8+$0xFFFFFFD0]  }
0x117: {  	v6 =	vld [tilespmem:s11+$0xFFFFFFD0];
	v1 =	vmul.f32 v1, v7  }
0x118: {  	[tilespmem:s8+$0x40] =	vst v2;
	v2 =	vld [tilespmem:s8+$0x50]  }
0x119: {  	v7 =	vld [tilespmem:s11+$0x50];
	[tilespmem:s8+$0xFFFFFF40] =	vst v1;
	v0 =	vmul.f32 v4, v0  }
0x11a: {  	v1 =	vld [tilespmem:s11+$0xFFFFFF50]  }
0x11b: {  	[tilespmem:s8+$0xD0] =	vst v0;
	v0 =	vld [tilespmem:s8+$0xE0]  }
0x11c: {  	v3 =	vmul.f32 v6, v3;
	v4 =	vld [tilespmem:s11+$0xE0]  }
0x11d: {  	v6 =	vld [tilespmem:s8+$0xFFFFFF60]  }
0x11e: {  	[tilespmem:s8+$0xFFFFFFD0] =	vst v3;
	v2 =	vmul.f32 v7, v2;
	v3 =	vld [tilespmem:s8+$0xFFFFFFE0]  }
0x11f: {  	v7 =	vld [tilespmem:s11+$0xFFFFFFE0];
	v1 =	vmul.f32 v1, v5  }
0x120: {  	[tilespmem:s8+$0x50] =	vst v2;
	v2 =	vld [tilespmem:s8+$0x60]  }
0x121: {  	v5 =	vld [tilespmem:s11+$0x60];
	[tilespmem:s8+$0xFFFFFF50] =	vst v1;
	v0 =	vmul.f32 v4, v0  }
0x122: {  	v4 =	vld [tilespmem:s11+$0xFFFFFF60]  }
0x123: {  	v8 =	vld [tilespmem:s8+$0xF0];
	[tilespmem:s8+$0xE0] =	vst v0  }
0x124: {  	v1 =	vmul.f32 v7, v3;
	v7 =	vld [tilespmem:s11+$0xF0]  }
0x125: {  	v0 =	vld [tilespmem:s8+$0xFFFFFF70]  }
0x126: {  	[tilespmem:s8+$0xFFFFFFE0] =	vst v1;
	v2 =	vmul.f32 v5, v2;
	v1 =	vld [tilespmem:s8+$0xFFFFFFF0]  }
0x127: {  	v3 =	vld [tilespmem:s11+$0xFFFFFFF0];
	v4 =	vmul.f32 v4, v6  }
0x128: {  	[tilespmem:s8+$0x60] =	vst v2;
	v2 =	vld [tilespmem:s8+$0x70]  }
0x129: {  	[tilespmem:s8+$0xFFFFFF60] =	vst v4;
	v4 =	vld [tilespmem:s11+$0x70];
	v6 =	vmul.f32 v7, v8  }
0x12a: {  	s13 =	simm.s32 $0x2F00;
	s12 =	simm.s32 $0x0;
	v5 =	vld [tilespmem:s11+$0xFFFFFF70]  }
.LBB2_5:
0x12b: {  	v7 =	vld [tilespmem:s13+$0x80];
	[tilespmem:s8+$0xF0] =	vst v6;
	s11 =	sadd.s32 $0x200, s11  }
0x12c: {  	s12 =	sadd.s32 $0x4, s12;
	v6 =	vld [tilespmem:s11+$0x80];
	v1 =	vmul.f32 v3, v1  }
0x12d: {  	p0 =	slt.u32 s12, $0x4C;
	v3 =	vld [tilespmem:s11+$0xFFFFFF00]  }
0x12e: {  	v8 =	vld [tilespmem:s13+$0xFFFFFF80];
	[tilespmem:s8+$0xFFFFFFF0] =	vst v1;
	v1 =	vmul.f32 v4, v2  }
0x12f: {  	v2 =	vld [tilespmem:s11+$0xFFFFFF80];
	v0 =	vmul.f32 v5, v0  }
0x130: {  	v4 =	vld [tilespmem:s13+$0x0];
	[tilespmem:s8+$0x70] =	vst v1  }
0x131: {  	v1 =	vld [tilespmem:s11+$0x0];
	v5 =	vmul.f32 v6, v7;
	[tilespmem:s8+$0xFFFFFF70] =	vst v0;
	s8 =	smov.u32 s13  }
0x132: {  	v0 =	vld [tilespmem:s13+$0xFFFFFF00]  }
0x133: {  	[tilespmem:s13+$0x80] =	vst v5;
	v5 =	vld [tilespmem:s13+$0x90]  }
0x134: {  	v2 =	vmul.f32 v2, v8;
	v6 =	vld [tilespmem:s11+$0x90]  }
0x135: {  	v7 =	vld [tilespmem:s13+$0xFFFFFF10]  }
0x136: {  	[tilespmem:s13+$0xFFFFFF80] =	vst v2;
	v2 =	vld [tilespmem:s13+$0xFFFFFF90];
	v1 =	vmul.f32 v1, v4  }
0x137: {  	v0 =	vmul.f32 v3, v0;
	v3 =	vld [tilespmem:s11+$0xFFFFFF90]  }
0x138: {  	[tilespmem:s13+$0x0] =	vst v1;
	v1 =	vld [tilespmem:s13+$0x10]  }
0x139: {  	[tilespmem:s13+$0xFFFFFF00] =	vst v0;
	v0 =	vld [tilespmem:s11+$0x10];
	v4 =	vmul.f32 v6, v5  }
0x13a: {  	v5 =	vld [tilespmem:s11+$0xFFFFFF10]  }
0x13b: {  	[tilespmem:s13+$0x90] =	vst v4;
	v4 =	vld [tilespmem:s13+$0xA0]  }
0x13c: {  	v2 =	vmul.f32 v3, v2;
	v3 =	vld [tilespmem:s11+$0xA0]  }
0x13d: {  	v6 =	vld [tilespmem:s13+$0xFFFFFF20]  }
0x13e: {  	[tilespmem:s13+$0xFFFFFF90] =	vst v2;
	v2 =	vld [tilespmem:s13+$0xFFFFFFA0];
	v0 =	vmul.f32 v0, v1  }
0x13f: {  	v1 =	vmul.f32 v5, v7;
	v5 =	vld [tilespmem:s11+$0xFFFFFFA0]  }
0x140: {  	[tilespmem:s13+$0x10] =	vst v0;
	v0 =	vld [tilespmem:s13+$0x20]  }
0x141: {  	[tilespmem:s13+$0xFFFFFF10] =	vst v1;
	v1 =	vld [tilespmem:s11+$0x20];
	v3 =	vmul.f32 v3, v4  }
0x142: {  	v4 =	vld [tilespmem:s11+$0xFFFFFF20]  }
0x143: {  	[tilespmem:s13+$0xA0] =	vst v3;
	v3 =	vld [tilespmem:s13+$0xB0]  }
0x144: {  	v2 =	vmul.f32 v5, v2;
	v5 =	vld [tilespmem:s11+$0xB0]  }
0x145: {  	v7 =	vld [tilespmem:s13+$0xFFFFFF30]  }
0x146: {  	[tilespmem:s13+$0xFFFFFFA0] =	vst v2;
	v2 =	vld [tilespmem:s13+$0xFFFFFFB0];
	v0 =	vmul.f32 v1, v0  }
0x147: {  	v1 =	vmul.f32 v4, v6;
	v4 =	vld [tilespmem:s11+$0xFFFFFFB0]  }
0x148: {  	[tilespmem:s13+$0x20] =	vst v0;
	v0 =	vld [tilespmem:s13+$0x30]  }
0x149: {  	[tilespmem:s13+$0xFFFFFF20] =	vst v1;
	v1 =	vld [tilespmem:s11+$0x30];
	v3 =	vmul.f32 v5, v3  }
0x14a: {  	v5 =	vld [tilespmem:s11+$0xFFFFFF30]  }
0x14b: {  	[tilespmem:s13+$0xB0] =	vst v3;
	v3 =	vld [tilespmem:s13+$0xC0]  }
0x14c: {  	v2 =	vmul.f32 v4, v2;
	v4 =	vld [tilespmem:s11+$0xC0]  }
0x14d: {  	v6 =	vld [tilespmem:s13+$0xFFFFFF40]  }
0x14e: {  	[tilespmem:s13+$0xFFFFFFB0] =	vst v2;
	v2 =	vld [tilespmem:s13+$0xFFFFFFC0];
	v0 =	vmul.f32 v1, v0  }
0x14f: {  	v1 =	vmul.f32 v5, v7;
	v5 =	vld [tilespmem:s11+$0xFFFFFFC0]  }
0x150: {  	[tilespmem:s13+$0x30] =	vst v0;
	v0 =	vld [tilespmem:s13+$0x40]  }
0x151: {  	[tilespmem:s13+$0xFFFFFF30] =	vst v1;
	v1 =	vld [tilespmem:s11+$0x40];
	v3 =	vmul.f32 v4, v3  }
0x152: {  	v4 =	vld [tilespmem:s11+$0xFFFFFF40]  }
0x153: {  	[tilespmem:s13+$0xC0] =	vst v3;
	v3 =	vld [tilespmem:s13+$0xD0]  }
0x154: {  	v2 =	vmul.f32 v5, v2;
	v5 =	vld [tilespmem:s11+$0xD0]  }
0x155: {  	v7 =	vld [tilespmem:s13+$0xFFFFFF50]  }
0x156: {  	[tilespmem:s13+$0xFFFFFFC0] =	vst v2;
	v2 =	vld [tilespmem:s13+$0xFFFFFFD0];
	v0 =	vmul.f32 v1, v0  }
0x157: {  	v1 =	vmul.f32 v4, v6;
	v4 =	vld [tilespmem:s11+$0xFFFFFFD0]  }
0x158: {  	[tilespmem:s13+$0x40] =	vst v0;
	v0 =	vld [tilespmem:s13+$0x50]  }
0x159: {  	[tilespmem:s13+$0xFFFFFF40] =	vst v1;
	v1 =	vld [tilespmem:s11+$0x50];
	v3 =	vmul.f32 v5, v3  }
0x15a: {  	v5 =	vld [tilespmem:s11+$0xFFFFFF50]  }
0x15b: {  	[tilespmem:s13+$0xD0] =	vst v3;
	v3 =	vld [tilespmem:s13+$0xE0]  }
0x15c: {  	v2 =	vmul.f32 v4, v2;
	v4 =	vld [tilespmem:s11+$0xE0]  }
0x15d: {  	v6 =	vld [tilespmem:s13+$0xFFFFFF60]  }
0x15e: {  	[tilespmem:s13+$0xFFFFFFD0] =	vst v2;
	v2 =	vld [tilespmem:s13+$0xFFFFFFE0];
	v0 =	vmul.f32 v1, v0  }
0x15f: {  	v1 =	vmul.f32 v5, v7;
	v5 =	vld [tilespmem:s11+$0xFFFFFFE0]  }
0x160: {  	[tilespmem:s13+$0x50] =	vst v0;
	v7 =	vld [tilespmem:s13+$0x60]  }
0x161: {  	[tilespmem:s13+$0xFFFFFF50] =	vst v1;
	v8 =	vld [tilespmem:s11+$0x60];
	v0 =	vmul.f32 v4, v3  }
0x162: {  	v3 =	vld [tilespmem:s11+$0xFFFFFF60]  }
0x163: {  	[tilespmem:s13+$0xE0] =	vst v0;
	v9 =	vld [tilespmem:s13+$0xF0]  }
0x164: {  	v1 =	vmul.f32 v5, v2;
	v5 =	vld [tilespmem:s11+$0xF0]  }
0x165: {  	v0 =	vld [tilespmem:s13+$0xFFFFFF70]  }
.Ltmp1:
0x166: {  	[tilespmem:s13+$0xFFFFFFE0] =	vst v1;
	v1 =	vld [tilespmem:s13+$0xFFFFFFF0];
	v2 =	vmul.f32 v8, v7;
	(pc) =	sbr.rel @p0 .LBB2_5-.Ltmp1, $4  }
0x167: {  	v4 =	vmul.f32 v3, v6;
	v3 =	vld [tilespmem:s11+$0xFFFFFFF0]  }
0x168: {  	[tilespmem:s13+$0x60] =	vst v2;
	v2 =	vld [tilespmem:s13+$0x70]  }
0x169: {  	[tilespmem:s13+$0xFFFFFF60] =	vst v4;
	v4 =	vld [tilespmem:s11+$0x70];
	v6 =	vmul.f32 v5, v9  }
0x16a: {  	s13 =	sadd.s32 $0x200, s13;
	v5 =	vld [tilespmem:s11+$0xFFFFFF70]  }
0x16b: {  	_ =	sdelay $0x1  }
0x16c: {  	v1 =	vmul.f32 v3, v1  }
0x16d: {  	[tilespmem:s8+$0xF0] =	vst v6;
	v2 =	vmul.f32 v4, v2  }
0x16e: {  	s21 =	sadd.s32 $0x1, s21;
	[tilespmem:s8+$0xFFFFFFF0] =	vst v1;
	v0 =	vmul.f32 v5, v0  }
0x16f: {  	p0 =	sne.s32 s21, $0x40;
	[tilespmem:s8+$0x70] =	vst v2  }
.Ltmp2:
0x170: {  	s24 =	sor.u32 $0x200, s22;
	[tilespmem:s8+$0xFFFFFF70] =	vst v0;
	(pc) =	sbr.rel @p0 .LBB2_2-.Ltmp2, $4  }
0x171: {  	[spmem:s1] =	stream.indirect.scatter.add.f32 [tilespmem:s29], [sflag:$0x6], $0x80, s24, s25, $0xb8;
	[tilespmem:$0x1E400] =	vst v63  }
0x172: {  	_ =	swait.ge [sflag:s19], $0x2800  }
0x173: {  	[sflag:s19] =	ssyncset.done $0x0  }
0x174: {  	[sflag:s19] =	ssyncadd.s32 $0xFFFFD800  }
0x175: {  	s20 =	sadd.s32 $0x1, s20  }
0x176: {  	p0 =	sne.s32 s20, s17  }
.Ltmp3:
0x177: {  	[bflag:$0x0] =	sbarrier.arrive $0xFFFF;
	(pc) =	sbr.rel @p0 .LBB2_1-.Ltmp3, $4  }
0x178: {  	[hbm:s16], [sflag:s10] =	dma.local [spmem:s18], $0x2800  }
0x179: {  	_ =	swait.ge [sflag:s19], $0x2800  }
0x17a: {  	[sflag:s19] =	ssyncset.done $0x0  }
0x17b: {  	[sflag:s19] =	ssyncadd.s32 $0xFFFFD800  }
0x17c: {  	_ =	sfence.sel $0x180000  }
0x17d: {  	[bflag:$0x0] =	sbarrier.arrive $0xFFFF  }
0x17e: {  	_ =	strace $0x9000004D  }
0x17f: {  	s0 =	stileid.u32;
	[bflag:$0x2] =	sbarrier.arrive $0xFFFF  }
0x180: {  	p0 =	sne.s32 s0, $0x0;
	s0 =	rddreg [dreg:$0x2]  }
0x181: {  	s0 =	sadd.s32 @!p0 $0x100000, s0  }
0x182: {  	[sflag:s0] =	ssyncadd.tile.s32 @!p0 $0x1;
	_ =	shalt  }
.Lfunc_end2:
_tile_overlayer_lowered:
.L_overlay_start_2:
0x183: {  	(tag) =	ssettag $0x2  }
0x184: {  	s0 =	rddreg [dreg:$0x0];
	s2 =	stileid.u32  }
0x185: {  	s1 =	rddreg [dreg:$0x1];
	p0 =	sne.s32 s2, $0x0  }
0x186: {  	s3 =	rddreg [dreg:$0x2];
	[bflag:$0x3] =	sbarrier.arrive $0xFFFF;
	s2 =	simm.s32 @!p0 $0x1C06  }
0x187: {  	[timem:s3], [sflag:s2] =	dma.local @!p0 [hbm:s0], s1  }
0x188: {  	s0 =	simm.s32 @!p0 $0x6  }
0x189: {  	_ =	swait.ge @!p0 [sflag:s0], s1  }
0x18a: {  	s1 =	ssub.s32 @!p0 $0x0, s1;
	[sflag:s0] =	ssyncset.done @!p0 $0x0  }
0x18b: {  	[sflag:s0] =	ssyncadd.s32 @!p0 s1  }
0x18c: {  	[bflag:$0x3] =	sbarrier.arrive $0xFFFF  }
0x18d: {  	_ =	shalt  }

// kernel: kernel.25.cloned.1.call-start
scs
__scs_entry_jumppad:
0x0: {  	(pc) =	sbr.rel $0x88, $3  }
0x1: {  	(tag) =	ssettag $0x0;
	lr =	simm.s32 $0x1  }
0x2: {  	[smem:$0x3F90] =	sst lr;
	_ =	strace $0xD0000000  }
0x3: {  	_ = 	snop  }
0x4: {  	_ = 	snop  }
0x5: {  	_ = 	snop  }
0x6: {  	_ = 	snop  }
0x7: {  	_ = 	snop  }
__scs_overlays_trampoline_lowered:
0x8: {  	[smem:$0x3F9F] =	sst s0  }
0x9: {  	[smem:$0x3FA0] =	sst s1  }
0xa: {  	[smem:$0x3FA1] =	sst s2  }
0xb: {  	[smem:$0x3FA2] =	sst s3  }
0xc: {  	[smem:$0x3FA3] =	sst s4  }
0xd: {  	[smem:$0x3FA4] =	sst s5  }
0xe: {  	[smem:$0x3FA5] =	sst s6  }
0xf: {  	[smem:$0x3FA6] =	sst s7  }
0x10: {  	[smem:$0x3FA7] =	sst s8  }
0x11: {  	[smem:$0x3FA8] =	sst s9;
	s0 =	simm.s32 @!p0 $0x0  }
0x12: {  	s1 =	sld [smem:$0x3F8E];
	s0 =	simm.s32 @p0 $0x1  }
0x13: {  	[smem:$0x3FA9] =	sst s0;
	s0 =	simm.s32 @!p1 $0x0  }
0x14: {  	s2 =	sld [smem:$0x3F8D];
	s0 =	simm.s32 @p1 $0x1  }
0x15: {  	[smem:$0x3FAA] =	sst s0;
	s0 =	simm.s32 @!p2 $0x0  }
0x16: {  	s3 =	sld [smem:$0x3FDB];
	s0 =	simm.s32 @p2 $0x1  }
0x17: {  	s4 =	simm.s32 $0x1BF5;
	[smem:$0x3FAC] =	sst s0  }
0x18: {  	s0 =	sld [smem:$0x3F8F];
	_ =	swait.ge [sflag:s4], $0x0  }
0x19: {  	s7 =	sld [smem:$0x3F90]  }
0x1a: {  	s8 =	sadd.s32 $0xFFFFE003, lr  }
0x1b: {  	s9 =	sadd.s32 $0xFFFFFEF7, lr;
	s5 =	simm.s32 $0xFFFFFFFF;
	p2 =	slt.u32 s8, $0xFFFFF086  }
0x1c: {  	p1 =	slt.u32 s9, $0xF7A;
	s5 =	simm.s32 @!p2 $0x0  }
0x1d: {  	s5 =	simm.s32 @p1 $0x1;
	p0 =	seq.s32 s7, s2  }
0x1e: {  	s7 =	smul.u32 @!p0 $0xF7A, s2;
	p2 =	seq.s32 @!p0 s5, $0x0  }
0x1f: {  	s9 =	smul.u32 $0xF7A, s1;
	s8 =	simm.s32 @!p0 $0x1BF5;
	p2 =	por !p2, p0  }
0x20: {  	[sflag:s8] =	ssyncset.s32 @!p0 $0xFFFFF086;
	s6 =	sadd.s32 @!p0 s3, s7;
	s7 =	simm.s32 @!p0 $0x108  }
0x21: {  	s3 =	sadd.s32 s3, s9;
	s6 =	sadd.s32 @!p0 $0x88, s6;
	s7 =	simm.s32 @p2 $0x1082  }
0x22: {  	[simem:s7], [sflag:s8] =	dma.local @!p0 [hbm:s6], $0xF7A  }
0x23: {  	s9 =	sor.u32 $0xD0000000, s2;
	s6 =	simm.s32 $0x108;
	_ =	swait.ge @!p0 [sflag:s8], $0x0  }
0x24: {  	s3 =	sadd.s32 $0x88, s3;
	s6 =	simm.s32 @!p1 $0x1082;
	[sflag:s4] =	ssyncset.s32 $0xFFFFF086  }
0x25: {  	[simem:s6], [sflag:s4] =	dma.local [hbm:s3], $0xF7A  }
0x26: {  	[smem:$0x3F90] =	sst s1;
	(tag) =	ssettag s2;
	_ =	strace s9  }
0x27: {  	s1 =	sld [smem:$0x3FA0]  }
0x28: {  	s2 =	sld [smem:$0x3FA1]  }
0x29: {  	s4 =	sld [smem:$0x3FA3]  }
0x2a: {  	p0 =	seq.s32 s5, $0x0;
	s5 =	sld [smem:$0x3FA4]  }
0x2b: {  	s6 =	sld [smem:$0x3FA5]  }
0x2c: {  	s7 =	sld [smem:$0x3FA6]  }
0x2d: {  	s3 =	simm.s32 $0x108;
	s8 =	sld [smem:$0x3FA7]  }
0x2e: {  	s3 =	simm.s32 @!p0 $0x1082;
	s9 =	sld [smem:$0x3FA8]  }
0x2f: {  	lr =	sadd.s32 s0, s3;
	s0 =	sld [smem:$0x3F9F]  }
0x30: {  	s3 =	sld [smem:$0x3FA2]  }
0x31: {  	[smem:$0x3FAB] =	sst s10  }
0x32: {  	s10 =	sld [smem:$0x3FA9];
	_ =	sdelay $0x3  }
0x33: {  	p0 =	seq.s32 s10, $0x1;
	s10 =	sld [smem:$0x3FAB];
	_ =	sdelay $0x3  }
0x34: {  	[smem:$0x3FAB] =	sst s10  }
0x35: {  	s10 =	sld [smem:$0x3FAA];
	_ =	sdelay $0x3  }
0x36: {  	p1 =	seq.s32 s10, $0x1;
	s10 =	sld [smem:$0x3FAB];
	_ =	sdelay $0x3  }
0x37: {  	[smem:$0x3FAB] =	sst s10  }
0x38: {  	s10 =	sld [smem:$0x3FAC]  }
0x39: {  	_ = 	snop;
	(pc) =	sbr.ind lr, $3  }
0x3a: {  	_ = 	snop  }
0x3b: {  	_ = 	snop  }
0x3c: {  	p2 =	seq.s32 s10, $0x1;
	s10 =	sld [smem:$0x3FAB]  }
0x3d: {  	_ =	shalt  }
0x3e: {  	_ =	shalt  }
0x3f: {  	_ =	shalt  }
0x40: {  	_ =	shalt  }
0x41: {  	_ =	shalt  }
0x42: {  	_ =	shalt  }
0x43: {  	_ =	shalt  }
0x44: {  	_ =	shalt  }
0x45: {  	_ =	shalt  }
0x46: {  	_ =	shalt  }
0x47: {  	_ =	shalt  }
0x48: {  	_ =	shalt  }
0x49: {  	_ =	shalt  }
0x4a: {  	_ =	shalt  }
0x4b: {  	_ =	shalt  }
0x4c: {  	_ =	shalt  }
0x4d: {  	_ =	shalt  }
0x4e: {  	_ =	shalt  }
0x4f: {  	_ =	shalt  }
0x50: {  	_ =	shalt  }
0x51: {  	_ =	shalt  }
0x52: {  	_ =	shalt  }
0x53: {  	_ =	shalt  }
0x54: {  	_ =	shalt  }
0x55: {  	_ =	shalt  }
0x56: {  	_ =	shalt  }
0x57: {  	_ =	shalt  }
0x58: {  	_ =	shalt  }
0x59: {  	_ =	shalt  }
0x5a: {  	_ =	shalt  }
0x5b: {  	_ =	shalt  }
0x5c: {  	_ =	shalt  }
0x5d: {  	_ =	shalt  }
0x5e: {  	_ =	shalt  }
0x5f: {  	_ =	shalt  }
0x60: {  	_ =	shalt  }
0x61: {  	_ =	shalt  }
0x62: {  	_ =	shalt  }
0x63: {  	_ =	shalt  }
0x64: {  	_ =	shalt  }
0x65: {  	_ =	shalt  }
0x66: {  	_ =	shalt  }
0x67: {  	_ =	shalt  }
0x68: {  	_ =	shalt  }
0x69: {  	_ =	shalt  }
0x6a: {  	_ =	shalt  }
0x6b: {  	_ =	shalt  }
0x6c: {  	_ =	shalt  }
0x6d: {  	_ =	shalt  }
0x6e: {  	_ =	shalt  }
0x6f: {  	_ =	shalt  }
0x70: {  	_ =	shalt  }
0x71: {  	_ =	shalt  }
0x72: {  	_ =	shalt  }
0x73: {  	_ =	shalt  }
0x74: {  	_ =	shalt  }
0x75: {  	_ =	shalt  }
0x76: {  	_ =	shalt  }
0x77: {  	_ =	shalt  }
0x78: {  	_ =	shalt  }
0x79: {  	_ =	shalt  }
0x7a: {  	_ =	shalt  }
0x7b: {  	_ =	shalt  }
0x7c: {  	_ =	shalt  }
0x7d: {  	_ =	shalt  }
0x7e: {  	_ =	shalt  }
0x7f: {  	_ =	shalt  }
0x80: {  	_ =	shalt  }
0x81: {  	_ =	shalt  }
0x82: {  	_ =	shalt  }
0x83: {  	_ =	shalt  }
0x84: {  	_ =	shalt  }
0x85: {  	_ =	shalt  }
0x86: {  	_ =	shalt  }
0x87: {  	_ =	shalt  }
.Lfunc_end0:
.L_simem_size_0:
called_computation.3_lowered:
.L_overlay_start_0:
0x88: {  	s2 =	sld [smem:$0x3FD9]  }
0x89: {  	s3 =	sld [smem:$0x3FFE];
	_ =	sdelay $0x1  }
0x8a: {  	s1 =	srdreg.scid  }
0x8b: {  	s0 =	sand.u32 $0x1, s1  }
0x8c: {  	s16 =	sshll.u32 s0, $0xA;
	s2 =	sadd.s32 s3, s2  }
0x8d: {  	s2 =	sadd.s32 s2, s16  }
0x8e: {  	[smem:$0x3FB7] =	sst s2  }
0x8f: {  	_ = 	snop  }
0x90: {  	(tm) =	ssettm $0x1  }
0x91: {  	s17 =	sld [smem:$0x3FFB];
	_ =	sdelay $0x3  }
0x92: {  	_ =	strace s17  }
0x93: {  	s2 =	sld [smem:$0x3FFC];
	_ =	sdelay $0x3  }
0x94: {  	_ =	strace s2  }
0x95: {  	s2 =	sld [smem:$0x3FFD];
	_ =	sdelay $0x3  }
0x96: {  	_ =	strace s2  }
0x97: {  	_ =	strace $0x8FFFFFFF  }
0x98: {  	s18 =	sld [smem:$0x3FDB];
	_ =	sdelay $0x1  }
0x99: {  	s19 =	simm.s32 $_scs_section_size  }
0x9a: {  	s4 =	simm.s32 $_size__tile_overlayer_lowered;
	s5 =	simm.s32 $_tile_overlayer_lowered  }
0x9b: {  	s22 =	simm.s32 $0x1BFF;
	s21 =	sshll.u32 s5, $0x1;
	s2 =	sadd.s32 s19, s18  }
0x9c: {  	s6 =	simm.s32 $0x0;
	s20 =	sshll.u32 s4, $0x1;
	s4 =	sadd.s32 s21, s2  }
0x9d: {  	[timem:s6], [sflag:s22] =	dma.local [hbm:s4], s20  }
0x9e: {  	_ =	swait.ge [sflag:s22], s20  }
0x9f: {  	s3 =	ssub.s32 $0x0, s20;
	[sflag:s22] =	ssyncset.done $0x0  }
0xa0: {  	[sflag:s22] =	ssyncadd.s32 s3;
	_ =	sdelay $0x1  }
0xa1: {  	s23 =	simm.s32 $0x1B8B  }
0xa2: {  	_ =	swait.ge [sflag:s23], $0x1  }
0xa3: {  	[sflag:s23] =	ssyncset.done $0x0  }
0xa4: {  	s25 =	simm.s32 $0x1B8E;
	s24 =	sld [smem:$0x3FFE];
	[sflag:s23] =	ssyncadd.s32 $0xFFFFFFFF  }
0xa5: {  	s26 =	simm.s32 $execute0_lowered;
	[smem:$0x3FD2] =	sst s25  }
0xa6: {  	s4 =	sshll.u32 s26, $0x1;
	_ =	strace $0x8000004F;
	[dreg:$0x1] =	wrdreg $0xFFFFFFFF  }
0xa7: {  	s28 =	simm.s32 $_size_execute0_lowered;
	s2 =	sadd.s32 s2, s4;
	[dreg:$0x0] =	wrdreg $0x0  }
0xa8: {  	s4 =	sshll.u32 s28, $0x1;
	[dreg:$0x2] =	wrdreg s2  }
0xa9: {  	[dreg:$0x3] =	wrdreg s4  }
0xaa: {  	[dreg:$0x4] =	wrdreg $0xC0  }
0xab: {  	_ =	task [dreg:s6], $0x5FFFF  }
0xac: {  	[dreg:$0x1] =	wrdreg $0xFFFFFFFF  }
0xad: {  	[dreg:$0x0] =	wrdreg $0x60  }
0xae: {  	[dreg:$0x2] =	wrdreg s24  }
0xaf: {  	[dreg:$0x3] =	wrdreg $0xA4000  }
0xb0: {  	[dreg:$0x4] =	wrdreg $0x9  }
0xb1: {  	_ =	task.clear_ibuf [dreg:s6], $0x5FFFF;
	_ =	strace $0x9000004F  }
0xb2: {  	s29 =	simm.s32 $0x9;
	_ =	strace $0x80000051  }
0xb3: {  	_ =	swait.ge [sflag:s29], $0x1  }
0xb4: {  	[sflag:s29] =	ssyncadd.s32 $0xFFFFFFFF  }
0xb5: {  	_ =	strace $0x90000051  }
0xb6: {  	_ =	sfence  }
0xb7: {  	s30 =	sld [smem:$0x0];
	_ =	sdelay $0x2  }
0xb8: {  	s31 =	sshll.u32 s1, $0xD;
	s1 =	sshrl.u32 s1, $0x2  }
0xb9: {  	s3 =	sand.u32 $0x4000, s31;
	s1 =	sadd.s32 s1, s30  }
0xba: {  	s0 =	sor.u32 s3, s0;
	s1 =	sshll.u32 s1, $0x11  }
0xbb: {  	s0 =	sor.u32 s1, s0  }
0xbc: {  	s0 =	sadd.s32 $0x8F2B, s0  }
0xbd: {  	[sflag:s0] =	ssyncadd.remote.s32 $0x1  }
0xbe: {  	_ =	sfence.sel $0xFFFF  }
0xbf: {  	[dreg:$0x0] =	wrdreg $0xFFFFFFFF;
	(pc) =	sbr.abs _section_cstart, $3  }
0xc0: {  	[dreg:$0x1] =	wrdreg $0xFFFFFFFF  }
0xc1: {  	_ =	task.clear_ibuf [dreg:s6], $0x2FFFF;
	_ =	strace $0x9FFFFFFF  }
0xc2: {  	(tm) =	ssettm $0x7FFFFFFF  }
0xc3: {  	_ =	shalt  }
tec
execute0_lowered:
.L_overlay_start_1:
0x0: {  	(tag) =	ssettag $0x1  }
0x1: {  	s0 =	rddreg [dreg:$0x0]  }
0x2: {  	s1 =	rddreg [dreg:$0x1];
	s3 =	simm.s32 $0x0;
	s2 =	srdreg.scid  }
0x3: {  	s12 =	stileid.u32;
	s28 =	simm.s32 $0x7C00;
	s29 =	simm.s32 $0x2C00  }
0x4: {  	s30 =	simm.s32 $0x4;
	s31 =	simm.s32 $0x2;
	[smem:$0x7FF] =	sst s3  }
0x5: {  	s2 =	sand.u32 $0x1, s2;
	s8 =	smul.u32 $0x2800, s12;
	s4 =	sadd.s32 $0x73000, s0  }
0x6: {  	s5 =	sadd.s32 $0xB12C00, s0;
	s6 =	sadd.s32 $0xB800, s0;
	s7 =	sadd.s32 $0x15800, s0  }
0x7: {  	s10 =	sadd.s32 $0x1F800, s0;
	s19 =	sshll.u32 s12, $0x1;
	s20 =	smul.u32 $0x50000, s12  }
0x8: {  	s22 =	sshll.u32 s12, $0x6;
	_ =	strace $0x80000050;
	s9 =	smul.u32 $0x28000, s2  }
0x9: {  	[dreg:$0x3] =	wrdreg s10;
	s18 =	ssub.s32 $0x2, s2;
	s2 =	sor.u32 s2, s19  }
0xa: {  	s19 =	simm.s32 $0x6;
	s11 =	sshrl.u32 s18, $0x1;
	s10 =	sshrl.u32 s20, $0x2  }
0xb: {  	s23 =	smul.u32 $0x500, s2;
	s20 =	simm.s32 $0x0;
	s8 =	sadd.s32 s8, s9  }
0xc: {  	s21 =	ssub.s32 s18, s11;
	s9 =	sshll.u32 s2, $0x7;
	s13 =	sadd.s32 s10, s1  }
0xd: {  	s10 =	sor.u32 $0x1C06, s22;
	s2 =	smul.u32 $0x28000, s2;
	s0 =	sadd.s32 s8, s0  }
0xe: {  	s24 =	sadd.s32 s6, s23;
	s25 =	sadd.s32 s7, s23;
	s26 =	sor.u32 $0xA, s23  }
0xf: {  	s17 =	smax.u32 s21, $0x1;
	s18 =	sshrl.u32 s13, $0x3;
	[dreg:$0x4] =	wrdreg s24  }
0x10: {  	s23 =	simm.s32 $0x1;
	[dreg:$0x5] =	wrdreg s25;
	s12 =	sadd.s32 s6, s26  }
0x11: {  	s11 =	sadd.s32 s7, s26;
	s15 =	sadd.s32 s5, s2;
	s16 =	sadd.s32 $0x22000, s0  }
0x12: {  	s25 =	simm.s32 $0x50;
	s26 =	simm.s32 $0x400;
	[dreg:$0x6] =	wrdreg s12  }
0x13: {  	s0 =	simm.s32 $0x5;
	s2 =	simm.s32 $0x3;
	[dreg:$0x7] =	wrdreg s11  }
.LBB2_1:
0x14: {  	s8 =	rddreg [dreg:$0x3]  }
0x15: {  	[spmem:s18], [sflag:s10] =	dma.local [hbm:s8], $0x2800  }
0x16: {  	_ =	swait.ge [sflag:s19], $0x2800  }
0x17: {  	[sflag:s19] =	ssyncset.done $0x0  }
0x18: {  	[sflag:s19] =	ssyncadd.s32 $0xFFFFD800  }
0x19: {  	[bflag:$0x0] =	sbarrier.arrive $0xFFFF  }
0x1a: {  	s11 =	rddreg [dreg:$0x4]  }
0x1b: {  	[tilespmem:s3], [sflag:$0x1] =	stream.linear.gather [hbm4b:s11+s3], $0x50, $0x38;
	[tilespmem:$0x1E400] =	vst v63  }
0x1c: {  	s12 =	rddreg [dreg:$0x5];
	s11 =	simm.s32 $0x200  }
0x1d: {  	[tilespmem:s11], [sflag:$0x1] =	stream.linear.gather [hbm4b:s12+s3], $0x50, $0x38;
	[tilespmem:$0x1E400] =	vst v63  }
0x1e: {  	s14 =	simm.s32 $0x80;
	s13 =	rddreg [dreg:$0x6]  }
0x1f: {  	[tilespmem:s14], [sflag:$0x1] =	stream.linear.gather [hbm4b:s13+s3], $0x50, $0x38;
	[tilespmem:$0x1E400] =	vst v63  }
0x20: {  	s22 =	simm.s32 $0x280;
	s21 =	rddreg [dreg:$0x7]  }
0x21: {  	[tilespmem:s22], [sflag:$0x1] =	stream.linear.gather [hbm4b:s21+s3], $0x50, $0x38;
	[tilespmem:$0x1E400] =	vst v63  }
0x22: {  	_ =	swait.ge [sflag:s23], $0x50  }
0x23: {  	[sflag:s23] =	ssyncset.done $0x0  }
0x24: {  	[sflag:s23] =	ssyncadd.s32 $0xFFFFFFB0  }
0x25: {  	_ =	swait.ge [sflag:s23], $0x50  }
0x26: {  	[sflag:s23] =	ssyncset.done $0x0  }
0x27: {  	[sflag:s23] =	ssyncadd.s32 $0xFFFFFFB0  }
0x28: {  	_ =	swait.ge [sflag:s23], $0x50  }
0x29: {  	[sflag:s23] =	ssyncset.done $0x0  }
0x2a: {  	[sflag:s23] =	ssyncadd.s32 $0xFFFFFFB0  }
0x2b: {  	_ =	swait.ge [sflag:s23], $0x50  }
0x2c: {  	[sflag:s23] =	ssyncset.done $0x0  }
0x2d: {  	s24 =	simm.s32 $0x5400;
	[sflag:s23] =	ssyncadd.s32 $0xFFFFFFB0  }
0x2e: {  	[tilespmem:s24], [sflag:$0x4] =	stream.linear.gather [hbm4b:s15+s3], $0x2800, $0x38;
	[tilespmem:$0x1E400] =	vst v63  }
0x2f: {  	s21 =	simm.s32 $0x0  }
0x30: {  	[tilespmem:s26], [sflag:$0x2] =	stream.indirect.gather [hbm4b:s4+s25], $0x80, s3, s25, $0xb8;
	[tilespmem:$0x1E400] =	vst v63  }
.LBB2_2:
0x31: {  	s11 =	sshll.u32 s21, $0x1  }
0x32: {  	p0 =	seq.s32 s21, $0x3F;
	s12 =	sadd.s32 $0x2, s11  }
0x33: {  	s8 =	sadd.s32 @!p0 s9, s12  }
0x34: {  	s13 =	smul.u32 @!p0 $0xA, s8  }
0x35: {  	s12 =	sand.u32 $0x2, s12  }
0x36: {  	s14 =	simm.s32 @!p0 $0x0;
	s24 =	sshll.u32 @!p0 s12, $0x7;
	s12 =	sadd.s32 @!p0 s6, s13  }
0x37: {  	[tilespmem:s24], [sflag:$0x1] =	stream.linear.gather @!p0 [hbm4b:s12+s14], $0x50, $0x38;
	[tilespmem:$0x1E400] =	vst v63  }
0x38: {  	s11 =	sadd.s32 @!p0 $0x3, s11;
	s13 =	sadd.s32 @!p0 s7, s13;
	s12 =	sor.u32 @!p0 $0x200, s24  }
0x39: {  	[tilespmem:s12], [sflag:$0x1] =	stream.linear.gather @!p0 [hbm4b:s13+s14], $0x50, $0x38;
	[tilespmem:$0x1E400] =	vst v63  }
0x3a: {  	s12 =	sadd.s32 @!p0 s9, s11  }
0x3b: {  	s12 =	smul.u32 @!p0 $0xA, s12  }
0x3c: {  	s11 =	sshll.u32 @!p0 s11, $0x7  }
0x3d: {  	s13 =	sshllo.u32 s21, $0x1;
	s11 =	sand.u32 @!p0 $0x180, s11;
	s22 =	sadd.s32 @!p0 s6, s12  }
0x3e: {  	[tilespmem:s11], [sflag:$0x1] =	stream.linear.gather @!p0 [hbm4b:s22+s14], $0x50, $0x38;
	[tilespmem:$0x1E400] =	vst v63  }
0x3f: {  	s22 =	sadd.s32 s9, s13  }
0x40: {  	s12 =	sadd.s32 @!p0 s7, s12;
	s11 =	sor.u32 @!p0 $0x200, s11;
	s22 =	smul.u32 $0x500, s22  }
0x41: {  	[tilespmem:s11], [sflag:$0x1] =	stream.linear.gather @!p0 [hbm4b:s12+s14], $0x50, $0x38;
	[tilespmem:$0x1E400] =	vst v63  }
0x42: {  	s14 =	sadd.s32 s5, s22;
	s22 =	sshll.u32 s13, $0x7  }
0x43: {  	[tilespmem:s28], [sflag:$0x5] =	stream.linear.gather [hbm4b:s14+s3], $0x2800, $0x38;
	[tilespmem:$0x1E400] =	vst v63  }
0x44: {  	s22 =	sand.u32 $0x180, s22  }
0x45: {  	[tilespmem:s29], [sflag:$0x3] =	stream.indirect.gather [hbm4b:s4+s25], $0x80, s22, s25, $0xb8;
	[tilespmem:$0x1E400] =	vst v63  }
0x46: {  	_ =	swait.ge [sflag:s30], $0x2800  }
0x47: {  	[sflag:s30] =	ssyncset.done $0x0  }
0x48: {  	[sflag:s30] =	ssyncadd.s32 $0xFFFFD800  }
0x49: {  	_ =	swait.ge [sflag:s31], $0x2800  }
0x4a: {  	[sflag:s31] =	ssyncset.done $0x0  }
0x4b: {  	s11 =	simm.s32 $0x500;
	[sflag:s31] =	ssyncadd.s32 $0xFFFFD800  }
0x4c: {  	s12 =	simm.s32 $0x5500;
	v0 =	vld [tilespmem:s11+$0x80]  }
0x4d: {  	v1 =	vld [tilespmem:s12+$0x80]  }
0x4e: {  	v2 =	vld [tilespmem:s11+$0xFFFFFF80]  }
0x4f: {  	v3 =	vld [tilespmem:s12+$0xFFFFFF80]  }
0x50: {  	v4 =	vld [tilespmem:s11+$0x0]  }
0x51: {  	v5 =	vld [tilespmem:s12+$0x0]  }
0x52: {  	v6 =	vld [tilespmem:s11+$0xFFFFFF00];
	v0 =	vmul.f32 v1, v0  }
0x53: {  	v1 =	vld [tilespmem:s12+$0xFFFFFF00]  }
0x54: {  	[tilespmem:s11+$0x80] =	vst v0;
	v0 =	vld [tilespmem:s11+$0x90]  }
0x55: {  	v2 =	vmul.f32 v3, v2;
	v3 =	vld [tilespmem:s12+$0x90]  }
0x56: {  	v7 =	vld [tilespmem:s11+$0xFFFFFF10]  }
0x57: {  	[tilespmem:s11+$0xFFFFFF80] =	vst v2;
	v2 =	vmul.f32 v5, v4;
	v4 =	vld [tilespmem:s11+$0xFFFFFF90]  }
0x58: {  	v5 =	vld [tilespmem:s12+$0xFFFFFF90];
	v1 =	vmul.f32 v1, v6  }
0x59: {  	[tilespmem:s11+$0x0] =	vst v2;
	v2 =	vld [tilespmem:s11+$0x10]  }
0x5a: {  	v6 =	vld [tilespmem:s12+$0x10];
	[tilespmem:s11+$0xFFFFFF00] =	vst v1;
	v0 =	vmul.f32 v3, v0  }
0x5b: {  	v1 =	vld [tilespmem:s12+$0xFFFFFF10]  }
0x5c: {  	[tilespmem:s11+$0x90] =	vst v0;
	v0 =	vld [tilespmem:s11+$0xA0]  }
0x5d: {  	v3 =	vmul.f32 v5, v4;
	v4 =	vld [tilespmem:s12+$0xA0]  }
0x5e: {  	v5 =	vld [tilespmem:s11+$0xFFFFFF20]  }
0x5f: {  	[tilespmem:s11+$0xFFFFFF90] =	vst v3;
	v2 =	vmul.f32 v6, v2;
	v3 =	vld [tilespmem:s11+$0xFFFFFFA0]  }
0x60: {  	v6 =	vld [tilespmem:s12+$0xFFFFFFA0];
	v1 =	vmul.f32 v1, v7  }
0x61: {  	[tilespmem:s11+$0x10] =	vst v2;
	v2 =	vld [tilespmem:s11+$0x20]  }
0x62: {  	v7 =	vld [tilespmem:s12+$0x20];
	[tilespmem:s11+$0xFFFFFF10] =	vst v1;
	v0 =	vmul.f32 v4, v0  }
0x63: {  	v1 =	vld [tilespmem:s12+$0xFFFFFF20]  }
0x64: {  	[tilespmem:s11+$0xA0] =	vst v0;
	v0 =	vld [tilespmem:s11+$0xB0]  }
0x65: {  	v3 =	vmul.f32 v6, v3;
	v4 =	vld [tilespmem:s12+$0xB0]  }
0x66: {  	v6 =	vld [tilespmem:s11+$0xFFFFFF30]  }
0x67: {  	[tilespmem:s11+$0xFFFFFFA0] =	vst v3;
	v2 =	vmul.f32 v7, v2;
	v3 =	vld [tilespmem:s11+$0xFFFFFFB0]  }
0x68: {  	v7 =	vld [tilespmem:s12+$0xFFFFFFB0];
	v1 =	vmul.f32 v1, v5  }
0x69: {  	[tilespmem:s11+$0x20] =	vst v2;
	v2 =	vld [tilespmem:s11+$0x30]  }
0x6a: {  	v5 =	vld [tilespmem:s12+$0x30];
	[tilespmem:s11+$0xFFFFFF20] =	vst v1;
	v0 =	vmul.f32 v4, v0  }
0x6b: {  	v1 =	vld [tilespmem:s12+$0xFFFFFF30]  }
0x6c: {  	[tilespmem:s11+$0xB0] =	vst v0;
	v0 =	vld [tilespmem:s11+$0xC0]  }
0x6d: {  	v3 =	vmul.f32 v7, v3;
	v4 =	vld [tilespmem:s12+$0xC0]  }
0x6e: {  	v7 =	vld [tilespmem:s11+$0xFFFFFF40]  }
0x6f: {  	[tilespmem:s11+$0xFFFFFFB0] =	vst v3;
	v2 =	vmul.f32 v5, v2;
	v3 =	vld [tilespmem:s11+$0xFFFFFFC0]  }
0x70: {  	v5 =	vld [tilespmem:s12+$0xFFFFFFC0];
	v1 =	vmul.f32 v1, v6  }
0x71: {  	[tilespmem:s11+$0x30] =	vst v2;
	v2 =	vld [tilespmem:s11+$0x40]  }
0x72: {  	v6 =	vld [tilespmem:s12+$0x40];
	[tilespmem:s11+$0xFFFFFF30] =	vst v1;
	v0 =	vmul.f32 v4, v0  }
0x73: {  	v1 =	vld [tilespmem:s12+$0xFFFFFF40]  }
0x74: {  	[tilespmem:s11+$0xC0] =	vst v0;
	v0 =	vld [tilespmem:s11+$0xD0]  }
0x75: {  	v3 =	vmul.f32 v5, v3;
	v4 =	vld [tilespmem:s12+$0xD0]  }
0x76: {  	v5 =	vld [tilespmem:s11+$0xFFFFFF50]  }
0x77: {  	[tilespmem:s11+$0xFFFFFFC0] =	vst v3;
	v2 =	vmul.f32 v6, v2;
	v3 =	vld [tilespmem:s11+$0xFFFFFFD0]  }
0x78: {  	v6 =	vld [tilespmem:s12+$0xFFFFFFD0];
	v1 =	vmul.f32 v1, v7  }
0x79: {  	[tilespmem:s11+$0x40] =	vst v2;
	v2 =	vld [tilespmem:s11+$0x50]  }
0x7a: {  	v7 =	vld [tilespmem:s12+$0x50];
	[tilespmem:s11+$0xFFFFFF40] =	vst v1;
	v0 =	vmul.f32 v4, v0  }
0x7b: {  	v1 =	vld [tilespmem:s12+$0xFFFFFF50]  }
0x7c: {  	[tilespmem:s11+$0xD0] =	vst v0;
	v0 =	vld [tilespmem:s11+$0xE0]  }
0x7d: {  	v3 =	vmul.f32 v6, v3;
	v4 =	vld [tilespmem:s12+$0xE0]  }
0x7e: {  	v6 =	vld [tilespmem:s11+$0xFFFFFF60]  }
0x7f: {  	[tilespmem:s11+$0xFFFFFFD0] =	vst v3;
	v2 =	vmul.f32 v7, v2;
	v3 =	vld [tilespmem:s11+$0xFFFFFFE0]  }
0x80: {  	v7 =	vld [tilespmem:s12+$0xFFFFFFE0];
	v1 =	vmul.f32 v1, v5  }
0x81: {  	[tilespmem:s11+$0x50] =	vst v2;
	v2 =	vld [tilespmem:s11+$0x60]  }
0x82: {  	v5 =	vld [tilespmem:s12+$0x60];
	[tilespmem:s11+$0xFFFFFF50] =	vst v1;
	v0 =	vmul.f32 v4, v0  }
0x83: {  	v4 =	vld [tilespmem:s12+$0xFFFFFF60]  }
0x84: {  	v8 =	vld [tilespmem:s11+$0xF0];
	[tilespmem:s11+$0xE0] =	vst v0  }
0x85: {  	v1 =	vmul.f32 v7, v3;
	v7 =	vld [tilespmem:s12+$0xF0]  }
0x86: {  	v0 =	vld [tilespmem:s11+$0xFFFFFF70]  }
0x87: {  	[tilespmem:s11+$0xFFFFFFE0] =	vst v1;
	v2 =	vmul.f32 v5, v2;
	v1 =	vld [tilespmem:s11+$0xFFFFFFF0]  }
0x88: {  	v3 =	vld [tilespmem:s12+$0xFFFFFFF0];
	v4 =	vmul.f32 v4, v6  }
0x89: {  	[tilespmem:s11+$0x60] =	vst v2;
	v2 =	vld [tilespmem:s11+$0x70]  }
0x8a: {  	[tilespmem:s11+$0xFFFFFF60] =	vst v4;
	v4 =	vld [tilespmem:s12+$0x70];
	v6 =	vmul.f32 v7, v8  }
0x8b: {  	s13 =	simm.s32 $0x0;
	s14 =	simm.s32 $0x700;
	v5 =	vld [tilespmem:s12+$0xFFFFFF70]  }
.LBB2_3:
0x8c: {  	v7 =	vld [tilespmem:s14+$0x80];
	[tilespmem:s11+$0xF0] =	vst v6;
	s12 =	sadd.s32 $0x200, s12  }
0x8d: {  	s13 =	sadd.s32 $0x4, s13;
	v6 =	vld [tilespmem:s12+$0x80];
	v1 =	vmul.f32 v3, v1  }
0x8e: {  	p1 =	slt.u32 s13, $0x4C;
	v3 =	vld [tilespmem:s12+$0xFFFFFF00]  }
0x8f: {  	v8 =	vld [tilespmem:s14+$0xFFFFFF80];
	[tilespmem:s11+$0xFFFFFFF0] =	vst v1;
	v1 =	vmul.f32 v4, v2  }
0x90: {  	v2 =	vld [tilespmem:s12+$0xFFFFFF80];
	v0 =	vmul.f32 v5, v0  }
0x91: {  	v4 =	vld [tilespmem:s14+$0x0];
	[tilespmem:s11+$0x70] =	vst v1  }
0x92: {  	v1 =	vld [tilespmem:s12+$0x0];
	v5 =	vmul.f32 v6, v7;
	[tilespmem:s11+$0xFFFFFF70] =	vst v0;
	s11 =	smov.u32 s14  }
0x93: {  	v0 =	vld [tilespmem:s14+$0xFFFFFF00]  }
0x94: {  	[tilespmem:s14+$0x80] =	vst v5;
	v5 =	vld [tilespmem:s14+$0x90]  }
0x95: {  	v2 =	vmul.f32 v2, v8;
	v6 =	vld [tilespmem:s12+$0x90]  }
0x96: {  	v7 =	vld [tilespmem:s14+$0xFFFFFF10]  }
0x97: {  	[tilespmem:s14+$0xFFFFFF80] =	vst v2;
	v2 =	vld [tilespmem:s14+$0xFFFFFF90];
	v1 =	vmul.f32 v1, v4  }
0x98: {  	v0 =	vmul.f32 v3, v0;
	v3 =	vld [tilespmem:s12+$0xFFFFFF90]  }
0x99: {  	[tilespmem:s14+$0x0] =	vst v1;
	v1 =	vld [tilespmem:s14+$0x10]  }
0x9a: {  	[tilespmem:s14+$0xFFFFFF00] =	vst v0;
	v0 =	vld [tilespmem:s12+$0x10];
	v4 =	vmul.f32 v6, v5  }
0x9b: {  	v5 =	vld [tilespmem:s12+$0xFFFFFF10]  }
0x9c: {  	[tilespmem:s14+$0x90] =	vst v4;
	v4 =	vld [tilespmem:s14+$0xA0]  }
0x9d: {  	v2 =	vmul.f32 v3, v2;
	v3 =	vld [tilespmem:s12+$0xA0]  }
0x9e: {  	v6 =	vld [tilespmem:s14+$0xFFFFFF20]  }
0x9f: {  	[tilespmem:s14+$0xFFFFFF90] =	vst v2;
	v2 =	vld [tilespmem:s14+$0xFFFFFFA0];
	v0 =	vmul.f32 v0, v1  }
0xa0: {  	v1 =	vmul.f32 v5, v7;
	v5 =	vld [tilespmem:s12+$0xFFFFFFA0]  }
0xa1: {  	[tilespmem:s14+$0x10] =	vst v0;
	v0 =	vld [tilespmem:s14+$0x20]  }
0xa2: {  	[tilespmem:s14+$0xFFFFFF10] =	vst v1;
	v1 =	vld [tilespmem:s12+$0x20];
	v3 =	vmul.f32 v3, v4  }
0xa3: {  	v4 =	vld [tilespmem:s12+$0xFFFFFF20]  }
0xa4: {  	[tilespmem:s14+$0xA0] =	vst v3;
	v3 =	vld [tilespmem:s14+$0xB0]  }
0xa5: {  	v2 =	vmul.f32 v5, v2;
	v5 =	vld [tilespmem:s12+$0xB0]  }
0xa6: {  	v7 =	vld [tilespmem:s14+$0xFFFFFF30]  }
0xa7: {  	[tilespmem:s14+$0xFFFFFFA0] =	vst v2;
	v2 =	vld [tilespmem:s14+$0xFFFFFFB0];
	v0 =	vmul.f32 v1, v0  }
0xa8: {  	v1 =	vmul.f32 v4, v6;
	v4 =	vld [tilespmem:s12+$0xFFFFFFB0]  }
0xa9: {  	[tilespmem:s14+$0x20] =	vst v0;
	v0 =	vld [tilespmem:s14+$0x30]  }
0xaa: {  	[tilespmem:s14+$0xFFFFFF20] =	vst v1;
	v1 =	vld [tilespmem:s12+$0x30];
	v3 =	vmul.f32 v5, v3  }
0xab: {  	v5 =	vld [tilespmem:s12+$0xFFFFFF30]  }
0xac: {  	[tilespmem:s14+$0xB0] =	vst v3;
	v3 =	vld [tilespmem:s14+$0xC0]  }
0xad: {  	v2 =	vmul.f32 v4, v2;
	v4 =	vld [tilespmem:s12+$0xC0]  }
0xae: {  	v6 =	vld [tilespmem:s14+$0xFFFFFF40]  }
0xaf: {  	[tilespmem:s14+$0xFFFFFFB0] =	vst v2;
	v2 =	vld [tilespmem:s14+$0xFFFFFFC0];
	v0 =	vmul.f32 v1, v0  }
0xb0: {  	v1 =	vmul.f32 v5, v7;
	v5 =	vld [tilespmem:s12+$0xFFFFFFC0]  }
0xb1: {  	[tilespmem:s14+$0x30] =	vst v0;
	v0 =	vld [tilespmem:s14+$0x40]  }
0xb2: {  	[tilespmem:s14+$0xFFFFFF30] =	vst v1;
	v1 =	vld [tilespmem:s12+$0x40];
	v3 =	vmul.f32 v4, v3  }
0xb3: {  	v4 =	vld [tilespmem:s12+$0xFFFFFF40]  }
0xb4: {  	[tilespmem:s14+$0xC0] =	vst v3;
	v3 =	vld [tilespmem:s14+$0xD0]  }
0xb5: {  	v2 =	vmul.f32 v5, v2;
	v5 =	vld [tilespmem:s12+$0xD0]  }
0xb6: {  	v7 =	vld [tilespmem:s14+$0xFFFFFF50]  }
0xb7: {  	[tilespmem:s14+$0xFFFFFFC0] =	vst v2;
	v2 =	vld [tilespmem:s14+$0xFFFFFFD0];
	v0 =	vmul.f32 v1, v0  }
0xb8: {  	v1 =	vmul.f32 v4, v6;
	v4 =	vld [tilespmem:s12+$0xFFFFFFD0]  }
0xb9: {  	[tilespmem:s14+$0x40] =	vst v0;
	v0 =	vld [tilespmem:s14+$0x50]  }
0xba: {  	[tilespmem:s14+$0xFFFFFF40] =	vst v1;
	v1 =	vld [tilespmem:s12+$0x50];
	v3 =	vmul.f32 v5, v3  }
0xbb: {  	v5 =	vld [tilespmem:s12+$0xFFFFFF50]  }
0xbc: {  	[tilespmem:s14+$0xD0] =	vst v3;
	v3 =	vld [tilespmem:s14+$0xE0]  }
0xbd: {  	v2 =	vmul.f32 v4, v2;
	v4 =	vld [tilespmem:s12+$0xE0]  }
0xbe: {  	v6 =	vld [tilespmem:s14+$0xFFFFFF60]  }
0xbf: {  	[tilespmem:s14+$0xFFFFFFD0] =	vst v2;
	v2 =	vld [tilespmem:s14+$0xFFFFFFE0];
	v0 =	vmul.f32 v1, v0  }
0xc0: {  	v1 =	vmul.f32 v5, v7;
	v5 =	vld [tilespmem:s12+$0xFFFFFFE0]  }
0xc1: {  	[tilespmem:s14+$0x50] =	vst v0;
	v7 =	vld [tilespmem:s14+$0x60]  }
0xc2: {  	[tilespmem:s14+$0xFFFFFF50] =	vst v1;
	v8 =	vld [tilespmem:s12+$0x60];
	v0 =	vmul.f32 v4, v3  }
0xc3: {  	v3 =	vld [tilespmem:s12+$0xFFFFFF60]  }
0xc4: {  	[tilespmem:s14+$0xE0] =	vst v0;
	v9 =	vld [tilespmem:s14+$0xF0]  }
0xc5: {  	v1 =	vmul.f32 v5, v2;
	v5 =	vld [tilespmem:s12+$0xF0]  }
0xc6: {  	v0 =	vld [tilespmem:s14+$0xFFFFFF70]  }
.Ltmp0:
0xc7: {  	[tilespmem:s14+$0xFFFFFFE0] =	vst v1;
	v1 =	vld [tilespmem:s14+$0xFFFFFFF0];
	v2 =	vmul.f32 v8, v7;
	(pc) =	sbr.rel @p1 .LBB2_3-.Ltmp0, $4  }
0xc8: {  	v4 =	vmul.f32 v3, v6;
	v3 =	vld [tilespmem:s12+$0xFFFFFFF0]  }
0xc9: {  	[tilespmem:s14+$0x60] =	vst v2;
	v2 =	vld [tilespmem:s14+$0x70]  }
0xca: {  	[tilespmem:s14+$0xFFFFFF60] =	vst v4;
	v4 =	vld [tilespmem:s12+$0x70];
	v6 =	vmul.f32 v5, v9  }
0xcb: {  	s14 =	sadd.s32 $0x200, s14;
	v5 =	vld [tilespmem:s12+$0xFFFFFF70]  }
0xcc: {  	_ =	sdelay $0x1  }
0xcd: {  	v1 =	vmul.f32 v3, v1  }
0xce: {  	[tilespmem:s11+$0xF0] =	vst v6;
	v2 =	vmul.f32 v4, v2  }
0xcf: {  	s12 =	sshll.u32 s21, $0x8;
	[tilespmem:s11+$0xFFFFFFF0] =	vst v1;
	v0 =	vmul.f32 v5, v0  }
0xd0: {  	s12 =	sand.u32 $0x100, s12;
	[tilespmem:s11+$0x70] =	vst v2  }
0xd1: {  	s14 =	sor.u32 $0x200, s12;
	[tilespmem:s11+$0xFFFFFF70] =	vst v0  }
0xd2: {  	[spmem:s1] =	stream.indirect.scatter.add.f32 [tilespmem:s26], [sflag:$0x6], $0x80, s14, s25, $0xb8;
	[tilespmem:$0x1E400] =	vst v63  }
0xd3: {  	_ =	swait.ge [sflag:s19], $0x2800  }
0xd4: {  	[sflag:s19] =	ssyncset.done $0x0  }
0xd5: {  	s11 =	simm.s32 @!p0 $0x1;
	[sflag:s19] =	ssyncadd.s32 $0xFFFFD800  }
0xd6: {  	_ =	swait.ge @!p0 [sflag:s11], $0x50  }
0xd7: {  	[sflag:s11] =	ssyncset.done @!p0 $0x0  }
0xd8: {  	[sflag:s11] =	ssyncadd.s32 @!p0 $0xFFFFFFB0  }
0xd9: {  	_ =	swait.ge @!p0 [sflag:s11], $0x50  }
0xda: {  	[sflag:s11] =	ssyncset.done @!p0 $0x0  }
0xdb: {  	[sflag:s11] =	ssyncadd.s32 @!p0 $0xFFFFFFB0  }
0xdc: {  	_ =	swait.ge @!p0 [sflag:s11], $0x50  }
0xdd: {  	[sflag:s11] =	ssyncset.done @!p0 $0x0  }
0xde: {  	s8 =	smul.u32 @!p0 $0x500, s8;
	[sflag:s11] =	ssyncadd.s32 @!p0 $0xFFFFFFB0  }
0xdf: {  	_ =	swait.ge @!p0 [sflag:s11], $0x50  }
0xe0: {  	s8 =	sadd.s32 @!p0 s5, s8;
	[sflag:s11] =	ssyncset.done @!p0 $0x0  }
0xe1: {  	s12 =	simm.s32 @!p0 $0x5400;
	[sflag:s11] =	ssyncadd.s32 @!p0 $0xFFFFFFB0;
	s11 =	simm.s32 @!p0 $0x0  }
0xe2: {  	[tilespmem:s12], [sflag:$0x4] =	stream.linear.gather @!p0 [hbm4b:s8+s11], $0x2800, $0x38;
	[tilespmem:$0x1E400] =	vst v63  }
0xe3: {  	s8 =	simm.s32 @!p0 $0x50;
	s11 =	simm.s32 @!p0 $0x400  }
0xe4: {  	[tilespmem:s11], [sflag:$0x2] =	stream.indirect.gather @!p0 [hbm4b:s4+s8], $0x80, s24, s8, $0xb8;
	[tilespmem:$0x1E400] =	vst v63  }
0xe5: {  	_ =	swait.ge [sflag:s0], $0x2800  }
0xe6: {  	[sflag:s0] =	ssyncset.done $0x0  }
0xe7: {  	[sflag:s0] =	ssyncadd.s32 $0xFFFFD800  }
0xe8: {  	_ =	swait.ge [sflag:s2], $0x2800  }
0xe9: {  	[sflag:s2] =	ssyncset.done $0x0  }
0xea: {  	s8 =	simm.s32 $0x2D00;
	[sflag:s2] =	ssyncadd.s32 $0xFFFFD800  }
0xeb: {  	s11 =	simm.s32 $0x7D00;
	v0 =	vld [tilespmem:s8+$0x80]  }
0xec: {  	v1 =	vld [tilespmem:s11+$0x80]  }
0xed: {  	v2 =	vld [tilespmem:s8+$0xFFFFFF80]  }
0xee: {  	v3 =	vld [tilespmem:s11+$0xFFFFFF80]  }
0xef: {  	v4 =	vld [tilespmem:s8+$0x0]  }
0xf0: {  	v5 =	vld [tilespmem:s11+$0x0]  }
0xf1: {  	v6 =	vld [tilespmem:s8+$0xFFFFFF00];
	v0 =	vmul.f32 v1, v0  }
0xf2: {  	v1 =	vld [tilespmem:s11+$0xFFFFFF00]  }
0xf3: {  	[tilespmem:s8+$0x80] =	vst v0;
	v0 =	vld [tilespmem:s8+$0x90]  }
0xf4: {  	v2 =	vmul.f32 v3, v2;
	v3 =	vld [tilespmem:s11+$0x90]  }
0xf5: {  	v7 =	vld [tilespmem:s8+$0xFFFFFF10]  }
0xf6: {  	[tilespmem:s8+$0xFFFFFF80] =	vst v2;
	v2 =	vmul.f32 v5, v4;
	v4 =	vld [tilespmem:s8+$0xFFFFFF90]  }
0xf7: {  	v5 =	vld [tilespmem:s11+$0xFFFFFF90];
	v1 =	vmul.f32 v1, v6  }
0xf8: {  	[tilespmem:s8+$0x0] =	vst v2;
	v2 =	vld [tilespmem:s8+$0x10]  }
0xf9: {  	v6 =	vld [tilespmem:s11+$0x10];
	[tilespmem:s8+$0xFFFFFF00] =	vst v1;
	v0 =	vmul.f32 v3, v0  }
0xfa: {  	v1 =	vld [tilespmem:s11+$0xFFFFFF10]  }
0xfb: {  	[tilespmem:s8+$0x90] =	vst v0;
	v0 =	vld [tilespmem:s8+$0xA0]  }
0xfc: {  	v3 =	vmul.f32 v5, v4;
	v4 =	vld [tilespmem:s11+$0xA0]  }
0xfd: {  	v5 =	vld [tilespmem:s8+$0xFFFFFF20]  }
0xfe: {  	[tilespmem:s8+$0xFFFFFF90] =	vst v3;
	v2 =	vmul.f32 v6, v2;
	v3 =	vld [tilespmem:s8+$0xFFFFFFA0]  }
0xff: {  	v6 =	vld [tilespmem:s11+$0xFFFFFFA0];
	v1 =	vmul.f32 v1, v7  }
0x100: {  	[tilespmem:s8+$0x10] =	vst v2;
	v2 =	vld [tilespmem:s8+$0x20]  }
0x101: {  	v7 =	vld [tilespmem:s11+$0x20];
	[tilespmem:s8+$0xFFFFFF10] =	vst v1;
	v0 =	vmul.f32 v4, v0  }
0x102: {  	v1 =	vld [tilespmem:s11+$0xFFFFFF20]  }
0x103: {  	[tilespmem:s8+$0xA0] =	vst v0;
	v0 =	vld [tilespmem:s8+$0xB0]  }
0x104: {  	v3 =	vmul.f32 v6, v3;
	v4 =	vld [tilespmem:s11+$0xB0]  }
0x105: {  	v6 =	vld [tilespmem:s8+$0xFFFFFF30]  }
0x106: {  	[tilespmem:s8+$0xFFFFFFA0] =	vst v3;
	v2 =	vmul.f32 v7, v2;
	v3 =	vld [tilespmem:s8+$0xFFFFFFB0]  }
0x107: {  	v7 =	vld [tilespmem:s11+$0xFFFFFFB0];
	v1 =	vmul.f32 v1, v5  }
0x108: {  	[tilespmem:s8+$0x20] =	vst v2;
	v2 =	vld [tilespmem:s8+$0x30]  }
0x109: {  	v5 =	vld [tilespmem:s11+$0x30];
	[tilespmem:s8+$0xFFFFFF20] =	vst v1;
	v0 =	vmul.f32 v4, v0  }
0x10a: {  	v1 =	vld [tilespmem:s11+$0xFFFFFF30]  }
0x10b: {  	[tilespmem:s8+$0xB0] =	vst v0;
	v0 =	vld [tilespmem:s8+$0xC0]  }
0x10c: {  	v3 =	vmul.f32 v7, v3;
	v4 =	vld [tilespmem:s11+$0xC0]  }
0x10d: {  	v7 =	vld [tilespmem:s8+$0xFFFFFF40]  }
0x10e: {  	[tilespmem:s8+$0xFFFFFFB0] =	vst v3;
	v2 =	vmul.f32 v5, v2;
	v3 =	vld [tilespmem:s8+$0xFFFFFFC0]  }
0x10f: {  	v5 =	vld [tilespmem:s11+$0xFFFFFFC0];
	v1 =	vmul.f32 v1, v6  }
0x110: {  	[tilespmem:s8+$0x30] =	vst v2;
	v2 =	vld [tilespmem:s8+$0x40]  }
0x111: {  	v6 =	vld [tilespmem:s11+$0x40];
	[tilespmem:s8+$0xFFFFFF30] =	vst v1;
	v0 =	vmul.f32 v4, v0  }
0x112: {  	v1 =	vld [tilespmem:s11+$0xFFFFFF40]  }
0x113: {  	[tilespmem:s8+$0xC0] =	vst v0;
	v0 =	vld [tilespmem:s8+$0xD0]  }
0x114: {  	v3 =	vmul.f32 v5, v3;
	v4 =	vld [tilespmem:s11+$0xD0]  }
0x115: {  	v5 =	vld [tilespmem:s8+$0xFFFFFF50]  }
0x116: {  	[tilespmem:s8+$0xFFFFFFC0] =	vst v3;
	v2 =	vmul.f32 v6, v2;
	v3 =	vld [tilespmem:s8+$0xFFFFFFD0]  }
0x117: {  	v6 =	vld [tilespmem:s11+$0xFFFFFFD0];
	v1 =	vmul.f32 v1, v7  }
0x118: {  	[tilespmem:s8+$0x40] =	vst v2;
	v2 =	vld [tilespmem:s8+$0x50]  }
0x119: {  	v7 =	vld [tilespmem:s11+$0x50];
	[tilespmem:s8+$0xFFFFFF40] =	vst v1;
	v0 =	vmul.f32 v4, v0  }
0x11a: {  	v1 =	vld [tilespmem:s11+$0xFFFFFF50]  }
0x11b: {  	[tilespmem:s8+$0xD0] =	vst v0;
	v0 =	vld [tilespmem:s8+$0xE0]  }
0x11c: {  	v3 =	vmul.f32 v6, v3;
	v4 =	vld [tilespmem:s11+$0xE0]  }
0x11d: {  	v6 =	vld [tilespmem:s8+$0xFFFFFF60]  }
0x11e: {  	[tilespmem:s8+$0xFFFFFFD0] =	vst v3;
	v2 =	vmul.f32 v7, v2;
	v3 =	vld [tilespmem:s8+$0xFFFFFFE0]  }
0x11f: {  	v7 =	vld [tilespmem:s11+$0xFFFFFFE0];
	v1 =	vmul.f32 v1, v5  }
0x120: {  	[tilespmem:s8+$0x50] =	vst v2;
	v2 =	vld [tilespmem:s8+$0x60]  }
0x121: {  	v5 =	vld [tilespmem:s11+$0x60];
	[tilespmem:s8+$0xFFFFFF50] =	vst v1;
	v0 =	vmul.f32 v4, v0  }
0x122: {  	v4 =	vld [tilespmem:s11+$0xFFFFFF60]  }
0x123: {  	v8 =	vld [tilespmem:s8+$0xF0];
	[tilespmem:s8+$0xE0] =	vst v0  }
0x124: {  	v1 =	vmul.f32 v7, v3;
	v7 =	vld [tilespmem:s11+$0xF0]  }
0x125: {  	v0 =	vld [tilespmem:s8+$0xFFFFFF70]  }
0x126: {  	[tilespmem:s8+$0xFFFFFFE0] =	vst v1;
	v2 =	vmul.f32 v5, v2;
	v1 =	vld [tilespmem:s8+$0xFFFFFFF0]  }
0x127: {  	v3 =	vld [tilespmem:s11+$0xFFFFFFF0];
	v4 =	vmul.f32 v4, v6  }
0x128: {  	[tilespmem:s8+$0x60] =	vst v2;
	v2 =	vld [tilespmem:s8+$0x70]  }
0x129: {  	[tilespmem:s8+$0xFFFFFF60] =	vst v4;
	v4 =	vld [tilespmem:s11+$0x70];
	v6 =	vmul.f32 v7, v8  }
0x12a: {  	s13 =	simm.s32 $0x2F00;
	s12 =	simm.s32 $0x0;
	v5 =	vld [tilespmem:s11+$0xFFFFFF70]  }
.LBB2_5:
0x12b: {  	v7 =	vld [tilespmem:s13+$0x80];
	[tilespmem:s8+$0xF0] =	vst v6;
	s11 =	sadd.s32 $0x200, s11  }
0x12c: {  	s12 =	sadd.s32 $0x4, s12;
	v6 =	vld [tilespmem:s11+$0x80];
	v1 =	vmul.f32 v3, v1  }
0x12d: {  	p0 =	slt.u32 s12, $0x4C;
	v3 =	vld [tilespmem:s11+$0xFFFFFF00]  }
0x12e: {  	v8 =	vld [tilespmem:s13+$0xFFFFFF80];
	[tilespmem:s8+$0xFFFFFFF0] =	vst v1;
	v1 =	vmul.f32 v4, v2  }
0x12f: {  	v2 =	vld [tilespmem:s11+$0xFFFFFF80];
	v0 =	vmul.f32 v5, v0  }
0x130: {  	v4 =	vld [tilespmem:s13+$0x0];
	[tilespmem:s8+$0x70] =	vst v1  }
0x131: {  	v1 =	vld [tilespmem:s11+$0x0];
	v5 =	vmul.f32 v6, v7;
	[tilespmem:s8+$0xFFFFFF70] =	vst v0;
	s8 =	smov.u32 s13  }
0x132: {  	v0 =	vld [tilespmem:s13+$0xFFFFFF00]  }
0x133: {  	[tilespmem:s13+$0x80] =	vst v5;
	v5 =	vld [tilespmem:s13+$0x90]  }
0x134: {  	v2 =	vmul.f32 v2, v8;
	v6 =	vld [tilespmem:s11+$0x90]  }
0x135: {  	v7 =	vld [tilespmem:s13+$0xFFFFFF10]  }
0x136: {  	[tilespmem:s13+$0xFFFFFF80] =	vst v2;
	v2 =	vld [tilespmem:s13+$0xFFFFFF90];
	v1 =	vmul.f32 v1, v4  }
0x137: {  	v0 =	vmul.f32 v3, v0;
	v3 =	vld [tilespmem:s11+$0xFFFFFF90]  }
0x138: {  	[tilespmem:s13+$0x0] =	vst v1;
	v1 =	vld [tilespmem:s13+$0x10]  }
0x139: {  	[tilespmem:s13+$0xFFFFFF00] =	vst v0;
	v0 =	vld [tilespmem:s11+$0x10];
	v4 =	vmul.f32 v6, v5  }
0x13a: {  	v5 =	vld [tilespmem:s11+$0xFFFFFF10]  }
0x13b: {  	[tilespmem:s13+$0x90] =	vst v4;
	v4 =	vld [tilespmem:s13+$0xA0]  }
0x13c: {  	v2 =	vmul.f32 v3, v2;
	v3 =	vld [tilespmem:s11+$0xA0]  }
0x13d: {  	v6 =	vld [tilespmem:s13+$0xFFFFFF20]  }
0x13e: {  	[tilespmem:s13+$0xFFFFFF90] =	vst v2;
	v2 =	vld [tilespmem:s13+$0xFFFFFFA0];
	v0 =	vmul.f32 v0, v1  }
0x13f: {  	v1 =	vmul.f32 v5, v7;
	v5 =	vld [tilespmem:s11+$0xFFFFFFA0]  }
0x140: {  	[tilespmem:s13+$0x10] =	vst v0;
	v0 =	vld [tilespmem:s13+$0x20]  }
0x141: {  	[tilespmem:s13+$0xFFFFFF10] =	vst v1;
	v1 =	vld [tilespmem:s11+$0x20];
	v3 =	vmul.f32 v3, v4  }
0x142: {  	v4 =	vld [tilespmem:s11+$0xFFFFFF20]  }
0x143: {  	[tilespmem:s13+$0xA0] =	vst v3;
	v3 =	vld [tilespmem:s13+$0xB0]  }
0x144: {  	v2 =	vmul.f32 v5, v2;
	v5 =	vld [tilespmem:s11+$0xB0]  }
0x145: {  	v7 =	vld [tilespmem:s13+$0xFFFFFF30]  }
0x146: {  	[tilespmem:s13+$0xFFFFFFA0] =	vst v2;
	v2 =	vld [tilespmem:s13+$0xFFFFFFB0];
	v0 =	vmul.f32 v1, v0  }
0x147: {  	v1 =	vmul.f32 v4, v6;
	v4 =	vld [tilespmem:s11+$0xFFFFFFB0]  }
0x148: {  	[tilespmem:s13+$0x20] =	vst v0;
	v0 =	vld [tilespmem:s13+$0x30]  }
0x149: {  	[tilespmem:s13+$0xFFFFFF20] =	vst v1;
	v1 =	vld [tilespmem:s11+$0x30];
	v3 =	vmul.f32 v5, v3  }
0x14a: {  	v5 =	vld [tilespmem:s11+$0xFFFFFF30]  }
0x14b: {  	[tilespmem:s13+$0xB0] =	vst v3;
	v3 =	vld [tilespmem:s13+$0xC0]  }
0x14c: {  	v2 =	vmul.f32 v4, v2;
	v4 =	vld [tilespmem:s11+$0xC0]  }
0x14d: {  	v6 =	vld [tilespmem:s13+$0xFFFFFF40]  }
0x14e: {  	[tilespmem:s13+$0xFFFFFFB0] =	vst v2;
	v2 =	vld [tilespmem:s13+$0xFFFFFFC0];
	v0 =	vmul.f32 v1, v0  }
0x14f: {  	v1 =	vmul.f32 v5, v7;
	v5 =	vld [tilespmem:s11+$0xFFFFFFC0]  }
0x150: {  	[tilespmem:s13+$0x30] =	vst v0;
	v0 =	vld [tilespmem:s13+$0x40]  }
0x151: {  	[tilespmem:s13+$0xFFFFFF30] =	vst v1;
	v1 =	vld [tilespmem:s11+$0x40];
	v3 =	vmul.f32 v4, v3  }
0x152: {  	v4 =	vld [tilespmem:s11+$0xFFFFFF40]  }
0x153: {  	[tilespmem:s13+$0xC0] =	vst v3;
	v3 =	vld [tilespmem:s13+$0xD0]  }
0x154: {  	v2 =	vmul.f32 v5, v2;
	v5 =	vld [tilespmem:s11+$0xD0]  }
0x155: {  	v7 =	vld [tilespmem:s13+$0xFFFFFF50]  }
0x156: {  	[tilespmem:s13+$0xFFFFFFC0] =	vst v2;
	v2 =	vld [tilespmem:s13+$0xFFFFFFD0];
	v0 =	vmul.f32 v1, v0  }
0x157: {  	v1 =	vmul.f32 v4, v6;
	v4 =	vld [tilespmem:s11+$0xFFFFFFD0]  }
0x158: {  	[tilespmem:s13+$0x40] =	vst v0;
	v0 =	vld [tilespmem:s13+$0x50]  }
0x159: {  	[tilespmem:s13+$0xFFFFFF40] =	vst v1;
	v1 =	vld [tilespmem:s11+$0x50];
	v3 =	vmul.f32 v5, v3  }
0x15a: {  	v5 =	vld [tilespmem:s11+$0xFFFFFF50]  }
0x15b: {  	[tilespmem:s13+$0xD0] =	vst v3;
	v3 =	vld [tilespmem:s13+$0xE0]  }
0x15c: {  	v2 =	vmul.f32 v4, v2;
	v4 =	vld [tilespmem:s11+$0xE0]  }
0x15d: {  	v6 =	vld [tilespmem:s13+$0xFFFFFF60]  }
0x15e: {  	[tilespmem:s13+$0xFFFFFFD0] =	vst v2;
	v2 =	vld [tilespmem:s13+$0xFFFFFFE0];
	v0 =	vmul.f32 v1, v0  }
0x15f: {  	v1 =	vmul.f32 v5, v7;
	v5 =	vld [tilespmem:s11+$0xFFFFFFE0]  }
0x160: {  	[tilespmem:s13+$0x50] =	vst v0;
	v7 =	vld [tilespmem:s13+$0x60]  }
0x161: {  	[tilespmem:s13+$0xFFFFFF50] =	vst v1;
	v8 =	vld [tilespmem:s11+$0x60];
	v0 =	vmul.f32 v4, v3  }
0x162: {  	v3 =	vld [tilespmem:s11+$0xFFFFFF60]  }
0x163: {  	[tilespmem:s13+$0xE0] =	vst v0;
	v9 =	vld [tilespmem:s13+$0xF0]  }
0x164: {  	v1 =	vmul.f32 v5, v2;
	v5 =	vld [tilespmem:s11+$0xF0]  }
0x165: {  	v0 =	vld [tilespmem:s13+$0xFFFFFF70]  }
.Ltmp1:
0x166: {  	[tilespmem:s13+$0xFFFFFFE0] =	vst v1;
	v1 =	vld [tilespmem:s13+$0xFFFFFFF0];
	v2 =	vmul.f32 v8, v7;
	(pc) =	sbr.rel @p0 .LBB2_5-.Ltmp1, $4  }
0x167: {  	v4 =	vmul.f32 v3, v6;
	v3 =	vld [tilespmem:s11+$0xFFFFFFF0]  }
0x168: {  	[tilespmem:s13+$0x60] =	vst v2;
	v2 =	vld [tilespmem:s13+$0x70]  }
0x169: {  	[tilespmem:s13+$0xFFFFFF60] =	vst v4;
	v4 =	vld [tilespmem:s11+$0x70];
	v6 =	vmul.f32 v5, v9  }
0x16a: {  	s13 =	sadd.s32 $0x200, s13;
	v5 =	vld [tilespmem:s11+$0xFFFFFF70]  }
0x16b: {  	_ =	sdelay $0x1  }
0x16c: {  	v1 =	vmul.f32 v3, v1  }
0x16d: {  	[tilespmem:s8+$0xF0] =	vst v6;
	v2 =	vmul.f32 v4, v2  }
0x16e: {  	s21 =	sadd.s32 $0x1, s21;
	[tilespmem:s8+$0xFFFFFFF0] =	vst v1;
	v0 =	vmul.f32 v5, v0  }
0x16f: {  	p0 =	sne.s32 s21, $0x40;
	[tilespmem:s8+$0x70] =	vst v2  }
.Ltmp2:
0x170: {  	s24 =	sor.u32 $0x200, s22;
	[tilespmem:s8+$0xFFFFFF70] =	vst v0;
	(pc) =	sbr.rel @p0 .LBB2_2-.Ltmp2, $4  }
0x171: {  	[spmem:s1] =	stream.indirect.scatter.add.f32 [tilespmem:s29], [sflag:$0x6], $0x80, s24, s25, $0xb8;
	[tilespmem:$0x1E400] =	vst v63  }
0x172: {  	_ =	swait.ge [sflag:s19], $0x2800  }
0x173: {  	[sflag:s19] =	ssyncset.done $0x0  }
0x174: {  	[sflag:s19] =	ssyncadd.s32 $0xFFFFD800  }
0x175: {  	s20 =	sadd.s32 $0x1, s20  }
0x176: {  	p0 =	sne.s32 s20, s17  }
.Ltmp3:
0x177: {  	[bflag:$0x0] =	sbarrier.arrive $0xFFFF;
	(pc) =	sbr.rel @p0 .LBB2_1-.Ltmp3, $4  }
0x178: {  	[hbm:s16], [sflag:s10] =	dma.local [spmem:s18], $0x2800  }
0x179: {  	_ =	swait.ge [sflag:s19], $0x2800  }
0x17a: {  	[sflag:s19] =	ssyncset.done $0x0  }
0x17b: {  	[sflag:s19] =	ssyncadd.s32 $0xFFFFD800  }
0x17c: {  	_ =	sfence.sel $0x180000  }
0x17d: {  	[bflag:$0x0] =	sbarrier.arrive $0xFFFF  }
0x17e: {  	_ =	strace $0x90000050  }
0x17f: {  	s0 =	stileid.u32;
	[bflag:$0x2] =	sbarrier.arrive $0xFFFF  }
0x180: {  	p0 =	sne.s32 s0, $0x0;
	s0 =	rddreg [dreg:$0x2]  }
0x181: {  	s0 =	sadd.s32 @!p0 $0x100000, s0  }
0x182: {  	[sflag:s0] =	ssyncadd.tile.s32 @!p0 $0x1;
	_ =	shalt  }
.Lfunc_end2:
_tile_overlayer_lowered:
.L_overlay_start_2:
0x183: {  	(tag) =	ssettag $0x2  }
0x184: {  	s0 =	rddreg [dreg:$0x0];
	s2 =	stileid.u32  }
0x185: {  	s1 =	rddreg [dreg:$0x1];
	p0 =	sne.s32 s2, $0x0  }
0x186: {  	s3 =	rddreg [dreg:$0x2];
	[bflag:$0x3] =	sbarrier.arrive $0xFFFF;
	s2 =	simm.s32 @!p0 $0x1C06  }
0x187: {  	[timem:s3], [sflag:s2] =	dma.local @!p0 [hbm:s0], s1  }
0x188: {  	s0 =	simm.s32 @!p0 $0x6  }
0x189: {  	_ =	swait.ge @!p0 [sflag:s0], s1  }
0x18a: {  	s1 =	ssub.s32 @!p0 $0x0, s1;
	[sflag:s0] =	ssyncset.done @!p0 $0x0  }
0x18b: {  	[sflag:s0] =	ssyncadd.s32 @!p0 s1  }
0x18c: {  	[bflag:$0x3] =	sbarrier.arrive $0xFFFF  }
0x18d: {  	_ =	shalt  }

// kernel: kernel.28.cloned.1.call-start
scs
__scs_entry_jumppad:
0x0: {  	(pc) =	sbr.rel $0x88, $3  }
0x1: {  	(tag) =	ssettag $0x0;
	lr =	simm.s32 $0x1  }
0x2: {  	[smem:$0x3F90] =	sst lr;
	_ =	strace $0xD0000000  }
0x3: {  	_ = 	snop  }
0x4: {  	_ = 	snop  }
0x5: {  	_ = 	snop  }
0x6: {  	_ = 	snop  }
0x7: {  	_ = 	snop  }
__scs_overlays_trampoline_lowered:
0x8: {  	[smem:$0x3F9F] =	sst s0  }
0x9: {  	[smem:$0x3FA0] =	sst s1  }
0xa: {  	[smem:$0x3FA1] =	sst s2  }
0xb: {  	[smem:$0x3FA2] =	sst s3  }
0xc: {  	[smem:$0x3FA3] =	sst s4  }
0xd: {  	[smem:$0x3FA4] =	sst s5  }
0xe: {  	[smem:$0x3FA5] =	sst s6  }
0xf: {  	[smem:$0x3FA6] =	sst s7  }
0x10: {  	[smem:$0x3FA7] =	sst s8  }
0x11: {  	[smem:$0x3FA8] =	sst s9;
	s0 =	simm.s32 @!p0 $0x0  }
0x12: {  	s1 =	sld [smem:$0x3F8E];
	s0 =	simm.s32 @p0 $0x1  }
0x13: {  	[smem:$0x3FA9] =	sst s0;
	s0 =	simm.s32 @!p1 $0x0  }
0x14: {  	s2 =	sld [smem:$0x3F8D];
	s0 =	simm.s32 @p1 $0x1  }
0x15: {  	[smem:$0x3FAA] =	sst s0;
	s0 =	simm.s32 @!p2 $0x0  }
0x16: {  	s3 =	sld [smem:$0x3FDB];
	s0 =	simm.s32 @p2 $0x1  }
0x17: {  	s4 =	simm.s32 $0x1BF5;
	[smem:$0x3FAC] =	sst s0  }
0x18: {  	s0 =	sld [smem:$0x3F8F];
	_ =	swait.ge [sflag:s4], $0x0  }
0x19: {  	s7 =	sld [smem:$0x3F90]  }
0x1a: {  	s8 =	sadd.s32 $0xFFFFE003, lr  }
0x1b: {  	s9 =	sadd.s32 $0xFFFFFEF7, lr;
	s5 =	simm.s32 $0xFFFFFFFF;
	p2 =	slt.u32 s8, $0xFFFFF086  }
0x1c: {  	p1 =	slt.u32 s9, $0xF7A;
	s5 =	simm.s32 @!p2 $0x0  }
0x1d: {  	s5 =	simm.s32 @p1 $0x1;
	p0 =	seq.s32 s7, s2  }
0x1e: {  	s7 =	smul.u32 @!p0 $0xF7A, s2;
	p2 =	seq.s32 @!p0 s5, $0x0  }
0x1f: {  	s9 =	smul.u32 $0xF7A, s1;
	s8 =	simm.s32 @!p0 $0x1BF5;
	p2 =	por !p2, p0  }
0x20: {  	[sflag:s8] =	ssyncset.s32 @!p0 $0xFFFFF086;
	s6 =	sadd.s32 @!p0 s3, s7;
	s7 =	simm.s32 @!p0 $0x108  }
0x21: {  	s3 =	sadd.s32 s3, s9;
	s6 =	sadd.s32 @!p0 $0x88, s6;
	s7 =	simm.s32 @p2 $0x1082  }
0x22: {  	[simem:s7], [sflag:s8] =	dma.local @!p0 [hbm:s6], $0xF7A  }
0x23: {  	s9 =	sor.u32 $0xD0000000, s2;
	s6 =	simm.s32 $0x108;
	_ =	swait.ge @!p0 [sflag:s8], $0x0  }
0x24: {  	s3 =	sadd.s32 $0x88, s3;
	s6 =	simm.s32 @!p1 $0x1082;
	[sflag:s4] =	ssyncset.s32 $0xFFFFF086  }
0x25: {  	[simem:s6], [sflag:s4] =	dma.local [hbm:s3], $0xF7A  }
0x26: {  	[smem:$0x3F90] =	sst s1;
	(tag) =	ssettag s2;
	_ =	strace s9  }
0x27: {  	s1 =	sld [smem:$0x3FA0]  }
0x28: {  	s2 =	sld [smem:$0x3FA1]  }
0x29: {  	s4 =	sld [smem:$0x3FA3]  }
0x2a: {  	p0 =	seq.s32 s5, $0x0;
	s5 =	sld [smem:$0x3FA4]  }
0x2b: {  	s6 =	sld [smem:$0x3FA5]  }
0x2c: {  	s7 =	sld [smem:$0x3FA6]  }
0x2d: {  	s3 =	simm.s32 $0x108;
	s8 =	sld [smem:$0x3FA7]  }
0x2e: {  	s3 =	simm.s32 @!p0 $0x1082;
	s9 =	sld [smem:$0x3FA8]  }
0x2f: {  	lr =	sadd.s32 s0, s3;
	s0 =	sld [smem:$0x3F9F]  }
0x30: {  	s3 =	sld [smem:$0x3FA2]  }
0x31: {  	[smem:$0x3FAB] =	sst s10  }
0x32: {  	s10 =	sld [smem:$0x3FA9];
	_ =	sdelay $0x3  }
0x33: {  	p0 =	seq.s32 s10, $0x1;
	s10 =	sld [smem:$0x3FAB];
	_ =	sdelay $0x3  }
0x34: {  	[smem:$0x3FAB] =	sst s10  }
0x35: {  	s10 =	sld [smem:$0x3FAA];
	_ =	sdelay $0x3  }
0x36: {  	p1 =	seq.s32 s10, $0x1;
	s10 =	sld [smem:$0x3FAB];
	_ =	sdelay $0x3  }
0x37: {  	[smem:$0x3FAB] =	sst s10  }
0x38: {  	s10 =	sld [smem:$0x3FAC]  }
0x39: {  	_ = 	snop;
	(pc) =	sbr.ind lr, $3  }
0x3a: {  	_ = 	snop  }
0x3b: {  	_ = 	snop  }
0x3c: {  	p2 =	seq.s32 s10, $0x1;
	s10 =	sld [smem:$0x3FAB]  }
0x3d: {  	_ =	shalt  }
0x3e: {  	_ =	shalt  }
0x3f: {  	_ =	shalt  }
0x40: {  	_ =	shalt  }
0x41: {  	_ =	shalt  }
0x42: {  	_ =	shalt  }
0x43: {  	_ =	shalt  }
0x44: {  	_ =	shalt  }
0x45: {  	_ =	shalt  }
0x46: {  	_ =	shalt  }
0x47: {  	_ =	shalt  }
0x48: {  	_ =	shalt  }
0x49: {  	_ =	shalt  }
0x4a: {  	_ =	shalt  }
0x4b: {  	_ =	shalt  }
0x4c: {  	_ =	shalt  }
0x4d: {  	_ =	shalt  }
0x4e: {  	_ =	shalt  }
0x4f: {  	_ =	shalt  }
0x50: {  	_ =	shalt  }
0x51: {  	_ =	shalt  }
0x52: {  	_ =	shalt  }
0x53: {  	_ =	shalt  }
0x54: {  	_ =	shalt  }
0x55: {  	_ =	shalt  }
0x56: {  	_ =	shalt  }
0x57: {  	_ =	shalt  }
0x58: {  	_ =	shalt  }
0x59: {  	_ =	shalt  }
0x5a: {  	_ =	shalt  }
0x5b: {  	_ =	shalt  }
0x5c: {  	_ =	shalt  }
0x5d: {  	_ =	shalt  }
0x5e: {  	_ =	shalt  }
0x5f: {  	_ =	shalt  }
0x60: {  	_ =	shalt  }
0x61: {  	_ =	shalt  }
0x62: {  	_ =	shalt  }
0x63: {  	_ =	shalt  }
0x64: {  	_ =	shalt  }
0x65: {  	_ =	shalt  }
0x66: {  	_ =	shalt  }
0x67: {  	_ =	shalt  }
0x68: {  	_ =	shalt  }
0x69: {  	_ =	shalt  }
0x6a: {  	_ =	shalt  }
0x6b: {  	_ =	shalt  }
0x6c: {  	_ =	shalt  }
0x6d: {  	_ =	shalt  }
0x6e: {  	_ =	shalt  }
0x6f: {  	_ =	shalt  }
0x70: {  	_ =	shalt  }
0x71: {  	_ =	shalt  }
0x72: {  	_ =	shalt  }
0x73: {  	_ =	shalt  }
0x74: {  	_ =	shalt  }
0x75: {  	_ =	shalt  }
0x76: {  	_ =	shalt  }
0x77: {  	_ =	shalt  }
0x78: {  	_ =	shalt  }
0x79: {  	_ =	shalt  }
0x7a: {  	_ =	shalt  }
0x7b: {  	_ =	shalt  }
0x7c: {  	_ =	shalt  }
0x7d: {  	_ =	shalt  }
0x7e: {  	_ =	shalt  }
0x7f: {  	_ =	shalt  }
0x80: {  	_ =	shalt  }
0x81: {  	_ =	shalt  }
0x82: {  	_ =	shalt  }
0x83: {  	_ =	shalt  }
0x84: {  	_ =	shalt  }
0x85: {  	_ =	shalt  }
0x86: {  	_ =	shalt  }
0x87: {  	_ =	shalt  }
.Lfunc_end0:
.L_simem_size_0:
called_computation.4_lowered:
.L_overlay_start_0:
0x88: {  	s2 =	sld [smem:$0x3FD9]  }
0x89: {  	s3 =	sld [smem:$0x3FFE];
	_ =	sdelay $0x1  }
0x8a: {  	s1 =	srdreg.scid  }
0x8b: {  	s0 =	sand.u32 $0x1, s1  }
0x8c: {  	s16 =	sshll.u32 s0, $0xA;
	s2 =	sadd.s32 s3, s2  }
0x8d: {  	s2 =	sadd.s32 s2, s16  }
0x8e: {  	[smem:$0x3FB7] =	sst s2  }
0x8f: {  	_ = 	snop  }
0x90: {  	(tm) =	ssettm $0x1  }
0x91: {  	s17 =	sld [smem:$0x3FFB];
	_ =	sdelay $0x3  }
0x92: {  	_ =	strace s17  }
0x93: {  	s2 =	sld [smem:$0x3FFC];
	_ =	sdelay $0x3  }
0x94: {  	_ =	strace s2  }
0x95: {  	s2 =	sld [smem:$0x3FFD];
	_ =	sdelay $0x3  }
0x96: {  	_ =	strace s2  }
0x97: {  	_ =	strace $0x8FFFFFFF  }
0x98: {  	s18 =	sld [smem:$0x3FDB];
	_ =	sdelay $0x1  }
0x99: {  	s19 =	simm.s32 $_scs_section_size  }
0x9a: {  	s4 =	simm.s32 $_size__tile_overlayer_lowered;
	s5 =	simm.s32 $_tile_overlayer_lowered  }
0x9b: {  	s22 =	simm.s32 $0x1BFF;
	s21 =	sshll.u32 s5, $0x1;
	s2 =	sadd.s32 s19, s18  }
0x9c: {  	s6 =	simm.s32 $0x0;
	s20 =	sshll.u32 s4, $0x1;
	s4 =	sadd.s32 s21, s2  }
0x9d: {  	[timem:s6], [sflag:s22] =	dma.local [hbm:s4], s20  }
0x9e: {  	_ =	swait.ge [sflag:s22], s20  }
0x9f: {  	s3 =	ssub.s32 $0x0, s20;
	[sflag:s22] =	ssyncset.done $0x0  }
0xa0: {  	[sflag:s22] =	ssyncadd.s32 s3;
	_ =	sdelay $0x1  }
0xa1: {  	s23 =	simm.s32 $0x1B8B  }
0xa2: {  	_ =	swait.ge [sflag:s23], $0x1  }
0xa3: {  	[sflag:s23] =	ssyncset.done $0x0  }
0xa4: {  	s25 =	simm.s32 $0x1B8E;
	s24 =	sld [smem:$0x3FFE];
	[sflag:s23] =	ssyncadd.s32 $0xFFFFFFFF  }
0xa5: {  	s26 =	simm.s32 $execute0_lowered;
	[smem:$0x3FD2] =	sst s25  }
0xa6: {  	s4 =	sshll.u32 s26, $0x1;
	_ =	strace $0x80000052;
	[dreg:$0x1] =	wrdreg $0xFFFFFFFF  }
0xa7: {  	s28 =	simm.s32 $_size_execute0_lowered;
	s2 =	sadd.s32 s2, s4;
	[dreg:$0x0] =	wrdreg $0x0  }
0xa8: {  	s4 =	sshll.u32 s28, $0x1;
	[dreg:$0x2] =	wrdreg s2  }
0xa9: {  	[dreg:$0x3] =	wrdreg s4  }
0xaa: {  	[dreg:$0x4] =	wrdreg $0xC0  }
0xab: {  	_ =	task [dreg:s6], $0x5FFFF  }
0xac: {  	[dreg:$0x1] =	wrdreg $0xFFFFFFFF  }
0xad: {  	[dreg:$0x0] =	wrdreg $0x60  }
0xae: {  	[dreg:$0x2] =	wrdreg s24  }
0xaf: {  	[dreg:$0x3] =	wrdreg $0xA4000  }
0xb0: {  	[dreg:$0x4] =	wrdreg $0x9  }
0xb1: {  	_ =	task.clear_ibuf [dreg:s6], $0x5FFFF;
	_ =	strace $0x90000052  }
0xb2: {  	s29 =	simm.s32 $0x9;
	_ =	strace $0x80000054  }
0xb3: {  	_ =	swait.ge [sflag:s29], $0x1  }
0xb4: {  	[sflag:s29] =	ssyncadd.s32 $0xFFFFFFFF  }
0xb5: {  	_ =	strace $0x90000054  }
0xb6: {  	_ =	sfence  }
0xb7: {  	s30 =	sld [smem:$0x0];
	_ =	sdelay $0x2  }
0xb8: {  	s31 =	sshll.u32 s1, $0xD;
	s1 =	sshrl.u32 s1, $0x2  }
0xb9: {  	s3 =	sand.u32 $0x4000, s31;
	s1 =	sadd.s32 s1, s30  }
0xba: {  	s0 =	sor.u32 s3, s0;
	s1 =	sshll.u32 s1, $0x11  }
0xbb: {  	s0 =	sor.u32 s1, s0  }
0xbc: {  	s0 =	sadd.s32 $0x8F2B, s0  }
0xbd: {  	[sflag:s0] =	ssyncadd.remote.s32 $0x1  }
0xbe: {  	_ =	sfence.sel $0xFFFF  }
0xbf: {  	[dreg:$0x0] =	wrdreg $0xFFFFFFFF;
	(pc) =	sbr.abs _section_cstart, $3  }
0xc0: {  	[dreg:$0x1] =	wrdreg $0xFFFFFFFF  }
0xc1: {  	_ =	task.clear_ibuf [dreg:s6], $0x2FFFF;
	_ =	strace $0x9FFFFFFF  }
0xc2: {  	(tm) =	ssettm $0x7FFFFFFF  }
0xc3: {  	_ =	shalt  }
tec
execute0_lowered:
.L_overlay_start_1:
0x0: {  	(tag) =	ssettag $0x1  }
0x1: {  	s0 =	rddreg [dreg:$0x0]  }
0x2: {  	s1 =	rddreg [dreg:$0x1];
	s3 =	simm.s32 $0x0;
	s2 =	srdreg.scid  }
0x3: {  	s12 =	stileid.u32;
	s28 =	simm.s32 $0x7C00;
	s29 =	simm.s32 $0x2C00  }
0x4: {  	s30 =	simm.s32 $0x4;
	s31 =	simm.s32 $0x2;
	[smem:$0x7FF] =	sst s3  }
0x5: {  	s2 =	sand.u32 $0x1, s2;
	s8 =	smul.u32 $0x2800, s12;
	s4 =	sadd.s32 $0x22000, s0  }
0x6: {  	s5 =	sadd.s32 $0x1012C00, s0;
	s6 =	sadd.s32 $0xB800, s0;
	s7 =	sadd.s32 $0x15800, s0  }
0x7: {  	s10 =	sadd.s32 $0x1F800, s0;
	s19 =	sshll.u32 s12, $0x1;
	s20 =	smul.u32 $0x50000, s12  }
0x8: {  	s22 =	sshll.u32 s12, $0x6;
	_ =	strace $0x80000053;
	s9 =	smul.u32 $0x28000, s2  }
0x9: {  	[dreg:$0x3] =	wrdreg s10;
	s18 =	ssub.s32 $0x2, s2;
	s2 =	sor.u32 s2, s19  }
0xa: {  	s19 =	simm.s32 $0x6;
	s11 =	sshrl.u32 s18, $0x1;
	s10 =	sshrl.u32 s20, $0x2  }
0xb: {  	s23 =	smul.u32 $0x500, s2;
	s20 =	simm.s32 $0x0;
	s8 =	sadd.s32 s8, s9  }
0xc: {  	s21 =	ssub.s32 s18, s11;
	s9 =	sshll.u32 s2, $0x7;
	s13 =	sadd.s32 s10, s1  }
0xd: {  	s10 =	sor.u32 $0x1C06, s22;
	s2 =	smul.u32 $0x28000, s2;
	s0 =	sadd.s32 s8, s0  }
0xe: {  	s24 =	sadd.s32 s6, s23;
	s25 =	sadd.s32 s7, s23;
	s26 =	sor.u32 $0xA, s23  }
0xf: {  	s17 =	smax.u32 s21, $0x1;
	s18 =	sshrl.u32 s13, $0x3;
	[dreg:$0x4] =	wrdreg s24  }
0x10: {  	s23 =	simm.s32 $0x1;
	[dreg:$0x5] =	wrdreg s25;
	s12 =	sadd.s32 s6, s26  }
0x11: {  	s11 =	sadd.s32 s7, s26;
	s15 =	sadd.s32 s5, s2;
	s16 =	sadd.s32 $0x73000, s0  }
0x12: {  	s25 =	simm.s32 $0x50;
	s26 =	simm.s32 $0x400;
	[dreg:$0x6] =	wrdreg s12  }
0x13: {  	s0 =	simm.s32 $0x5;
	s2 =	simm.s32 $0x3;
	[dreg:$0x7] =	wrdreg s11  }
.LBB2_1:
0x14: {  	s8 =	rddreg [dreg:$0x3]  }
0x15: {  	[spmem:s18], [sflag:s10] =	dma.local [hbm:s8], $0x2800  }
0x16: {  	_ =	swait.ge [sflag:s19], $0x2800  }
0x17: {  	[sflag:s19] =	ssyncset.done $0x0  }
0x18: {  	[sflag:s19] =	ssyncadd.s32 $0xFFFFD800  }
0x19: {  	[bflag:$0x0] =	sbarrier.arrive $0xFFFF  }
0x1a: {  	s11 =	rddreg [dreg:$0x4]  }
0x1b: {  	[tilespmem:s3], [sflag:$0x1] =	stream.linear.gather [hbm4b:s11+s3], $0x50, $0x38;
	[tilespmem:$0x1E400] =	vst v63  }
0x1c: {  	s12 =	rddreg [dreg:$0x5];
	s11 =	simm.s32 $0x200  }
0x1d: {  	[tilespmem:s11], [sflag:$0x1] =	stream.linear.gather [hbm4b:s12+s3], $0x50, $0x38;
	[tilespmem:$0x1E400] =	vst v63  }
0x1e: {  	s14 =	simm.s32 $0x80;
	s13 =	rddreg [dreg:$0x6]  }
0x1f: {  	[tilespmem:s14], [sflag:$0x1] =	stream.linear.gather [hbm4b:s13+s3], $0x50, $0x38;
	[tilespmem:$0x1E400] =	vst v63  }
0x20: {  	s22 =	simm.s32 $0x280;
	s21 =	rddreg [dreg:$0x7]  }
0x21: {  	[tilespmem:s22], [sflag:$0x1] =	stream.linear.gather [hbm4b:s21+s3], $0x50, $0x38;
	[tilespmem:$0x1E400] =	vst v63  }
0x22: {  	_ =	swait.ge [sflag:s23], $0x50  }
0x23: {  	[sflag:s23] =	ssyncset.done $0x0  }
0x24: {  	[sflag:s23] =	ssyncadd.s32 $0xFFFFFFB0  }
0x25: {  	_ =	swait.ge [sflag:s23], $0x50  }
0x26: {  	[sflag:s23] =	ssyncset.done $0x0  }
0x27: {  	[sflag:s23] =	ssyncadd.s32 $0xFFFFFFB0  }
0x28: {  	_ =	swait.ge [sflag:s23], $0x50  }
0x29: {  	[sflag:s23] =	ssyncset.done $0x0  }
0x2a: {  	[sflag:s23] =	ssyncadd.s32 $0xFFFFFFB0  }
0x2b: {  	_ =	swait.ge [sflag:s23], $0x50  }
0x2c: {  	[sflag:s23] =	ssyncset.done $0x0  }
0x2d: {  	s24 =	simm.s32 $0x5400;
	[sflag:s23] =	ssyncadd.s32 $0xFFFFFFB0  }
0x2e: {  	[tilespmem:s24], [sflag:$0x4] =	stream.linear.gather [hbm4b:s15+s3], $0x2800, $0x38;
	[tilespmem:$0x1E400] =	vst v63  }
0x2f: {  	s21 =	simm.s32 $0x0  }
0x30: {  	[tilespmem:s26], [sflag:$0x2] =	stream.indirect.gather [hbm4b:s4+s25], $0x80, s3, s25, $0xb8;
	[tilespmem:$0x1E400] =	vst v63  }
.LBB2_2:
0x31: {  	s11 =	sshll.u32 s21, $0x1  }
0x32: {  	p0 =	seq.s32 s21, $0x3F;
	s12 =	sadd.s32 $0x2, s11  }
0x33: {  	s8 =	sadd.s32 @!p0 s9, s12  }
0x34: {  	s13 =	smul.u32 @!p0 $0xA, s8  }
0x35: {  	s12 =	sand.u32 $0x2, s12  }
0x36: {  	s14 =	simm.s32 @!p0 $0x0;
	s24 =	sshll.u32 @!p0 s12, $0x7;
	s12 =	sadd.s32 @!p0 s6, s13  }
0x37: {  	[tilespmem:s24], [sflag:$0x1] =	stream.linear.gather @!p0 [hbm4b:s12+s14], $0x50, $0x38;
	[tilespmem:$0x1E400] =	vst v63  }
0x38: {  	s11 =	sadd.s32 @!p0 $0x3, s11;
	s13 =	sadd.s32 @!p0 s7, s13;
	s12 =	sor.u32 @!p0 $0x200, s24  }
0x39: {  	[tilespmem:s12], [sflag:$0x1] =	stream.linear.gather @!p0 [hbm4b:s13+s14], $0x50, $0x38;
	[tilespmem:$0x1E400] =	vst v63  }
0x3a: {  	s12 =	sadd.s32 @!p0 s9, s11  }
0x3b: {  	s12 =	smul.u32 @!p0 $0xA, s12  }
0x3c: {  	s11 =	sshll.u32 @!p0 s11, $0x7  }
0x3d: {  	s13 =	sshllo.u32 s21, $0x1;
	s11 =	sand.u32 @!p0 $0x180, s11;
	s22 =	sadd.s32 @!p0 s6, s12  }
0x3e: {  	[tilespmem:s11], [sflag:$0x1] =	stream.linear.gather @!p0 [hbm4b:s22+s14], $0x50, $0x38;
	[tilespmem:$0x1E400] =	vst v63  }
0x3f: {  	s22 =	sadd.s32 s9, s13  }
0x40: {  	s12 =	sadd.s32 @!p0 s7, s12;
	s11 =	sor.u32 @!p0 $0x200, s11;
	s22 =	smul.u32 $0x500, s22  }
0x41: {  	[tilespmem:s11], [sflag:$0x1] =	stream.linear.gather @!p0 [hbm4b:s12+s14], $0x50, $0x38;
	[tilespmem:$0x1E400] =	vst v63  }
0x42: {  	s14 =	sadd.s32 s5, s22;
	s22 =	sshll.u32 s13, $0x7  }
0x43: {  	[tilespmem:s28], [sflag:$0x5] =	stream.linear.gather [hbm4b:s14+s3], $0x2800, $0x38;
	[tilespmem:$0x1E400] =	vst v63  }
0x44: {  	s22 =	sand.u32 $0x180, s22  }
0x45: {  	[tilespmem:s29], [sflag:$0x3] =	stream.indirect.gather [hbm4b:s4+s25], $0x80, s22, s25, $0xb8;
	[tilespmem:$0x1E400] =	vst v63  }
0x46: {  	_ =	swait.ge [sflag:s30], $0x2800  }
0x47: {  	[sflag:s30] =	ssyncset.done $0x0  }
0x48: {  	[sflag:s30] =	ssyncadd.s32 $0xFFFFD800  }
0x49: {  	_ =	swait.ge [sflag:s31], $0x2800  }
0x4a: {  	[sflag:s31] =	ssyncset.done $0x0  }
0x4b: {  	s11 =	simm.s32 $0x500;
	[sflag:s31] =	ssyncadd.s32 $0xFFFFD800  }
0x4c: {  	s12 =	simm.s32 $0x5500;
	v0 =	vld [tilespmem:s11+$0x80]  }
0x4d: {  	v1 =	vld [tilespmem:s12+$0x80]  }
0x4e: {  	v2 =	vld [tilespmem:s11+$0xFFFFFF80]  }
0x4f: {  	v3 =	vld [tilespmem:s12+$0xFFFFFF80]  }
0x50: {  	v4 =	vld [tilespmem:s11+$0x0]  }
0x51: {  	v5 =	vld [tilespmem:s12+$0x0]  }
0x52: {  	v6 =	vld [tilespmem:s11+$0xFFFFFF00];
	v0 =	vmul.f32 v1, v0  }
0x53: {  	v1 =	vld [tilespmem:s12+$0xFFFFFF00]  }
0x54: {  	[tilespmem:s11+$0x80] =	vst v0;
	v0 =	vld [tilespmem:s11+$0x90]  }
0x55: {  	v2 =	vmul.f32 v3, v2;
	v3 =	vld [tilespmem:s12+$0x90]  }
0x56: {  	v7 =	vld [tilespmem:s11+$0xFFFFFF10]  }
0x57: {  	[tilespmem:s11+$0xFFFFFF80] =	vst v2;
	v2 =	vmul.f32 v5, v4;
	v4 =	vld [tilespmem:s11+$0xFFFFFF90]  }
0x58: {  	v5 =	vld [tilespmem:s12+$0xFFFFFF90];
	v1 =	vmul.f32 v1, v6  }
0x59: {  	[tilespmem:s11+$0x0] =	vst v2;
	v2 =	vld [tilespmem:s11+$0x10]  }
0x5a: {  	v6 =	vld [tilespmem:s12+$0x10];
	[tilespmem:s11+$0xFFFFFF00] =	vst v1;
	v0 =	vmul.f32 v3, v0  }
0x5b: {  	v1 =	vld [tilespmem:s12+$0xFFFFFF10]  }
0x5c: {  	[tilespmem:s11+$0x90] =	vst v0;
	v0 =	vld [tilespmem:s11+$0xA0]  }
0x5d: {  	v3 =	vmul.f32 v5, v4;
	v4 =	vld [tilespmem:s12+$0xA0]  }
0x5e: {  	v5 =	vld [tilespmem:s11+$0xFFFFFF20]  }
0x5f: {  	[tilespmem:s11+$0xFFFFFF90] =	vst v3;
	v2 =	vmul.f32 v6, v2;
	v3 =	vld [tilespmem:s11+$0xFFFFFFA0]  }
0x60: {  	v6 =	vld [tilespmem:s12+$0xFFFFFFA0];
	v1 =	vmul.f32 v1, v7  }
0x61: {  	[tilespmem:s11+$0x10] =	vst v2;
	v2 =	vld [tilespmem:s11+$0x20]  }
0x62: {  	v7 =	vld [tilespmem:s12+$0x20];
	[tilespmem:s11+$0xFFFFFF10] =	vst v1;
	v0 =	vmul.f32 v4, v0  }
0x63: {  	v1 =	vld [tilespmem:s12+$0xFFFFFF20]  }
0x64: {  	[tilespmem:s11+$0xA0] =	vst v0;
	v0 =	vld [tilespmem:s11+$0xB0]  }
0x65: {  	v3 =	vmul.f32 v6, v3;
	v4 =	vld [tilespmem:s12+$0xB0]  }
0x66: {  	v6 =	vld [tilespmem:s11+$0xFFFFFF30]  }
0x67: {  	[tilespmem:s11+$0xFFFFFFA0] =	vst v3;
	v2 =	vmul.f32 v7, v2;
	v3 =	vld [tilespmem:s11+$0xFFFFFFB0]  }
0x68: {  	v7 =	vld [tilespmem:s12+$0xFFFFFFB0];
	v1 =	vmul.f32 v1, v5  }
0x69: {  	[tilespmem:s11+$0x20] =	vst v2;
	v2 =	vld [tilespmem:s11+$0x30]  }
0x6a: {  	v5 =	vld [tilespmem:s12+$0x30];
	[tilespmem:s11+$0xFFFFFF20] =	vst v1;
	v0 =	vmul.f32 v4, v0  }
0x6b: {  	v1 =	vld [tilespmem:s12+$0xFFFFFF30]  }
0x6c: {  	[tilespmem:s11+$0xB0] =	vst v0;
	v0 =	vld [tilespmem:s11+$0xC0]  }
0x6d: {  	v3 =	vmul.f32 v7, v3;
	v4 =	vld [tilespmem:s12+$0xC0]  }
0x6e: {  	v7 =	vld [tilespmem:s11+$0xFFFFFF40]  }
0x6f: {  	[tilespmem:s11+$0xFFFFFFB0] =	vst v3;
	v2 =	vmul.f32 v5, v2;
	v3 =	vld [tilespmem:s11+$0xFFFFFFC0]  }
0x70: {  	v5 =	vld [tilespmem:s12+$0xFFFFFFC0];
	v1 =	vmul.f32 v1, v6  }
0x71: {  	[tilespmem:s11+$0x30] =	vst v2;
	v2 =	vld [tilespmem:s11+$0x40]  }
0x72: {  	v6 =	vld [tilespmem:s12+$0x40];
	[tilespmem:s11+$0xFFFFFF30] =	vst v1;
	v0 =	vmul.f32 v4, v0  }
0x73: {  	v1 =	vld [tilespmem:s12+$0xFFFFFF40]  }
0x74: {  	[tilespmem:s11+$0xC0] =	vst v0;
	v0 =	vld [tilespmem:s11+$0xD0]  }
0x75: {  	v3 =	vmul.f32 v5, v3;
	v4 =	vld [tilespmem:s12+$0xD0]  }
0x76: {  	v5 =	vld [tilespmem:s11+$0xFFFFFF50]  }
0x77: {  	[tilespmem:s11+$0xFFFFFFC0] =	vst v3;
	v2 =	vmul.f32 v6, v2;
	v3 =	vld [tilespmem:s11+$0xFFFFFFD0]  }
0x78: {  	v6 =	vld [tilespmem:s12+$0xFFFFFFD0];
	v1 =	vmul.f32 v1, v7  }
0x79: {  	[tilespmem:s11+$0x40] =	vst v2;
	v2 =	vld [tilespmem:s11+$0x50]  }
0x7a: {  	v7 =	vld [tilespmem:s12+$0x50];
	[tilespmem:s11+$0xFFFFFF40] =	vst v1;
	v0 =	vmul.f32 v4, v0  }
0x7b: {  	v1 =	vld [tilespmem:s12+$0xFFFFFF50]  }
0x7c: {  	[tilespmem:s11+$0xD0] =	vst v0;
	v0 =	vld [tilespmem:s11+$0xE0]  }
0x7d: {  	v3 =	vmul.f32 v6, v3;
	v4 =	vld [tilespmem:s12+$0xE0]  }
0x7e: {  	v6 =	vld [tilespmem:s11+$0xFFFFFF60]  }
0x7f: {  	[tilespmem:s11+$0xFFFFFFD0] =	vst v3;
	v2 =	vmul.f32 v7, v2;
	v3 =	vld [tilespmem:s11+$0xFFFFFFE0]  }
0x80: {  	v7 =	vld [tilespmem:s12+$0xFFFFFFE0];
	v1 =	vmul.f32 v1, v5  }
0x81: {  	[tilespmem:s11+$0x50] =	vst v2;
	v2 =	vld [tilespmem:s11+$0x60]  }
0x82: {  	v5 =	vld [tilespmem:s12+$0x60];
	[tilespmem:s11+$0xFFFFFF50] =	vst v1;
	v0 =	vmul.f32 v4, v0  }
0x83: {  	v4 =	vld [tilespmem:s12+$0xFFFFFF60]  }
0x84: {  	v8 =	vld [tilespmem:s11+$0xF0];
	[tilespmem:s11+$0xE0] =	vst v0  }
0x85: {  	v1 =	vmul.f32 v7, v3;
	v7 =	vld [tilespmem:s12+$0xF0]  }
0x86: {  	v0 =	vld [tilespmem:s11+$0xFFFFFF70]  }
0x87: {  	[tilespmem:s11+$0xFFFFFFE0] =	vst v1;
	v2 =	vmul.f32 v5, v2;
	v1 =	vld [tilespmem:s11+$0xFFFFFFF0]  }
0x88: {  	v3 =	vld [tilespmem:s12+$0xFFFFFFF0];
	v4 =	vmul.f32 v4, v6  }
0x89: {  	[tilespmem:s11+$0x60] =	vst v2;
	v2 =	vld [tilespmem:s11+$0x70]  }
0x8a: {  	[tilespmem:s11+$0xFFFFFF60] =	vst v4;
	v4 =	vld [tilespmem:s12+$0x70];
	v6 =	vmul.f32 v7, v8  }
0x8b: {  	s13 =	simm.s32 $0x0;
	s14 =	simm.s32 $0x700;
	v5 =	vld [tilespmem:s12+$0xFFFFFF70]  }
.LBB2_3:
0x8c: {  	v7 =	vld [tilespmem:s14+$0x80];
	[tilespmem:s11+$0xF0] =	vst v6;
	s12 =	sadd.s32 $0x200, s12  }
0x8d: {  	s13 =	sadd.s32 $0x4, s13;
	v6 =	vld [tilespmem:s12+$0x80];
	v1 =	vmul.f32 v3, v1  }
0x8e: {  	p1 =	slt.u32 s13, $0x4C;
	v3 =	vld [tilespmem:s12+$0xFFFFFF00]  }
0x8f: {  	v8 =	vld [tilespmem:s14+$0xFFFFFF80];
	[tilespmem:s11+$0xFFFFFFF0] =	vst v1;
	v1 =	vmul.f32 v4, v2  }
0x90: {  	v2 =	vld [tilespmem:s12+$0xFFFFFF80];
	v0 =	vmul.f32 v5, v0  }
0x91: {  	v4 =	vld [tilespmem:s14+$0x0];
	[tilespmem:s11+$0x70] =	vst v1  }
0x92: {  	v1 =	vld [tilespmem:s12+$0x0];
	v5 =	vmul.f32 v6, v7;
	[tilespmem:s11+$0xFFFFFF70] =	vst v0;
	s11 =	smov.u32 s14  }
0x93: {  	v0 =	vld [tilespmem:s14+$0xFFFFFF00]  }
0x94: {  	[tilespmem:s14+$0x80] =	vst v5;
	v5 =	vld [tilespmem:s14+$0x90]  }
0x95: {  	v2 =	vmul.f32 v2, v8;
	v6 =	vld [tilespmem:s12+$0x90]  }
0x96: {  	v7 =	vld [tilespmem:s14+$0xFFFFFF10]  }
0x97: {  	[tilespmem:s14+$0xFFFFFF80] =	vst v2;
	v2 =	vld [tilespmem:s14+$0xFFFFFF90];
	v1 =	vmul.f32 v1, v4  }
0x98: {  	v0 =	vmul.f32 v3, v0;
	v3 =	vld [tilespmem:s12+$0xFFFFFF90]  }
0x99: {  	[tilespmem:s14+$0x0] =	vst v1;
	v1 =	vld [tilespmem:s14+$0x10]  }
0x9a: {  	[tilespmem:s14+$0xFFFFFF00] =	vst v0;
	v0 =	vld [tilespmem:s12+$0x10];
	v4 =	vmul.f32 v6, v5  }
0x9b: {  	v5 =	vld [tilespmem:s12+$0xFFFFFF10]  }
0x9c: {  	[tilespmem:s14+$0x90] =	vst v4;
	v4 =	vld [tilespmem:s14+$0xA0]  }
0x9d: {  	v2 =	vmul.f32 v3, v2;
	v3 =	vld [tilespmem:s12+$0xA0]  }
0x9e: {  	v6 =	vld [tilespmem:s14+$0xFFFFFF20]  }
0x9f: {  	[tilespmem:s14+$0xFFFFFF90] =	vst v2;
	v2 =	vld [tilespmem:s14+$0xFFFFFFA0];
	v0 =	vmul.f32 v0, v1  }
0xa0: {  	v1 =	vmul.f32 v5, v7;
	v5 =	vld [tilespmem:s12+$0xFFFFFFA0]  }
0xa1: {  	[tilespmem:s14+$0x10] =	vst v0;
	v0 =	vld [tilespmem:s14+$0x20]  }
0xa2: {  	[tilespmem:s14+$0xFFFFFF10] =	vst v1;
	v1 =	vld [tilespmem:s12+$0x20];
	v3 =	vmul.f32 v3, v4  }
0xa3: {  	v4 =	vld [tilespmem:s12+$0xFFFFFF20]  }
0xa4: {  	[tilespmem:s14+$0xA0] =	vst v3;
	v3 =	vld [tilespmem:s14+$0xB0]  }
0xa5: {  	v2 =	vmul.f32 v5, v2;
	v5 =	vld [tilespmem:s12+$0xB0]  }
0xa6: {  	v7 =	vld [tilespmem:s14+$0xFFFFFF30]  }
0xa7: {  	[tilespmem:s14+$0xFFFFFFA0] =	vst v2;
	v2 =	vld [tilespmem:s14+$0xFFFFFFB0];
	v0 =	vmul.f32 v1, v0  }
0xa8: {  	v1 =	vmul.f32 v4, v6;
	v4 =	vld [tilespmem:s12+$0xFFFFFFB0]  }
0xa9: {  	[tilespmem:s14+$0x20] =	vst v0;
	v0 =	vld [tilespmem:s14+$0x30]  }
0xaa: {  	[tilespmem:s14+$0xFFFFFF20] =	vst v1;
	v1 =	vld [tilespmem:s12+$0x30];
	v3 =	vmul.f32 v5, v3  }
0xab: {  	v5 =	vld [tilespmem:s12+$0xFFFFFF30]  }
0xac: {  	[tilespmem:s14+$0xB0] =	vst v3;
	v3 =	vld [tilespmem:s14+$0xC0]  }
0xad: {  	v2 =	vmul.f32 v4, v2;
	v4 =	vld [tilespmem:s12+$0xC0]  }
0xae: {  	v6 =	vld [tilespmem:s14+$0xFFFFFF40]  }
0xaf: {  	[tilespmem:s14+$0xFFFFFFB0] =	vst v2;
	v2 =	vld [tilespmem:s14+$0xFFFFFFC0];
	v0 =	vmul.f32 v1, v0  }
0xb0: {  	v1 =	vmul.f32 v5, v7;
	v5 =	vld [tilespmem:s12+$0xFFFFFFC0]  }
0xb1: {  	[tilespmem:s14+$0x30] =	vst v0;
	v0 =	vld [tilespmem:s14+$0x40]  }
0xb2: {  	[tilespmem:s14+$0xFFFFFF30] =	vst v1;
	v1 =	vld [tilespmem:s12+$0x40];
	v3 =	vmul.f32 v4, v3  }
0xb3: {  	v4 =	vld [tilespmem:s12+$0xFFFFFF40]  }
0xb4: {  	[tilespmem:s14+$0xC0] =	vst v3;
	v3 =	vld [tilespmem:s14+$0xD0]  }
0xb5: {  	v2 =	vmul.f32 v5, v2;
	v5 =	vld [tilespmem:s12+$0xD0]  }
0xb6: {  	v7 =	vld [tilespmem:s14+$0xFFFFFF50]  }
0xb7: {  	[tilespmem:s14+$0xFFFFFFC0] =	vst v2;
	v2 =	vld [tilespmem:s14+$0xFFFFFFD0];
	v0 =	vmul.f32 v1, v0  }
0xb8: {  	v1 =	vmul.f32 v4, v6;
	v4 =	vld [tilespmem:s12+$0xFFFFFFD0]  }
0xb9: {  	[tilespmem:s14+$0x40] =	vst v0;
	v0 =	vld [tilespmem:s14+$0x50]  }
0xba: {  	[tilespmem:s14+$0xFFFFFF40] =	vst v1;
	v1 =	vld [tilespmem:s12+$0x50];
	v3 =	vmul.f32 v5, v3  }
0xbb: {  	v5 =	vld [tilespmem:s12+$0xFFFFFF50]  }
0xbc: {  	[tilespmem:s14+$0xD0] =	vst v3;
	v3 =	vld [tilespmem:s14+$0xE0]  }
0xbd: {  	v2 =	vmul.f32 v4, v2;
	v4 =	vld [tilespmem:s12+$0xE0]  }
0xbe: {  	v6 =	vld [tilespmem:s14+$0xFFFFFF60]  }
0xbf: {  	[tilespmem:s14+$0xFFFFFFD0] =	vst v2;
	v2 =	vld [tilespmem:s14+$0xFFFFFFE0];
	v0 =	vmul.f32 v1, v0  }
0xc0: {  	v1 =	vmul.f32 v5, v7;
	v5 =	vld [tilespmem:s12+$0xFFFFFFE0]  }
0xc1: {  	[tilespmem:s14+$0x50] =	vst v0;
	v7 =	vld [tilespmem:s14+$0x60]  }
0xc2: {  	[tilespmem:s14+$0xFFFFFF50] =	vst v1;
	v8 =	vld [tilespmem:s12+$0x60];
	v0 =	vmul.f32 v4, v3  }
0xc3: {  	v3 =	vld [tilespmem:s12+$0xFFFFFF60]  }
0xc4: {  	[tilespmem:s14+$0xE0] =	vst v0;
	v9 =	vld [tilespmem:s14+$0xF0]  }
0xc5: {  	v1 =	vmul.f32 v5, v2;
	v5 =	vld [tilespmem:s12+$0xF0]  }
0xc6: {  	v0 =	vld [tilespmem:s14+$0xFFFFFF70]  }
.Ltmp0:
0xc7: {  	[tilespmem:s14+$0xFFFFFFE0] =	vst v1;
	v1 =	vld [tilespmem:s14+$0xFFFFFFF0];
	v2 =	vmul.f32 v8, v7;
	(pc) =	sbr.rel @p1 .LBB2_3-.Ltmp0, $4  }
0xc8: {  	v4 =	vmul.f32 v3, v6;
	v3 =	vld [tilespmem:s12+$0xFFFFFFF0]  }
0xc9: {  	[tilespmem:s14+$0x60] =	vst v2;
	v2 =	vld [tilespmem:s14+$0x70]  }
0xca: {  	[tilespmem:s14+$0xFFFFFF60] =	vst v4;
	v4 =	vld [tilespmem:s12+$0x70];
	v6 =	vmul.f32 v5, v9  }
0xcb: {  	s14 =	sadd.s32 $0x200, s14;
	v5 =	vld [tilespmem:s12+$0xFFFFFF70]  }
0xcc: {  	_ =	sdelay $0x1  }
0xcd: {  	v1 =	vmul.f32 v3, v1  }
0xce: {  	[tilespmem:s11+$0xF0] =	vst v6;
	v2 =	vmul.f32 v4, v2  }
0xcf: {  	s12 =	sshll.u32 s21, $0x8;
	[tilespmem:s11+$0xFFFFFFF0] =	vst v1;
	v0 =	vmul.f32 v5, v0  }
0xd0: {  	s12 =	sand.u32 $0x100, s12;
	[tilespmem:s11+$0x70] =	vst v2  }
0xd1: {  	s14 =	sor.u32 $0x200, s12;
	[tilespmem:s11+$0xFFFFFF70] =	vst v0  }
0xd2: {  	[spmem:s1] =	stream.indirect.scatter.add.f32 [tilespmem:s26], [sflag:$0x6], $0x80, s14, s25, $0xb8;
	[tilespmem:$0x1E400] =	vst v63  }
0xd3: {  	_ =	swait.ge [sflag:s19], $0x2800  }
0xd4: {  	[sflag:s19] =	ssyncset.done $0x0  }
0xd5: {  	s11 =	simm.s32 @!p0 $0x1;
	[sflag:s19] =	ssyncadd.s32 $0xFFFFD800  }
0xd6: {  	_ =	swait.ge @!p0 [sflag:s11], $0x50  }
0xd7: {  	[sflag:s11] =	ssyncset.done @!p0 $0x0  }
0xd8: {  	[sflag:s11] =	ssyncadd.s32 @!p0 $0xFFFFFFB0  }
0xd9: {  	_ =	swait.ge @!p0 [sflag:s11], $0x50  }
0xda: {  	[sflag:s11] =	ssyncset.done @!p0 $0x0  }
0xdb: {  	[sflag:s11] =	ssyncadd.s32 @!p0 $0xFFFFFFB0  }
0xdc: {  	_ =	swait.ge @!p0 [sflag:s11], $0x50  }
0xdd: {  	[sflag:s11] =	ssyncset.done @!p0 $0x0  }
0xde: {  	s8 =	smul.u32 @!p0 $0x500, s8;
	[sflag:s11] =	ssyncadd.s32 @!p0 $0xFFFFFFB0  }
0xdf: {  	_ =	swait.ge @!p0 [sflag:s11], $0x50  }
0xe0: {  	s8 =	sadd.s32 @!p0 s5, s8;
	[sflag:s11] =	ssyncset.done @!p0 $0x0  }
0xe1: {  	s12 =	simm.s32 @!p0 $0x5400;
	[sflag:s11] =	ssyncadd.s32 @!p0 $0xFFFFFFB0;
	s11 =	simm.s32 @!p0 $0x0  }
0xe2: {  	[tilespmem:s12], [sflag:$0x4] =	stream.linear.gather @!p0 [hbm4b:s8+s11], $0x2800, $0x38;
	[tilespmem:$0x1E400] =	vst v63  }
0xe3: {  	s8 =	simm.s32 @!p0 $0x50;
	s11 =	simm.s32 @!p0 $0x400  }
0xe4: {  	[tilespmem:s11], [sflag:$0x2] =	stream.indirect.gather @!p0 [hbm4b:s4+s8], $0x80, s24, s8, $0xb8;
	[tilespmem:$0x1E400] =	vst v63  }
0xe5: {  	_ =	swait.ge [sflag:s0], $0x2800  }
0xe6: {  	[sflag:s0] =	ssyncset.done $0x0  }
0xe7: {  	[sflag:s0] =	ssyncadd.s32 $0xFFFFD800  }
0xe8: {  	_ =	swait.ge [sflag:s2], $0x2800  }
0xe9: {  	[sflag:s2] =	ssyncset.done $0x0  }
0xea: {  	s8 =	simm.s32 $0x2D00;
	[sflag:s2] =	ssyncadd.s32 $0xFFFFD800  }
0xeb: {  	s11 =	simm.s32 $0x7D00;
	v0 =	vld [tilespmem:s8+$0x80]  }
0xec: {  	v1 =	vld [tilespmem:s11+$0x80]  }
0xed: {  	v2 =	vld [tilespmem:s8+$0xFFFFFF80]  }
0xee: {  	v3 =	vld [tilespmem:s11+$0xFFFFFF80]  }
0xef: {  	v4 =	vld [tilespmem:s8+$0x0]  }
0xf0: {  	v5 =	vld [tilespmem:s11+$0x0]  }
0xf1: {  	v6 =	vld [tilespmem:s8+$0xFFFFFF00];
	v0 =	vmul.f32 v1, v0  }
0xf2: {  	v1 =	vld [tilespmem:s11+$0xFFFFFF00]  }
0xf3: {  	[tilespmem:s8+$0x80] =	vst v0;
	v0 =	vld [tilespmem:s8+$0x90]  }
0xf4: {  	v2 =	vmul.f32 v3, v2;
	v3 =	vld [tilespmem:s11+$0x90]  }
0xf5: {  	v7 =	vld [tilespmem:s8+$0xFFFFFF10]  }
0xf6: {  	[tilespmem:s8+$0xFFFFFF80] =	vst v2;
	v2 =	vmul.f32 v5, v4;
	v4 =	vld [tilespmem:s8+$0xFFFFFF90]  }
0xf7: {  	v5 =	vld [tilespmem:s11+$0xFFFFFF90];
	v1 =	vmul.f32 v1, v6  }
0xf8: {  	[tilespmem:s8+$0x0] =	vst v2;
	v2 =	vld [tilespmem:s8+$0x10]  }
0xf9: {  	v6 =	vld [tilespmem:s11+$0x10];
	[tilespmem:s8+$0xFFFFFF00] =	vst v1;
	v0 =	vmul.f32 v3, v0  }
0xfa: {  	v1 =	vld [tilespmem:s11+$0xFFFFFF10]  }
0xfb: {  	[tilespmem:s8+$0x90] =	vst v0;
	v0 =	vld [tilespmem:s8+$0xA0]  }
0xfc: {  	v3 =	vmul.f32 v5, v4;
	v4 =	vld [tilespmem:s11+$0xA0]  }
0xfd: {  	v5 =	vld [tilespmem:s8+$0xFFFFFF20]  }
0xfe: {  	[tilespmem:s8+$0xFFFFFF90] =	vst v3;
	v2 =	vmul.f32 v6, v2;
	v3 =	vld [tilespmem:s8+$0xFFFFFFA0]  }
0xff: {  	v6 =	vld [tilespmem:s11+$0xFFFFFFA0];
	v1 =	vmul.f32 v1, v7  }
0x100: {  	[tilespmem:s8+$0x10] =	vst v2;
	v2 =	vld [tilespmem:s8+$0x20]  }
0x101: {  	v7 =	vld [tilespmem:s11+$0x20];
	[tilespmem:s8+$0xFFFFFF10] =	vst v1;
	v0 =	vmul.f32 v4, v0  }
0x102: {  	v1 =	vld [tilespmem:s11+$0xFFFFFF20]  }
0x103: {  	[tilespmem:s8+$0xA0] =	vst v0;
	v0 =	vld [tilespmem:s8+$0xB0]  }
0x104: {  	v3 =	vmul.f32 v6, v3;
	v4 =	vld [tilespmem:s11+$0xB0]  }
0x105: {  	v6 =	vld [tilespmem:s8+$0xFFFFFF30]  }
0x106: {  	[tilespmem:s8+$0xFFFFFFA0] =	vst v3;
	v2 =	vmul.f32 v7, v2;
	v3 =	vld [tilespmem:s8+$0xFFFFFFB0]  }
0x107: {  	v7 =	vld [tilespmem:s11+$0xFFFFFFB0];
	v1 =	vmul.f32 v1, v5  }
0x108: {  	[tilespmem:s8+$0x20] =	vst v2;
	v2 =	vld [tilespmem:s8+$0x30]  }
0x109: {  	v5 =	vld [tilespmem:s11+$0x30];
	[tilespmem:s8+$0xFFFFFF20] =	vst v1;
	v0 =	vmul.f32 v4, v0  }
0x10a: {  	v1 =	vld [tilespmem:s11+$0xFFFFFF30]  }
0x10b: {  	[tilespmem:s8+$0xB0] =	vst v0;
	v0 =	vld [tilespmem:s8+$0xC0]  }
0x10c: {  	v3 =	vmul.f32 v7, v3;
	v4 =	vld [tilespmem:s11+$0xC0]  }
0x10d: {  	v7 =	vld [tilespmem:s8+$0xFFFFFF40]  }
0x10e: {  	[tilespmem:s8+$0xFFFFFFB0] =	vst v3;
	v2 =	vmul.f32 v5, v2;
	v3 =	vld [tilespmem:s8+$0xFFFFFFC0]  }
0x10f: {  	v5 =	vld [tilespmem:s11+$0xFFFFFFC0];
	v1 =	vmul.f32 v1, v6  }
0x110: {  	[tilespmem:s8+$0x30] =	vst v2;
	v2 =	vld [tilespmem:s8+$0x40]  }
0x111: {  	v6 =	vld [tilespmem:s11+$0x40];
	[tilespmem:s8+$0xFFFFFF30] =	vst v1;
	v0 =	vmul.f32 v4, v0  }
0x112: {  	v1 =	vld [tilespmem:s11+$0xFFFFFF40]  }
0x113: {  	[tilespmem:s8+$0xC0] =	vst v0;
	v0 =	vld [tilespmem:s8+$0xD0]  }
0x114: {  	v3 =	vmul.f32 v5, v3;
	v4 =	vld [tilespmem:s11+$0xD0]  }
0x115: {  	v5 =	vld [tilespmem:s8+$0xFFFFFF50]  }
0x116: {  	[tilespmem:s8+$0xFFFFFFC0] =	vst v3;
	v2 =	vmul.f32 v6, v2;
	v3 =	vld [tilespmem:s8+$0xFFFFFFD0]  }
0x117: {  	v6 =	vld [tilespmem:s11+$0xFFFFFFD0];
	v1 =	vmul.f32 v1, v7  }
0x118: {  	[tilespmem:s8+$0x40] =	vst v2;
	v2 =	vld [tilespmem:s8+$0x50]  }
0x119: {  	v7 =	vld [tilespmem:s11+$0x50];
	[tilespmem:s8+$0xFFFFFF40] =	vst v1;
	v0 =	vmul.f32 v4, v0  }
0x11a: {  	v1 =	vld [tilespmem:s11+$0xFFFFFF50]  }
0x11b: {  	[tilespmem:s8+$0xD0] =	vst v0;
	v0 =	vld [tilespmem:s8+$0xE0]  }
0x11c: {  	v3 =	vmul.f32 v6, v3;
	v4 =	vld [tilespmem:s11+$0xE0]  }
0x11d: {  	v6 =	vld [tilespmem:s8+$0xFFFFFF60]  }
0x11e: {  	[tilespmem:s8+$0xFFFFFFD0] =	vst v3;
	v2 =	vmul.f32 v7, v2;
	v3 =	vld [tilespmem:s8+$0xFFFFFFE0]  }
0x11f: {  	v7 =	vld [tilespmem:s11+$0xFFFFFFE0];
	v1 =	vmul.f32 v1, v5  }
0x120: {  	[tilespmem:s8+$0x50] =	vst v2;
	v2 =	vld [tilespmem:s8+$0x60]  }
0x121: {  	v5 =	vld [tilespmem:s11+$0x60];
	[tilespmem:s8+$0xFFFFFF50] =	vst v1;
	v0 =	vmul.f32 v4, v0  }
0x122: {  	v4 =	vld [tilespmem:s11+$0xFFFFFF60]  }
0x123: {  	v8 =	vld [tilespmem:s8+$0xF0];
	[tilespmem:s8+$0xE0] =	vst v0  }
0x124: {  	v1 =	vmul.f32 v7, v3;
	v7 =	vld [tilespmem:s11+$0xF0]  }
0x125: {  	v0 =	vld [tilespmem:s8+$0xFFFFFF70]  }
0x126: {  	[tilespmem:s8+$0xFFFFFFE0] =	vst v1;
	v2 =	vmul.f32 v5, v2;
	v1 =	vld [tilespmem:s8+$0xFFFFFFF0]  }
0x127: {  	v3 =	vld [tilespmem:s11+$0xFFFFFFF0];
	v4 =	vmul.f32 v4, v6  }
0x128: {  	[tilespmem:s8+$0x60] =	vst v2;
	v2 =	vld [tilespmem:s8+$0x70]  }
0x129: {  	[tilespmem:s8+$0xFFFFFF60] =	vst v4;
	v4 =	vld [tilespmem:s11+$0x70];
	v6 =	vmul.f32 v7, v8  }
0x12a: {  	s13 =	simm.s32 $0x2F00;
	s12 =	simm.s32 $0x0;
	v5 =	vld [tilespmem:s11+$0xFFFFFF70]  }
.LBB2_5:
0x12b: {  	v7 =	vld [tilespmem:s13+$0x80];
	[tilespmem:s8+$0xF0] =	vst v6;
	s11 =	sadd.s32 $0x200, s11  }
0x12c: {  	s12 =	sadd.s32 $0x4, s12;
	v6 =	vld [tilespmem:s11+$0x80];
	v1 =	vmul.f32 v3, v1  }
0x12d: {  	p0 =	slt.u32 s12, $0x4C;
	v3 =	vld [tilespmem:s11+$0xFFFFFF00]  }
0x12e: {  	v8 =	vld [tilespmem:s13+$0xFFFFFF80];
	[tilespmem:s8+$0xFFFFFFF0] =	vst v1;
	v1 =	vmul.f32 v4, v2  }
0x12f: {  	v2 =	vld [tilespmem:s11+$0xFFFFFF80];
	v0 =	vmul.f32 v5, v0  }
0x130: {  	v4 =	vld [tilespmem:s13+$0x0];
	[tilespmem:s8+$0x70] =	vst v1  }
0x131: {  	v1 =	vld [tilespmem:s11+$0x0];
	v5 =	vmul.f32 v6, v7;
	[tilespmem:s8+$0xFFFFFF70] =	vst v0;
	s8 =	smov.u32 s13  }
0x132: {  	v0 =	vld [tilespmem:s13+$0xFFFFFF00]  }
0x133: {  	[tilespmem:s13+$0x80] =	vst v5;
	v5 =	vld [tilespmem:s13+$0x90]  }
0x134: {  	v2 =	vmul.f32 v2, v8;
	v6 =	vld [tilespmem:s11+$0x90]  }
0x135: {  	v7 =	vld [tilespmem:s13+$0xFFFFFF10]  }
0x136: {  	[tilespmem:s13+$0xFFFFFF80] =	vst v2;
	v2 =	vld [tilespmem:s13+$0xFFFFFF90];
	v1 =	vmul.f32 v1, v4  }
0x137: {  	v0 =	vmul.f32 v3, v0;
	v3 =	vld [tilespmem:s11+$0xFFFFFF90]  }
0x138: {  	[tilespmem:s13+$0x0] =	vst v1;
	v1 =	vld [tilespmem:s13+$0x10]  }
0x139: {  	[tilespmem:s13+$0xFFFFFF00] =	vst v0;
	v0 =	vld [tilespmem:s11+$0x10];
	v4 =	vmul.f32 v6, v5  }
0x13a: {  	v5 =	vld [tilespmem:s11+$0xFFFFFF10]  }
0x13b: {  	[tilespmem:s13+$0x90] =	vst v4;
	v4 =	vld [tilespmem:s13+$0xA0]  }
0x13c: {  	v2 =	vmul.f32 v3, v2;
	v3 =	vld [tilespmem:s11+$0xA0]  }
0x13d: {  	v6 =	vld [tilespmem:s13+$0xFFFFFF20]  }
0x13e: {  	[tilespmem:s13+$0xFFFFFF90] =	vst v2;
	v2 =	vld [tilespmem:s13+$0xFFFFFFA0];
	v0 =	vmul.f32 v0, v1  }
0x13f: {  	v1 =	vmul.f32 v5, v7;
	v5 =	vld [tilespmem:s11+$0xFFFFFFA0]  }
0x140: {  	[tilespmem:s13+$0x10] =	vst v0;
	v0 =	vld [tilespmem:s13+$0x20]  }
0x141: {  	[tilespmem:s13+$0xFFFFFF10] =	vst v1;
	v1 =	vld [tilespmem:s11+$0x20];
	v3 =	vmul.f32 v3, v4  }
0x142: {  	v4 =	vld [tilespmem:s11+$0xFFFFFF20]  }
0x143: {  	[tilespmem:s13+$0xA0] =	vst v3;
	v3 =	vld [tilespmem:s13+$0xB0]  }
0x144: {  	v2 =	vmul.f32 v5, v2;
	v5 =	vld [tilespmem:s11+$0xB0]  }
0x145: {  	v7 =	vld [tilespmem:s13+$0xFFFFFF30]  }
0x146: {  	[tilespmem:s13+$0xFFFFFFA0] =	vst v2;
	v2 =	vld [tilespmem:s13+$0xFFFFFFB0];
	v0 =	vmul.f32 v1, v0  }
0x147: {  	v1 =	vmul.f32 v4, v6;
	v4 =	vld [tilespmem:s11+$0xFFFFFFB0]  }
0x148: {  	[tilespmem:s13+$0x20] =	vst v0;
	v0 =	vld [tilespmem:s13+$0x30]  }
0x149: {  	[tilespmem:s13+$0xFFFFFF20] =	vst v1;
	v1 =	vld [tilespmem:s11+$0x30];
	v3 =	vmul.f32 v5, v3  }
0x14a: {  	v5 =	vld [tilespmem:s11+$0xFFFFFF30]  }
0x14b: {  	[tilespmem:s13+$0xB0] =	vst v3;
	v3 =	vld [tilespmem:s13+$0xC0]  }
0x14c: {  	v2 =	vmul.f32 v4, v2;
	v4 =	vld [tilespmem:s11+$0xC0]  }
0x14d: {  	v6 =	vld [tilespmem:s13+$0xFFFFFF40]  }
0x14e: {  	[tilespmem:s13+$0xFFFFFFB0] =	vst v2;
	v2 =	vld [tilespmem:s13+$0xFFFFFFC0];
	v0 =	vmul.f32 v1, v0  }
0x14f: {  	v1 =	vmul.f32 v5, v7;
	v5 =	vld [tilespmem:s11+$0xFFFFFFC0]  }
0x150: {  	[tilespmem:s13+$0x30] =	vst v0;
	v0 =	vld [tilespmem:s13+$0x40]  }
0x151: {  	[tilespmem:s13+$0xFFFFFF30] =	vst v1;
	v1 =	vld [tilespmem:s11+$0x40];
	v3 =	vmul.f32 v4, v3  }
0x152: {  	v4 =	vld [tilespmem:s11+$0xFFFFFF40]  }
0x153: {  	[tilespmem:s13+$0xC0] =	vst v3;
	v3 =	vld [tilespmem:s13+$0xD0]  }
0x154: {  	v2 =	vmul.f32 v5, v2;
	v5 =	vld [tilespmem:s11+$0xD0]  }
0x155: {  	v7 =	vld [tilespmem:s13+$0xFFFFFF50]  }
0x156: {  	[tilespmem:s13+$0xFFFFFFC0] =	vst v2;
	v2 =	vld [tilespmem:s13+$0xFFFFFFD0];
	v0 =	vmul.f32 v1, v0  }
0x157: {  	v1 =	vmul.f32 v4, v6;
	v4 =	vld [tilespmem:s11+$0xFFFFFFD0]  }
0x158: {  	[tilespmem:s13+$0x40] =	vst v0;
	v0 =	vld [tilespmem:s13+$0x50]  }
0x159: {  	[tilespmem:s13+$0xFFFFFF40] =	vst v1;
	v1 =	vld [tilespmem:s11+$0x50];
	v3 =	vmul.f32 v5, v3  }
0x15a: {  	v5 =	vld [tilespmem:s11+$0xFFFFFF50]  }
0x15b: {  	[tilespmem:s13+$0xD0] =	vst v3;
	v3 =	vld [tilespmem:s13+$0xE0]  }
0x15c: {  	v2 =	vmul.f32 v4, v2;
	v4 =	vld [tilespmem:s11+$0xE0]  }
0x15d: {  	v6 =	vld [tilespmem:s13+$0xFFFFFF60]  }
0x15e: {  	[tilespmem:s13+$0xFFFFFFD0] =	vst v2;
	v2 =	vld [tilespmem:s13+$0xFFFFFFE0];
	v0 =	vmul.f32 v1, v0  }
0x15f: {  	v1 =	vmul.f32 v5, v7;
	v5 =	vld [tilespmem:s11+$0xFFFFFFE0]  }
0x160: {  	[tilespmem:s13+$0x50] =	vst v0;
	v7 =	vld [tilespmem:s13+$0x60]  }
0x161: {  	[tilespmem:s13+$0xFFFFFF50] =	vst v1;
	v8 =	vld [tilespmem:s11+$0x60];
	v0 =	vmul.f32 v4, v3  }
0x162: {  	v3 =	vld [tilespmem:s11+$0xFFFFFF60]  }
0x163: {  	[tilespmem:s13+$0xE0] =	vst v0;
	v9 =	vld [tilespmem:s13+$0xF0]  }
0x164: {  	v1 =	vmul.f32 v5, v2;
	v5 =	vld [tilespmem:s11+$0xF0]  }
0x165: {  	v0 =	vld [tilespmem:s13+$0xFFFFFF70]  }
.Ltmp1:
0x166: {  	[tilespmem:s13+$0xFFFFFFE0] =	vst v1;
	v1 =	vld [tilespmem:s13+$0xFFFFFFF0];
	v2 =	vmul.f32 v8, v7;
	(pc) =	sbr.rel @p0 .LBB2_5-.Ltmp1, $4  }
0x167: {  	v4 =	vmul.f32 v3, v6;
	v3 =	vld [tilespmem:s11+$0xFFFFFFF0]  }
0x168: {  	[tilespmem:s13+$0x60] =	vst v2;
	v2 =	vld [tilespmem:s13+$0x70]  }
0x169: {  	[tilespmem:s13+$0xFFFFFF60] =	vst v4;
	v4 =	vld [tilespmem:s11+$0x70];
	v6 =	vmul.f32 v5, v9  }
0x16a: {  	s13 =	sadd.s32 $0x200, s13;
	v5 =	vld [tilespmem:s11+$0xFFFFFF70]  }
0x16b: {  	_ =	sdelay $0x1  }
0x16c: {  	v1 =	vmul.f32 v3, v1  }
0x16d: {  	[tilespmem:s8+$0xF0] =	vst v6;
	v2 =	vmul.f32 v4, v2  }
0x16e: {  	s21 =	sadd.s32 $0x1, s21;
	[tilespmem:s8+$0xFFFFFFF0] =	vst v1;
	v0 =	vmul.f32 v5, v0  }
0x16f: {  	p0 =	sne.s32 s21, $0x40;
	[tilespmem:s8+$0x70] =	vst v2  }
.Ltmp2:
0x170: {  	s24 =	sor.u32 $0x200, s22;
	[tilespmem:s8+$0xFFFFFF70] =	vst v0;
	(pc) =	sbr.rel @p0 .LBB2_2-.Ltmp2, $4  }
0x171: {  	[spmem:s1] =	stream.indirect.scatter.add.f32 [tilespmem:s29], [sflag:$0x6], $0x80, s24, s25, $0xb8;
	[tilespmem:$0x1E400] =	vst v63  }
0x172: {  	_ =	swait.ge [sflag:s19], $0x2800  }
0x173: {  	[sflag:s19] =	ssyncset.done $0x0  }
0x174: {  	[sflag:s19] =	ssyncadd.s32 $0xFFFFD800  }
0x175: {  	s20 =	sadd.s32 $0x1, s20  }
0x176: {  	p0 =	sne.s32 s20, s17  }
.Ltmp3:
0x177: {  	[bflag:$0x0] =	sbarrier.arrive $0xFFFF;
	(pc) =	sbr.rel @p0 .LBB2_1-.Ltmp3, $4  }
0x178: {  	[hbm:s16], [sflag:s10] =	dma.local [spmem:s18], $0x2800  }
0x179: {  	_ =	swait.ge [sflag:s19], $0x2800  }
0x17a: {  	[sflag:s19] =	ssyncset.done $0x0  }
0x17b: {  	[sflag:s19] =	ssyncadd.s32 $0xFFFFD800  }
0x17c: {  	_ =	sfence.sel $0x180000  }
0x17d: {  	[bflag:$0x0] =	sbarrier.arrive $0xFFFF  }
0x17e: {  	_ =	strace $0x90000053  }
0x17f: {  	s0 =	stileid.u32;
	[bflag:$0x2] =	sbarrier.arrive $0xFFFF  }
0x180: {  	p0 =	sne.s32 s0, $0x0;
	s0 =	rddreg [dreg:$0x2]  }
0x181: {  	s0 =	sadd.s32 @!p0 $0x100000, s0  }
0x182: {  	[sflag:s0] =	ssyncadd.tile.s32 @!p0 $0x1;
	_ =	shalt  }
.Lfunc_end2:
_tile_overlayer_lowered:
.L_overlay_start_2:
0x183: {  	(tag) =	ssettag $0x2  }
0x184: {  	s0 =	rddreg [dreg:$0x0];
	s2 =	stileid.u32  }
0x185: {  	s1 =	rddreg [dreg:$0x1];
	p0 =	sne.s32 s2, $0x0  }
0x186: {  	s3 =	rddreg [dreg:$0x2];
	[bflag:$0x3] =	sbarrier.arrive $0xFFFF;
	s2 =	simm.s32 @!p0 $0x1C06  }
0x187: {  	[timem:s3], [sflag:s2] =	dma.local @!p0 [hbm:s0], s1  }
0x188: {  	s0 =	simm.s32 @!p0 $0x6  }
0x189: {  	_ =	swait.ge @!p0 [sflag:s0], s1  }
0x18a: {  	s1 =	ssub.s32 @!p0 $0x0, s1;
	[sflag:s0] =	ssyncset.done @!p0 $0x0  }
0x18b: {  	[sflag:s0] =	ssyncadd.s32 @!p0 s1  }
0x18c: {  	[bflag:$0x3] =	sbarrier.arrive $0xFFFF  }
0x18d: {  	_ =	shalt  }

</sc_bundles>
